<compile_context>
chip_gen: v7x
topology: tpu7x:2x2x1
jax: 0.10.2.dev20260603
libtpu: 0.0.44.dev20260713+nightly
codegen_flags: <defaults>
</compile_context>

<pallas_src>
import functools

import jax
import jax.numpy as jnp
from jax import lax
from jax.experimental import pallas as pl
from jax.experimental.pallas import tpu as pltpu
from jax.experimental.pallas import tpu_sc as plsc

_DIM = 64
_PAD = 128
_VOCAB = 1000
_BATCH = 1024
_SEQ = 100
_NW = 32
_B_PER_W = _BATCH // _NW
_NBUF = 3
_NPACK = 2

_mesh = plsc.VectorSubcoreMesh(core_axis_name="c", subcore_axis_name="s")


@functools.partial(
    pl.kernel,
    mesh=_mesh,
    out_type=jax.ShapeDtypeStruct((_BATCH, _SEQ, _DIM), jnp.float32),
    scratch_types=[
        pltpu.VMEM_SHARED((_VOCAB, _PAD), jnp.float32),
        pltpu.VMEM((_B_PER_W, _SEQ), jnp.int32),
        [pltpu.VMEM((_SEQ, _PAD), jnp.float32) for _ in range(_NBUF)],
        [pltpu.VMEM((_SEQ, _DIM), jnp.float32) for _ in range(_NPACK)],
        [pltpu.SemaphoreType.DMA for _ in range(_NBUF)],
        [pltpu.SemaphoreType.DMA for _ in range(_NPACK)],
    ],
)
def _embed_sc(idx_hbm, table_hbm, out_hbm, spt, idx_v, bufs, packs,
              gsems, ssems):
    cid = lax.axis_index("c")
    sid = lax.axis_index("s")
    wid = sid * 2 + cid

    @pl.when(sid == 0)
    def _():
        pltpu.sync_copy(table_hbm, spt)

    pltpu.sync_copy(idx_hbm.at[wid], idx_v)
    plsc.subcore_barrier()

    base = wid * _B_PER_W
    gathers = [None] * _NBUF
    stores = [None] * _NPACK

    def compact(big, small):
        def body(r, carry):
            for c in range(_DIM // 16):
                small[r, pl.ds(c * 16, 16)] = big[r, pl.ds(c * 16, 16)]
            return carry
        lax.fori_loop(0, _SEQ, body, 0)

    for b in range(min(_NBUF, _B_PER_W)):
        gathers[b] = pltpu.async_copy(spt.at[idx_v.at[b]], bufs[b], gsems[b])
    for i in range(_B_PER_W):
        b = i % _NBUF
        p = i % _NPACK
        gathers[b].wait()
        if stores[p] is not None:
            stores[p].wait()
        compact(bufs[b], packs[p])
        if i + _NBUF < _B_PER_W:
            gathers[b] = pltpu.async_copy(
                spt.at[idx_v.at[i + _NBUF]], bufs[b], gsems[b])
        stores[p] = pltpu.async_copy(packs[p], out_hbm.at[base + i], ssems[p])
    for p in range(_NPACK):
        if stores[p] is not None:
            stores[p].wait()


def kernel(x, w):
    idx = x.reshape(_NW, _B_PER_W, _SEQ).astype(jnp.int32)
    wp = jnp.pad(w, ((0, 0), (0, _PAD - _DIM)))
    return _embed_sc(idx, wp)

# --- scband reference (transcript-rebuilt; emitter-appended) ---
"""Pipeline reference for scband-embedding-3805341024363 (READ-ONLY COPY).

The authoritative reference and input builder live on the scoring server;
editing this copy changes nothing except your own understanding.
"""

import jax, jax.numpy as jnp
import numpy as np

NUM_EMBEDDINGS = 1000
EMBEDDING_DIM = 64


def setup_inputs(seed: int = 0) -> dict:
    key = jax.random.key(seed)
    k_idx, k_w = jax.random.split(key)
    x = jax.random.randint(k_idx, (1024, 100), 0, NUM_EMBEDDINGS, dtype=jnp.int64 if jax.config.jax_enable_x64 else jnp.int32)
    w = jax.random.normal(k_w, (NUM_EMBEDDINGS, EMBEDDING_DIM), dtype=jnp.float32)
    return {"x": x, "w": w}


def reference(x, w):
    # Faithful translation: one-hot gather from an identity matrix buffer,
    # then matmul with the embedding weight matrix.
    one_hot_vec = jnp.eye(NUM_EMBEDDINGS, dtype=jnp.float32)
    one_hot = one_hot_vec[x]            # gather rows of identity: [1024, 100, 1000]
    return one_hot @ w                  # [1024, 100, 64]

if __name__ == "__main__":
    import jax
    _d = setup_inputs()
    print(jax.jit(kernel)(*tuple(_d.values())))

</pallas_src>

<mosaic_0001>
#map = affine_map<(d0, d1) -> (0, 0, 0)>
#map1 = affine_map<(d0, d1) -> (0, 0)>
module attributes {stable_mosaic.version = 14 : i64} {
  func.func @_embed_sc(%arg0: i32, %arg1: i32, %arg2: memref<32x32x100xi32, #tpu.memory_space<hbm>>, %arg3: memref<1000x128xf32, #tpu.memory_space<hbm>>, %arg4: memref<1024x100x64xf32, #tpu.memory_space<hbm>>, %arg5: memref<1000x128xf32, #tpu.memory_space<vmem_shared>>, %arg6: memref<32x100xi32, #tpu.memory_space<vmem>>, %arg7: memref<100x128xf32, #tpu.memory_space<vmem>>, %arg8: memref<100x128xf32, #tpu.memory_space<vmem>>, %arg9: memref<100x128xf32, #tpu.memory_space<vmem>>, %arg10: memref<100x64xf32, #tpu.memory_space<vmem>>, %arg11: memref<100x64xf32, #tpu.memory_space<vmem>>, %arg12: memref<!tpu.dma_semaphore, #tpu.memory_space<semaphore_mem>>, %arg13: memref<!tpu.dma_semaphore, #tpu.memory_space<semaphore_mem>>, %arg14: memref<!tpu.dma_semaphore, #tpu.memory_space<semaphore_mem>>, %arg15: memref<!tpu.dma_semaphore, #tpu.memory_space<semaphore_mem>>, %arg16: memref<!tpu.dma_semaphore, #tpu.memory_space<semaphore_mem>>) attributes {dimension_semantics = [#tpu.dimension_semantics<core_parallel>, #tpu.dimension_semantics<subcore_parallel>], iteration_bounds = array<i64: 2, 16>, scalar_prefetch = 0 : i64, scratch_operands = 12 : i64, tpu.core_type = #tpu.core_type<sc_vector_subcore>, window_params = [{transform_indices = #map}, {transform_indices = #map1}, {transform_indices = #map}]} {
    %mul3A = arith.constant 2 : i32
    %mul3A_0 = arith.muli %arg1, %mul3A : i32
    %add3A = arith.addi %mul3A_0, %arg0 : i32
    %eq3A = arith.constant 0 : i32
    %eq3A_1 = arith.cmpi eq, %arg1, %eq3A : i32
    %convert_element_type3A = arith.extui %eq3A_1 : i1 to i32
    %cond3A = arith.constant 0 : i32
    %cond3A_2 = arith.cmpi ne, %convert_element_type3A, %cond3A : i32
    scf.if %cond3A_2 {
      "tpu.region"() ({
        %run_scoped3A = tpu.sem_alloc : memref<!tpu.dma_semaphore, #tpu.memory_space<semaphore_mem>>
        tpu.enqueue_dma source(%arg3 : memref<1000x128xf32, #tpu.memory_space<hbm>>) target(%arg5 : memref<1000x128xf32, #tpu.memory_space<vmem_shared>>) target_semaphore(%run_scoped3A : memref<!tpu.dma_semaphore, #tpu.memory_space<semaphore_mem>>)
        tpu.wait_dma2 semaphore(%run_scoped3A : memref<!tpu.dma_semaphore, #tpu.memory_space<semaphore_mem>>) src(%arg3 : memref<1000x128xf32, #tpu.memory_space<hbm>>) dst(%arg5 : memref<1000x128xf32, #tpu.memory_space<vmem_shared>>)
        tpu.yield
      }) : () -> ()
    } else {
    }
    "tpu.region"() ({
      %run_scoped3A = tpu.sem_alloc : memref<!tpu.dma_semaphore, #tpu.memory_space<semaphore_mem>>
      %dma_start3A_1218 = arith.constant 0 : i32
      %dma_start3A_1219 = arith.constant 0 : i32
      %dma_start3A_1220 = tpu.memref_slice %arg2[%add3A, %dma_start3A_1218, %dma_start3A_1219] : memref<32x32x100xi32, #tpu.memory_space<hbm>> -> memref<1x32x100xi32, #tpu.memory_space<hbm>>
      %dma_start3A_1221 = tpu.memref_squeeze %dma_start3A_1220 : memref<1x32x100xi32, #tpu.memory_space<hbm>> -> memref<32x100xi32, #tpu.memory_space<hbm>>
      %dma_start3A_1222 = arith.constant 0 : i32
      %dma_start3A_1223 = arith.constant 0 : i32
      %dma_start3A_1224 = tpu.memref_slice %arg2[%add3A, %dma_start3A_1222, %dma_start3A_1223] : memref<32x32x100xi32, #tpu.memory_space<hbm>> -> memref<1x32x100xi32, #tpu.memory_space<hbm>>
      %dma_start3A_1225 = tpu.memref_squeeze %dma_start3A_1224 : memref<1x32x100xi32, #tpu.memory_space<hbm>> -> memref<32x100xi32, #tpu.memory_space<hbm>>
      tpu.enqueue_dma source(%dma_start3A_1225 : memref<32x100xi32, #tpu.memory_space<hbm>>) target(%arg6 : memref<32x100xi32, #tpu.memory_space<vmem>>) target_semaphore(%run_scoped3A : memref<!tpu.dma_semaphore, #tpu.memory_space<semaphore_mem>>)
      %dma_wait3A_1226 = arith.constant 0 : i32
      %dma_wait3A_1227 = arith.constant 0 : i32
      %dma_wait3A_1228 = tpu.memref_slice %arg2[%add3A, %dma_wait3A_1226, %dma_wait3A_1227] : memref<32x32x100xi32, #tpu.memory_space<hbm>> -> memref<1x32x100xi32, #tpu.memory_space<hbm>>
      %dma_wait3A_1229 = tpu.memref_squeeze %dma_wait3A_1228 : memref<1x32x100xi32, #tpu.memory_space<hbm>> -> memref<32x100xi32, #tpu.memory_space<hbm>>
      %dma_wait3A_1230 = arith.constant 0 : i32
      %dma_wait3A_1231 = arith.constant 0 : i32
      %dma_wait3A_1232 = tpu.memref_slice %arg2[%add3A, %dma_wait3A_1230, %dma_wait3A_1231] : memref<32x32x100xi32, #tpu.memory_space<hbm>> -> memref<1x32x100xi32, #tpu.memory_space<hbm>>
      %dma_wait3A_1233 = tpu.memref_squeeze %dma_wait3A_1232 : memref<1x32x100xi32, #tpu.memory_space<hbm>> -> memref<32x100xi32, #tpu.memory_space<hbm>>
      tpu.wait_dma2 semaphore(%run_scoped3A : memref<!tpu.dma_semaphore, #tpu.memory_space<semaphore_mem>>) src(%dma_wait3A_1233 : memref<32x100xi32, #tpu.memory_space<hbm>>) dst(%arg6 : memref<32x100xi32, #tpu.memory_space<vmem>>)
      tpu.yield
    }) : () -> ()
    %barrier3A = arith.constant 0 : index
    tpu.barrier barrier_id(%barrier3A)
    %mul3A_3 = arith.constant 32 : i32
    %mul3A_4 = arith.muli %add3A, %mul3A_3 : i32
    %dma_start3A = arith.constant 0 : i32
    %dma_start3A_5 = arith.constant 0 : i32
    %dma_start3A_6 = tpu.memref_slice %arg6[%dma_start3A, %dma_start3A_5] : memref<32x100xi32, #tpu.memory_space<vmem>> -> memref<1x100xi32, #tpu.memory_space<vmem>>
    %dma_start3A_7 = tpu.memref_squeeze %dma_start3A_6 : memref<1x100xi32, #tpu.memory_space<vmem>> -> memref<100xi32, #tpu.memory_space<vmem>>
    %dma_start3A_8 = arith.constant 0 : i32
    %dma_start3A_9 = arith.constant 0 : i32
    %dma_start3A_10 = tpu.memref_slice %arg5[%dma_start3A_8, %dma_start3A_9] : memref<1000x128xf32, #tpu.memory_space<vmem_shared>> -> memref<1000x128xf32, #tpu.memory_space<vmem_shared>>
    tpu.enqueue_indirect_dma source(%dma_start3A_10 : memref<1000x128xf32, #tpu.memory_space<vmem_shared>>) target(%arg7 : memref<100x128xf32, #tpu.memory_space<vmem>>) offsets(%dma_start3A_7 : memref<100xi32, #tpu.memory_space<vmem>>) semaphore(%arg12 : memref<!tpu.dma_semaphore, #tpu.memory_space<semaphore_mem>>)
    %dma_start3A_11 = arith.constant 1 : i32
    %dma_start3A_12 = arith.constant 0 : i32
    %dma_start3A_13 = tpu.memref_slice %arg6[%dma_start3A_11, %dma_start3A_12] : memref<32x100xi32, #tpu.memory_space<vmem>> -> memref<1x100xi32, #tpu.memory_space<vmem>>
    %dma_start3A_14 = tpu.memref_squeeze %dma_start3A_13 : memref<1x100xi32, #tpu.memory_space<vmem>> -> memref<100xi32, #tpu.memory_space<vmem>>
    %dma_start3A_15 = arith.constant 0 : i32
    %dma_start3A_16 = arith.constant 0 : i32
    %dma_start3A_17 = tpu.memref_slice %arg5[%dma_start3A_15, %dma_start3A_16] : memref<1000x128xf32, #tpu.memory_space<vmem_shared>> -> memref<1000x128xf32, #tpu.memory_space<vmem_shared>>
    tpu.enqueue_indirect_dma source(%dma_start3A_17 : memref<1000x128xf32, #tpu.memory_space<vmem_shared>>) target(%arg8 : memref<100x128xf32, #tpu.memory_space<vmem>>) offsets(%dma_start3A_14 : memref<100xi32, #tpu.memory_space<vmem>>) semaphore(%arg13 : memref<!tpu.dma_semaphore, #tpu.memory_space<semaphore_mem>>)
    %dma_start3A_18 = arith.constant 2 : i32
    %dma_start3A_19 = arith.constant 0 : i32
    %dma_start3A_20 = tpu.memref_slice %arg6[%dma_start3A_18, %dma_start3A_19] : memref<32x100xi32, #tpu.memory_space<vmem>> -> memref<1x100xi32, #tpu.memory_space<vmem>>
    %dma_start3A_21 = tpu.memref_squeeze %dma_start3A_20 : memref<1x100xi32, #tpu.memory_space<vmem>> -> memref<100xi32, #tpu.memory_space<vmem>>
    %dma_start3A_22 = arith.constant 0 : i32
    %dma_start3A_23 = arith.constant 0 : i32
    %dma_start3A_24 = tpu.memref_slice %arg5[%dma_start3A_22, %dma_start3A_23] : memref<1000x128xf32, #tpu.memory_space<vmem_shared>> -> memref<1000x128xf32, #tpu.memory_space<vmem_shared>>
    tpu.enqueue_indirect_dma source(%dma_start3A_24 : memref<1000x128xf32, #tpu.memory_space<vmem_shared>>) target(%arg9 : memref<100x128xf32, #tpu.memory_space<vmem>>) offsets(%dma_start3A_21 : memref<100xi32, #tpu.memory_space<vmem>>) semaphore(%arg14 : memref<!tpu.dma_semaphore, #tpu.memory_space<semaphore_mem>>)
    %dma_wait3A = arith.constant 0 : i32
    %dma_wait3A_25 = arith.constant 0 : i32
    %dma_wait3A_26 = tpu.memref_slice %arg6[%dma_wait3A, %dma_wait3A_25] : memref<32x100xi32, #tpu.memory_space<vmem>> -> memref<1x100xi32, #tpu.memory_space<vmem>>
    %dma_wait3A_27 = tpu.memref_squeeze %dma_wait3A_26 : memref<1x100xi32, #tpu.memory_space<vmem>> -> memref<100xi32, #tpu.memory_space<vmem>>
    %dma_wait3A_28 = arith.constant 0 : i32
    %dma_wait3A_29 = arith.constant 0 : i32
    %dma_wait3A_30 = tpu.memref_slice %arg5[%dma_wait3A_28, %dma_wait3A_29] : memref<1000x128xf32, #tpu.memory_space<vmem_shared>> -> memref<1000x128xf32, #tpu.memory_space<vmem_shared>>
    tpu.wait_indirect_dma semaphore(%arg12 : memref<!tpu.dma_semaphore, #tpu.memory_space<semaphore_mem>>) src(%dma_wait3A_30 : memref<1000x128xf32, #tpu.memory_space<vmem_shared>>) dst(%arg7 : memref<100x128xf32, #tpu.memory_space<vmem>>)
    %scan3A = arith.constant 0 : i32
    %scan3A_31 = arith.constant 0 : i32
    %scan3A_32 = arith.constant 100 : i32
    %scan3A_33 = arith.addi %scan3A_31, %scan3A_32 : i32
    %scan3A_34 = arith.constant 1 : i32
    scf.for %scan3A_1218 = %scan3A_31 to %scan3A_33 step %scan3A_34  : i32 {
      %get3A = arith.index_cast %scan3A_1218 : i32 to index
      %get3A_1219 = arith.constant 0 : index
      %get3A_1220 = tpu.vector_load %arg7[%get3A, %get3A_1219] {strides = array<i32>} : memref<100x128xf32, #tpu.memory_space<vmem>>, vector<1x16xf32>,
      %get3A_1221 = vector.shape_cast %get3A_1220 : vector<1x16xf32> to vector<16xf32>
      %swap3A = arith.index_cast %scan3A_1218 : i32 to index
      %swap3A_1222 = arith.constant 0 : index
      %swap3A_1223 = tpu.vector_load %arg10[%swap3A, %swap3A_1222] {strides = array<i32>} : memref<100x64xf32, #tpu.memory_space<vmem>>, vector<1x16xf32>,
      %swap3A_1224 = vector.shape_cast %swap3A_1223 : vector<1x16xf32> to vector<16xf32>
      %swap3A_1225 = vector.shape_cast %get3A_1221 : vector<16xf32> to vector<1x16xf32>
      tpu.vector_store %arg10[%swap3A, %swap3A_1222], %swap3A_1225 {strides = array<i32>} : memref<100x64xf32, #tpu.memory_space<vmem>>, vector<1x16xf32>,
      %get3A_1226 = arith.index_cast %scan3A_1218 : i32 to index
      %get3A_1227 = arith.constant 16 : index
      %get3A_1228 = tpu.vector_load %arg7[%get3A_1226, %get3A_1227] {strides = array<i32>} : memref<100x128xf32, #tpu.memory_space<vmem>>, vector<1x16xf32>,
      %get3A_1229 = vector.shape_cast %get3A_1228 : vector<1x16xf32> to vector<16xf32>
      %swap3A_1230 = arith.index_cast %scan3A_1218 : i32 to index
      %swap3A_1231 = arith.constant 16 : index
      %swap3A_1232 = tpu.vector_load %arg10[%swap3A_1230, %swap3A_1231] {strides = array<i32>} : memref<100x64xf32, #tpu.memory_space<vmem>>, vector<1x16xf32>,
      %swap3A_1233 = vector.shape_cast %swap3A_1232 : vector<1x16xf32> to vector<16xf32>
      %swap3A_1234 = vector.shape_cast %get3A_1229 : vector<16xf32> to vector<1x16xf32>
      tpu.vector_store %arg10[%swap3A_1230, %swap3A_1231], %swap3A_1234 {strides = array<i32>} : memref<100x64xf32, #tpu.memory_space<vmem>>, vector<1x16xf32>,
      %get3A_1235 = arith.index_cast %scan3A_1218 : i32 to index
      %get3A_1236 = arith.constant 32 : index
      %get3A_1237 = tpu.vector_load %arg7[%get3A_1235, %get3A_1236] {strides = array<i32>} : memref<100x128xf32, #tpu.memory_space<vmem>>, vector<1x16xf32>,
      %get3A_1238 = vector.shape_cast %get3A_1237 : vector<1x16xf32> to vector<16xf32>
      %swap3A_1239 = arith.index_cast %scan3A_1218 : i32 to index
      %swap3A_1240 = arith.constant 32 : index
      %swap3A_1241 = tpu.vector_load %arg10[%swap3A_1239, %swap3A_1240] {strides = array<i32>} : memref<100x64xf32, #tpu.memory_space<vmem>>, vector<1x16xf32>,
      %swap3A_1242 = vector.shape_cast %swap3A_1241 : vector<1x16xf32> to vector<16xf32>
      %swap3A_1243 = vector.shape_cast %get3A_1238 : vector<16xf32> to vector<1x16xf32>
      tpu.vector_store %arg10[%swap3A_1239, %swap3A_1240], %swap3A_1243 {strides = array<i32>} : memref<100x64xf32, #tpu.memory_space<vmem>>, vector<1x16xf32>,
      %get3A_1244 = arith.index_cast %scan3A_1218 : i32 to index
      %get3A_1245 = arith.constant 48 : index
      %get3A_1246 = tpu.vector_load %arg7[%get3A_1244, %get3A_1245] {strides = array<i32>} : memref<100x128xf32, #tpu.memory_space<vmem>>, vector<1x16xf32>,
      %get3A_1247 = vector.shape_cast %get3A_1246 : vector<1x16xf32> to vector<16xf32>
      %swap3A_1248 = arith.index_cast %scan3A_1218 : i32 to index
      %swap3A_1249 = arith.constant 48 : index
      %swap3A_1250 = tpu.vector_load %arg10[%swap3A_1248, %swap3A_1249] {strides = array<i32>} : memref<100x64xf32, #tpu.memory_space<vmem>>, vector<1x16xf32>,
      %swap3A_1251 = vector.shape_cast %swap3A_1250 : vector<1x16xf32> to vector<16xf32>
      %swap3A_1252 = vector.shape_cast %get3A_1247 : vector<16xf32> to vector<1x16xf32>
      tpu.vector_store %arg10[%swap3A_1248, %swap3A_1249], %swap3A_1252 {strides = array<i32>} : memref<100x64xf32, #tpu.memory_space<vmem>>, vector<1x16xf32>,
    }
    %scan3A_35 = arith.constant 100 : i32
    %dma_start3A_36 = arith.constant 3 : i32
    %dma_start3A_37 = arith.constant 0 : i32
    %dma_start3A_38 = tpu.memref_slice %arg6[%dma_start3A_36, %dma_start3A_37] : memref<32x100xi32, #tpu.memory_space<vmem>> -> memref<1x100xi32, #tpu.memory_space<vmem>>
    %dma_start3A_39 = tpu.memref_squeeze %dma_start3A_38 : memref<1x100xi32, #tpu.memory_space<vmem>> -> memref<100xi32, #tpu.memory_space<vmem>>
    %dma_start3A_40 = arith.constant 0 : i32
    %dma_start3A_41 = arith.constant 0 : i32
    %dma_start3A_42 = tpu.memref_slice %arg5[%dma_start3A_40, %dma_start3A_41] : memref<1000x128xf32, #tpu.memory_space<vmem_shared>> -> memref<1000x128xf32, #tpu.memory_space<vmem_shared>>
    tpu.enqueue_indirect_dma source(%dma_start3A_42 : memref<1000x128xf32, #tpu.memory_space<vmem_shared>>) target(%arg7 : memref<100x128xf32, #tpu.memory_space<vmem>>) offsets(%dma_start3A_39 : memref<100xi32, #tpu.memory_space<vmem>>) semaphore(%arg12 : memref<!tpu.dma_semaphore, #tpu.memory_space<semaphore_mem>>)
    %add3A_43 = arith.constant 0 : i32
    %add3A_44 = arith.addi %mul3A_4, %add3A_43 : i32
    %dma_start3A_45 = arith.constant 0 : i32
    %dma_start3A_46 = arith.constant 0 : i32
    %dma_start3A_47 = tpu.memref_slice %arg4[%add3A_44, %dma_start3A_45, %dma_start3A_46] : memref<1024x100x64xf32, #tpu.memory_space<hbm>> -> memref<1x100x64xf32, #tpu.memory_space<hbm>>
    %dma_start3A_48 = tpu.memref_squeeze %dma_start3A_47 : memref<1x100x64xf32, #tpu.memory_space<hbm>> -> memref<100x64xf32, #tpu.memory_space<hbm>>
    %dma_start3A_49 = arith.constant 0 : i32
    %dma_start3A_50 = arith.constant 0 : i32
    %dma_start3A_51 = tpu.memref_slice %arg4[%add3A_44, %dma_start3A_49, %dma_start3A_50] : memref<1024x100x64xf32, #tpu.memory_space<hbm>> -> memref<1x100x64xf32, #tpu.memory_space<hbm>>
    %dma_start3A_52 = tpu.memref_squeeze %dma_start3A_51 : memref<1x100x64xf32, #tpu.memory_space<hbm>> -> memref<100x64xf32, #tpu.memory_space<hbm>>
    tpu.enqueue_dma source(%arg10 : memref<100x64xf32, #tpu.memory_space<vmem>>) target(%dma_start3A_52 : memref<100x64xf32, #tpu.memory_space<hbm>>) target_semaphore(%arg15 : memref<!tpu.dma_semaphore, #tpu.memory_space<semaphore_mem>>)
    %dma_wait3A_53 = arith.constant 1 : i32
    %dma_wait3A_54 = arith.constant 0 : i32
    %dma_wait3A_55 = tpu.memref_slice %arg6[%dma_wait3A_53, %dma_wait3A_54] : memref<32x100xi32, #tpu.memory_space<vmem>> -> memref<1x100xi32, #tpu.memory_space<vmem>>
    %dma_wait3A_56 = tpu.memref_squeeze %dma_wait3A_55 : memref<1x100xi32, #tpu.memory_space<vmem>> -> memref<100xi32, #tpu.memory_space<vmem>>
    %dma_wait3A_57 = arith.constant 0 : i32
    %dma_wait3A_58 = arith.constant 0 : i32
    %dma_wait3A_59 = tpu.memref_slice %arg5[%dma_wait3A_57, %dma_wait3A_58] : memref<1000x128xf32, #tpu.memory_space<vmem_shared>> -> memref<1000x128xf32, #tpu.memory_space<vmem_shared>>
    tpu.wait_indirect_dma semaphore(%arg13 : memref<!tpu.dma_semaphore, #tpu.memory_space<semaphore_mem>>) src(%dma_wait3A_59 : memref<1000x128xf32, #tpu.memory_space<vmem_shared>>) dst(%arg8 : memref<100x128xf32, #tpu.memory_space<vmem>>)
    %scan3A_60 = arith.constant 0 : i32
    %scan3A_61 = arith.constant 0 : i32
    %scan3A_62 = arith.constant 100 : i32
    %scan3A_63 = arith.addi %scan3A_61, %scan3A_62 : i32
    %scan3A_64 = arith.constant 1 : i32
    scf.for %scan3A_1218 = %scan3A_61 to %scan3A_63 step %scan3A_64  : i32 {
      %get3A = arith.index_cast %scan3A_1218 : i32 to index
      %get3A_1219 = arith.constant 0 : index
      %get3A_1220 = tpu.vector_load %arg8[%get3A, %get3A_1219] {strides = array<i32>} : memref<100x128xf32, #tpu.memory_space<vmem>>, vector<1x16xf32>,
      %get3A_1221 = vector.shape_cast %get3A_1220 : vector<1x16xf32> to vector<16xf32>
      %swap3A = arith.index_cast %scan3A_1218 : i32 to index
      %swap3A_1222 = arith.constant 0 : index
      %swap3A_1223 = tpu.vector_load %arg11[%swap3A, %swap3A_1222] {strides = array<i32>} : memref<100x64xf32, #tpu.memory_space<vmem>>, vector<1x16xf32>,
      %swap3A_1224 = vector.shape_cast %swap3A_1223 : vector<1x16xf32> to vector<16xf32>
      %swap3A_1225 = vector.shape_cast %get3A_1221 : vector<16xf32> to vector<1x16xf32>
      tpu.vector_store %arg11[%swap3A, %swap3A_1222], %swap3A_1225 {strides = array<i32>} : memref<100x64xf32, #tpu.memory_space<vmem>>, vector<1x16xf32>,
      %get3A_1226 = arith.index_cast %scan3A_1218 : i32 to index
      %get3A_1227 = arith.constant 16 : index
      %get3A_1228 = tpu.vector_load %arg8[%get3A_1226, %get3A_1227] {strides = array<i32>} : memref<100x128xf32, #tpu.memory_space<vmem>>, vector<1x16xf32>,
      %get3A_1229 = vector.shape_cast %get3A_1228 : vector<1x16xf32> to vector<16xf32>
      %swap3A_1230 = arith.index_cast %scan3A_1218 : i32 to index
      %swap3A_1231 = arith.constant 16 : index
      %swap3A_1232 = tpu.vector_load %arg11[%swap3A_1230, %swap3A_1231] {strides = array<i32>} : memref<100x64xf32, #tpu.memory_space<vmem>>, vector<1x16xf32>,
      %swap3A_1233 = vector.shape_cast %swap3A_1232 : vector<1x16xf32> to vector<16xf32>
      %swap3A_1234 = vector.shape_cast %get3A_1229 : vector<16xf32> to vector<1x16xf32>
      tpu.vector_store %arg11[%swap3A_1230, %swap3A_1231], %swap3A_1234 {strides = array<i32>} : memref<100x64xf32, #tpu.memory_space<vmem>>, vector<1x16xf32>,
      %get3A_1235 = arith.index_cast %scan3A_1218 : i32 to index
      %get3A_1236 = arith.constant 32 : index
      %get3A_1237 = tpu.vector_load %arg8[%get3A_1235, %get3A_1236] {strides = array<i32>} : memref<100x128xf32, #tpu.memory_space<vmem>>, vector<1x16xf32>,
      %get3A_1238 = vector.shape_cast %get3A_1237 : vector<1x16xf32> to vector<16xf32>
      %swap3A_1239 = arith.index_cast %scan3A_1218 : i32 to index
      %swap3A_1240 = arith.constant 32 : index
      %swap3A_1241 = tpu.vector_load %arg11[%swap3A_1239, %swap3A_1240] {strides = array<i32>} : memref<100x64xf32, #tpu.memory_space<vmem>>, vector<1x16xf32>,
      %swap3A_1242 = vector.shape_cast %swap3A_1241 : vector<1x16xf32> to vector<16xf32>
      %swap3A_1243 = vector.shape_cast %get3A_1238 : vector<16xf32> to vector<1x16xf32>
      tpu.vector_store %arg11[%swap3A_1239, %swap3A_1240], %swap3A_1243 {strides = array<i32>} : memref<100x64xf32, #tpu.memory_space<vmem>>, vector<1x16xf32>,
      %get3A_1244 = arith.index_cast %scan3A_1218 : i32 to index
      %get3A_1245 = arith.constant 48 : index
      %get3A_1246 = tpu.vector_load %arg8[%get3A_1244, %get3A_1245] {strides = array<i32>} : memref<100x128xf32, #tpu.memory_space<vmem>>, vector<1x16xf32>,
      %get3A_1247 = vector.shape_cast %get3A_1246 : vector<1x16xf32> to vector<16xf32>
      %swap3A_1248 = arith.index_cast %scan3A_1218 : i32 to index
      %swap3A_1249 = arith.constant 48 : index
      %swap3A_1250 = tpu.vector_load %arg11[%swap3A_1248, %swap3A_1249] {strides = array<i32>} : memref<100x64xf32, #tpu.memory_space<vmem>>, vector<1x16xf32>,
      %swap3A_1251 = vector.shape_cast %swap3A_1250 : vector<1x16xf32> to vector<16xf32>
      %swap3A_1252 = vector.shape_cast %get3A_1247 : vector<16xf32> to vector<1x16xf32>
      tpu.vector_store %arg11[%swap3A_1248, %swap3A_1249], %swap3A_1252 {strides = array<i32>} : memref<100x64xf32, #tpu.memory_space<vmem>>, vector<1x16xf32>,
    }
    %scan3A_65 = arith.constant 100 : i32
    %dma_start3A_66 = arith.constant 4 : i32
    %dma_start3A_67 = arith.constant 0 : i32
    %dma_start3A_68 = tpu.memref_slice %arg6[%dma_start3A_66, %dma_start3A_67] : memref<32x100xi32, #tpu.memory_space<vmem>> -> memref<1x100xi32, #tpu.memory_space<vmem>>
    %dma_start3A_69 = tpu.memref_squeeze %dma_start3A_68 : memref<1x100xi32, #tpu.memory_space<vmem>> -> memref<100xi32, #tpu.memory_space<vmem>>
    %dma_start3A_70 = arith.constant 0 : i32
    %dma_start3A_71 = arith.constant 0 : i32
    %dma_start3A_72 = tpu.memref_slice %arg5[%dma_start3A_70, %dma_start3A_71] : memref<1000x128xf32, #tpu.memory_space<vmem_shared>> -> memref<1000x128xf32, #tpu.memory_space<vmem_shared>>
    tpu.enqueue_indirect_dma source(%dma_start3A_72 : memref<1000x128xf32, #tpu.memory_space<vmem_shared>>) target(%arg8 : memref<100x128xf32, #tpu.memory_space<vmem>>) offsets(%dma_start3A_69 : memref<100xi32, #tpu.memory_space<vmem>>) semaphore(%arg13 : memref<!tpu.dma_semaphore, #tpu.memory_space<semaphore_mem>>)
    %add3A_73 = arith.constant 1 : i32
    %add3A_74 = arith.addi %mul3A_4, %add3A_73 : i32
    %dma_start3A_75 = arith.constant 0 : i32
    %dma_start3A_76 = arith.constant 0 : i32
    %dma_start3A_77 = tpu.memref_slice %arg4[%add3A_74, %dma_start3A_75, %dma_start3A_76] : memref<1024x100x64xf32, #tpu.memory_space<hbm>> -> memref<1x100x64xf32, #tpu.memory_space<hbm>>
    %dma_start3A_78 = tpu.memref_squeeze %dma_start3A_77 : memref<1x100x64xf32, #tpu.memory_space<hbm>> -> memref<100x64xf32, #tpu.memory_space<hbm>>
    %dma_start3A_79 = arith.constant 0 : i32
    %dma_start3A_80 = arith.constant 0 : i32
    %dma_start3A_81 = tpu.memref_slice %arg4[%add3A_74, %dma_start3A_79, %dma_start3A_80] : memref<1024x100x64xf32, #tpu.memory_space<hbm>> -> memref<1x100x64xf32, #tpu.memory_space<hbm>>
    %dma_start3A_82 = tpu.memref_squeeze %dma_start3A_81 : memref<1x100x64xf32, #tpu.memory_space<hbm>> -> memref<100x64xf32, #tpu.memory_space<hbm>>
    tpu.enqueue_dma source(%arg11 : memref<100x64xf32, #tpu.memory_space<vmem>>) target(%dma_start3A_82 : memref<100x64xf32, #tpu.memory_space<hbm>>) target_semaphore(%arg16 : memref<!tpu.dma_semaphore, #tpu.memory_space<semaphore_mem>>)
    %dma_wait3A_83 = arith.constant 2 : i32
    %dma_wait3A_84 = arith.constant 0 : i32
    %dma_wait3A_85 = tpu.memref_slice %arg6[%dma_wait3A_83, %dma_wait3A_84] : memref<32x100xi32, #tpu.memory_space<vmem>> -> memref<1x100xi32, #tpu.memory_space<vmem>>
    %dma_wait3A_86 = tpu.memref_squeeze %dma_wait3A_85 : memref<1x100xi32, #tpu.memory_space<vmem>> -> memref<100xi32, #tpu.memory_space<vmem>>
    %dma_wait3A_87 = arith.constant 0 : i32
    %dma_wait3A_88 = arith.constant 0 : i32
    %dma_wait3A_89 = tpu.memref_slice %arg5[%dma_wait3A_87, %dma_wait3A_88] : memref<1000x128xf32, #tpu.memory_space<vmem_shared>> -> memref<1000x128xf32, #tpu.memory_space<vmem_shared>>
    tpu.wait_indirect_dma semaphore(%arg14 : memref<!tpu.dma_semaphore, #tpu.memory_space<semaphore_mem>>) src(%dma_wait3A_89 : memref<1000x128xf32, #tpu.memory_space<vmem_shared>>) dst(%arg9 : memref<100x128xf32, #tpu.memory_space<vmem>>)
    %dma_wait3A_90 = arith.constant 0 : i32
    %dma_wait3A_91 = arith.constant 0 : i32
    %dma_wait3A_92 = tpu.memref_slice %arg4[%add3A_44, %dma_wait3A_90, %dma_wait3A_91] : memref<1024x100x64xf32, #tpu.memory_space<hbm>> -> memref<1x100x64xf32, #tpu.memory_space<hbm>>
    %dma_wait3A_93 = tpu.memref_squeeze %dma_wait3A_92 : memref<1x100x64xf32, #tpu.memory_space<hbm>> -> memref<100x64xf32, #tpu.memory_space<hbm>>
    %dma_wait3A_94 = arith.constant 0 : i32
    %dma_wait3A_95 = arith.constant 0 : i32
    %dma_wait3A_96 = tpu.memref_slice %arg4[%add3A_44, %dma_wait3A_94, %dma_wait3A_95] : memref<1024x100x64xf32, #tpu.memory_space<hbm>> -> memref<1x100x64xf32, #tpu.memory_space<hbm>>
    %dma_wait3A_97 = tpu.memref_squeeze %dma_wait3A_96 : memref<1x100x64xf32, #tpu.memory_space<hbm>> -> memref<100x64xf32, #tpu.memory_space<hbm>>
    tpu.wait_dma2 semaphore(%arg15 : memref<!tpu.dma_semaphore, #tpu.memory_space<semaphore_mem>>) src(%arg10 : memref<100x64xf32, #tpu.memory_space<vmem>>) dst(%dma_wait3A_97 : memref<100x64xf32, #tpu.memory_space<hbm>>)
    %scan3A_98 = arith.constant 0 : i32
    %scan3A_99 = arith.constant 0 : i32
    %scan3A_100 = arith.constant 100 : i32
    %scan3A_101 = arith.addi %scan3A_99, %scan3A_100 : i32
    %scan3A_102 = arith.constant 1 : i32
    scf.for %scan3A_1218 = %scan3A_99 to %scan3A_101 step %scan3A_102  : i32 {
      %get3A = arith.index_cast %scan3A_1218 : i32 to index
      %get3A_1219 = arith.constant 0 : index
      %get3A_1220 = tpu.vector_load %arg9[%get3A, %get3A_1219] {strides = array<i32>} : memref<100x128xf32, #tpu.memory_space<vmem>>, vector<1x16xf32>,
      %get3A_1221 = vector.shape_cast %get3A_1220 : vector<1x16xf32> to vector<16xf32>
      %swap3A = arith.index_cast %scan3A_1218 : i32 to index
      %swap3A_1222 = arith.constant 0 : index
      %swap3A_1223 = tpu.vector_load %arg10[%swap3A, %swap3A_1222] {strides = array<i32>} : memref<100x64xf32, #tpu.memory_space<vmem>>, vector<1x16xf32>,
      %swap3A_1224 = vector.shape_cast %swap3A_1223 : vector<1x16xf32> to vector<16xf32>
      %swap3A_1225 = vector.shape_cast %get3A_1221 : vector<16xf32> to vector<1x16xf32>
      tpu.vector_store %arg10[%swap3A, %swap3A_1222], %swap3A_1225 {strides = array<i32>} : memref<100x64xf32, #tpu.memory_space<vmem>>, vector<1x16xf32>,
      %get3A_1226 = arith.index_cast %scan3A_1218 : i32 to index
      %get3A_1227 = arith.constant 16 : index
      %get3A_1228 = tpu.vector_load %arg9[%get3A_1226, %get3A_1227] {strides = array<i32>} : memref<100x128xf32, #tpu.memory_space<vmem>>, vector<1x16xf32>,
      %get3A_1229 = vector.shape_cast %get3A_1228 : vector<1x16xf32> to vector<16xf32>
      %swap3A_1230 = arith.index_cast %scan3A_1218 : i32 to index
      %swap3A_1231 = arith.constant 16 : index
      %swap3A_1232 = tpu.vector_load %arg10[%swap3A_1230, %swap3A_1231] {strides = array<i32>} : memref<100x64xf32, #tpu.memory_space<vmem>>, vector<1x16xf32>,
      %swap3A_1233 = vector.shape_cast %swap3A_1232 : vector<1x16xf32> to vector<16xf32>
      %swap3A_1234 = vector.shape_cast %get3A_1229 : vector<16xf32> to vector<1x16xf32>
      tpu.vector_store %arg10[%swap3A_1230, %swap3A_1231], %swap3A_1234 {strides = array<i32>} : memref<100x64xf32, #tpu.memory_space<vmem>>, vector<1x16xf32>,
      %get3A_1235 = arith.index_cast %scan3A_1218 : i32 to index
      %get3A_1236 = arith.constant 32 : index
      %get3A_1237 = tpu.vector_load %arg9[%get3A_1235, %get3A_1236] {strides = array<i32>} : memref<100x128xf32, #tpu.memory_space<vmem>>, vector<1x16xf32>,
      %get3A_1238 = vector.shape_cast %get3A_1237 : vector<1x16xf32> to vector<16xf32>
      %swap3A_1239 = arith.index_cast %scan3A_1218 : i32 to index
      %swap3A_1240 = arith.constant 32 : index
      %swap3A_1241 = tpu.vector_load %arg10[%swap3A_1239, %swap3A_1240] {strides = array<i32>} : memref<100x64xf32, #tpu.memory_space<vmem>>, vector<1x16xf32>,
      %swap3A_1242 = vector.shape_cast %swap3A_1241 : vector<1x16xf32> to vector<16xf32>
      %swap3A_1243 = vector.shape_cast %get3A_1238 : vector<16xf32> to vector<1x16xf32>
      tpu.vector_store %arg10[%swap3A_1239, %swap3A_1240], %swap3A_1243 {strides = array<i32>} : memref<100x64xf32, #tpu.memory_space<vmem>>, vector<1x16xf32>,
      %get3A_1244 = arith.index_cast %scan3A_1218 : i32 to index
      %get3A_1245 = arith.constant 48 : index
      %get3A_1246 = tpu.vector_load %arg9[%get3A_1244, %get3A_1245] {strides = array<i32>} : memref<100x128xf32, #tpu.memory_space<vmem>>, vector<1x16xf32>,
      %get3A_1247 = vector.shape_cast %get3A_1246 : vector<1x16xf32> to vector<16xf32>
      %swap3A_1248 = arith.index_cast %scan3A_1218 : i32 to index
      %swap3A_1249 = arith.constant 48 : index
      %swap3A_1250 = tpu.vector_load %arg10[%swap3A_1248, %swap3A_1249] {strides = array<i32>} : memref<100x64xf32, #tpu.memory_space<vmem>>, vector<1x16xf32>,
      %swap3A_1251 = vector.shape_cast %swap3A_1250 : vector<1x16xf32> to vector<16xf32>
      %swap3A_1252 = vector.shape_cast %get3A_1247 : vector<16xf32> to vector<1x16xf32>
      tpu.vector_store %arg10[%swap3A_1248, %swap3A_1249], %swap3A_1252 {strides = array<i32>} : memref<100x64xf32, #tpu.memory_space<vmem>>, vector<1x16xf32>,
    }
    %scan3A_103 = arith.constant 100 : i32
    %dma_start3A_104 = arith.constant 5 : i32
    %dma_start3A_105 = arith.constant 0 : i32
    %dma_start3A_106 = tpu.memref_slice %arg6[%dma_start3A_104, %dma_start3A_105] : memref<32x100xi32, #tpu.memory_space<vmem>> -> memref<1x100xi32, #tpu.memory_space<vmem>>
    %dma_start3A_107 = tpu.memref_squeeze %dma_start3A_106 : memref<1x100xi32, #tpu.memory_space<vmem>> -> memref<100xi32, #tpu.memory_space<vmem>>
    %dma_start3A_108 = arith.constant 0 : i32
    %dma_start3A_109 = arith.constant 0 : i32
    %dma_start3A_110 = tpu.memref_slice %arg5[%dma_start3A_108, %dma_start3A_109] : memref<1000x128xf32, #tpu.memory_space<vmem_shared>> -> memref<1000x128xf32, #tpu.memory_space<vmem_shared>>
    tpu.enqueue_indirect_dma source(%dma_start3A_110 : memref<1000x128xf32, #tpu.memory_space<vmem_shared>>) target(%arg9 : memref<100x128xf32, #tpu.memory_space<vmem>>) offsets(%dma_start3A_107 : memref<100xi32, #tpu.memory_space<vmem>>) semaphore(%arg14 : memref<!tpu.dma_semaphore, #tpu.memory_space<semaphore_mem>>)
    %add3A_111 = arith.constant 2 : i32
    %add3A_112 = arith.addi %mul3A_4, %add3A_111 : i32
    %dma_start3A_113 = arith.constant 0 : i32
    %dma_start3A_114 = arith.constant 0 : i32
    %dma_start3A_115 = tpu.memref_slice %arg4[%add3A_112, %dma_start3A_113, %dma_start3A_114] : memref<1024x100x64xf32, #tpu.memory_space<hbm>> -> memref<1x100x64xf32, #tpu.memory_space<hbm>>
    %dma_start3A_116 = tpu.memref_squeeze %dma_start3A_115 : memref<1x100x64xf32, #tpu.memory_space<hbm>> -> memref<100x64xf32, #tpu.memory_space<hbm>>
    %dma_start3A_117 = arith.constant 0 : i32
    %dma_start3A_118 = arith.constant 0 : i32
    %dma_start3A_119 = tpu.memref_slice %arg4[%add3A_112, %dma_start3A_117, %dma_start3A_118] : memref<1024x100x64xf32, #tpu.memory_space<hbm>> -> memref<1x100x64xf32, #tpu.memory_space<hbm>>
    %dma_start3A_120 = tpu.memref_squeeze %dma_start3A_119 : memref<1x100x64xf32, #tpu.memory_space<hbm>> -> memref<100x64xf32, #tpu.memory_space<hbm>>
    tpu.enqueue_dma source(%arg10 : memref<100x64xf32, #tpu.memory_space<vmem>>) target(%dma_start3A_120 : memref<100x64xf32, #tpu.memory_space<hbm>>) target_semaphore(%arg15 : memref<!tpu.dma_semaphore, #tpu.memory_space<semaphore_mem>>)
    %dma_wait3A_121 = arith.constant 3 : i32
    %dma_wait3A_122 = arith.constant 0 : i32
    %dma_wait3A_123 = tpu.memref_slice %arg6[%dma_wait3A_121, %dma_wait3A_122] : memref<32x100xi32, #tpu.memory_space<vmem>> -> memref<1x100xi32, #tpu.memory_space<vmem>>
    %dma_wait3A_124 = tpu.memref_squeeze %dma_wait3A_123 : memref<1x100xi32, #tpu.memory_space<vmem>> -> memref<100xi32, #tpu.memory_space<vmem>>
    %dma_wait3A_125 = arith.constant 0 : i32
    %dma_wait3A_126 = arith.constant 0 : i32
    %dma_wait3A_127 = tpu.memref_slice %arg5[%dma_wait3A_125, %dma_wait3A_126] : memref<1000x128xf32, #tpu.memory_space<vmem_shared>> -> memref<1000x128xf32, #tpu.memory_space<vmem_shared>>
    tpu.wait_indirect_dma semaphore(%arg12 : memref<!tpu.dma_semaphore, #tpu.memory_space<semaphore_mem>>) src(%dma_wait3A_127 : memref<1000x128xf32, #tpu.memory_space<vmem_shared>>) dst(%arg7 : memref<100x128xf32, #tpu.memory_space<vmem>>)
    %dma_wait3A_128 = arith.constant 0 : i32
    %dma_wait3A_129 = arith.constant 0 : i32
    %dma_wait3A_130 = tpu.memref_slice %arg4[%add3A_74, %dma_wait3A_128, %dma_wait3A_129] : memref<1024x100x64xf32, #tpu.memory_space<hbm>> -> memref<1x100x64xf32, #tpu.memory_space<hbm>>
    %dma_wait3A_131 = tpu.memref_squeeze %dma_wait3A_130 : memref<1x100x64xf32, #tpu.memory_space<hbm>> -> memref<100x64xf32, #tpu.memory_space<hbm>>
    %dma_wait3A_132 = arith.constant 0 : i32
    %dma_wait3A_133 = arith.constant 0 : i32
    %dma_wait3A_134 = tpu.memref_slice %arg4[%add3A_74, %dma_wait3A_132, %dma_wait3A_133] : memref<1024x100x64xf32, #tpu.memory_space<hbm>> -> memref<1x100x64xf32, #tpu.memory_space<hbm>>
    %dma_wait3A_135 = tpu.memref_squeeze %dma_wait3A_134 : memref<1x100x64xf32, #tpu.memory_space<hbm>> -> memref<100x64xf32, #tpu.memory_space<hbm>>
    tpu.wait_dma2 semaphore(%arg16 : memref<!tpu.dma_semaphore, #tpu.memory_space<semaphore_mem>>) src(%arg11 : memref<100x64xf32, #tpu.memory_space<vmem>>) dst(%dma_wait3A_135 : memref<100x64xf32, #tpu.memory_space<hbm>>)
    %scan3A_136 = arith.constant 0 : i32
    %scan3A_137 = arith.constant 0 : i32
    %scan3A_138 = arith.constant 100 : i32
    %scan3A_139 = arith.addi %scan3A_137, %scan3A_138 : i32
    %scan3A_140 = arith.constant 1 : i32
    scf.for %scan3A_1218 = %scan3A_137 to %scan3A_139 step %scan3A_140  : i32 {
      %get3A = arith.index_cast %scan3A_1218 : i32 to index
      %get3A_1219 = arith.constant 0 : index
      %get3A_1220 = tpu.vector_load %arg7[%get3A, %get3A_1219] {strides = array<i32>} : memref<100x128xf32, #tpu.memory_space<vmem>>, vector<1x16xf32>,
      %get3A_1221 = vector.shape_cast %get3A_1220 : vector<1x16xf32> to vector<16xf32>
      %swap3A = arith.index_cast %scan3A_1218 : i32 to index
      %swap3A_1222 = arith.constant 0 : index
      %swap3A_1223 = tpu.vector_load %arg11[%swap3A, %swap3A_1222] {strides = array<i32>} : memref<100x64xf32, #tpu.memory_space<vmem>>, vector<1x16xf32>,
      %swap3A_1224 = vector.shape_cast %swap3A_1223 : vector<1x16xf32> to vector<16xf32>
      %swap3A_1225 = vector.shape_cast %get3A_1221 : vector<16xf32> to vector<1x16xf32>
      tpu.vector_store %arg11[%swap3A, %swap3A_1222], %swap3A_1225 {strides = array<i32>} : memref<100x64xf32, #tpu.memory_space<vmem>>, vector<1x16xf32>,
      %get3A_1226 = arith.index_cast %scan3A_1218 : i32 to index
      %get3A_1227 = arith.constant 16 : index
      %get3A_1228 = tpu.vector_load %arg7[%get3A_1226, %get3A_1227] {strides = array<i32>} : memref<100x128xf32, #tpu.memory_space<vmem>>, vector<1x16xf32>,
      %get3A_1229 = vector.shape_cast %get3A_1228 : vector<1x16xf32> to vector<16xf32>
      %swap3A_1230 = arith.index_cast %scan3A_1218 : i32 to index
      %swap3A_1231 = arith.constant 16 : index
      %swap3A_1232 = tpu.vector_load %arg11[%swap3A_1230, %swap3A_1231] {strides = array<i32>} : memref<100x64xf32, #tpu.memory_space<vmem>>, vector<1x16xf32>,
      %swap3A_1233 = vector.shape_cast %swap3A_1232 : vector<1x16xf32> to vector<16xf32>
      %swap3A_1234 = vector.shape_cast %get3A_1229 : vector<16xf32> to vector<1x16xf32>
      tpu.vector_store %arg11[%swap3A_1230, %swap3A_1231], %swap3A_1234 {strides = array<i32>} : memref<100x64xf32, #tpu.memory_space<vmem>>, vector<1x16xf32>,
      %get3A_1235 = arith.index_cast %scan3A_1218 : i32 to index
      %get3A_1236 = arith.constant 32 : index
      %get3A_1237 = tpu.vector_load %arg7[%get3A_1235, %get3A_1236] {strides = array<i32>} : memref<100x128xf32, #tpu.memory_space<vmem>>, vector<1x16xf32>,
      %get3A_1238 = vector.shape_cast %get3A_1237 : vector<1x16xf32> to vector<16xf32>
      %swap3A_1239 = arith.index_cast %scan3A_1218 : i32 to index
      %swap3A_1240 = arith.constant 32 : index
      %swap3A_1241 = tpu.vector_load %arg11[%swap3A_1239, %swap3A_1240] {strides = array<i32>} : memref<100x64xf32, #tpu.memory_space<vmem>>, vector<1x16xf32>,
      %swap3A_1242 = vector.shape_cast %swap3A_1241 : vector<1x16xf32> to vector<16xf32>
      %swap3A_1243 = vector.shape_cast %get3A_1238 : vector<16xf32> to vector<1x16xf32>
      tpu.vector_store %arg11[%swap3A_1239, %swap3A_1240], %swap3A_1243 {strides = array<i32>} : memref<100x64xf32, #tpu.memory_space<vmem>>, vector<1x16xf32>,
      %get3A_1244 = arith.index_cast %scan3A_1218 : i32 to index
      %get3A_1245 = arith.constant 48 : index
      %get3A_1246 = tpu.vector_load %arg7[%get3A_1244, %get3A_1245] {strides = array<i32>} : memref<100x128xf32, #tpu.memory_space<vmem>>, vector<1x16xf32>,
      %get3A_1247 = vector.shape_cast %get3A_1246 : vector<1x16xf32> to vector<16xf32>
      %swap3A_1248 = arith.index_cast %scan3A_1218 : i32 to index
      %swap3A_1249 = arith.constant 48 : index
      %swap3A_1250 = tpu.vector_load %arg11[%swap3A_1248, %swap3A_1249] {strides = array<i32>} : memref<100x64xf32, #tpu.memory_space<vmem>>, vector<1x16xf32>,
      %swap3A_1251 = vector.shape_cast %swap3A_1250 : vector<1x16xf32> to vector<16xf32>
      %swap3A_1252 = vector.shape_cast %get3A_1247 : vector<16xf32> to vector<1x16xf32>
      tpu.vector_store %arg11[%swap3A_1248, %swap3A_1249], %swap3A_1252 {strides = array<i32>} : memref<100x64xf32, #tpu.memory_space<vmem>>, vector<1x16xf32>,
    }
    %scan3A_141 = arith.constant 100 : i32
    %dma_start3A_142 = arith.constant 6 : i32
    %dma_start3A_143 = arith.constant 0 : i32
    %dma_start3A_144 = tpu.memref_slice %arg6[%dma_start3A_142, %dma_start3A_143] : memref<32x100xi32, #tpu.memory_space<vmem>> -> memref<1x100xi32, #tpu.memory_space<vmem>>
    %dma_start3A_145 = tpu.memref_squeeze %dma_start3A_144 : memref<1x100xi32, #tpu.memory_space<vmem>> -> memref<100xi32, #tpu.memory_space<vmem>>
    %dma_start3A_146 = arith.constant 0 : i32
    %dma_start3A_147 = arith.constant 0 : i32
    %dma_start3A_148 = tpu.memref_slice %arg5[%dma_start3A_146, %dma_start3A_147] : memref<1000x128xf32, #tpu.memory_space<vmem_shared>> -> memref<1000x128xf32, #tpu.memory_space<vmem_shared>>
    tpu.enqueue_indirect_dma source(%dma_start3A_148 : memref<1000x128xf32, #tpu.memory_space<vmem_shared>>) target(%arg7 : memref<100x128xf32, #tpu.memory_space<vmem>>) offsets(%dma_start3A_145 : memref<100xi32, #tpu.memory_space<vmem>>) semaphore(%arg12 : memref<!tpu.dma_semaphore, #tpu.memory_space<semaphore_mem>>)
    %add3A_149 = arith.constant 3 : i32
    %add3A_150 = arith.addi %mul3A_4, %add3A_149 : i32
    %dma_start3A_151 = arith.constant 0 : i32
    %dma_start3A_152 = arith.constant 0 : i32
    %dma_start3A_153 = tpu.memref_slice %arg4[%add3A_150, %dma_start3A_151, %dma_start3A_152] : memref<1024x100x64xf32, #tpu.memory_space<hbm>> -> memref<1x100x64xf32, #tpu.memory_space<hbm>>
    %dma_start3A_154 = tpu.memref_squeeze %dma_start3A_153 : memref<1x100x64xf32, #tpu.memory_space<hbm>> -> memref<100x64xf32, #tpu.memory_space<hbm>>
    %dma_start3A_155 = arith.constant 0 : i32
    %dma_start3A_156 = arith.constant 0 : i32
    %dma_start3A_157 = tpu.memref_slice %arg4[%add3A_150, %dma_start3A_155, %dma_start3A_156] : memref<1024x100x64xf32, #tpu.memory_space<hbm>> -> memref<1x100x64xf32, #tpu.memory_space<hbm>>
    %dma_start3A_158 = tpu.memref_squeeze %dma_start3A_157 : memref<1x100x64xf32, #tpu.memory_space<hbm>> -> memref<100x64xf32, #tpu.memory_space<hbm>>
    tpu.enqueue_dma source(%arg11 : memref<100x64xf32, #tpu.memory_space<vmem>>) target(%dma_start3A_158 : memref<100x64xf32, #tpu.memory_space<hbm>>) target_semaphore(%arg16 : memref<!tpu.dma_semaphore, #tpu.memory_space<semaphore_mem>>)
    %dma_wait3A_159 = arith.constant 4 : i32
    %dma_wait3A_160 = arith.constant 0 : i32
    %dma_wait3A_161 = tpu.memref_slice %arg6[%dma_wait3A_159, %dma_wait3A_160] : memref<32x100xi32, #tpu.memory_space<vmem>> -> memref<1x100xi32, #tpu.memory_space<vmem>>
    %dma_wait3A_162 = tpu.memref_squeeze %dma_wait3A_161 : memref<1x100xi32, #tpu.memory_space<vmem>> -> memref<100xi32, #tpu.memory_space<vmem>>
    %dma_wait3A_163 = arith.constant 0 : i32
    %dma_wait3A_164 = arith.constant 0 : i32
    %dma_wait3A_165 = tpu.memref_slice %arg5[%dma_wait3A_163, %dma_wait3A_164] : memref<1000x128xf32, #tpu.memory_space<vmem_shared>> -> memref<1000x128xf32, #tpu.memory_space<vmem_shared>>
    tpu.wait_indirect_dma semaphore(%arg13 : memref<!tpu.dma_semaphore, #tpu.memory_space<semaphore_mem>>) src(%dma_wait3A_165 : memref<1000x128xf32, #tpu.memory_space<vmem_shared>>) dst(%arg8 : memref<100x128xf32, #tpu.memory_space<vmem>>)
    %dma_wait3A_166 = arith.constant 0 : i32
    %dma_wait3A_167 = arith.constant 0 : i32
    %dma_wait3A_168 = tpu.memref_slice %arg4[%add3A_112, %dma_wait3A_166, %dma_wait3A_167] : memref<1024x100x64xf32, #tpu.memory_space<hbm>> -> memref<1x100x64xf32, #tpu.memory_space<hbm>>
    %dma_wait3A_169 = tpu.memref_squeeze %dma_wait3A_168 : memref<1x100x64xf32, #tpu.memory_space<hbm>> -> memref<100x64xf32, #tpu.memory_space<hbm>>
    %dma_wait3A_170 = arith.constant 0 : i32
    %dma_wait3A_171 = arith.constant 0 : i32
    %dma_wait3A_172 = tpu.memref_slice %arg4[%add3A_112, %dma_wait3A_170, %dma_wait3A_171] : memref<1024x100x64xf32, #tpu.memory_space<hbm>> -> memref<1x100x64xf32, #tpu.memory_space<hbm>>
    %dma_wait3A_173 = tpu.memref_squeeze %dma_wait3A_172 : memref<1x100x64xf32, #tpu.memory_space<hbm>> -> memref<100x64xf32, #tpu.memory_space<hbm>>
    tpu.wait_dma2 semaphore(%arg15 : memref<!tpu.dma_semaphore, #tpu.memory_space<semaphore_mem>>) src(%arg10 : memref<100x64xf32, #tpu.memory_space<vmem>>) dst(%dma_wait3A_173 : memref<100x64xf32, #tpu.memory_space<hbm>>)
    %scan3A_174 = arith.constant 0 : i32
    %scan3A_175 = arith.constant 0 : i32
    %scan3A_176 = arith.constant 100 : i32
    %scan3A_177 = arith.addi %scan3A_175, %scan3A_176 : i32
    %scan3A_178 = arith.constant 1 : i32
    scf.for %scan3A_1218 = %scan3A_175 to %scan3A_177 step %scan3A_178  : i32 {
      %get3A = arith.index_cast %scan3A_1218 : i32 to index
      %get3A_1219 = arith.constant 0 : index
      %get3A_1220 = tpu.vector_load %arg8[%get3A, %get3A_1219] {strides = array<i32>} : memref<100x128xf32, #tpu.memory_space<vmem>>, vector<1x16xf32>,
      %get3A_1221 = vector.shape_cast %get3A_1220 : vector<1x16xf32> to vector<16xf32>
      %swap3A = arith.index_cast %scan3A_1218 : i32 to index
      %swap3A_1222 = arith.constant 0 : index
      %swap3A_1223 = tpu.vector_load %arg10[%swap3A, %swap3A_1222] {strides = array<i32>} : memref<100x64xf32, #tpu.memory_space<vmem>>, vector<1x16xf32>,
      %swap3A_1224 = vector.shape_cast %swap3A_1223 : vector<1x16xf32> to vector<16xf32>
      %swap3A_1225 = vector.shape_cast %get3A_1221 : vector<16xf32> to vector<1x16xf32>
      tpu.vector_store %arg10[%swap3A, %swap3A_1222], %swap3A_1225 {strides = array<i32>} : memref<100x64xf32, #tpu.memory_space<vmem>>, vector<1x16xf32>,
      %get3A_1226 = arith.index_cast %scan3A_1218 : i32 to index
      %get3A_1227 = arith.constant 16 : index
      %get3A_1228 = tpu.vector_load %arg8[%get3A_1226, %get3A_1227] {strides = array<i32>} : memref<100x128xf32, #tpu.memory_space<vmem>>, vector<1x16xf32>,
      %get3A_1229 = vector.shape_cast %get3A_1228 : vector<1x16xf32> to vector<16xf32>
      %swap3A_1230 = arith.index_cast %scan3A_1218 : i32 to index
      %swap3A_1231 = arith.constant 16 : index
      %swap3A_1232 = tpu.vector_load %arg10[%swap3A_1230, %swap3A_1231] {strides = array<i32>} : memref<100x64xf32, #tpu.memory_space<vmem>>, vector<1x16xf32>,
      %swap3A_1233 = vector.shape_cast %swap3A_1232 : vector<1x16xf32> to vector<16xf32>
      %swap3A_1234 = vector.shape_cast %get3A_1229 : vector<16xf32> to vector<1x16xf32>
      tpu.vector_store %arg10[%swap3A_1230, %swap3A_1231], %swap3A_1234 {strides = array<i32>} : memref<100x64xf32, #tpu.memory_space<vmem>>, vector<1x16xf32>,
      %get3A_1235 = arith.index_cast %scan3A_1218 : i32 to index
      %get3A_1236 = arith.constant 32 : index
      %get3A_1237 = tpu.vector_load %arg8[%get3A_1235, %get3A_1236] {strides = array<i32>} : memref<100x128xf32, #tpu.memory_space<vmem>>, vector<1x16xf32>,
      %get3A_1238 = vector.shape_cast %get3A_1237 : vector<1x16xf32> to vector<16xf32>
      %swap3A_1239 = arith.index_cast %scan3A_1218 : i32 to index
      %swap3A_1240 = arith.constant 32 : index
      %swap3A_1241 = tpu.vector_load %arg10[%swap3A_1239, %swap3A_1240] {strides = array<i32>} : memref<100x64xf32, #tpu.memory_space<vmem>>, vector<1x16xf32>,
      %swap3A_1242 = vector.shape_cast %swap3A_1241 : vector<1x16xf32> to vector<16xf32>
      %swap3A_1243 = vector.shape_cast %get3A_1238 : vector<16xf32> to vector<1x16xf32>
      tpu.vector_store %arg10[%swap3A_1239, %swap3A_1240], %swap3A_1243 {strides = array<i32>} : memref<100x64xf32, #tpu.memory_space<vmem>>, vector<1x16xf32>,
      %get3A_1244 = arith.index_cast %scan3A_1218 : i32 to index
      %get3A_1245 = arith.constant 48 : index
      %get3A_1246 = tpu.vector_load %arg8[%get3A_1244, %get3A_1245] {strides = array<i32>} : memref<100x128xf32, #tpu.memory_space<vmem>>, vector<1x16xf32>,
      %get3A_1247 = vector.shape_cast %get3A_1246 : vector<1x16xf32> to vector<16xf32>
      %swap3A_1248 = arith.index_cast %scan3A_1218 : i32 to index
      %swap3A_1249 = arith.constant 48 : index
      %swap3A_1250 = tpu.vector_load %arg10[%swap3A_1248, %swap3A_1249] {strides = array<i32>} : memref<100x64xf32, #tpu.memory_space<vmem>>, vector<1x16xf32>,
      %swap3A_1251 = vector.shape_cast %swap3A_1250 : vector<1x16xf32> to vector<16xf32>
      %swap3A_1252 = vector.shape_cast %get3A_1247 : vector<16xf32> to vector<1x16xf32>
      tpu.vector_store %arg10[%swap3A_1248, %swap3A_1249], %swap3A_1252 {strides = array<i32>} : memref<100x64xf32, #tpu.memory_space<vmem>>, vector<1x16xf32>,
    }
    %scan3A_179 = arith.constant 100 : i32
    %dma_start3A_180 = arith.constant 7 : i32
    %dma_start3A_181 = arith.constant 0 : i32
    %dma_start3A_182 = tpu.memref_slice %arg6[%dma_start3A_180, %dma_start3A_181] : memref<32x100xi32, #tpu.memory_space<vmem>> -> memref<1x100xi32, #tpu.memory_space<vmem>>
    %dma_start3A_183 = tpu.memref_squeeze %dma_start3A_182 : memref<1x100xi32, #tpu.memory_space<vmem>> -> memref<100xi32, #tpu.memory_space<vmem>>
    %dma_start3A_184 = arith.constant 0 : i32
    %dma_start3A_185 = arith.constant 0 : i32
    %dma_start3A_186 = tpu.memref_slice %arg5[%dma_start3A_184, %dma_start3A_185] : memref<1000x128xf32, #tpu.memory_space<vmem_shared>> -> memref<1000x128xf32, #tpu.memory_space<vmem_shared>>
    tpu.enqueue_indirect_dma source(%dma_start3A_186 : memref<1000x128xf32, #tpu.memory_space<vmem_shared>>) target(%arg8 : memref<100x128xf32, #tpu.memory_space<vmem>>) offsets(%dma_start3A_183 : memref<100xi32, #tpu.memory_space<vmem>>) semaphore(%arg13 : memref<!tpu.dma_semaphore, #tpu.memory_space<semaphore_mem>>)
    %add3A_187 = arith.constant 4 : i32
    %add3A_188 = arith.addi %mul3A_4, %add3A_187 : i32
    %dma_start3A_189 = arith.constant 0 : i32
    %dma_start3A_190 = arith.constant 0 : i32
    %dma_start3A_191 = tpu.memref_slice %arg4[%add3A_188, %dma_start3A_189, %dma_start3A_190] : memref<1024x100x64xf32, #tpu.memory_space<hbm>> -> memref<1x100x64xf32, #tpu.memory_space<hbm>>
    %dma_start3A_192 = tpu.memref_squeeze %dma_start3A_191 : memref<1x100x64xf32, #tpu.memory_space<hbm>> -> memref<100x64xf32, #tpu.memory_space<hbm>>
    %dma_start3A_193 = arith.constant 0 : i32
    %dma_start3A_194 = arith.constant 0 : i32
    %dma_start3A_195 = tpu.memref_slice %arg4[%add3A_188, %dma_start3A_193, %dma_start3A_194] : memref<1024x100x64xf32, #tpu.memory_space<hbm>> -> memref<1x100x64xf32, #tpu.memory_space<hbm>>
    %dma_start3A_196 = tpu.memref_squeeze %dma_start3A_195 : memref<1x100x64xf32, #tpu.memory_space<hbm>> -> memref<100x64xf32, #tpu.memory_space<hbm>>
    tpu.enqueue_dma source(%arg10 : memref<100x64xf32, #tpu.memory_space<vmem>>) target(%dma_start3A_196 : memref<100x64xf32, #tpu.memory_space<hbm>>) target_semaphore(%arg15 : memref<!tpu.dma_semaphore, #tpu.memory_space<semaphore_mem>>)
    %dma_wait3A_197 = arith.constant 5 : i32
    %dma_wait3A_198 = arith.constant 0 : i32
    %dma_wait3A_199 = tpu.memref_slice %arg6[%dma_wait3A_197, %dma_wait3A_198] : memref<32x100xi32, #tpu.memory_space<vmem>> -> memref<1x100xi32, #tpu.memory_space<vmem>>
    %dma_wait3A_200 = tpu.memref_squeeze %dma_wait3A_199 : memref<1x100xi32, #tpu.memory_space<vmem>> -> memref<100xi32, #tpu.memory_space<vmem>>
    %dma_wait3A_201 = arith.constant 0 : i32
    %dma_wait3A_202 = arith.constant 0 : i32
    %dma_wait3A_203 = tpu.memref_slice %arg5[%dma_wait3A_201, %dma_wait3A_202] : memref<1000x128xf32, #tpu.memory_space<vmem_shared>> -> memref<1000x128xf32, #tpu.memory_space<vmem_shared>>
    tpu.wait_indirect_dma semaphore(%arg14 : memref<!tpu.dma_semaphore, #tpu.memory_space<semaphore_mem>>) src(%dma_wait3A_203 : memref<1000x128xf32, #tpu.memory_space<vmem_shared>>) dst(%arg9 : memref<100x128xf32, #tpu.memory_space<vmem>>)
    %dma_wait3A_204 = arith.constant 0 : i32
    %dma_wait3A_205 = arith.constant 0 : i32
    %dma_wait3A_206 = tpu.memref_slice %arg4[%add3A_150, %dma_wait3A_204, %dma_wait3A_205] : memref<1024x100x64xf32, #tpu.memory_space<hbm>> -> memref<1x100x64xf32, #tpu.memory_space<hbm>>
    %dma_wait3A_207 = tpu.memref_squeeze %dma_wait3A_206 : memref<1x100x64xf32, #tpu.memory_space<hbm>> -> memref<100x64xf32, #tpu.memory_space<hbm>>
    %dma_wait3A_208 = arith.constant 0 : i32
    %dma_wait3A_209 = arith.constant 0 : i32
    %dma_wait3A_210 = tpu.memref_slice %arg4[%add3A_150, %dma_wait3A_208, %dma_wait3A_209] : memref<1024x100x64xf32, #tpu.memory_space<hbm>> -> memref<1x100x64xf32, #tpu.memory_space<hbm>>
    %dma_wait3A_211 = tpu.memref_squeeze %dma_wait3A_210 : memref<1x100x64xf32, #tpu.memory_space<hbm>> -> memref<100x64xf32, #tpu.memory_space<hbm>>
    tpu.wait_dma2 semaphore(%arg16 : memref<!tpu.dma_semaphore, #tpu.memory_space<semaphore_mem>>) src(%arg11 : memref<100x64xf32, #tpu.memory_space<vmem>>) dst(%dma_wait3A_211 : memref<100x64xf32, #tpu.memory_space<hbm>>)
    %scan3A_212 = arith.constant 0 : i32
    %scan3A_213 = arith.constant 0 : i32
    %scan3A_214 = arith.constant 100 : i32
    %scan3A_215 = arith.addi %scan3A_213, %scan3A_214 : i32
    %scan3A_216 = arith.constant 1 : i32
    scf.for %scan3A_1218 = %scan3A_213 to %scan3A_215 step %scan3A_216  : i32 {
      %get3A = arith.index_cast %scan3A_1218 : i32 to index
      %get3A_1219 = arith.constant 0 : index
      %get3A_1220 = tpu.vector_load %arg9[%get3A, %get3A_1219] {strides = array<i32>} : memref<100x128xf32, #tpu.memory_space<vmem>>, vector<1x16xf32>,
      %get3A_1221 = vector.shape_cast %get3A_1220 : vector<1x16xf32> to vector<16xf32>
      %swap3A = arith.index_cast %scan3A_1218 : i32 to index
      %swap3A_1222 = arith.constant 0 : index
      %swap3A_1223 = tpu.vector_load %arg11[%swap3A, %swap3A_1222] {strides = array<i32>} : memref<100x64xf32, #tpu.memory_space<vmem>>, vector<1x16xf32>,
      %swap3A_1224 = vector.shape_cast %swap3A_1223 : vector<1x16xf32> to vector<16xf32>
      %swap3A_1225 = vector.shape_cast %get3A_1221 : vector<16xf32> to vector<1x16xf32>
      tpu.vector_store %arg11[%swap3A, %swap3A_1222], %swap3A_1225 {strides = array<i32>} : memref<100x64xf32, #tpu.memory_space<vmem>>, vector<1x16xf32>,
      %get3A_1226 = arith.index_cast %scan3A_1218 : i32 to index
      %get3A_1227 = arith.constant 16 : index
      %get3A_1228 = tpu.vector_load %arg9[%get3A_1226, %get3A_1227] {strides = array<i32>} : memref<100x128xf32, #tpu.memory_space<vmem>>, vector<1x16xf32>,
      %get3A_1229 = vector.shape_cast %get3A_1228 : vector<1x16xf32> to vector<16xf32>
      %swap3A_1230 = arith.index_cast %scan3A_1218 : i32 to index
      %swap3A_1231 = arith.constant 16 : index
      %swap3A_1232 = tpu.vector_load %arg11[%swap3A_1230, %swap3A_1231] {strides = array<i32>} : memref<100x64xf32, #tpu.memory_space<vmem>>, vector<1x16xf32>,
      %swap3A_1233 = vector.shape_cast %swap3A_1232 : vector<1x16xf32> to vector<16xf32>
      %swap3A_1234 = vector.shape_cast %get3A_1229 : vector<16xf32> to vector<1x16xf32>
      tpu.vector_store %arg11[%swap3A_1230, %swap3A_1231], %swap3A_1234 {strides = array<i32>} : memref<100x64xf32, #tpu.memory_space<vmem>>, vector<1x16xf32>,
      %get3A_1235 = arith.index_cast %scan3A_1218 : i32 to index
      %get3A_1236 = arith.constant 32 : index
      %get3A_1237 = tpu.vector_load %arg9[%get3A_1235, %get3A_1236] {strides = array<i32>} : memref<100x128xf32, #tpu.memory_space<vmem>>, vector<1x16xf32>,
      %get3A_1238 = vector.shape_cast %get3A_1237 : vector<1x16xf32> to vector<16xf32>
      %swap3A_1239 = arith.index_cast %scan3A_1218 : i32 to index
      %swap3A_1240 = arith.constant 32 : index
      %swap3A_1241 = tpu.vector_load %arg11[%swap3A_1239, %swap3A_1240] {strides = array<i32>} : memref<100x64xf32, #tpu.memory_space<vmem>>, vector<1x16xf32>,
      %swap3A_1242 = vector.shape_cast %swap3A_1241 : vector<1x16xf32> to vector<16xf32>
      %swap3A_1243 = vector.shape_cast %get3A_1238 : vector<16xf32> to vector<1x16xf32>
      tpu.vector_store %arg11[%swap3A_1239, %swap3A_1240], %swap3A_1243 {strides = array<i32>} : memref<100x64xf32, #tpu.memory_space<vmem>>, vector<1x16xf32>,
      %get3A_1244 = arith.index_cast %scan3A_1218 : i32 to index
      %get3A_1245 = arith.constant 48 : index
      %get3A_1246 = tpu.vector_load %arg9[%get3A_1244, %get3A_1245] {strides = array<i32>} : memref<100x128xf32, #tpu.memory_space<vmem>>, vector<1x16xf32>,
      %get3A_1247 = vector.shape_cast %get3A_1246 : vector<1x16xf32> to vector<16xf32>
      %swap3A_1248 = arith.index_cast %scan3A_1218 : i32 to index
      %swap3A_1249 = arith.constant 48 : index
      %swap3A_1250 = tpu.vector_load %arg11[%swap3A_1248, %swap3A_1249] {strides = array<i32>} : memref<100x64xf32, #tpu.memory_space<vmem>>, vector<1x16xf32>,
      %swap3A_1251 = vector.shape_cast %swap3A_1250 : vector<1x16xf32> to vector<16xf32>
      %swap3A_1252 = vector.shape_cast %get3A_1247 : vector<16xf32> to vector<1x16xf32>
      tpu.vector_store %arg11[%swap3A_1248, %swap3A_1249], %swap3A_1252 {strides = array<i32>} : memref<100x64xf32, #tpu.memory_space<vmem>>, vector<1x16xf32>,
    }
    %scan3A_217 = arith.constant 100 : i32
    %dma_start3A_218 = arith.constant 8 : i32
    %dma_start3A_219 = arith.constant 0 : i32
    %dma_start3A_220 = tpu.memref_slice %arg6[%dma_start3A_218, %dma_start3A_219] : memref<32x100xi32, #tpu.memory_space<vmem>> -> memref<1x100xi32, #tpu.memory_space<vmem>>
    %dma_start3A_221 = tpu.memref_squeeze %dma_start3A_220 : memref<1x100xi32, #tpu.memory_space<vmem>> -> memref<100xi32, #tpu.memory_space<vmem>>
    %dma_start3A_222 = arith.constant 0 : i32
    %dma_start3A_223 = arith.constant 0 : i32
    %dma_start3A_224 = tpu.memref_slice %arg5[%dma_start3A_222, %dma_start3A_223] : memref<1000x128xf32, #tpu.memory_space<vmem_shared>> -> memref<1000x128xf32, #tpu.memory_space<vmem_shared>>
    tpu.enqueue_indirect_dma source(%dma_start3A_224 : memref<1000x128xf32, #tpu.memory_space<vmem_shared>>) target(%arg9 : memref<100x128xf32, #tpu.memory_space<vmem>>) offsets(%dma_start3A_221 : memref<100xi32, #tpu.memory_space<vmem>>) semaphore(%arg14 : memref<!tpu.dma_semaphore, #tpu.memory_space<semaphore_mem>>)
    %add3A_225 = arith.constant 5 : i32
    %add3A_226 = arith.addi %mul3A_4, %add3A_225 : i32
    %dma_start3A_227 = arith.constant 0 : i32
    %dma_start3A_228 = arith.constant 0 : i32
    %dma_start3A_229 = tpu.memref_slice %arg4[%add3A_226, %dma_start3A_227, %dma_start3A_228] : memref<1024x100x64xf32, #tpu.memory_space<hbm>> -> memref<1x100x64xf32, #tpu.memory_space<hbm>>
    %dma_start3A_230 = tpu.memref_squeeze %dma_start3A_229 : memref<1x100x64xf32, #tpu.memory_space<hbm>> -> memref<100x64xf32, #tpu.memory_space<hbm>>
    %dma_start3A_231 = arith.constant 0 : i32
    %dma_start3A_232 = arith.constant 0 : i32
    %dma_start3A_233 = tpu.memref_slice %arg4[%add3A_226, %dma_start3A_231, %dma_start3A_232] : memref<1024x100x64xf32, #tpu.memory_space<hbm>> -> memref<1x100x64xf32, #tpu.memory_space<hbm>>
    %dma_start3A_234 = tpu.memref_squeeze %dma_start3A_233 : memref<1x100x64xf32, #tpu.memory_space<hbm>> -> memref<100x64xf32, #tpu.memory_space<hbm>>
    tpu.enqueue_dma source(%arg11 : memref<100x64xf32, #tpu.memory_space<vmem>>) target(%dma_start3A_234 : memref<100x64xf32, #tpu.memory_space<hbm>>) target_semaphore(%arg16 : memref<!tpu.dma_semaphore, #tpu.memory_space<semaphore_mem>>)
    %dma_wait3A_235 = arith.constant 6 : i32
    %dma_wait3A_236 = arith.constant 0 : i32
    %dma_wait3A_237 = tpu.memref_slice %arg6[%dma_wait3A_235, %dma_wait3A_236] : memref<32x100xi32, #tpu.memory_space<vmem>> -> memref<1x100xi32, #tpu.memory_space<vmem>>
    %dma_wait3A_238 = tpu.memref_squeeze %dma_wait3A_237 : memref<1x100xi32, #tpu.memory_space<vmem>> -> memref<100xi32, #tpu.memory_space<vmem>>
    %dma_wait3A_239 = arith.constant 0 : i32
    %dma_wait3A_240 = arith.constant 0 : i32
    %dma_wait3A_241 = tpu.memref_slice %arg5[%dma_wait3A_239, %dma_wait3A_240] : memref<1000x128xf32, #tpu.memory_space<vmem_shared>> -> memref<1000x128xf32, #tpu.memory_space<vmem_shared>>
    tpu.wait_indirect_dma semaphore(%arg12 : memref<!tpu.dma_semaphore, #tpu.memory_space<semaphore_mem>>) src(%dma_wait3A_241 : memref<1000x128xf32, #tpu.memory_space<vmem_shared>>) dst(%arg7 : memref<100x128xf32, #tpu.memory_space<vmem>>)
    %dma_wait3A_242 = arith.constant 0 : i32
    %dma_wait3A_243 = arith.constant 0 : i32
    %dma_wait3A_244 = tpu.memref_slice %arg4[%add3A_188, %dma_wait3A_242, %dma_wait3A_243] : memref<1024x100x64xf32, #tpu.memory_space<hbm>> -> memref<1x100x64xf32, #tpu.memory_space<hbm>>
    %dma_wait3A_245 = tpu.memref_squeeze %dma_wait3A_244 : memref<1x100x64xf32, #tpu.memory_space<hbm>> -> memref<100x64xf32, #tpu.memory_space<hbm>>
    %dma_wait3A_246 = arith.constant 0 : i32
    %dma_wait3A_247 = arith.constant 0 : i32
    %dma_wait3A_248 = tpu.memref_slice %arg4[%add3A_188, %dma_wait3A_246, %dma_wait3A_247] : memref<1024x100x64xf32, #tpu.memory_space<hbm>> -> memref<1x100x64xf32, #tpu.memory_space<hbm>>
    %dma_wait3A_249 = tpu.memref_squeeze %dma_wait3A_248 : memref<1x100x64xf32, #tpu.memory_space<hbm>> -> memref<100x64xf32, #tpu.memory_space<hbm>>
    tpu.wait_dma2 semaphore(%arg15 : memref<!tpu.dma_semaphore, #tpu.memory_space<semaphore_mem>>) src(%arg10 : memref<100x64xf32, #tpu.memory_space<vmem>>) dst(%dma_wait3A_249 : memref<100x64xf32, #tpu.memory_space<hbm>>)
    %scan3A_250 = arith.constant 0 : i32
    %scan3A_251 = arith.constant 0 : i32
    %scan3A_252 = arith.constant 100 : i32
    %scan3A_253 = arith.addi %scan3A_251, %scan3A_252 : i32
    %scan3A_254 = arith.constant 1 : i32
    scf.for %scan3A_1218 = %scan3A_251 to %scan3A_253 step %scan3A_254  : i32 {
      %get3A = arith.index_cast %scan3A_1218 : i32 to index
      %get3A_1219 = arith.constant 0 : index
      %get3A_1220 = tpu.vector_load %arg7[%get3A, %get3A_1219] {strides = array<i32>} : memref<100x128xf32, #tpu.memory_space<vmem>>, vector<1x16xf32>,
      %get3A_1221 = vector.shape_cast %get3A_1220 : vector<1x16xf32> to vector<16xf32>
      %swap3A = arith.index_cast %scan3A_1218 : i32 to index
      %swap3A_1222 = arith.constant 0 : index
      %swap3A_1223 = tpu.vector_load %arg10[%swap3A, %swap3A_1222] {strides = array<i32>} : memref<100x64xf32, #tpu.memory_space<vmem>>, vector<1x16xf32>,
      %swap3A_1224 = vector.shape_cast %swap3A_1223 : vector<1x16xf32> to vector<16xf32>
      %swap3A_1225 = vector.shape_cast %get3A_1221 : vector<16xf32> to vector<1x16xf32>
      tpu.vector_store %arg10[%swap3A, %swap3A_1222], %swap3A_1225 {strides = array<i32>} : memref<100x64xf32, #tpu.memory_space<vmem>>, vector<1x16xf32>,
      %get3A_1226 = arith.index_cast %scan3A_1218 : i32 to index
      %get3A_1227 = arith.constant 16 : index
      %get3A_1228 = tpu.vector_load %arg7[%get3A_1226, %get3A_1227] {strides = array<i32>} : memref<100x128xf32, #tpu.memory_space<vmem>>, vector<1x16xf32>,
      %get3A_1229 = vector.shape_cast %get3A_1228 : vector<1x16xf32> to vector<16xf32>
      %swap3A_1230 = arith.index_cast %scan3A_1218 : i32 to index
      %swap3A_1231 = arith.constant 16 : index
      %swap3A_1232 = tpu.vector_load %arg10[%swap3A_1230, %swap3A_1231] {strides = array<i32>} : memref<100x64xf32, #tpu.memory_space<vmem>>, vector<1x16xf32>,
      %swap3A_1233 = vector.shape_cast %swap3A_1232 : vector<1x16xf32> to vector<16xf32>
      %swap3A_1234 = vector.shape_cast %get3A_1229 : vector<16xf32> to vector<1x16xf32>
      tpu.vector_store %arg10[%swap3A_1230, %swap3A_1231], %swap3A_1234 {strides = array<i32>} : memref<100x64xf32, #tpu.memory_space<vmem>>, vector<1x16xf32>,
      %get3A_1235 = arith.index_cast %scan3A_1218 : i32 to index
      %get3A_1236 = arith.constant 32 : index
      %get3A_1237 = tpu.vector_load %arg7[%get3A_1235, %get3A_1236] {strides = array<i32>} : memref<100x128xf32, #tpu.memory_space<vmem>>, vector<1x16xf32>,
      %get3A_1238 = vector.shape_cast %get3A_1237 : vector<1x16xf32> to vector<16xf32>
      %swap3A_1239 = arith.index_cast %scan3A_1218 : i32 to index
      %swap3A_1240 = arith.constant 32 : index
      %swap3A_1241 = tpu.vector_load %arg10[%swap3A_1239, %swap3A_1240] {strides = array<i32>} : memref<100x64xf32, #tpu.memory_space<vmem>>, vector<1x16xf32>,
      %swap3A_1242 = vector.shape_cast %swap3A_1241 : vector<1x16xf32> to vector<16xf32>
      %swap3A_1243 = vector.shape_cast %get3A_1238 : vector<16xf32> to vector<1x16xf32>
      tpu.vector_store %arg10[%swap3A_1239, %swap3A_1240], %swap3A_1243 {strides = array<i32>} : memref<100x64xf32, #tpu.memory_space<vmem>>, vector<1x16xf32>,
      %get3A_1244 = arith.index_cast %scan3A_1218 : i32 to index
      %get3A_1245 = arith.constant 48 : index
      %get3A_1246 = tpu.vector_load %arg7[%get3A_1244, %get3A_1245] {strides = array<i32>} : memref<100x128xf32, #tpu.memory_space<vmem>>, vector<1x16xf32>,
      %get3A_1247 = vector.shape_cast %get3A_1246 : vector<1x16xf32> to vector<16xf32>
      %swap3A_1248 = arith.index_cast %scan3A_1218 : i32 to index
      %swap3A_1249 = arith.constant 48 : index
      %swap3A_1250 = tpu.vector_load %arg10[%swap3A_1248, %swap3A_1249] {strides = array<i32>} : memref<100x64xf32, #tpu.memory_space<vmem>>, vector<1x16xf32>,
      %swap3A_1251 = vector.shape_cast %swap3A_1250 : vector<1x16xf32> to vector<16xf32>
      %swap3A_1252 = vector.shape_cast %get3A_1247 : vector<16xf32> to vector<1x16xf32>
      tpu.vector_store %arg10[%swap3A_1248, %swap3A_1249], %swap3A_1252 {strides = array<i32>} : memref<100x64xf32, #tpu.memory_space<vmem>>, vector<1x16xf32>,
    }
    %scan3A_255 = arith.constant 100 : i32
    %dma_start3A_256 = arith.constant 9 : i32
    %dma_start3A_257 = arith.constant 0 : i32
    %dma_start3A_258 = tpu.memref_slice %arg6[%dma_start3A_256, %dma_start3A_257] : memref<32x100xi32, #tpu.memory_space<vmem>> -> memref<1x100xi32, #tpu.memory_space<vmem>>
    %dma_start3A_259 = tpu.memref_squeeze %dma_start3A_258 : memref<1x100xi32, #tpu.memory_space<vmem>> -> memref<100xi32, #tpu.memory_space<vmem>>
    %dma_start3A_260 = arith.constant 0 : i32
    %dma_start3A_261 = arith.constant 0 : i32
    %dma_start3A_262 = tpu.memref_slice %arg5[%dma_start3A_260, %dma_start3A_261] : memref<1000x128xf32, #tpu.memory_space<vmem_shared>> -> memref<1000x128xf32, #tpu.memory_space<vmem_shared>>
    tpu.enqueue_indirect_dma source(%dma_start3A_262 : memref<1000x128xf32, #tpu.memory_space<vmem_shared>>) target(%arg7 : memref<100x128xf32, #tpu.memory_space<vmem>>) offsets(%dma_start3A_259 : memref<100xi32, #tpu.memory_space<vmem>>) semaphore(%arg12 : memref<!tpu.dma_semaphore, #tpu.memory_space<semaphore_mem>>)
    %add3A_263 = arith.constant 6 : i32
    %add3A_264 = arith.addi %mul3A_4, %add3A_263 : i32
    %dma_start3A_265 = arith.constant 0 : i32
    %dma_start3A_266 = arith.constant 0 : i32
    %dma_start3A_267 = tpu.memref_slice %arg4[%add3A_264, %dma_start3A_265, %dma_start3A_266] : memref<1024x100x64xf32, #tpu.memory_space<hbm>> -> memref<1x100x64xf32, #tpu.memory_space<hbm>>
    %dma_start3A_268 = tpu.memref_squeeze %dma_start3A_267 : memref<1x100x64xf32, #tpu.memory_space<hbm>> -> memref<100x64xf32, #tpu.memory_space<hbm>>
    %dma_start3A_269 = arith.constant 0 : i32
    %dma_start3A_270 = arith.constant 0 : i32
    %dma_start3A_271 = tpu.memref_slice %arg4[%add3A_264, %dma_start3A_269, %dma_start3A_270] : memref<1024x100x64xf32, #tpu.memory_space<hbm>> -> memref<1x100x64xf32, #tpu.memory_space<hbm>>
    %dma_start3A_272 = tpu.memref_squeeze %dma_start3A_271 : memref<1x100x64xf32, #tpu.memory_space<hbm>> -> memref<100x64xf32, #tpu.memory_space<hbm>>
    tpu.enqueue_dma source(%arg10 : memref<100x64xf32, #tpu.memory_space<vmem>>) target(%dma_start3A_272 : memref<100x64xf32, #tpu.memory_space<hbm>>) target_semaphore(%arg15 : memref<!tpu.dma_semaphore, #tpu.memory_space<semaphore_mem>>)
    %dma_wait3A_273 = arith.constant 7 : i32
    %dma_wait3A_274 = arith.constant 0 : i32
    %dma_wait3A_275 = tpu.memref_slice %arg6[%dma_wait3A_273, %dma_wait3A_274] : memref<32x100xi32, #tpu.memory_space<vmem>> -> memref<1x100xi32, #tpu.memory_space<vmem>>
    %dma_wait3A_276 = tpu.memref_squeeze %dma_wait3A_275 : memref<1x100xi32, #tpu.memory_space<vmem>> -> memref<100xi32, #tpu.memory_space<vmem>>
    %dma_wait3A_277 = arith.constant 0 : i32
    %dma_wait3A_278 = arith.constant 0 : i32
    %dma_wait3A_279 = tpu.memref_slice %arg5[%dma_wait3A_277, %dma_wait3A_278] : memref<1000x128xf32, #tpu.memory_space<vmem_shared>> -> memref<1000x128xf32, #tpu.memory_space<vmem_shared>>
    tpu.wait_indirect_dma semaphore(%arg13 : memref<!tpu.dma_semaphore, #tpu.memory_space<semaphore_mem>>) src(%dma_wait3A_279 : memref<1000x128xf32, #tpu.memory_space<vmem_shared>>) dst(%arg8 : memref<100x128xf32, #tpu.memory_space<vmem>>)
    %dma_wait3A_280 = arith.constant 0 : i32
    %dma_wait3A_281 = arith.constant 0 : i32
    %dma_wait3A_282 = tpu.memref_slice %arg4[%add3A_226, %dma_wait3A_280, %dma_wait3A_281] : memref<1024x100x64xf32, #tpu.memory_space<hbm>> -> memref<1x100x64xf32, #tpu.memory_space<hbm>>
    %dma_wait3A_283 = tpu.memref_squeeze %dma_wait3A_282 : memref<1x100x64xf32, #tpu.memory_space<hbm>> -> memref<100x64xf32, #tpu.memory_space<hbm>>
    %dma_wait3A_284 = arith.constant 0 : i32
    %dma_wait3A_285 = arith.constant 0 : i32
    %dma_wait3A_286 = tpu.memref_slice %arg4[%add3A_226, %dma_wait3A_284, %dma_wait3A_285] : memref<1024x100x64xf32, #tpu.memory_space<hbm>> -> memref<1x100x64xf32, #tpu.memory_space<hbm>>
    %dma_wait3A_287 = tpu.memref_squeeze %dma_wait3A_286 : memref<1x100x64xf32, #tpu.memory_space<hbm>> -> memref<100x64xf32, #tpu.memory_space<hbm>>
    tpu.wait_dma2 semaphore(%arg16 : memref<!tpu.dma_semaphore, #tpu.memory_space<semaphore_mem>>) src(%arg11 : memref<100x64xf32, #tpu.memory_space<vmem>>) dst(%dma_wait3A_287 : memref<100x64xf32, #tpu.memory_space<hbm>>)
    %scan3A_288 = arith.constant 0 : i32
    %scan3A_289 = arith.constant 0 : i32
    %scan3A_290 = arith.constant 100 : i32
    %scan3A_291 = arith.addi %scan3A_289, %scan3A_290 : i32
    %scan3A_292 = arith.constant 1 : i32
    scf.for %scan3A_1218 = %scan3A_289 to %scan3A_291 step %scan3A_292  : i32 {
      %get3A = arith.index_cast %scan3A_1218 : i32 to index
      %get3A_1219 = arith.constant 0 : index
      %get3A_1220 = tpu.vector_load %arg8[%get3A, %get3A_1219] {strides = array<i32>} : memref<100x128xf32, #tpu.memory_space<vmem>>, vector<1x16xf32>,
      %get3A_1221 = vector.shape_cast %get3A_1220 : vector<1x16xf32> to vector<16xf32>
      %swap3A = arith.index_cast %scan3A_1218 : i32 to index
      %swap3A_1222 = arith.constant 0 : index
      %swap3A_1223 = tpu.vector_load %arg11[%swap3A, %swap3A_1222] {strides = array<i32>} : memref<100x64xf32, #tpu.memory_space<vmem>>, vector<1x16xf32>,
      %swap3A_1224 = vector.shape_cast %swap3A_1223 : vector<1x16xf32> to vector<16xf32>
      %swap3A_1225 = vector.shape_cast %get3A_1221 : vector<16xf32> to vector<1x16xf32>
      tpu.vector_store %arg11[%swap3A, %swap3A_1222], %swap3A_1225 {strides = array<i32>} : memref<100x64xf32, #tpu.memory_space<vmem>>, vector<1x16xf32>,
      %get3A_1226 = arith.index_cast %scan3A_1218 : i32 to index
      %get3A_1227 = arith.constant 16 : index
      %get3A_1228 = tpu.vector_load %arg8[%get3A_1226, %get3A_1227] {strides = array<i32>} : memref<100x128xf32, #tpu.memory_space<vmem>>, vector<1x16xf32>,
      %get3A_1229 = vector.shape_cast %get3A_1228 : vector<1x16xf32> to vector<16xf32>
      %swap3A_1230 = arith.index_cast %scan3A_1218 : i32 to index
      %swap3A_1231 = arith.constant 16 : index
      %swap3A_1232 = tpu.vector_load %arg11[%swap3A_1230, %swap3A_1231] {strides = array<i32>} : memref<100x64xf32, #tpu.memory_space<vmem>>, vector<1x16xf32>,
      %swap3A_1233 = vector.shape_cast %swap3A_1232 : vector<1x16xf32> to vector<16xf32>
      %swap3A_1234 = vector.shape_cast %get3A_1229 : vector<16xf32> to vector<1x16xf32>
      tpu.vector_store %arg11[%swap3A_1230, %swap3A_1231], %swap3A_1234 {strides = array<i32>} : memref<100x64xf32, #tpu.memory_space<vmem>>, vector<1x16xf32>,
      %get3A_1235 = arith.index_cast %scan3A_1218 : i32 to index
      %get3A_1236 = arith.constant 32 : index
      %get3A_1237 = tpu.vector_load %arg8[%get3A_1235, %get3A_1236] {strides = array<i32>} : memref<100x128xf32, #tpu.memory_space<vmem>>, vector<1x16xf32>,
      %get3A_1238 = vector.shape_cast %get3A_1237 : vector<1x16xf32> to vector<16xf32>
      %swap3A_1239 = arith.index_cast %scan3A_1218 : i32 to index
      %swap3A_1240 = arith.constant 32 : index
      %swap3A_1241 = tpu.vector_load %arg11[%swap3A_1239, %swap3A_1240] {strides = array<i32>} : memref<100x64xf32, #tpu.memory_space<vmem>>, vector<1x16xf32>,
      %swap3A_1242 = vector.shape_cast %swap3A_1241 : vector<1x16xf32> to vector<16xf32>
      %swap3A_1243 = vector.shape_cast %get3A_1238 : vector<16xf32> to vector<1x16xf32>
      tpu.vector_store %arg11[%swap3A_1239, %swap3A_1240], %swap3A_1243 {strides = array<i32>} : memref<100x64xf32, #tpu.memory_space<vmem>>, vector<1x16xf32>,
      %get3A_1244 = arith.index_cast %scan3A_1218 : i32 to index
      %get3A_1245 = arith.constant 48 : index
      %get3A_1246 = tpu.vector_load %arg8[%get3A_1244, %get3A_1245] {strides = array<i32>} : memref<100x128xf32, #tpu.memory_space<vmem>>, vector<1x16xf32>,
      %get3A_1247 = vector.shape_cast %get3A_1246 : vector<1x16xf32> to vector<16xf32>
      %swap3A_1248 = arith.index_cast %scan3A_1218 : i32 to index
      %swap3A_1249 = arith.constant 48 : index
      %swap3A_1250 = tpu.vector_load %arg11[%swap3A_1248, %swap3A_1249] {strides = array<i32>} : memref<100x64xf32, #tpu.memory_space<vmem>>, vector<1x16xf32>,
      %swap3A_1251 = vector.shape_cast %swap3A_1250 : vector<1x16xf32> to vector<16xf32>
      %swap3A_1252 = vector.shape_cast %get3A_1247 : vector<16xf32> to vector<1x16xf32>
      tpu.vector_store %arg11[%swap3A_1248, %swap3A_1249], %swap3A_1252 {strides = array<i32>} : memref<100x64xf32, #tpu.memory_space<vmem>>, vector<1x16xf32>,
    }
    %scan3A_293 = arith.constant 100 : i32
    %dma_start3A_294 = arith.constant 10 : i32
    %dma_start3A_295 = arith.constant 0 : i32
    %dma_start3A_296 = tpu.memref_slice %arg6[%dma_start3A_294, %dma_start3A_295] : memref<32x100xi32, #tpu.memory_space<vmem>> -> memref<1x100xi32, #tpu.memory_space<vmem>>
    %dma_start3A_297 = tpu.memref_squeeze %dma_start3A_296 : memref<1x100xi32, #tpu.memory_space<vmem>> -> memref<100xi32, #tpu.memory_space<vmem>>
    %dma_start3A_298 = arith.constant 0 : i32
    %dma_start3A_299 = arith.constant 0 : i32
    %dma_start3A_300 = tpu.memref_slice %arg5[%dma_start3A_298, %dma_start3A_299] : memref<1000x128xf32, #tpu.memory_space<vmem_shared>> -> memref<1000x128xf32, #tpu.memory_space<vmem_shared>>
    tpu.enqueue_indirect_dma source(%dma_start3A_300 : memref<1000x128xf32, #tpu.memory_space<vmem_shared>>) target(%arg8 : memref<100x128xf32, #tpu.memory_space<vmem>>) offsets(%dma_start3A_297 : memref<100xi32, #tpu.memory_space<vmem>>) semaphore(%arg13 : memref<!tpu.dma_semaphore, #tpu.memory_space<semaphore_mem>>)
    %add3A_301 = arith.constant 7 : i32
    %add3A_302 = arith.addi %mul3A_4, %add3A_301 : i32
    %dma_start3A_303 = arith.constant 0 : i32
    %dma_start3A_304 = arith.constant 0 : i32
    %dma_start3A_305 = tpu.memref_slice %arg4[%add3A_302, %dma_start3A_303, %dma_start3A_304] : memref<1024x100x64xf32, #tpu.memory_space<hbm>> -> memref<1x100x64xf32, #tpu.memory_space<hbm>>
    %dma_start3A_306 = tpu.memref_squeeze %dma_start3A_305 : memref<1x100x64xf32, #tpu.memory_space<hbm>> -> memref<100x64xf32, #tpu.memory_space<hbm>>
    %dma_start3A_307 = arith.constant 0 : i32
    %dma_start3A_308 = arith.constant 0 : i32
    %dma_start3A_309 = tpu.memref_slice %arg4[%add3A_302, %dma_start3A_307, %dma_start3A_308] : memref<1024x100x64xf32, #tpu.memory_space<hbm>> -> memref<1x100x64xf32, #tpu.memory_space<hbm>>
    %dma_start3A_310 = tpu.memref_squeeze %dma_start3A_309 : memref<1x100x64xf32, #tpu.memory_space<hbm>> -> memref<100x64xf32, #tpu.memory_space<hbm>>
    tpu.enqueue_dma source(%arg11 : memref<100x64xf32, #tpu.memory_space<vmem>>) target(%dma_start3A_310 : memref<100x64xf32, #tpu.memory_space<hbm>>) target_semaphore(%arg16 : memref<!tpu.dma_semaphore, #tpu.memory_space<semaphore_mem>>)
    %dma_wait3A_311 = arith.constant 8 : i32
    %dma_wait3A_312 = arith.constant 0 : i32
    %dma_wait3A_313 = tpu.memref_slice %arg6[%dma_wait3A_311, %dma_wait3A_312] : memref<32x100xi32, #tpu.memory_space<vmem>> -> memref<1x100xi32, #tpu.memory_space<vmem>>
    %dma_wait3A_314 = tpu.memref_squeeze %dma_wait3A_313 : memref<1x100xi32, #tpu.memory_space<vmem>> -> memref<100xi32, #tpu.memory_space<vmem>>
    %dma_wait3A_315 = arith.constant 0 : i32
    %dma_wait3A_316 = arith.constant 0 : i32
    %dma_wait3A_317 = tpu.memref_slice %arg5[%dma_wait3A_315, %dma_wait3A_316] : memref<1000x128xf32, #tpu.memory_space<vmem_shared>> -> memref<1000x128xf32, #tpu.memory_space<vmem_shared>>
    tpu.wait_indirect_dma semaphore(%arg14 : memref<!tpu.dma_semaphore, #tpu.memory_space<semaphore_mem>>) src(%dma_wait3A_317 : memref<1000x128xf32, #tpu.memory_space<vmem_shared>>) dst(%arg9 : memref<100x128xf32, #tpu.memory_space<vmem>>)
    %dma_wait3A_318 = arith.constant 0 : i32
    %dma_wait3A_319 = arith.constant 0 : i32
    %dma_wait3A_320 = tpu.memref_slice %arg4[%add3A_264, %dma_wait3A_318, %dma_wait3A_319] : memref<1024x100x64xf32, #tpu.memory_space<hbm>> -> memref<1x100x64xf32, #tpu.memory_space<hbm>>
    %dma_wait3A_321 = tpu.memref_squeeze %dma_wait3A_320 : memref<1x100x64xf32, #tpu.memory_space<hbm>> -> memref<100x64xf32, #tpu.memory_space<hbm>>
    %dma_wait3A_322 = arith.constant 0 : i32
    %dma_wait3A_323 = arith.constant 0 : i32
    %dma_wait3A_324 = tpu.memref_slice %arg4[%add3A_264, %dma_wait3A_322, %dma_wait3A_323] : memref<1024x100x64xf32, #tpu.memory_space<hbm>> -> memref<1x100x64xf32, #tpu.memory_space<hbm>>
    %dma_wait3A_325 = tpu.memref_squeeze %dma_wait3A_324 : memref<1x100x64xf32, #tpu.memory_space<hbm>> -> memref<100x64xf32, #tpu.memory_space<hbm>>
    tpu.wait_dma2 semaphore(%arg15 : memref<!tpu.dma_semaphore, #tpu.memory_space<semaphore_mem>>) src(%arg10 : memref<100x64xf32, #tpu.memory_space<vmem>>) dst(%dma_wait3A_325 : memref<100x64xf32, #tpu.memory_space<hbm>>)
    %scan3A_326 = arith.constant 0 : i32
    %scan3A_327 = arith.constant 0 : i32
    %scan3A_328 = arith.constant 100 : i32
    %scan3A_329 = arith.addi %scan3A_327, %scan3A_328 : i32
    %scan3A_330 = arith.constant 1 : i32
    scf.for %scan3A_1218 = %scan3A_327 to %scan3A_329 step %scan3A_330  : i32 {
      %get3A = arith.index_cast %scan3A_1218 : i32 to index
      %get3A_1219 = arith.constant 0 : index
      %get3A_1220 = tpu.vector_load %arg9[%get3A, %get3A_1219] {strides = array<i32>} : memref<100x128xf32, #tpu.memory_space<vmem>>, vector<1x16xf32>,
      %get3A_1221 = vector.shape_cast %get3A_1220 : vector<1x16xf32> to vector<16xf32>
      %swap3A = arith.index_cast %scan3A_1218 : i32 to index
      %swap3A_1222 = arith.constant 0 : index
      %swap3A_1223 = tpu.vector_load %arg10[%swap3A, %swap3A_1222] {strides = array<i32>} : memref<100x64xf32, #tpu.memory_space<vmem>>, vector<1x16xf32>,
      %swap3A_1224 = vector.shape_cast %swap3A_1223 : vector<1x16xf32> to vector<16xf32>
      %swap3A_1225 = vector.shape_cast %get3A_1221 : vector<16xf32> to vector<1x16xf32>
      tpu.vector_store %arg10[%swap3A, %swap3A_1222], %swap3A_1225 {strides = array<i32>} : memref<100x64xf32, #tpu.memory_space<vmem>>, vector<1x16xf32>,
      %get3A_1226 = arith.index_cast %scan3A_1218 : i32 to index
      %get3A_1227 = arith.constant 16 : index
      %get3A_1228 = tpu.vector_load %arg9[%get3A_1226, %get3A_1227] {strides = array<i32>} : memref<100x128xf32, #tpu.memory_space<vmem>>, vector<1x16xf32>,
      %get3A_1229 = vector.shape_cast %get3A_1228 : vector<1x16xf32> to vector<16xf32>
      %swap3A_1230 = arith.index_cast %scan3A_1218 : i32 to index
      %swap3A_1231 = arith.constant 16 : index
      %swap3A_1232 = tpu.vector_load %arg10[%swap3A_1230, %swap3A_1231] {strides = array<i32>} : memref<100x64xf32, #tpu.memory_space<vmem>>, vector<1x16xf32>,
      %swap3A_1233 = vector.shape_cast %swap3A_1232 : vector<1x16xf32> to vector<16xf32>
      %swap3A_1234 = vector.shape_cast %get3A_1229 : vector<16xf32> to vector<1x16xf32>
      tpu.vector_store %arg10[%swap3A_1230, %swap3A_1231], %swap3A_1234 {strides = array<i32>} : memref<100x64xf32, #tpu.memory_space<vmem>>, vector<1x16xf32>,
      %get3A_1235 = arith.index_cast %scan3A_1218 : i32 to index
      %get3A_1236 = arith.constant 32 : index
      %get3A_1237 = tpu.vector_load %arg9[%get3A_1235, %get3A_1236] {strides = array<i32>} : memref<100x128xf32, #tpu.memory_space<vmem>>, vector<1x16xf32>,
      %get3A_1238 = vector.shape_cast %get3A_1237 : vector<1x16xf32> to vector<16xf32>
      %swap3A_1239 = arith.index_cast %scan3A_1218 : i32 to index
      %swap3A_1240 = arith.constant 32 : index
      %swap3A_1241 = tpu.vector_load %arg10[%swap3A_1239, %swap3A_1240] {strides = array<i32>} : memref<100x64xf32, #tpu.memory_space<vmem>>, vector<1x16xf32>,
      %swap3A_1242 = vector.shape_cast %swap3A_1241 : vector<1x16xf32> to vector<16xf32>
      %swap3A_1243 = vector.shape_cast %get3A_1238 : vector<16xf32> to vector<1x16xf32>
      tpu.vector_store %arg10[%swap3A_1239, %swap3A_1240], %swap3A_1243 {strides = array<i32>} : memref<100x64xf32, #tpu.memory_space<vmem>>, vector<1x16xf32>,
      %get3A_1244 = arith.index_cast %scan3A_1218 : i32 to index
      %get3A_1245 = arith.constant 48 : index
      %get3A_1246 = tpu.vector_load %arg9[%get3A_1244, %get3A_1245] {strides = array<i32>} : memref<100x128xf32, #tpu.memory_space<vmem>>, vector<1x16xf32>,
      %get3A_1247 = vector.shape_cast %get3A_1246 : vector<1x16xf32> to vector<16xf32>
      %swap3A_1248 = arith.index_cast %scan3A_1218 : i32 to index
      %swap3A_1249 = arith.constant 48 : index
      %swap3A_1250 = tpu.vector_load %arg10[%swap3A_1248, %swap3A_1249] {strides = array<i32>} : memref<100x64xf32, #tpu.memory_space<vmem>>, vector<1x16xf32>,
      %swap3A_1251 = vector.shape_cast %swap3A_1250 : vector<1x16xf32> to vector<16xf32>
      %swap3A_1252 = vector.shape_cast %get3A_1247 : vector<16xf32> to vector<1x16xf32>
      tpu.vector_store %arg10[%swap3A_1248, %swap3A_1249], %swap3A_1252 {strides = array<i32>} : memref<100x64xf32, #tpu.memory_space<vmem>>, vector<1x16xf32>,
    }
    %scan3A_331 = arith.constant 100 : i32
    %dma_start3A_332 = arith.constant 11 : i32
    %dma_start3A_333 = arith.constant 0 : i32
    %dma_start3A_334 = tpu.memref_slice %arg6[%dma_start3A_332, %dma_start3A_333] : memref<32x100xi32, #tpu.memory_space<vmem>> -> memref<1x100xi32, #tpu.memory_space<vmem>>
    %dma_start3A_335 = tpu.memref_squeeze %dma_start3A_334 : memref<1x100xi32, #tpu.memory_space<vmem>> -> memref<100xi32, #tpu.memory_space<vmem>>
    %dma_start3A_336 = arith.constant 0 : i32
    %dma_start3A_337 = arith.constant 0 : i32
    %dma_start3A_338 = tpu.memref_slice %arg5[%dma_start3A_336, %dma_start3A_337] : memref<1000x128xf32, #tpu.memory_space<vmem_shared>> -> memref<1000x128xf32, #tpu.memory_space<vmem_shared>>
    tpu.enqueue_indirect_dma source(%dma_start3A_338 : memref<1000x128xf32, #tpu.memory_space<vmem_shared>>) target(%arg9 : memref<100x128xf32, #tpu.memory_space<vmem>>) offsets(%dma_start3A_335 : memref<100xi32, #tpu.memory_space<vmem>>) semaphore(%arg14 : memref<!tpu.dma_semaphore, #tpu.memory_space<semaphore_mem>>)
    %add3A_339 = arith.constant 8 : i32
    %add3A_340 = arith.addi %mul3A_4, %add3A_339 : i32
    %dma_start3A_341 = arith.constant 0 : i32
    %dma_start3A_342 = arith.constant 0 : i32
    %dma_start3A_343 = tpu.memref_slice %arg4[%add3A_340, %dma_start3A_341, %dma_start3A_342] : memref<1024x100x64xf32, #tpu.memory_space<hbm>> -> memref<1x100x64xf32, #tpu.memory_space<hbm>>
    %dma_start3A_344 = tpu.memref_squeeze %dma_start3A_343 : memref<1x100x64xf32, #tpu.memory_space<hbm>> -> memref<100x64xf32, #tpu.memory_space<hbm>>
    %dma_start3A_345 = arith.constant 0 : i32
    %dma_start3A_346 = arith.constant 0 : i32
    %dma_start3A_347 = tpu.memref_slice %arg4[%add3A_340, %dma_start3A_345, %dma_start3A_346] : memref<1024x100x64xf32, #tpu.memory_space<hbm>> -> memref<1x100x64xf32, #tpu.memory_space<hbm>>
    %dma_start3A_348 = tpu.memref_squeeze %dma_start3A_347 : memref<1x100x64xf32, #tpu.memory_space<hbm>> -> memref<100x64xf32, #tpu.memory_space<hbm>>
    tpu.enqueue_dma source(%arg10 : memref<100x64xf32, #tpu.memory_space<vmem>>) target(%dma_start3A_348 : memref<100x64xf32, #tpu.memory_space<hbm>>) target_semaphore(%arg15 : memref<!tpu.dma_semaphore, #tpu.memory_space<semaphore_mem>>)
    %dma_wait3A_349 = arith.constant 9 : i32
    %dma_wait3A_350 = arith.constant 0 : i32
    %dma_wait3A_351 = tpu.memref_slice %arg6[%dma_wait3A_349, %dma_wait3A_350] : memref<32x100xi32, #tpu.memory_space<vmem>> -> memref<1x100xi32, #tpu.memory_space<vmem>>
    %dma_wait3A_352 = tpu.memref_squeeze %dma_wait3A_351 : memref<1x100xi32, #tpu.memory_space<vmem>> -> memref<100xi32, #tpu.memory_space<vmem>>
    %dma_wait3A_353 = arith.constant 0 : i32
    %dma_wait3A_354 = arith.constant 0 : i32
    %dma_wait3A_355 = tpu.memref_slice %arg5[%dma_wait3A_353, %dma_wait3A_354] : memref<1000x128xf32, #tpu.memory_space<vmem_shared>> -> memref<1000x128xf32, #tpu.memory_space<vmem_shared>>
    tpu.wait_indirect_dma semaphore(%arg12 : memref<!tpu.dma_semaphore, #tpu.memory_space<semaphore_mem>>) src(%dma_wait3A_355 : memref<1000x128xf32, #tpu.memory_space<vmem_shared>>) dst(%arg7 : memref<100x128xf32, #tpu.memory_space<vmem>>)
    %dma_wait3A_356 = arith.constant 0 : i32
    %dma_wait3A_357 = arith.constant 0 : i32
    %dma_wait3A_358 = tpu.memref_slice %arg4[%add3A_302, %dma_wait3A_356, %dma_wait3A_357] : memref<1024x100x64xf32, #tpu.memory_space<hbm>> -> memref<1x100x64xf32, #tpu.memory_space<hbm>>
    %dma_wait3A_359 = tpu.memref_squeeze %dma_wait3A_358 : memref<1x100x64xf32, #tpu.memory_space<hbm>> -> memref<100x64xf32, #tpu.memory_space<hbm>>
    %dma_wait3A_360 = arith.constant 0 : i32
    %dma_wait3A_361 = arith.constant 0 : i32
    %dma_wait3A_362 = tpu.memref_slice %arg4[%add3A_302, %dma_wait3A_360, %dma_wait3A_361] : memref<1024x100x64xf32, #tpu.memory_space<hbm>> -> memref<1x100x64xf32, #tpu.memory_space<hbm>>
    %dma_wait3A_363 = tpu.memref_squeeze %dma_wait3A_362 : memref<1x100x64xf32, #tpu.memory_space<hbm>> -> memref<100x64xf32, #tpu.memory_space<hbm>>
    tpu.wait_dma2 semaphore(%arg16 : memref<!tpu.dma_semaphore, #tpu.memory_space<semaphore_mem>>) src(%arg11 : memref<100x64xf32, #tpu.memory_space<vmem>>) dst(%dma_wait3A_363 : memref<100x64xf32, #tpu.memory_space<hbm>>)
    %scan3A_364 = arith.constant 0 : i32
    %scan3A_365 = arith.constant 0 : i32
    %scan3A_366 = arith.constant 100 : i32
    %scan3A_367 = arith.addi %scan3A_365, %scan3A_366 : i32
    %scan3A_368 = arith.constant 1 : i32
    scf.for %scan3A_1218 = %scan3A_365 to %scan3A_367 step %scan3A_368  : i32 {
      %get3A = arith.index_cast %scan3A_1218 : i32 to index
      %get3A_1219 = arith.constant 0 : index
      %get3A_1220 = tpu.vector_load %arg7[%get3A, %get3A_1219] {strides = array<i32>} : memref<100x128xf32, #tpu.memory_space<vmem>>, vector<1x16xf32>,
      %get3A_1221 = vector.shape_cast %get3A_1220 : vector<1x16xf32> to vector<16xf32>
      %swap3A = arith.index_cast %scan3A_1218 : i32 to index
      %swap3A_1222 = arith.constant 0 : index
      %swap3A_1223 = tpu.vector_load %arg11[%swap3A, %swap3A_1222] {strides = array<i32>} : memref<100x64xf32, #tpu.memory_space<vmem>>, vector<1x16xf32>,
      %swap3A_1224 = vector.shape_cast %swap3A_1223 : vector<1x16xf32> to vector<16xf32>
      %swap3A_1225 = vector.shape_cast %get3A_1221 : vector<16xf32> to vector<1x16xf32>
      tpu.vector_store %arg11[%swap3A, %swap3A_1222], %swap3A_1225 {strides = array<i32>} : memref<100x64xf32, #tpu.memory_space<vmem>>, vector<1x16xf32>,
      %get3A_1226 = arith.index_cast %scan3A_1218 : i32 to index
      %get3A_1227 = arith.constant 16 : index
      %get3A_1228 = tpu.vector_load %arg7[%get3A_1226, %get3A_1227] {strides = array<i32>} : memref<100x128xf32, #tpu.memory_space<vmem>>, vector<1x16xf32>,
      %get3A_1229 = vector.shape_cast %get3A_1228 : vector<1x16xf32> to vector<16xf32>
      %swap3A_1230 = arith.index_cast %scan3A_1218 : i32 to index
      %swap3A_1231 = arith.constant 16 : index
      %swap3A_1232 = tpu.vector_load %arg11[%swap3A_1230, %swap3A_1231] {strides = array<i32>} : memref<100x64xf32, #tpu.memory_space<vmem>>, vector<1x16xf32>,
      %swap3A_1233 = vector.shape_cast %swap3A_1232 : vector<1x16xf32> to vector<16xf32>
      %swap3A_1234 = vector.shape_cast %get3A_1229 : vector<16xf32> to vector<1x16xf32>
      tpu.vector_store %arg11[%swap3A_1230, %swap3A_1231], %swap3A_1234 {strides = array<i32>} : memref<100x64xf32, #tpu.memory_space<vmem>>, vector<1x16xf32>,
      %get3A_1235 = arith.index_cast %scan3A_1218 : i32 to index
      %get3A_1236 = arith.constant 32 : index
      %get3A_1237 = tpu.vector_load %arg7[%get3A_1235, %get3A_1236] {strides = array<i32>} : memref<100x128xf32, #tpu.memory_space<vmem>>, vector<1x16xf32>,
      %get3A_1238 = vector.shape_cast %get3A_1237 : vector<1x16xf32> to vector<16xf32>
      %swap3A_1239 = arith.index_cast %scan3A_1218 : i32 to index
      %swap3A_1240 = arith.constant 32 : index
      %swap3A_1241 = tpu.vector_load %arg11[%swap3A_1239, %swap3A_1240] {strides = array<i32>} : memref<100x64xf32, #tpu.memory_space<vmem>>, vector<1x16xf32>,
      %swap3A_1242 = vector.shape_cast %swap3A_1241 : vector<1x16xf32> to vector<16xf32>
      %swap3A_1243 = vector.shape_cast %get3A_1238 : vector<16xf32> to vector<1x16xf32>
      tpu.vector_store %arg11[%swap3A_1239, %swap3A_1240], %swap3A_1243 {strides = array<i32>} : memref<100x64xf32, #tpu.memory_space<vmem>>, vector<1x16xf32>,
      %get3A_1244 = arith.index_cast %scan3A_1218 : i32 to index
      %get3A_1245 = arith.constant 48 : index
      %get3A_1246 = tpu.vector_load %arg7[%get3A_1244, %get3A_1245] {strides = array<i32>} : memref<100x128xf32, #tpu.memory_space<vmem>>, vector<1x16xf32>,
      %get3A_1247 = vector.shape_cast %get3A_1246 : vector<1x16xf32> to vector<16xf32>
      %swap3A_1248 = arith.index_cast %scan3A_1218 : i32 to index
      %swap3A_1249 = arith.constant 48 : index
      %swap3A_1250 = tpu.vector_load %arg11[%swap3A_1248, %swap3A_1249] {strides = array<i32>} : memref<100x64xf32, #tpu.memory_space<vmem>>, vector<1x16xf32>,
      %swap3A_1251 = vector.shape_cast %swap3A_1250 : vector<1x16xf32> to vector<16xf32>
      %swap3A_1252 = vector.shape_cast %get3A_1247 : vector<16xf32> to vector<1x16xf32>
      tpu.vector_store %arg11[%swap3A_1248, %swap3A_1249], %swap3A_1252 {strides = array<i32>} : memref<100x64xf32, #tpu.memory_space<vmem>>, vector<1x16xf32>,
    }
    %scan3A_369 = arith.constant 100 : i32
    %dma_start3A_370 = arith.constant 12 : i32
    %dma_start3A_371 = arith.constant 0 : i32
    %dma_start3A_372 = tpu.memref_slice %arg6[%dma_start3A_370, %dma_start3A_371] : memref<32x100xi32, #tpu.memory_space<vmem>> -> memref<1x100xi32, #tpu.memory_space<vmem>>
    %dma_start3A_373 = tpu.memref_squeeze %dma_start3A_372 : memref<1x100xi32, #tpu.memory_space<vmem>> -> memref<100xi32, #tpu.memory_space<vmem>>
    %dma_start3A_374 = arith.constant 0 : i32
    %dma_start3A_375 = arith.constant 0 : i32
    %dma_start3A_376 = tpu.memref_slice %arg5[%dma_start3A_374, %dma_start3A_375] : memref<1000x128xf32, #tpu.memory_space<vmem_shared>> -> memref<1000x128xf32, #tpu.memory_space<vmem_shared>>
    tpu.enqueue_indirect_dma source(%dma_start3A_376 : memref<1000x128xf32, #tpu.memory_space<vmem_shared>>) target(%arg7 : memref<100x128xf32, #tpu.memory_space<vmem>>) offsets(%dma_start3A_373 : memref<100xi32, #tpu.memory_space<vmem>>) semaphore(%arg12 : memref<!tpu.dma_semaphore, #tpu.memory_space<semaphore_mem>>)
    %add3A_377 = arith.constant 9 : i32
    %add3A_378 = arith.addi %mul3A_4, %add3A_377 : i32
    %dma_start3A_379 = arith.constant 0 : i32
    %dma_start3A_380 = arith.constant 0 : i32
    %dma_start3A_381 = tpu.memref_slice %arg4[%add3A_378, %dma_start3A_379, %dma_start3A_380] : memref<1024x100x64xf32, #tpu.memory_space<hbm>> -> memref<1x100x64xf32, #tpu.memory_space<hbm>>
    %dma_start3A_382 = tpu.memref_squeeze %dma_start3A_381 : memref<1x100x64xf32, #tpu.memory_space<hbm>> -> memref<100x64xf32, #tpu.memory_space<hbm>>
    %dma_start3A_383 = arith.constant 0 : i32
    %dma_start3A_384 = arith.constant 0 : i32
    %dma_start3A_385 = tpu.memref_slice %arg4[%add3A_378, %dma_start3A_383, %dma_start3A_384] : memref<1024x100x64xf32, #tpu.memory_space<hbm>> -> memref<1x100x64xf32, #tpu.memory_space<hbm>>
    %dma_start3A_386 = tpu.memref_squeeze %dma_start3A_385 : memref<1x100x64xf32, #tpu.memory_space<hbm>> -> memref<100x64xf32, #tpu.memory_space<hbm>>
    tpu.enqueue_dma source(%arg11 : memref<100x64xf32, #tpu.memory_space<vmem>>) target(%dma_start3A_386 : memref<100x64xf32, #tpu.memory_space<hbm>>) target_semaphore(%arg16 : memref<!tpu.dma_semaphore, #tpu.memory_space<semaphore_mem>>)
    %dma_wait3A_387 = arith.constant 10 : i32
    %dma_wait3A_388 = arith.constant 0 : i32
    %dma_wait3A_389 = tpu.memref_slice %arg6[%dma_wait3A_387, %dma_wait3A_388] : memref<32x100xi32, #tpu.memory_space<vmem>> -> memref<1x100xi32, #tpu.memory_space<vmem>>
    %dma_wait3A_390 = tpu.memref_squeeze %dma_wait3A_389 : memref<1x100xi32, #tpu.memory_space<vmem>> -> memref<100xi32, #tpu.memory_space<vmem>>
    %dma_wait3A_391 = arith.constant 0 : i32
    %dma_wait3A_392 = arith.constant 0 : i32
    %dma_wait3A_393 = tpu.memref_slice %arg5[%dma_wait3A_391, %dma_wait3A_392] : memref<1000x128xf32, #tpu.memory_space<vmem_shared>> -> memref<1000x128xf32, #tpu.memory_space<vmem_shared>>
    tpu.wait_indirect_dma semaphore(%arg13 : memref<!tpu.dma_semaphore, #tpu.memory_space<semaphore_mem>>) src(%dma_wait3A_393 : memref<1000x128xf32, #tpu.memory_space<vmem_shared>>) dst(%arg8 : memref<100x128xf32, #tpu.memory_space<vmem>>)
    %dma_wait3A_394 = arith.constant 0 : i32
    %dma_wait3A_395 = arith.constant 0 : i32
    %dma_wait3A_396 = tpu.memref_slice %arg4[%add3A_340, %dma_wait3A_394, %dma_wait3A_395] : memref<1024x100x64xf32, #tpu.memory_space<hbm>> -> memref<1x100x64xf32, #tpu.memory_space<hbm>>
    %dma_wait3A_397 = tpu.memref_squeeze %dma_wait3A_396 : memref<1x100x64xf32, #tpu.memory_space<hbm>> -> memref<100x64xf32, #tpu.memory_space<hbm>>
    %dma_wait3A_398 = arith.constant 0 : i32
    %dma_wait3A_399 = arith.constant 0 : i32
    %dma_wait3A_400 = tpu.memref_slice %arg4[%add3A_340, %dma_wait3A_398, %dma_wait3A_399] : memref<1024x100x64xf32, #tpu.memory_space<hbm>> -> memref<1x100x64xf32, #tpu.memory_space<hbm>>
    %dma_wait3A_401 = tpu.memref_squeeze %dma_wait3A_400 : memref<1x100x64xf32, #tpu.memory_space<hbm>> -> memref<100x64xf32, #tpu.memory_space<hbm>>
    tpu.wait_dma2 semaphore(%arg15 : memref<!tpu.dma_semaphore, #tpu.memory_space<semaphore_mem>>) src(%arg10 : memref<100x64xf32, #tpu.memory_space<vmem>>) dst(%dma_wait3A_401 : memref<100x64xf32, #tpu.memory_space<hbm>>)
    %scan3A_402 = arith.constant 0 : i32
    %scan3A_403 = arith.constant 0 : i32
    %scan3A_404 = arith.constant 100 : i32
    %scan3A_405 = arith.addi %scan3A_403, %scan3A_404 : i32
    %scan3A_406 = arith.constant 1 : i32
    scf.for %scan3A_1218 = %scan3A_403 to %scan3A_405 step %scan3A_406  : i32 {
      %get3A = arith.index_cast %scan3A_1218 : i32 to index
      %get3A_1219 = arith.constant 0 : index
      %get3A_1220 = tpu.vector_load %arg8[%get3A, %get3A_1219] {strides = array<i32>} : memref<100x128xf32, #tpu.memory_space<vmem>>, vector<1x16xf32>,
      %get3A_1221 = vector.shape_cast %get3A_1220 : vector<1x16xf32> to vector<16xf32>
      %swap3A = arith.index_cast %scan3A_1218 : i32 to index
      %swap3A_1222 = arith.constant 0 : index
      %swap3A_1223 = tpu.vector_load %arg10[%swap3A, %swap3A_1222] {strides = array<i32>} : memref<100x64xf32, #tpu.memory_space<vmem>>, vector<1x16xf32>,
      %swap3A_1224 = vector.shape_cast %swap3A_1223 : vector<1x16xf32> to vector<16xf32>
      %swap3A_1225 = vector.shape_cast %get3A_1221 : vector<16xf32> to vector<1x16xf32>
      tpu.vector_store %arg10[%swap3A, %swap3A_1222], %swap3A_1225 {strides = array<i32>} : memref<100x64xf32, #tpu.memory_space<vmem>>, vector<1x16xf32>,
      %get3A_1226 = arith.index_cast %scan3A_1218 : i32 to index
      %get3A_1227 = arith.constant 16 : index
      %get3A_1228 = tpu.vector_load %arg8[%get3A_1226, %get3A_1227] {strides = array<i32>} : memref<100x128xf32, #tpu.memory_space<vmem>>, vector<1x16xf32>,
      %get3A_1229 = vector.shape_cast %get3A_1228 : vector<1x16xf32> to vector<16xf32>
      %swap3A_1230 = arith.index_cast %scan3A_1218 : i32 to index
      %swap3A_1231 = arith.constant 16 : index
      %swap3A_1232 = tpu.vector_load %arg10[%swap3A_1230, %swap3A_1231] {strides = array<i32>} : memref<100x64xf32, #tpu.memory_space<vmem>>, vector<1x16xf32>,
      %swap3A_1233 = vector.shape_cast %swap3A_1232 : vector<1x16xf32> to vector<16xf32>
      %swap3A_1234 = vector.shape_cast %get3A_1229 : vector<16xf32> to vector<1x16xf32>
      tpu.vector_store %arg10[%swap3A_1230, %swap3A_1231], %swap3A_1234 {strides = array<i32>} : memref<100x64xf32, #tpu.memory_space<vmem>>, vector<1x16xf32>,
      %get3A_1235 = arith.index_cast %scan3A_1218 : i32 to index
      %get3A_1236 = arith.constant 32 : index
      %get3A_1237 = tpu.vector_load %arg8[%get3A_1235, %get3A_1236] {strides = array<i32>} : memref<100x128xf32, #tpu.memory_space<vmem>>, vector<1x16xf32>,
      %get3A_1238 = vector.shape_cast %get3A_1237 : vector<1x16xf32> to vector<16xf32>
      %swap3A_1239 = arith.index_cast %scan3A_1218 : i32 to index
      %swap3A_1240 = arith.constant 32 : index
      %swap3A_1241 = tpu.vector_load %arg10[%swap3A_1239, %swap3A_1240] {strides = array<i32>} : memref<100x64xf32, #tpu.memory_space<vmem>>, vector<1x16xf32>,
      %swap3A_1242 = vector.shape_cast %swap3A_1241 : vector<1x16xf32> to vector<16xf32>
      %swap3A_1243 = vector.shape_cast %get3A_1238 : vector<16xf32> to vector<1x16xf32>
      tpu.vector_store %arg10[%swap3A_1239, %swap3A_1240], %swap3A_1243 {strides = array<i32>} : memref<100x64xf32, #tpu.memory_space<vmem>>, vector<1x16xf32>,
      %get3A_1244 = arith.index_cast %scan3A_1218 : i32 to index
      %get3A_1245 = arith.constant 48 : index
      %get3A_1246 = tpu.vector_load %arg8[%get3A_1244, %get3A_1245] {strides = array<i32>} : memref<100x128xf32, #tpu.memory_space<vmem>>, vector<1x16xf32>,
      %get3A_1247 = vector.shape_cast %get3A_1246 : vector<1x16xf32> to vector<16xf32>
      %swap3A_1248 = arith.index_cast %scan3A_1218 : i32 to index
      %swap3A_1249 = arith.constant 48 : index
      %swap3A_1250 = tpu.vector_load %arg10[%swap3A_1248, %swap3A_1249] {strides = array<i32>} : memref<100x64xf32, #tpu.memory_space<vmem>>, vector<1x16xf32>,
      %swap3A_1251 = vector.shape_cast %swap3A_1250 : vector<1x16xf32> to vector<16xf32>
      %swap3A_1252 = vector.shape_cast %get3A_1247 : vector<16xf32> to vector<1x16xf32>
      tpu.vector_store %arg10[%swap3A_1248, %swap3A_1249], %swap3A_1252 {strides = array<i32>} : memref<100x64xf32, #tpu.memory_space<vmem>>, vector<1x16xf32>,
    }
    %scan3A_407 = arith.constant 100 : i32
    %dma_start3A_408 = arith.constant 13 : i32
    %dma_start3A_409 = arith.constant 0 : i32
    %dma_start3A_410 = tpu.memref_slice %arg6[%dma_start3A_408, %dma_start3A_409] : memref<32x100xi32, #tpu.memory_space<vmem>> -> memref<1x100xi32, #tpu.memory_space<vmem>>
    %dma_start3A_411 = tpu.memref_squeeze %dma_start3A_410 : memref<1x100xi32, #tpu.memory_space<vmem>> -> memref<100xi32, #tpu.memory_space<vmem>>
    %dma_start3A_412 = arith.constant 0 : i32
    %dma_start3A_413 = arith.constant 0 : i32
    %dma_start3A_414 = tpu.memref_slice %arg5[%dma_start3A_412, %dma_start3A_413] : memref<1000x128xf32, #tpu.memory_space<vmem_shared>> -> memref<1000x128xf32, #tpu.memory_space<vmem_shared>>
    tpu.enqueue_indirect_dma source(%dma_start3A_414 : memref<1000x128xf32, #tpu.memory_space<vmem_shared>>) target(%arg8 : memref<100x128xf32, #tpu.memory_space<vmem>>) offsets(%dma_start3A_411 : memref<100xi32, #tpu.memory_space<vmem>>) semaphore(%arg13 : memref<!tpu.dma_semaphore, #tpu.memory_space<semaphore_mem>>)
    %add3A_415 = arith.constant 10 : i32
    %add3A_416 = arith.addi %mul3A_4, %add3A_415 : i32
    %dma_start3A_417 = arith.constant 0 : i32
    %dma_start3A_418 = arith.constant 0 : i32
    %dma_start3A_419 = tpu.memref_slice %arg4[%add3A_416, %dma_start3A_417, %dma_start3A_418] : memref<1024x100x64xf32, #tpu.memory_space<hbm>> -> memref<1x100x64xf32, #tpu.memory_space<hbm>>
    %dma_start3A_420 = tpu.memref_squeeze %dma_start3A_419 : memref<1x100x64xf32, #tpu.memory_space<hbm>> -> memref<100x64xf32, #tpu.memory_space<hbm>>
    %dma_start3A_421 = arith.constant 0 : i32
    %dma_start3A_422 = arith.constant 0 : i32
    %dma_start3A_423 = tpu.memref_slice %arg4[%add3A_416, %dma_start3A_421, %dma_start3A_422] : memref<1024x100x64xf32, #tpu.memory_space<hbm>> -> memref<1x100x64xf32, #tpu.memory_space<hbm>>
    %dma_start3A_424 = tpu.memref_squeeze %dma_start3A_423 : memref<1x100x64xf32, #tpu.memory_space<hbm>> -> memref<100x64xf32, #tpu.memory_space<hbm>>
    tpu.enqueue_dma source(%arg10 : memref<100x64xf32, #tpu.memory_space<vmem>>) target(%dma_start3A_424 : memref<100x64xf32, #tpu.memory_space<hbm>>) target_semaphore(%arg15 : memref<!tpu.dma_semaphore, #tpu.memory_space<semaphore_mem>>)
    %dma_wait3A_425 = arith.constant 11 : i32
    %dma_wait3A_426 = arith.constant 0 : i32
    %dma_wait3A_427 = tpu.memref_slice %arg6[%dma_wait3A_425, %dma_wait3A_426] : memref<32x100xi32, #tpu.memory_space<vmem>> -> memref<1x100xi32, #tpu.memory_space<vmem>>
    %dma_wait3A_428 = tpu.memref_squeeze %dma_wait3A_427 : memref<1x100xi32, #tpu.memory_space<vmem>> -> memref<100xi32, #tpu.memory_space<vmem>>
    %dma_wait3A_429 = arith.constant 0 : i32
    %dma_wait3A_430 = arith.constant 0 : i32
    %dma_wait3A_431 = tpu.memref_slice %arg5[%dma_wait3A_429, %dma_wait3A_430] : memref<1000x128xf32, #tpu.memory_space<vmem_shared>> -> memref<1000x128xf32, #tpu.memory_space<vmem_shared>>
    tpu.wait_indirect_dma semaphore(%arg14 : memref<!tpu.dma_semaphore, #tpu.memory_space<semaphore_mem>>) src(%dma_wait3A_431 : memref<1000x128xf32, #tpu.memory_space<vmem_shared>>) dst(%arg9 : memref<100x128xf32, #tpu.memory_space<vmem>>)
    %dma_wait3A_432 = arith.constant 0 : i32
    %dma_wait3A_433 = arith.constant 0 : i32
    %dma_wait3A_434 = tpu.memref_slice %arg4[%add3A_378, %dma_wait3A_432, %dma_wait3A_433] : memref<1024x100x64xf32, #tpu.memory_space<hbm>> -> memref<1x100x64xf32, #tpu.memory_space<hbm>>
    %dma_wait3A_435 = tpu.memref_squeeze %dma_wait3A_434 : memref<1x100x64xf32, #tpu.memory_space<hbm>> -> memref<100x64xf32, #tpu.memory_space<hbm>>
    %dma_wait3A_436 = arith.constant 0 : i32
    %dma_wait3A_437 = arith.constant 0 : i32
    %dma_wait3A_438 = tpu.memref_slice %arg4[%add3A_378, %dma_wait3A_436, %dma_wait3A_437] : memref<1024x100x64xf32, #tpu.memory_space<hbm>> -> memref<1x100x64xf32, #tpu.memory_space<hbm>>
    %dma_wait3A_439 = tpu.memref_squeeze %dma_wait3A_438 : memref<1x100x64xf32, #tpu.memory_space<hbm>> -> memref<100x64xf32, #tpu.memory_space<hbm>>
    tpu.wait_dma2 semaphore(%arg16 : memref<!tpu.dma_semaphore, #tpu.memory_space<semaphore_mem>>) src(%arg11 : memref<100x64xf32, #tpu.memory_space<vmem>>) dst(%dma_wait3A_439 : memref<100x64xf32, #tpu.memory_space<hbm>>)
    %scan3A_440 = arith.constant 0 : i32
    %scan3A_441 = arith.constant 0 : i32
    %scan3A_442 = arith.constant 100 : i32
    %scan3A_443 = arith.addi %scan3A_441, %scan3A_442 : i32
    %scan3A_444 = arith.constant 1 : i32
    scf.for %scan3A_1218 = %scan3A_441 to %scan3A_443 step %scan3A_444  : i32 {
      %get3A = arith.index_cast %scan3A_1218 : i32 to index
      %get3A_1219 = arith.constant 0 : index
      %get3A_1220 = tpu.vector_load %arg9[%get3A, %get3A_1219] {strides = array<i32>} : memref<100x128xf32, #tpu.memory_space<vmem>>, vector<1x16xf32>,
      %get3A_1221 = vector.shape_cast %get3A_1220 : vector<1x16xf32> to vector<16xf32>
      %swap3A = arith.index_cast %scan3A_1218 : i32 to index
      %swap3A_1222 = arith.constant 0 : index
      %swap3A_1223 = tpu.vector_load %arg11[%swap3A, %swap3A_1222] {strides = array<i32>} : memref<100x64xf32, #tpu.memory_space<vmem>>, vector<1x16xf32>,
      %swap3A_1224 = vector.shape_cast %swap3A_1223 : vector<1x16xf32> to vector<16xf32>
      %swap3A_1225 = vector.shape_cast %get3A_1221 : vector<16xf32> to vector<1x16xf32>
      tpu.vector_store %arg11[%swap3A, %swap3A_1222], %swap3A_1225 {strides = array<i32>} : memref<100x64xf32, #tpu.memory_space<vmem>>, vector<1x16xf32>,
      %get3A_1226 = arith.index_cast %scan3A_1218 : i32 to index
      %get3A_1227 = arith.constant 16 : index
      %get3A_1228 = tpu.vector_load %arg9[%get3A_1226, %get3A_1227] {strides = array<i32>} : memref<100x128xf32, #tpu.memory_space<vmem>>, vector<1x16xf32>,
      %get3A_1229 = vector.shape_cast %get3A_1228 : vector<1x16xf32> to vector<16xf32>
      %swap3A_1230 = arith.index_cast %scan3A_1218 : i32 to index
      %swap3A_1231 = arith.constant 16 : index
      %swap3A_1232 = tpu.vector_load %arg11[%swap3A_1230, %swap3A_1231] {strides = array<i32>} : memref<100x64xf32, #tpu.memory_space<vmem>>, vector<1x16xf32>,
      %swap3A_1233 = vector.shape_cast %swap3A_1232 : vector<1x16xf32> to vector<16xf32>
      %swap3A_1234 = vector.shape_cast %get3A_1229 : vector<16xf32> to vector<1x16xf32>
      tpu.vector_store %arg11[%swap3A_1230, %swap3A_1231], %swap3A_1234 {strides = array<i32>} : memref<100x64xf32, #tpu.memory_space<vmem>>, vector<1x16xf32>,
      %get3A_1235 = arith.index_cast %scan3A_1218 : i32 to index
      %get3A_1236 = arith.constant 32 : index
      %get3A_1237 = tpu.vector_load %arg9[%get3A_1235, %get3A_1236] {strides = array<i32>} : memref<100x128xf32, #tpu.memory_space<vmem>>, vector<1x16xf32>,
      %get3A_1238 = vector.shape_cast %get3A_1237 : vector<1x16xf32> to vector<16xf32>
      %swap3A_1239 = arith.index_cast %scan3A_1218 : i32 to index
      %swap3A_1240 = arith.constant 32 : index
      %swap3A_1241 = tpu.vector_load %arg11[%swap3A_1239, %swap3A_1240] {strides = array<i32>} : memref<100x64xf32, #tpu.memory_space<vmem>>, vector<1x16xf32>,
      %swap3A_1242 = vector.shape_cast %swap3A_1241 : vector<1x16xf32> to vector<16xf32>
      %swap3A_1243 = vector.shape_cast %get3A_1238 : vector<16xf32> to vector<1x16xf32>
      tpu.vector_store %arg11[%swap3A_1239, %swap3A_1240], %swap3A_1243 {strides = array<i32>} : memref<100x64xf32, #tpu.memory_space<vmem>>, vector<1x16xf32>,
      %get3A_1244 = arith.index_cast %scan3A_1218 : i32 to index
      %get3A_1245 = arith.constant 48 : index
      %get3A_1246 = tpu.vector_load %arg9[%get3A_1244, %get3A_1245] {strides = array<i32>} : memref<100x128xf32, #tpu.memory_space<vmem>>, vector<1x16xf32>,
      %get3A_1247 = vector.shape_cast %get3A_1246 : vector<1x16xf32> to vector<16xf32>
      %swap3A_1248 = arith.index_cast %scan3A_1218 : i32 to index
      %swap3A_1249 = arith.constant 48 : index
      %swap3A_1250 = tpu.vector_load %arg11[%swap3A_1248, %swap3A_1249] {strides = array<i32>} : memref<100x64xf32, #tpu.memory_space<vmem>>, vector<1x16xf32>,
      %swap3A_1251 = vector.shape_cast %swap3A_1250 : vector<1x16xf32> to vector<16xf32>
      %swap3A_1252 = vector.shape_cast %get3A_1247 : vector<16xf32> to vector<1x16xf32>
      tpu.vector_store %arg11[%swap3A_1248, %swap3A_1249], %swap3A_1252 {strides = array<i32>} : memref<100x64xf32, #tpu.memory_space<vmem>>, vector<1x16xf32>,
    }
    %scan3A_445 = arith.constant 100 : i32
    %dma_start3A_446 = arith.constant 14 : i32
    %dma_start3A_447 = arith.constant 0 : i32
    %dma_start3A_448 = tpu.memref_slice %arg6[%dma_start3A_446, %dma_start3A_447] : memref<32x100xi32, #tpu.memory_space<vmem>> -> memref<1x100xi32, #tpu.memory_space<vmem>>
    %dma_start3A_449 = tpu.memref_squeeze %dma_start3A_448 : memref<1x100xi32, #tpu.memory_space<vmem>> -> memref<100xi32, #tpu.memory_space<vmem>>
    %dma_start3A_450 = arith.constant 0 : i32
    %dma_start3A_451 = arith.constant 0 : i32
    %dma_start3A_452 = tpu.memref_slice %arg5[%dma_start3A_450, %dma_start3A_451] : memref<1000x128xf32, #tpu.memory_space<vmem_shared>> -> memref<1000x128xf32, #tpu.memory_space<vmem_shared>>
    tpu.enqueue_indirect_dma source(%dma_start3A_452 : memref<1000x128xf32, #tpu.memory_space<vmem_shared>>) target(%arg9 : memref<100x128xf32, #tpu.memory_space<vmem>>) offsets(%dma_start3A_449 : memref<100xi32, #tpu.memory_space<vmem>>) semaphore(%arg14 : memref<!tpu.dma_semaphore, #tpu.memory_space<semaphore_mem>>)
    %add3A_453 = arith.constant 11 : i32
    %add3A_454 = arith.addi %mul3A_4, %add3A_453 : i32
    %dma_start3A_455 = arith.constant 0 : i32
    %dma_start3A_456 = arith.constant 0 : i32
    %dma_start3A_457 = tpu.memref_slice %arg4[%add3A_454, %dma_start3A_455, %dma_start3A_456] : memref<1024x100x64xf32, #tpu.memory_space<hbm>> -> memref<1x100x64xf32, #tpu.memory_space<hbm>>
    %dma_start3A_458 = tpu.memref_squeeze %dma_start3A_457 : memref<1x100x64xf32, #tpu.memory_space<hbm>> -> memref<100x64xf32, #tpu.memory_space<hbm>>
    %dma_start3A_459 = arith.constant 0 : i32
    %dma_start3A_460 = arith.constant 0 : i32
    %dma_start3A_461 = tpu.memref_slice %arg4[%add3A_454, %dma_start3A_459, %dma_start3A_460] : memref<1024x100x64xf32, #tpu.memory_space<hbm>> -> memref<1x100x64xf32, #tpu.memory_space<hbm>>
    %dma_start3A_462 = tpu.memref_squeeze %dma_start3A_461 : memref<1x100x64xf32, #tpu.memory_space<hbm>> -> memref<100x64xf32, #tpu.memory_space<hbm>>
    tpu.enqueue_dma source(%arg11 : memref<100x64xf32, #tpu.memory_space<vmem>>) target(%dma_start3A_462 : memref<100x64xf32, #tpu.memory_space<hbm>>) target_semaphore(%arg16 : memref<!tpu.dma_semaphore, #tpu.memory_space<semaphore_mem>>)
    %dma_wait3A_463 = arith.constant 12 : i32
    %dma_wait3A_464 = arith.constant 0 : i32
    %dma_wait3A_465 = tpu.memref_slice %arg6[%dma_wait3A_463, %dma_wait3A_464] : memref<32x100xi32, #tpu.memory_space<vmem>> -> memref<1x100xi32, #tpu.memory_space<vmem>>
    %dma_wait3A_466 = tpu.memref_squeeze %dma_wait3A_465 : memref<1x100xi32, #tpu.memory_space<vmem>> -> memref<100xi32, #tpu.memory_space<vmem>>
    %dma_wait3A_467 = arith.constant 0 : i32
    %dma_wait3A_468 = arith.constant 0 : i32
    %dma_wait3A_469 = tpu.memref_slice %arg5[%dma_wait3A_467, %dma_wait3A_468] : memref<1000x128xf32, #tpu.memory_space<vmem_shared>> -> memref<1000x128xf32, #tpu.memory_space<vmem_shared>>
    tpu.wait_indirect_dma semaphore(%arg12 : memref<!tpu.dma_semaphore, #tpu.memory_space<semaphore_mem>>) src(%dma_wait3A_469 : memref<1000x128xf32, #tpu.memory_space<vmem_shared>>) dst(%arg7 : memref<100x128xf32, #tpu.memory_space<vmem>>)
    %dma_wait3A_470 = arith.constant 0 : i32
    %dma_wait3A_471 = arith.constant 0 : i32
    %dma_wait3A_472 = tpu.memref_slice %arg4[%add3A_416, %dma_wait3A_470, %dma_wait3A_471] : memref<1024x100x64xf32, #tpu.memory_space<hbm>> -> memref<1x100x64xf32, #tpu.memory_space<hbm>>
    %dma_wait3A_473 = tpu.memref_squeeze %dma_wait3A_472 : memref<1x100x64xf32, #tpu.memory_space<hbm>> -> memref<100x64xf32, #tpu.memory_space<hbm>>
    %dma_wait3A_474 = arith.constant 0 : i32
    %dma_wait3A_475 = arith.constant 0 : i32
    %dma_wait3A_476 = tpu.memref_slice %arg4[%add3A_416, %dma_wait3A_474, %dma_wait3A_475] : memref<1024x100x64xf32, #tpu.memory_space<hbm>> -> memref<1x100x64xf32, #tpu.memory_space<hbm>>
    %dma_wait3A_477 = tpu.memref_squeeze %dma_wait3A_476 : memref<1x100x64xf32, #tpu.memory_space<hbm>> -> memref<100x64xf32, #tpu.memory_space<hbm>>
    tpu.wait_dma2 semaphore(%arg15 : memref<!tpu.dma_semaphore, #tpu.memory_space<semaphore_mem>>) src(%arg10 : memref<100x64xf32, #tpu.memory_space<vmem>>) dst(%dma_wait3A_477 : memref<100x64xf32, #tpu.memory_space<hbm>>)
    %scan3A_478 = arith.constant 0 : i32
    %scan3A_479 = arith.constant 0 : i32
    %scan3A_480 = arith.constant 100 : i32
    %scan3A_481 = arith.addi %scan3A_479, %scan3A_480 : i32
    %scan3A_482 = arith.constant 1 : i32
    scf.for %scan3A_1218 = %scan3A_479 to %scan3A_481 step %scan3A_482  : i32 {
      %get3A = arith.index_cast %scan3A_1218 : i32 to index
      %get3A_1219 = arith.constant 0 : index
      %get3A_1220 = tpu.vector_load %arg7[%get3A, %get3A_1219] {strides = array<i32>} : memref<100x128xf32, #tpu.memory_space<vmem>>, vector<1x16xf32>,
      %get3A_1221 = vector.shape_cast %get3A_1220 : vector<1x16xf32> to vector<16xf32>
      %swap3A = arith.index_cast %scan3A_1218 : i32 to index
      %swap3A_1222 = arith.constant 0 : index
      %swap3A_1223 = tpu.vector_load %arg10[%swap3A, %swap3A_1222] {strides = array<i32>} : memref<100x64xf32, #tpu.memory_space<vmem>>, vector<1x16xf32>,
      %swap3A_1224 = vector.shape_cast %swap3A_1223 : vector<1x16xf32> to vector<16xf32>
      %swap3A_1225 = vector.shape_cast %get3A_1221 : vector<16xf32> to vector<1x16xf32>
      tpu.vector_store %arg10[%swap3A, %swap3A_1222], %swap3A_1225 {strides = array<i32>} : memref<100x64xf32, #tpu.memory_space<vmem>>, vector<1x16xf32>,
      %get3A_1226 = arith.index_cast %scan3A_1218 : i32 to index
      %get3A_1227 = arith.constant 16 : index
      %get3A_1228 = tpu.vector_load %arg7[%get3A_1226, %get3A_1227] {strides = array<i32>} : memref<100x128xf32, #tpu.memory_space<vmem>>, vector<1x16xf32>,
      %get3A_1229 = vector.shape_cast %get3A_1228 : vector<1x16xf32> to vector<16xf32>
      %swap3A_1230 = arith.index_cast %scan3A_1218 : i32 to index
      %swap3A_1231 = arith.constant 16 : index
      %swap3A_1232 = tpu.vector_load %arg10[%swap3A_1230, %swap3A_1231] {strides = array<i32>} : memref<100x64xf32, #tpu.memory_space<vmem>>, vector<1x16xf32>,
      %swap3A_1233 = vector.shape_cast %swap3A_1232 : vector<1x16xf32> to vector<16xf32>
      %swap3A_1234 = vector.shape_cast %get3A_1229 : vector<16xf32> to vector<1x16xf32>
      tpu.vector_store %arg10[%swap3A_1230, %swap3A_1231], %swap3A_1234 {strides = array<i32>} : memref<100x64xf32, #tpu.memory_space<vmem>>, vector<1x16xf32>,
      %get3A_1235 = arith.index_cast %scan3A_1218 : i32 to index
      %get3A_1236 = arith.constant 32 : index
      %get3A_1237 = tpu.vector_load %arg7[%get3A_1235, %get3A_1236] {strides = array<i32>} : memref<100x128xf32, #tpu.memory_space<vmem>>, vector<1x16xf32>,
      %get3A_1238 = vector.shape_cast %get3A_1237 : vector<1x16xf32> to vector<16xf32>
      %swap3A_1239 = arith.index_cast %scan3A_1218 : i32 to index
      %swap3A_1240 = arith.constant 32 : index
      %swap3A_1241 = tpu.vector_load %arg10[%swap3A_1239, %swap3A_1240] {strides = array<i32>} : memref<100x64xf32, #tpu.memory_space<vmem>>, vector<1x16xf32>,
      %swap3A_1242 = vector.shape_cast %swap3A_1241 : vector<1x16xf32> to vector<16xf32>
      %swap3A_1243 = vector.shape_cast %get3A_1238 : vector<16xf32> to vector<1x16xf32>
      tpu.vector_store %arg10[%swap3A_1239, %swap3A_1240], %swap3A_1243 {strides = array<i32>} : memref<100x64xf32, #tpu.memory_space<vmem>>, vector<1x16xf32>,
      %get3A_1244 = arith.index_cast %scan3A_1218 : i32 to index
      %get3A_1245 = arith.constant 48 : index
      %get3A_1246 = tpu.vector_load %arg7[%get3A_1244, %get3A_1245] {strides = array<i32>} : memref<100x128xf32, #tpu.memory_space<vmem>>, vector<1x16xf32>,
      %get3A_1247 = vector.shape_cast %get3A_1246 : vector<1x16xf32> to vector<16xf32>
      %swap3A_1248 = arith.index_cast %scan3A_1218 : i32 to index
      %swap3A_1249 = arith.constant 48 : index
      %swap3A_1250 = tpu.vector_load %arg10[%swap3A_1248, %swap3A_1249] {strides = array<i32>} : memref<100x64xf32, #tpu.memory_space<vmem>>, vector<1x16xf32>,
      %swap3A_1251 = vector.shape_cast %swap3A_1250 : vector<1x16xf32> to vector<16xf32>
      %swap3A_1252 = vector.shape_cast %get3A_1247 : vector<16xf32> to vector<1x16xf32>
      tpu.vector_store %arg10[%swap3A_1248, %swap3A_1249], %swap3A_1252 {strides = array<i32>} : memref<100x64xf32, #tpu.memory_space<vmem>>, vector<1x16xf32>,
    }
    %scan3A_483 = arith.constant 100 : i32
    %dma_start3A_484 = arith.constant 15 : i32
    %dma_start3A_485 = arith.constant 0 : i32
    %dma_start3A_486 = tpu.memref_slice %arg6[%dma_start3A_484, %dma_start3A_485] : memref<32x100xi32, #tpu.memory_space<vmem>> -> memref<1x100xi32, #tpu.memory_space<vmem>>
    %dma_start3A_487 = tpu.memref_squeeze %dma_start3A_486 : memref<1x100xi32, #tpu.memory_space<vmem>> -> memref<100xi32, #tpu.memory_space<vmem>>
    %dma_start3A_488 = arith.constant 0 : i32
    %dma_start3A_489 = arith.constant 0 : i32
    %dma_start3A_490 = tpu.memref_slice %arg5[%dma_start3A_488, %dma_start3A_489] : memref<1000x128xf32, #tpu.memory_space<vmem_shared>> -> memref<1000x128xf32, #tpu.memory_space<vmem_shared>>
    tpu.enqueue_indirect_dma source(%dma_start3A_490 : memref<1000x128xf32, #tpu.memory_space<vmem_shared>>) target(%arg7 : memref<100x128xf32, #tpu.memory_space<vmem>>) offsets(%dma_start3A_487 : memref<100xi32, #tpu.memory_space<vmem>>) semaphore(%arg12 : memref<!tpu.dma_semaphore, #tpu.memory_space<semaphore_mem>>)
    %add3A_491 = arith.constant 12 : i32
    %add3A_492 = arith.addi %mul3A_4, %add3A_491 : i32
    %dma_start3A_493 = arith.constant 0 : i32
    %dma_start3A_494 = arith.constant 0 : i32
    %dma_start3A_495 = tpu.memref_slice %arg4[%add3A_492, %dma_start3A_493, %dma_start3A_494] : memref<1024x100x64xf32, #tpu.memory_space<hbm>> -> memref<1x100x64xf32, #tpu.memory_space<hbm>>
    %dma_start3A_496 = tpu.memref_squeeze %dma_start3A_495 : memref<1x100x64xf32, #tpu.memory_space<hbm>> -> memref<100x64xf32, #tpu.memory_space<hbm>>
    %dma_start3A_497 = arith.constant 0 : i32
    %dma_start3A_498 = arith.constant 0 : i32
    %dma_start3A_499 = tpu.memref_slice %arg4[%add3A_492, %dma_start3A_497, %dma_start3A_498] : memref<1024x100x64xf32, #tpu.memory_space<hbm>> -> memref<1x100x64xf32, #tpu.memory_space<hbm>>
    %dma_start3A_500 = tpu.memref_squeeze %dma_start3A_499 : memref<1x100x64xf32, #tpu.memory_space<hbm>> -> memref<100x64xf32, #tpu.memory_space<hbm>>
    tpu.enqueue_dma source(%arg10 : memref<100x64xf32, #tpu.memory_space<vmem>>) target(%dma_start3A_500 : memref<100x64xf32, #tpu.memory_space<hbm>>) target_semaphore(%arg15 : memref<!tpu.dma_semaphore, #tpu.memory_space<semaphore_mem>>)
    %dma_wait3A_501 = arith.constant 13 : i32
    %dma_wait3A_502 = arith.constant 0 : i32
    %dma_wait3A_503 = tpu.memref_slice %arg6[%dma_wait3A_501, %dma_wait3A_502] : memref<32x100xi32, #tpu.memory_space<vmem>> -> memref<1x100xi32, #tpu.memory_space<vmem>>
    %dma_wait3A_504 = tpu.memref_squeeze %dma_wait3A_503 : memref<1x100xi32, #tpu.memory_space<vmem>> -> memref<100xi32, #tpu.memory_space<vmem>>
    %dma_wait3A_505 = arith.constant 0 : i32
    %dma_wait3A_506 = arith.constant 0 : i32
    %dma_wait3A_507 = tpu.memref_slice %arg5[%dma_wait3A_505, %dma_wait3A_506] : memref<1000x128xf32, #tpu.memory_space<vmem_shared>> -> memref<1000x128xf32, #tpu.memory_space<vmem_shared>>
    tpu.wait_indirect_dma semaphore(%arg13 : memref<!tpu.dma_semaphore, #tpu.memory_space<semaphore_mem>>) src(%dma_wait3A_507 : memref<1000x128xf32, #tpu.memory_space<vmem_shared>>) dst(%arg8 : memref<100x128xf32, #tpu.memory_space<vmem>>)
    %dma_wait3A_508 = arith.constant 0 : i32
    %dma_wait3A_509 = arith.constant 0 : i32
    %dma_wait3A_510 = tpu.memref_slice %arg4[%add3A_454, %dma_wait3A_508, %dma_wait3A_509] : memref<1024x100x64xf32, #tpu.memory_space<hbm>> -> memref<1x100x64xf32, #tpu.memory_space<hbm>>
    %dma_wait3A_511 = tpu.memref_squeeze %dma_wait3A_510 : memref<1x100x64xf32, #tpu.memory_space<hbm>> -> memref<100x64xf32, #tpu.memory_space<hbm>>
    %dma_wait3A_512 = arith.constant 0 : i32
    %dma_wait3A_513 = arith.constant 0 : i32
    %dma_wait3A_514 = tpu.memref_slice %arg4[%add3A_454, %dma_wait3A_512, %dma_wait3A_513] : memref<1024x100x64xf32, #tpu.memory_space<hbm>> -> memref<1x100x64xf32, #tpu.memory_space<hbm>>
    %dma_wait3A_515 = tpu.memref_squeeze %dma_wait3A_514 : memref<1x100x64xf32, #tpu.memory_space<hbm>> -> memref<100x64xf32, #tpu.memory_space<hbm>>
    tpu.wait_dma2 semaphore(%arg16 : memref<!tpu.dma_semaphore, #tpu.memory_space<semaphore_mem>>) src(%arg11 : memref<100x64xf32, #tpu.memory_space<vmem>>) dst(%dma_wait3A_515 : memref<100x64xf32, #tpu.memory_space<hbm>>)
    %scan3A_516 = arith.constant 0 : i32
    %scan3A_517 = arith.constant 0 : i32
    %scan3A_518 = arith.constant 100 : i32
    %scan3A_519 = arith.addi %scan3A_517, %scan3A_518 : i32
    %scan3A_520 = arith.constant 1 : i32
    scf.for %scan3A_1218 = %scan3A_517 to %scan3A_519 step %scan3A_520  : i32 {
      %get3A = arith.index_cast %scan3A_1218 : i32 to index
      %get3A_1219 = arith.constant 0 : index
      %get3A_1220 = tpu.vector_load %arg8[%get3A, %get3A_1219] {strides = array<i32>} : memref<100x128xf32, #tpu.memory_space<vmem>>, vector<1x16xf32>,
      %get3A_1221 = vector.shape_cast %get3A_1220 : vector<1x16xf32> to vector<16xf32>
      %swap3A = arith.index_cast %scan3A_1218 : i32 to index
      %swap3A_1222 = arith.constant 0 : index
      %swap3A_1223 = tpu.vector_load %arg11[%swap3A, %swap3A_1222] {strides = array<i32>} : memref<100x64xf32, #tpu.memory_space<vmem>>, vector<1x16xf32>,
      %swap3A_1224 = vector.shape_cast %swap3A_1223 : vector<1x16xf32> to vector<16xf32>
      %swap3A_1225 = vector.shape_cast %get3A_1221 : vector<16xf32> to vector<1x16xf32>
      tpu.vector_store %arg11[%swap3A, %swap3A_1222], %swap3A_1225 {strides = array<i32>} : memref<100x64xf32, #tpu.memory_space<vmem>>, vector<1x16xf32>,
      %get3A_1226 = arith.index_cast %scan3A_1218 : i32 to index
      %get3A_1227 = arith.constant 16 : index
      %get3A_1228 = tpu.vector_load %arg8[%get3A_1226, %get3A_1227] {strides = array<i32>} : memref<100x128xf32, #tpu.memory_space<vmem>>, vector<1x16xf32>,
      %get3A_1229 = vector.shape_cast %get3A_1228 : vector<1x16xf32> to vector<16xf32>
      %swap3A_1230 = arith.index_cast %scan3A_1218 : i32 to index
      %swap3A_1231 = arith.constant 16 : index
      %swap3A_1232 = tpu.vector_load %arg11[%swap3A_1230, %swap3A_1231] {strides = array<i32>} : memref<100x64xf32, #tpu.memory_space<vmem>>, vector<1x16xf32>,
      %swap3A_1233 = vector.shape_cast %swap3A_1232 : vector<1x16xf32> to vector<16xf32>
      %swap3A_1234 = vector.shape_cast %get3A_1229 : vector<16xf32> to vector<1x16xf32>
      tpu.vector_store %arg11[%swap3A_1230, %swap3A_1231], %swap3A_1234 {strides = array<i32>} : memref<100x64xf32, #tpu.memory_space<vmem>>, vector<1x16xf32>,
      %get3A_1235 = arith.index_cast %scan3A_1218 : i32 to index
      %get3A_1236 = arith.constant 32 : index
      %get3A_1237 = tpu.vector_load %arg8[%get3A_1235, %get3A_1236] {strides = array<i32>} : memref<100x128xf32, #tpu.memory_space<vmem>>, vector<1x16xf32>,
      %get3A_1238 = vector.shape_cast %get3A_1237 : vector<1x16xf32> to vector<16xf32>
      %swap3A_1239 = arith.index_cast %scan3A_1218 : i32 to index
      %swap3A_1240 = arith.constant 32 : index
      %swap3A_1241 = tpu.vector_load %arg11[%swap3A_1239, %swap3A_1240] {strides = array<i32>} : memref<100x64xf32, #tpu.memory_space<vmem>>, vector<1x16xf32>,
      %swap3A_1242 = vector.shape_cast %swap3A_1241 : vector<1x16xf32> to vector<16xf32>
      %swap3A_1243 = vector.shape_cast %get3A_1238 : vector<16xf32> to vector<1x16xf32>
      tpu.vector_store %arg11[%swap3A_1239, %swap3A_1240], %swap3A_1243 {strides = array<i32>} : memref<100x64xf32, #tpu.memory_space<vmem>>, vector<1x16xf32>,
      %get3A_1244 = arith.index_cast %scan3A_1218 : i32 to index
      %get3A_1245 = arith.constant 48 : index
      %get3A_1246 = tpu.vector_load %arg8[%get3A_1244, %get3A_1245] {strides = array<i32>} : memref<100x128xf32, #tpu.memory_space<vmem>>, vector<1x16xf32>,
      %get3A_1247 = vector.shape_cast %get3A_1246 : vector<1x16xf32> to vector<16xf32>
      %swap3A_1248 = arith.index_cast %scan3A_1218 : i32 to index
      %swap3A_1249 = arith.constant 48 : index
      %swap3A_1250 = tpu.vector_load %arg11[%swap3A_1248, %swap3A_1249] {strides = array<i32>} : memref<100x64xf32, #tpu.memory_space<vmem>>, vector<1x16xf32>,
      %swap3A_1251 = vector.shape_cast %swap3A_1250 : vector<1x16xf32> to vector<16xf32>
      %swap3A_1252 = vector.shape_cast %get3A_1247 : vector<16xf32> to vector<1x16xf32>
      tpu.vector_store %arg11[%swap3A_1248, %swap3A_1249], %swap3A_1252 {strides = array<i32>} : memref<100x64xf32, #tpu.memory_space<vmem>>, vector<1x16xf32>,
    }
    %scan3A_521 = arith.constant 100 : i32
    %dma_start3A_522 = arith.constant 16 : i32
    %dma_start3A_523 = arith.constant 0 : i32
    %dma_start3A_524 = tpu.memref_slice %arg6[%dma_start3A_522, %dma_start3A_523] : memref<32x100xi32, #tpu.memory_space<vmem>> -> memref<1x100xi32, #tpu.memory_space<vmem>>
    %dma_start3A_525 = tpu.memref_squeeze %dma_start3A_524 : memref<1x100xi32, #tpu.memory_space<vmem>> -> memref<100xi32, #tpu.memory_space<vmem>>
    %dma_start3A_526 = arith.constant 0 : i32
    %dma_start3A_527 = arith.constant 0 : i32
    %dma_start3A_528 = tpu.memref_slice %arg5[%dma_start3A_526, %dma_start3A_527] : memref<1000x128xf32, #tpu.memory_space<vmem_shared>> -> memref<1000x128xf32, #tpu.memory_space<vmem_shared>>
    tpu.enqueue_indirect_dma source(%dma_start3A_528 : memref<1000x128xf32, #tpu.memory_space<vmem_shared>>) target(%arg8 : memref<100x128xf32, #tpu.memory_space<vmem>>) offsets(%dma_start3A_525 : memref<100xi32, #tpu.memory_space<vmem>>) semaphore(%arg13 : memref<!tpu.dma_semaphore, #tpu.memory_space<semaphore_mem>>)
    %add3A_529 = arith.constant 13 : i32
    %add3A_530 = arith.addi %mul3A_4, %add3A_529 : i32
    %dma_start3A_531 = arith.constant 0 : i32
    %dma_start3A_532 = arith.constant 0 : i32
    %dma_start3A_533 = tpu.memref_slice %arg4[%add3A_530, %dma_start3A_531, %dma_start3A_532] : memref<1024x100x64xf32, #tpu.memory_space<hbm>> -> memref<1x100x64xf32, #tpu.memory_space<hbm>>
    %dma_start3A_534 = tpu.memref_squeeze %dma_start3A_533 : memref<1x100x64xf32, #tpu.memory_space<hbm>> -> memref<100x64xf32, #tpu.memory_space<hbm>>
    %dma_start3A_535 = arith.constant 0 : i32
    %dma_start3A_536 = arith.constant 0 : i32
    %dma_start3A_537 = tpu.memref_slice %arg4[%add3A_530, %dma_start3A_535, %dma_start3A_536] : memref<1024x100x64xf32, #tpu.memory_space<hbm>> -> memref<1x100x64xf32, #tpu.memory_space<hbm>>
    %dma_start3A_538 = tpu.memref_squeeze %dma_start3A_537 : memref<1x100x64xf32, #tpu.memory_space<hbm>> -> memref<100x64xf32, #tpu.memory_space<hbm>>
    tpu.enqueue_dma source(%arg11 : memref<100x64xf32, #tpu.memory_space<vmem>>) target(%dma_start3A_538 : memref<100x64xf32, #tpu.memory_space<hbm>>) target_semaphore(%arg16 : memref<!tpu.dma_semaphore, #tpu.memory_space<semaphore_mem>>)
    %dma_wait3A_539 = arith.constant 14 : i32
    %dma_wait3A_540 = arith.constant 0 : i32
    %dma_wait3A_541 = tpu.memref_slice %arg6[%dma_wait3A_539, %dma_wait3A_540] : memref<32x100xi32, #tpu.memory_space<vmem>> -> memref<1x100xi32, #tpu.memory_space<vmem>>
    %dma_wait3A_542 = tpu.memref_squeeze %dma_wait3A_541 : memref<1x100xi32, #tpu.memory_space<vmem>> -> memref<100xi32, #tpu.memory_space<vmem>>
    %dma_wait3A_543 = arith.constant 0 : i32
    %dma_wait3A_544 = arith.constant 0 : i32
    %dma_wait3A_545 = tpu.memref_slice %arg5[%dma_wait3A_543, %dma_wait3A_544] : memref<1000x128xf32, #tpu.memory_space<vmem_shared>> -> memref<1000x128xf32, #tpu.memory_space<vmem_shared>>
    tpu.wait_indirect_dma semaphore(%arg14 : memref<!tpu.dma_semaphore, #tpu.memory_space<semaphore_mem>>) src(%dma_wait3A_545 : memref<1000x128xf32, #tpu.memory_space<vmem_shared>>) dst(%arg9 : memref<100x128xf32, #tpu.memory_space<vmem>>)
    %dma_wait3A_546 = arith.constant 0 : i32
    %dma_wait3A_547 = arith.constant 0 : i32
    %dma_wait3A_548 = tpu.memref_slice %arg4[%add3A_492, %dma_wait3A_546, %dma_wait3A_547] : memref<1024x100x64xf32, #tpu.memory_space<hbm>> -> memref<1x100x64xf32, #tpu.memory_space<hbm>>
    %dma_wait3A_549 = tpu.memref_squeeze %dma_wait3A_548 : memref<1x100x64xf32, #tpu.memory_space<hbm>> -> memref<100x64xf32, #tpu.memory_space<hbm>>
    %dma_wait3A_550 = arith.constant 0 : i32
    %dma_wait3A_551 = arith.constant 0 : i32
    %dma_wait3A_552 = tpu.memref_slice %arg4[%add3A_492, %dma_wait3A_550, %dma_wait3A_551] : memref<1024x100x64xf32, #tpu.memory_space<hbm>> -> memref<1x100x64xf32, #tpu.memory_space<hbm>>
    %dma_wait3A_553 = tpu.memref_squeeze %dma_wait3A_552 : memref<1x100x64xf32, #tpu.memory_space<hbm>> -> memref<100x64xf32, #tpu.memory_space<hbm>>
    tpu.wait_dma2 semaphore(%arg15 : memref<!tpu.dma_semaphore, #tpu.memory_space<semaphore_mem>>) src(%arg10 : memref<100x64xf32, #tpu.memory_space<vmem>>) dst(%dma_wait3A_553 : memref<100x64xf32, #tpu.memory_space<hbm>>)
    %scan3A_554 = arith.constant 0 : i32
    %scan3A_555 = arith.constant 0 : i32
    %scan3A_556 = arith.constant 100 : i32
    %scan3A_557 = arith.addi %scan3A_555, %scan3A_556 : i32
    %scan3A_558 = arith.constant 1 : i32
    scf.for %scan3A_1218 = %scan3A_555 to %scan3A_557 step %scan3A_558  : i32 {
      %get3A = arith.index_cast %scan3A_1218 : i32 to index
      %get3A_1219 = arith.constant 0 : index
      %get3A_1220 = tpu.vector_load %arg9[%get3A, %get3A_1219] {strides = array<i32>} : memref<100x128xf32, #tpu.memory_space<vmem>>, vector<1x16xf32>,
      %get3A_1221 = vector.shape_cast %get3A_1220 : vector<1x16xf32> to vector<16xf32>
      %swap3A = arith.index_cast %scan3A_1218 : i32 to index
      %swap3A_1222 = arith.constant 0 : index
      %swap3A_1223 = tpu.vector_load %arg10[%swap3A, %swap3A_1222] {strides = array<i32>} : memref<100x64xf32, #tpu.memory_space<vmem>>, vector<1x16xf32>,
      %swap3A_1224 = vector.shape_cast %swap3A_1223 : vector<1x16xf32> to vector<16xf32>
      %swap3A_1225 = vector.shape_cast %get3A_1221 : vector<16xf32> to vector<1x16xf32>
      tpu.vector_store %arg10[%swap3A, %swap3A_1222], %swap3A_1225 {strides = array<i32>} : memref<100x64xf32, #tpu.memory_space<vmem>>, vector<1x16xf32>,
      %get3A_1226 = arith.index_cast %scan3A_1218 : i32 to index
      %get3A_1227 = arith.constant 16 : index
      %get3A_1228 = tpu.vector_load %arg9[%get3A_1226, %get3A_1227] {strides = array<i32>} : memref<100x128xf32, #tpu.memory_space<vmem>>, vector<1x16xf32>,
      %get3A_1229 = vector.shape_cast %get3A_1228 : vector<1x16xf32> to vector<16xf32>
      %swap3A_1230 = arith.index_cast %scan3A_1218 : i32 to index
      %swap3A_1231 = arith.constant 16 : index
      %swap3A_1232 = tpu.vector_load %arg10[%swap3A_1230, %swap3A_1231] {strides = array<i32>} : memref<100x64xf32, #tpu.memory_space<vmem>>, vector<1x16xf32>,
      %swap3A_1233 = vector.shape_cast %swap3A_1232 : vector<1x16xf32> to vector<16xf32>
      %swap3A_1234 = vector.shape_cast %get3A_1229 : vector<16xf32> to vector<1x16xf32>
      tpu.vector_store %arg10[%swap3A_1230, %swap3A_1231], %swap3A_1234 {strides = array<i32>} : memref<100x64xf32, #tpu.memory_space<vmem>>, vector<1x16xf32>,
      %get3A_1235 = arith.index_cast %scan3A_1218 : i32 to index
      %get3A_1236 = arith.constant 32 : index
      %get3A_1237 = tpu.vector_load %arg9[%get3A_1235, %get3A_1236] {strides = array<i32>} : memref<100x128xf32, #tpu.memory_space<vmem>>, vector<1x16xf32>,
      %get3A_1238 = vector.shape_cast %get3A_1237 : vector<1x16xf32> to vector<16xf32>
      %swap3A_1239 = arith.index_cast %scan3A_1218 : i32 to index
      %swap3A_1240 = arith.constant 32 : index
      %swap3A_1241 = tpu.vector_load %arg10[%swap3A_1239, %swap3A_1240] {strides = array<i32>} : memref<100x64xf32, #tpu.memory_space<vmem>>, vector<1x16xf32>,
      %swap3A_1242 = vector.shape_cast %swap3A_1241 : vector<1x16xf32> to vector<16xf32>
      %swap3A_1243 = vector.shape_cast %get3A_1238 : vector<16xf32> to vector<1x16xf32>
      tpu.vector_store %arg10[%swap3A_1239, %swap3A_1240], %swap3A_1243 {strides = array<i32>} : memref<100x64xf32, #tpu.memory_space<vmem>>, vector<1x16xf32>,
      %get3A_1244 = arith.index_cast %scan3A_1218 : i32 to index
      %get3A_1245 = arith.constant 48 : index
      %get3A_1246 = tpu.vector_load %arg9[%get3A_1244, %get3A_1245] {strides = array<i32>} : memref<100x128xf32, #tpu.memory_space<vmem>>, vector<1x16xf32>,
      %get3A_1247 = vector.shape_cast %get3A_1246 : vector<1x16xf32> to vector<16xf32>
      %swap3A_1248 = arith.index_cast %scan3A_1218 : i32 to index
      %swap3A_1249 = arith.constant 48 : index
      %swap3A_1250 = tpu.vector_load %arg10[%swap3A_1248, %swap3A_1249] {strides = array<i32>} : memref<100x64xf32, #tpu.memory_space<vmem>>, vector<1x16xf32>,
      %swap3A_1251 = vector.shape_cast %swap3A_1250 : vector<1x16xf32> to vector<16xf32>
      %swap3A_1252 = vector.shape_cast %get3A_1247 : vector<16xf32> to vector<1x16xf32>
      tpu.vector_store %arg10[%swap3A_1248, %swap3A_1249], %swap3A_1252 {strides = array<i32>} : memref<100x64xf32, #tpu.memory_space<vmem>>, vector<1x16xf32>,
    }
    %scan3A_559 = arith.constant 100 : i32
    %dma_start3A_560 = arith.constant 17 : i32
    %dma_start3A_561 = arith.constant 0 : i32
    %dma_start3A_562 = tpu.memref_slice %arg6[%dma_start3A_560, %dma_start3A_561] : memref<32x100xi32, #tpu.memory_space<vmem>> -> memref<1x100xi32, #tpu.memory_space<vmem>>
    %dma_start3A_563 = tpu.memref_squeeze %dma_start3A_562 : memref<1x100xi32, #tpu.memory_space<vmem>> -> memref<100xi32, #tpu.memory_space<vmem>>
    %dma_start3A_564 = arith.constant 0 : i32
    %dma_start3A_565 = arith.constant 0 : i32
    %dma_start3A_566 = tpu.memref_slice %arg5[%dma_start3A_564, %dma_start3A_565] : memref<1000x128xf32, #tpu.memory_space<vmem_shared>> -> memref<1000x128xf32, #tpu.memory_space<vmem_shared>>
    tpu.enqueue_indirect_dma source(%dma_start3A_566 : memref<1000x128xf32, #tpu.memory_space<vmem_shared>>) target(%arg9 : memref<100x128xf32, #tpu.memory_space<vmem>>) offsets(%dma_start3A_563 : memref<100xi32, #tpu.memory_space<vmem>>) semaphore(%arg14 : memref<!tpu.dma_semaphore, #tpu.memory_space<semaphore_mem>>)
    %add3A_567 = arith.constant 14 : i32
    %add3A_568 = arith.addi %mul3A_4, %add3A_567 : i32
    %dma_start3A_569 = arith.constant 0 : i32
    %dma_start3A_570 = arith.constant 0 : i32
    %dma_start3A_571 = tpu.memref_slice %arg4[%add3A_568, %dma_start3A_569, %dma_start3A_570] : memref<1024x100x64xf32, #tpu.memory_space<hbm>> -> memref<1x100x64xf32, #tpu.memory_space<hbm>>
    %dma_start3A_572 = tpu.memref_squeeze %dma_start3A_571 : memref<1x100x64xf32, #tpu.memory_space<hbm>> -> memref<100x64xf32, #tpu.memory_space<hbm>>
    %dma_start3A_573 = arith.constant 0 : i32
    %dma_start3A_574 = arith.constant 0 : i32
    %dma_start3A_575 = tpu.memref_slice %arg4[%add3A_568, %dma_start3A_573, %dma_start3A_574] : memref<1024x100x64xf32, #tpu.memory_space<hbm>> -> memref<1x100x64xf32, #tpu.memory_space<hbm>>
    %dma_start3A_576 = tpu.memref_squeeze %dma_start3A_575 : memref<1x100x64xf32, #tpu.memory_space<hbm>> -> memref<100x64xf32, #tpu.memory_space<hbm>>
    tpu.enqueue_dma source(%arg10 : memref<100x64xf32, #tpu.memory_space<vmem>>) target(%dma_start3A_576 : memref<100x64xf32, #tpu.memory_space<hbm>>) target_semaphore(%arg15 : memref<!tpu.dma_semaphore, #tpu.memory_space<semaphore_mem>>)
    %dma_wait3A_577 = arith.constant 15 : i32
    %dma_wait3A_578 = arith.constant 0 : i32
    %dma_wait3A_579 = tpu.memref_slice %arg6[%dma_wait3A_577, %dma_wait3A_578] : memref<32x100xi32, #tpu.memory_space<vmem>> -> memref<1x100xi32, #tpu.memory_space<vmem>>
    %dma_wait3A_580 = tpu.memref_squeeze %dma_wait3A_579 : memref<1x100xi32, #tpu.memory_space<vmem>> -> memref<100xi32, #tpu.memory_space<vmem>>
    %dma_wait3A_581 = arith.constant 0 : i32
    %dma_wait3A_582 = arith.constant 0 : i32
    %dma_wait3A_583 = tpu.memref_slice %arg5[%dma_wait3A_581, %dma_wait3A_582] : memref<1000x128xf32, #tpu.memory_space<vmem_shared>> -> memref<1000x128xf32, #tpu.memory_space<vmem_shared>>
    tpu.wait_indirect_dma semaphore(%arg12 : memref<!tpu.dma_semaphore, #tpu.memory_space<semaphore_mem>>) src(%dma_wait3A_583 : memref<1000x128xf32, #tpu.memory_space<vmem_shared>>) dst(%arg7 : memref<100x128xf32, #tpu.memory_space<vmem>>)
    %dma_wait3A_584 = arith.constant 0 : i32
    %dma_wait3A_585 = arith.constant 0 : i32
    %dma_wait3A_586 = tpu.memref_slice %arg4[%add3A_530, %dma_wait3A_584, %dma_wait3A_585] : memref<1024x100x64xf32, #tpu.memory_space<hbm>> -> memref<1x100x64xf32, #tpu.memory_space<hbm>>
    %dma_wait3A_587 = tpu.memref_squeeze %dma_wait3A_586 : memref<1x100x64xf32, #tpu.memory_space<hbm>> -> memref<100x64xf32, #tpu.memory_space<hbm>>
    %dma_wait3A_588 = arith.constant 0 : i32
    %dma_wait3A_589 = arith.constant 0 : i32
    %dma_wait3A_590 = tpu.memref_slice %arg4[%add3A_530, %dma_wait3A_588, %dma_wait3A_589] : memref<1024x100x64xf32, #tpu.memory_space<hbm>> -> memref<1x100x64xf32, #tpu.memory_space<hbm>>
    %dma_wait3A_591 = tpu.memref_squeeze %dma_wait3A_590 : memref<1x100x64xf32, #tpu.memory_space<hbm>> -> memref<100x64xf32, #tpu.memory_space<hbm>>
    tpu.wait_dma2 semaphore(%arg16 : memref<!tpu.dma_semaphore, #tpu.memory_space<semaphore_mem>>) src(%arg11 : memref<100x64xf32, #tpu.memory_space<vmem>>) dst(%dma_wait3A_591 : memref<100x64xf32, #tpu.memory_space<hbm>>)
    %scan3A_592 = arith.constant 0 : i32
    %scan3A_593 = arith.constant 0 : i32
    %scan3A_594 = arith.constant 100 : i32
    %scan3A_595 = arith.addi %scan3A_593, %scan3A_594 : i32
    %scan3A_596 = arith.constant 1 : i32
    scf.for %scan3A_1218 = %scan3A_593 to %scan3A_595 step %scan3A_596  : i32 {
      %get3A = arith.index_cast %scan3A_1218 : i32 to index
      %get3A_1219 = arith.constant 0 : index
      %get3A_1220 = tpu.vector_load %arg7[%get3A, %get3A_1219] {strides = array<i32>} : memref<100x128xf32, #tpu.memory_space<vmem>>, vector<1x16xf32>,
      %get3A_1221 = vector.shape_cast %get3A_1220 : vector<1x16xf32> to vector<16xf32>
      %swap3A = arith.index_cast %scan3A_1218 : i32 to index
      %swap3A_1222 = arith.constant 0 : index
      %swap3A_1223 = tpu.vector_load %arg11[%swap3A, %swap3A_1222] {strides = array<i32>} : memref<100x64xf32, #tpu.memory_space<vmem>>, vector<1x16xf32>,
      %swap3A_1224 = vector.shape_cast %swap3A_1223 : vector<1x16xf32> to vector<16xf32>
      %swap3A_1225 = vector.shape_cast %get3A_1221 : vector<16xf32> to vector<1x16xf32>
      tpu.vector_store %arg11[%swap3A, %swap3A_1222], %swap3A_1225 {strides = array<i32>} : memref<100x64xf32, #tpu.memory_space<vmem>>, vector<1x16xf32>,
      %get3A_1226 = arith.index_cast %scan3A_1218 : i32 to index
      %get3A_1227 = arith.constant 16 : index
      %get3A_1228 = tpu.vector_load %arg7[%get3A_1226, %get3A_1227] {strides = array<i32>} : memref<100x128xf32, #tpu.memory_space<vmem>>, vector<1x16xf32>,
      %get3A_1229 = vector.shape_cast %get3A_1228 : vector<1x16xf32> to vector<16xf32>
      %swap3A_1230 = arith.index_cast %scan3A_1218 : i32 to index
      %swap3A_1231 = arith.constant 16 : index
      %swap3A_1232 = tpu.vector_load %arg11[%swap3A_1230, %swap3A_1231] {strides = array<i32>} : memref<100x64xf32, #tpu.memory_space<vmem>>, vector<1x16xf32>,
      %swap3A_1233 = vector.shape_cast %swap3A_1232 : vector<1x16xf32> to vector<16xf32>
      %swap3A_1234 = vector.shape_cast %get3A_1229 : vector<16xf32> to vector<1x16xf32>
      tpu.vector_store %arg11[%swap3A_1230, %swap3A_1231], %swap3A_1234 {strides = array<i32>} : memref<100x64xf32, #tpu.memory_space<vmem>>, vector<1x16xf32>,
      %get3A_1235 = arith.index_cast %scan3A_1218 : i32 to index
      %get3A_1236 = arith.constant 32 : index
      %get3A_1237 = tpu.vector_load %arg7[%get3A_1235, %get3A_1236] {strides = array<i32>} : memref<100x128xf32, #tpu.memory_space<vmem>>, vector<1x16xf32>,
      %get3A_1238 = vector.shape_cast %get3A_1237 : vector<1x16xf32> to vector<16xf32>
      %swap3A_1239 = arith.index_cast %scan3A_1218 : i32 to index
      %swap3A_1240 = arith.constant 32 : index
      %swap3A_1241 = tpu.vector_load %arg11[%swap3A_1239, %swap3A_1240] {strides = array<i32>} : memref<100x64xf32, #tpu.memory_space<vmem>>, vector<1x16xf32>,
      %swap3A_1242 = vector.shape_cast %swap3A_1241 : vector<1x16xf32> to vector<16xf32>
      %swap3A_1243 = vector.shape_cast %get3A_1238 : vector<16xf32> to vector<1x16xf32>
      tpu.vector_store %arg11[%swap3A_1239, %swap3A_1240], %swap3A_1243 {strides = array<i32>} : memref<100x64xf32, #tpu.memory_space<vmem>>, vector<1x16xf32>,
      %get3A_1244 = arith.index_cast %scan3A_1218 : i32 to index
      %get3A_1245 = arith.constant 48 : index
      %get3A_1246 = tpu.vector_load %arg7[%get3A_1244, %get3A_1245] {strides = array<i32>} : memref<100x128xf32, #tpu.memory_space<vmem>>, vector<1x16xf32>,
      %get3A_1247 = vector.shape_cast %get3A_1246 : vector<1x16xf32> to vector<16xf32>
      %swap3A_1248 = arith.index_cast %scan3A_1218 : i32 to index
      %swap3A_1249 = arith.constant 48 : index
      %swap3A_1250 = tpu.vector_load %arg11[%swap3A_1248, %swap3A_1249] {strides = array<i32>} : memref<100x64xf32, #tpu.memory_space<vmem>>, vector<1x16xf32>,
      %swap3A_1251 = vector.shape_cast %swap3A_1250 : vector<1x16xf32> to vector<16xf32>
      %swap3A_1252 = vector.shape_cast %get3A_1247 : vector<16xf32> to vector<1x16xf32>
      tpu.vector_store %arg11[%swap3A_1248, %swap3A_1249], %swap3A_1252 {strides = array<i32>} : memref<100x64xf32, #tpu.memory_space<vmem>>, vector<1x16xf32>,
    }
    %scan3A_597 = arith.constant 100 : i32
    %dma_start3A_598 = arith.constant 18 : i32
    %dma_start3A_599 = arith.constant 0 : i32
    %dma_start3A_600 = tpu.memref_slice %arg6[%dma_start3A_598, %dma_start3A_599] : memref<32x100xi32, #tpu.memory_space<vmem>> -> memref<1x100xi32, #tpu.memory_space<vmem>>
    %dma_start3A_601 = tpu.memref_squeeze %dma_start3A_600 : memref<1x100xi32, #tpu.memory_space<vmem>> -> memref<100xi32, #tpu.memory_space<vmem>>
    %dma_start3A_602 = arith.constant 0 : i32
    %dma_start3A_603 = arith.constant 0 : i32
    %dma_start3A_604 = tpu.memref_slice %arg5[%dma_start3A_602, %dma_start3A_603] : memref<1000x128xf32, #tpu.memory_space<vmem_shared>> -> memref<1000x128xf32, #tpu.memory_space<vmem_shared>>
    tpu.enqueue_indirect_dma source(%dma_start3A_604 : memref<1000x128xf32, #tpu.memory_space<vmem_shared>>) target(%arg7 : memref<100x128xf32, #tpu.memory_space<vmem>>) offsets(%dma_start3A_601 : memref<100xi32, #tpu.memory_space<vmem>>) semaphore(%arg12 : memref<!tpu.dma_semaphore, #tpu.memory_space<semaphore_mem>>)
    %add3A_605 = arith.constant 15 : i32
    %add3A_606 = arith.addi %mul3A_4, %add3A_605 : i32
    %dma_start3A_607 = arith.constant 0 : i32
    %dma_start3A_608 = arith.constant 0 : i32
    %dma_start3A_609 = tpu.memref_slice %arg4[%add3A_606, %dma_start3A_607, %dma_start3A_608] : memref<1024x100x64xf32, #tpu.memory_space<hbm>> -> memref<1x100x64xf32, #tpu.memory_space<hbm>>
    %dma_start3A_610 = tpu.memref_squeeze %dma_start3A_609 : memref<1x100x64xf32, #tpu.memory_space<hbm>> -> memref<100x64xf32, #tpu.memory_space<hbm>>
    %dma_start3A_611 = arith.constant 0 : i32
    %dma_start3A_612 = arith.constant 0 : i32
    %dma_start3A_613 = tpu.memref_slice %arg4[%add3A_606, %dma_start3A_611, %dma_start3A_612] : memref<1024x100x64xf32, #tpu.memory_space<hbm>> -> memref<1x100x64xf32, #tpu.memory_space<hbm>>
    %dma_start3A_614 = tpu.memref_squeeze %dma_start3A_613 : memref<1x100x64xf32, #tpu.memory_space<hbm>> -> memref<100x64xf32, #tpu.memory_space<hbm>>
    tpu.enqueue_dma source(%arg11 : memref<100x64xf32, #tpu.memory_space<vmem>>) target(%dma_start3A_614 : memref<100x64xf32, #tpu.memory_space<hbm>>) target_semaphore(%arg16 : memref<!tpu.dma_semaphore, #tpu.memory_space<semaphore_mem>>)
    %dma_wait3A_615 = arith.constant 16 : i32
    %dma_wait3A_616 = arith.constant 0 : i32
    %dma_wait3A_617 = tpu.memref_slice %arg6[%dma_wait3A_615, %dma_wait3A_616] : memref<32x100xi32, #tpu.memory_space<vmem>> -> memref<1x100xi32, #tpu.memory_space<vmem>>
    %dma_wait3A_618 = tpu.memref_squeeze %dma_wait3A_617 : memref<1x100xi32, #tpu.memory_space<vmem>> -> memref<100xi32, #tpu.memory_space<vmem>>
    %dma_wait3A_619 = arith.constant 0 : i32
    %dma_wait3A_620 = arith.constant 0 : i32
    %dma_wait3A_621 = tpu.memref_slice %arg5[%dma_wait3A_619, %dma_wait3A_620] : memref<1000x128xf32, #tpu.memory_space<vmem_shared>> -> memref<1000x128xf32, #tpu.memory_space<vmem_shared>>
    tpu.wait_indirect_dma semaphore(%arg13 : memref<!tpu.dma_semaphore, #tpu.memory_space<semaphore_mem>>) src(%dma_wait3A_621 : memref<1000x128xf32, #tpu.memory_space<vmem_shared>>) dst(%arg8 : memref<100x128xf32, #tpu.memory_space<vmem>>)
    %dma_wait3A_622 = arith.constant 0 : i32
    %dma_wait3A_623 = arith.constant 0 : i32
    %dma_wait3A_624 = tpu.memref_slice %arg4[%add3A_568, %dma_wait3A_622, %dma_wait3A_623] : memref<1024x100x64xf32, #tpu.memory_space<hbm>> -> memref<1x100x64xf32, #tpu.memory_space<hbm>>
    %dma_wait3A_625 = tpu.memref_squeeze %dma_wait3A_624 : memref<1x100x64xf32, #tpu.memory_space<hbm>> -> memref<100x64xf32, #tpu.memory_space<hbm>>
    %dma_wait3A_626 = arith.constant 0 : i32
    %dma_wait3A_627 = arith.constant 0 : i32
    %dma_wait3A_628 = tpu.memref_slice %arg4[%add3A_568, %dma_wait3A_626, %dma_wait3A_627] : memref<1024x100x64xf32, #tpu.memory_space<hbm>> -> memref<1x100x64xf32, #tpu.memory_space<hbm>>
    %dma_wait3A_629 = tpu.memref_squeeze %dma_wait3A_628 : memref<1x100x64xf32, #tpu.memory_space<hbm>> -> memref<100x64xf32, #tpu.memory_space<hbm>>
    tpu.wait_dma2 semaphore(%arg15 : memref<!tpu.dma_semaphore, #tpu.memory_space<semaphore_mem>>) src(%arg10 : memref<100x64xf32, #tpu.memory_space<vmem>>) dst(%dma_wait3A_629 : memref<100x64xf32, #tpu.memory_space<hbm>>)
    %scan3A_630 = arith.constant 0 : i32
    %scan3A_631 = arith.constant 0 : i32
    %scan3A_632 = arith.constant 100 : i32
    %scan3A_633 = arith.addi %scan3A_631, %scan3A_632 : i32
    %scan3A_634 = arith.constant 1 : i32
    scf.for %scan3A_1218 = %scan3A_631 to %scan3A_633 step %scan3A_634  : i32 {
      %get3A = arith.index_cast %scan3A_1218 : i32 to index
      %get3A_1219 = arith.constant 0 : index
      %get3A_1220 = tpu.vector_load %arg8[%get3A, %get3A_1219] {strides = array<i32>} : memref<100x128xf32, #tpu.memory_space<vmem>>, vector<1x16xf32>,
      %get3A_1221 = vector.shape_cast %get3A_1220 : vector<1x16xf32> to vector<16xf32>
      %swap3A = arith.index_cast %scan3A_1218 : i32 to index
      %swap3A_1222 = arith.constant 0 : index
      %swap3A_1223 = tpu.vector_load %arg10[%swap3A, %swap3A_1222] {strides = array<i32>} : memref<100x64xf32, #tpu.memory_space<vmem>>, vector<1x16xf32>,
      %swap3A_1224 = vector.shape_cast %swap3A_1223 : vector<1x16xf32> to vector<16xf32>
      %swap3A_1225 = vector.shape_cast %get3A_1221 : vector<16xf32> to vector<1x16xf32>
      tpu.vector_store %arg10[%swap3A, %swap3A_1222], %swap3A_1225 {strides = array<i32>} : memref<100x64xf32, #tpu.memory_space<vmem>>, vector<1x16xf32>,
      %get3A_1226 = arith.index_cast %scan3A_1218 : i32 to index
      %get3A_1227 = arith.constant 16 : index
      %get3A_1228 = tpu.vector_load %arg8[%get3A_1226, %get3A_1227] {strides = array<i32>} : memref<100x128xf32, #tpu.memory_space<vmem>>, vector<1x16xf32>,
      %get3A_1229 = vector.shape_cast %get3A_1228 : vector<1x16xf32> to vector<16xf32>
      %swap3A_1230 = arith.index_cast %scan3A_1218 : i32 to index
      %swap3A_1231 = arith.constant 16 : index
      %swap3A_1232 = tpu.vector_load %arg10[%swap3A_1230, %swap3A_1231] {strides = array<i32>} : memref<100x64xf32, #tpu.memory_space<vmem>>, vector<1x16xf32>,
      %swap3A_1233 = vector.shape_cast %swap3A_1232 : vector<1x16xf32> to vector<16xf32>
      %swap3A_1234 = vector.shape_cast %get3A_1229 : vector<16xf32> to vector<1x16xf32>
      tpu.vector_store %arg10[%swap3A_1230, %swap3A_1231], %swap3A_1234 {strides = array<i32>} : memref<100x64xf32, #tpu.memory_space<vmem>>, vector<1x16xf32>,
      %get3A_1235 = arith.index_cast %scan3A_1218 : i32 to index
      %get3A_1236 = arith.constant 32 : index
      %get3A_1237 = tpu.vector_load %arg8[%get3A_1235, %get3A_1236] {strides = array<i32>} : memref<100x128xf32, #tpu.memory_space<vmem>>, vector<1x16xf32>,
      %get3A_1238 = vector.shape_cast %get3A_1237 : vector<1x16xf32> to vector<16xf32>
      %swap3A_1239 = arith.index_cast %scan3A_1218 : i32 to index
      %swap3A_1240 = arith.constant 32 : index
      %swap3A_1241 = tpu.vector_load %arg10[%swap3A_1239, %swap3A_1240] {strides = array<i32>} : memref<100x64xf32, #tpu.memory_space<vmem>>, vector<1x16xf32>,
      %swap3A_1242 = vector.shape_cast %swap3A_1241 : vector<1x16xf32> to vector<16xf32>
      %swap3A_1243 = vector.shape_cast %get3A_1238 : vector<16xf32> to vector<1x16xf32>
      tpu.vector_store %arg10[%swap3A_1239, %swap3A_1240], %swap3A_1243 {strides = array<i32>} : memref<100x64xf32, #tpu.memory_space<vmem>>, vector<1x16xf32>,
      %get3A_1244 = arith.index_cast %scan3A_1218 : i32 to index
      %get3A_1245 = arith.constant 48 : index
      %get3A_1246 = tpu.vector_load %arg8[%get3A_1244, %get3A_1245] {strides = array<i32>} : memref<100x128xf32, #tpu.memory_space<vmem>>, vector<1x16xf32>,
      %get3A_1247 = vector.shape_cast %get3A_1246 : vector<1x16xf32> to vector<16xf32>
      %swap3A_1248 = arith.index_cast %scan3A_1218 : i32 to index
      %swap3A_1249 = arith.constant 48 : index
      %swap3A_1250 = tpu.vector_load %arg10[%swap3A_1248, %swap3A_1249] {strides = array<i32>} : memref<100x64xf32, #tpu.memory_space<vmem>>, vector<1x16xf32>,
      %swap3A_1251 = vector.shape_cast %swap3A_1250 : vector<1x16xf32> to vector<16xf32>
      %swap3A_1252 = vector.shape_cast %get3A_1247 : vector<16xf32> to vector<1x16xf32>
      tpu.vector_store %arg10[%swap3A_1248, %swap3A_1249], %swap3A_1252 {strides = array<i32>} : memref<100x64xf32, #tpu.memory_space<vmem>>, vector<1x16xf32>,
    }
    %scan3A_635 = arith.constant 100 : i32
    %dma_start3A_636 = arith.constant 19 : i32
    %dma_start3A_637 = arith.constant 0 : i32
    %dma_start3A_638 = tpu.memref_slice %arg6[%dma_start3A_636, %dma_start3A_637] : memref<32x100xi32, #tpu.memory_space<vmem>> -> memref<1x100xi32, #tpu.memory_space<vmem>>
    %dma_start3A_639 = tpu.memref_squeeze %dma_start3A_638 : memref<1x100xi32, #tpu.memory_space<vmem>> -> memref<100xi32, #tpu.memory_space<vmem>>
    %dma_start3A_640 = arith.constant 0 : i32
    %dma_start3A_641 = arith.constant 0 : i32
    %dma_start3A_642 = tpu.memref_slice %arg5[%dma_start3A_640, %dma_start3A_641] : memref<1000x128xf32, #tpu.memory_space<vmem_shared>> -> memref<1000x128xf32, #tpu.memory_space<vmem_shared>>
    tpu.enqueue_indirect_dma source(%dma_start3A_642 : memref<1000x128xf32, #tpu.memory_space<vmem_shared>>) target(%arg8 : memref<100x128xf32, #tpu.memory_space<vmem>>) offsets(%dma_start3A_639 : memref<100xi32, #tpu.memory_space<vmem>>) semaphore(%arg13 : memref<!tpu.dma_semaphore, #tpu.memory_space<semaphore_mem>>)
    %add3A_643 = arith.constant 16 : i32
    %add3A_644 = arith.addi %mul3A_4, %add3A_643 : i32
    %dma_start3A_645 = arith.constant 0 : i32
    %dma_start3A_646 = arith.constant 0 : i32
    %dma_start3A_647 = tpu.memref_slice %arg4[%add3A_644, %dma_start3A_645, %dma_start3A_646] : memref<1024x100x64xf32, #tpu.memory_space<hbm>> -> memref<1x100x64xf32, #tpu.memory_space<hbm>>
    %dma_start3A_648 = tpu.memref_squeeze %dma_start3A_647 : memref<1x100x64xf32, #tpu.memory_space<hbm>> -> memref<100x64xf32, #tpu.memory_space<hbm>>
    %dma_start3A_649 = arith.constant 0 : i32
    %dma_start3A_650 = arith.constant 0 : i32
    %dma_start3A_651 = tpu.memref_slice %arg4[%add3A_644, %dma_start3A_649, %dma_start3A_650] : memref<1024x100x64xf32, #tpu.memory_space<hbm>> -> memref<1x100x64xf32, #tpu.memory_space<hbm>>
    %dma_start3A_652 = tpu.memref_squeeze %dma_start3A_651 : memref<1x100x64xf32, #tpu.memory_space<hbm>> -> memref<100x64xf32, #tpu.memory_space<hbm>>
    tpu.enqueue_dma source(%arg10 : memref<100x64xf32, #tpu.memory_space<vmem>>) target(%dma_start3A_652 : memref<100x64xf32, #tpu.memory_space<hbm>>) target_semaphore(%arg15 : memref<!tpu.dma_semaphore, #tpu.memory_space<semaphore_mem>>)
    %dma_wait3A_653 = arith.constant 17 : i32
    %dma_wait3A_654 = arith.constant 0 : i32
    %dma_wait3A_655 = tpu.memref_slice %arg6[%dma_wait3A_653, %dma_wait3A_654] : memref<32x100xi32, #tpu.memory_space<vmem>> -> memref<1x100xi32, #tpu.memory_space<vmem>>
    %dma_wait3A_656 = tpu.memref_squeeze %dma_wait3A_655 : memref<1x100xi32, #tpu.memory_space<vmem>> -> memref<100xi32, #tpu.memory_space<vmem>>
    %dma_wait3A_657 = arith.constant 0 : i32
    %dma_wait3A_658 = arith.constant 0 : i32
    %dma_wait3A_659 = tpu.memref_slice %arg5[%dma_wait3A_657, %dma_wait3A_658] : memref<1000x128xf32, #tpu.memory_space<vmem_shared>> -> memref<1000x128xf32, #tpu.memory_space<vmem_shared>>
    tpu.wait_indirect_dma semaphore(%arg14 : memref<!tpu.dma_semaphore, #tpu.memory_space<semaphore_mem>>) src(%dma_wait3A_659 : memref<1000x128xf32, #tpu.memory_space<vmem_shared>>) dst(%arg9 : memref<100x128xf32, #tpu.memory_space<vmem>>)
    %dma_wait3A_660 = arith.constant 0 : i32
    %dma_wait3A_661 = arith.constant 0 : i32
    %dma_wait3A_662 = tpu.memref_slice %arg4[%add3A_606, %dma_wait3A_660, %dma_wait3A_661] : memref<1024x100x64xf32, #tpu.memory_space<hbm>> -> memref<1x100x64xf32, #tpu.memory_space<hbm>>
    %dma_wait3A_663 = tpu.memref_squeeze %dma_wait3A_662 : memref<1x100x64xf32, #tpu.memory_space<hbm>> -> memref<100x64xf32, #tpu.memory_space<hbm>>
    %dma_wait3A_664 = arith.constant 0 : i32
    %dma_wait3A_665 = arith.constant 0 : i32
    %dma_wait3A_666 = tpu.memref_slice %arg4[%add3A_606, %dma_wait3A_664, %dma_wait3A_665] : memref<1024x100x64xf32, #tpu.memory_space<hbm>> -> memref<1x100x64xf32, #tpu.memory_space<hbm>>
    %dma_wait3A_667 = tpu.memref_squeeze %dma_wait3A_666 : memref<1x100x64xf32, #tpu.memory_space<hbm>> -> memref<100x64xf32, #tpu.memory_space<hbm>>
    tpu.wait_dma2 semaphore(%arg16 : memref<!tpu.dma_semaphore, #tpu.memory_space<semaphore_mem>>) src(%arg11 : memref<100x64xf32, #tpu.memory_space<vmem>>) dst(%dma_wait3A_667 : memref<100x64xf32, #tpu.memory_space<hbm>>)
    %scan3A_668 = arith.constant 0 : i32
    %scan3A_669 = arith.constant 0 : i32
    %scan3A_670 = arith.constant 100 : i32
    %scan3A_671 = arith.addi %scan3A_669, %scan3A_670 : i32
    %scan3A_672 = arith.constant 1 : i32
    scf.for %scan3A_1218 = %scan3A_669 to %scan3A_671 step %scan3A_672  : i32 {
      %get3A = arith.index_cast %scan3A_1218 : i32 to index
      %get3A_1219 = arith.constant 0 : index
      %get3A_1220 = tpu.vector_load %arg9[%get3A, %get3A_1219] {strides = array<i32>} : memref<100x128xf32, #tpu.memory_space<vmem>>, vector<1x16xf32>,
      %get3A_1221 = vector.shape_cast %get3A_1220 : vector<1x16xf32> to vector<16xf32>
      %swap3A = arith.index_cast %scan3A_1218 : i32 to index
      %swap3A_1222 = arith.constant 0 : index
      %swap3A_1223 = tpu.vector_load %arg11[%swap3A, %swap3A_1222] {strides = array<i32>} : memref<100x64xf32, #tpu.memory_space<vmem>>, vector<1x16xf32>,
      %swap3A_1224 = vector.shape_cast %swap3A_1223 : vector<1x16xf32> to vector<16xf32>
      %swap3A_1225 = vector.shape_cast %get3A_1221 : vector<16xf32> to vector<1x16xf32>
      tpu.vector_store %arg11[%swap3A, %swap3A_1222], %swap3A_1225 {strides = array<i32>} : memref<100x64xf32, #tpu.memory_space<vmem>>, vector<1x16xf32>,
      %get3A_1226 = arith.index_cast %scan3A_1218 : i32 to index
      %get3A_1227 = arith.constant 16 : index
      %get3A_1228 = tpu.vector_load %arg9[%get3A_1226, %get3A_1227] {strides = array<i32>} : memref<100x128xf32, #tpu.memory_space<vmem>>, vector<1x16xf32>,
      %get3A_1229 = vector.shape_cast %get3A_1228 : vector<1x16xf32> to vector<16xf32>
      %swap3A_1230 = arith.index_cast %scan3A_1218 : i32 to index
      %swap3A_1231 = arith.constant 16 : index
      %swap3A_1232 = tpu.vector_load %arg11[%swap3A_1230, %swap3A_1231] {strides = array<i32>} : memref<100x64xf32, #tpu.memory_space<vmem>>, vector<1x16xf32>,
      %swap3A_1233 = vector.shape_cast %swap3A_1232 : vector<1x16xf32> to vector<16xf32>
      %swap3A_1234 = vector.shape_cast %get3A_1229 : vector<16xf32> to vector<1x16xf32>
      tpu.vector_store %arg11[%swap3A_1230, %swap3A_1231], %swap3A_1234 {strides = array<i32>} : memref<100x64xf32, #tpu.memory_space<vmem>>, vector<1x16xf32>,
      %get3A_1235 = arith.index_cast %scan3A_1218 : i32 to index
      %get3A_1236 = arith.constant 32 : index
      %get3A_1237 = tpu.vector_load %arg9[%get3A_1235, %get3A_1236] {strides = array<i32>} : memref<100x128xf32, #tpu.memory_space<vmem>>, vector<1x16xf32>,
      %get3A_1238 = vector.shape_cast %get3A_1237 : vector<1x16xf32> to vector<16xf32>
      %swap3A_1239 = arith.index_cast %scan3A_1218 : i32 to index
      %swap3A_1240 = arith.constant 32 : index
      %swap3A_1241 = tpu.vector_load %arg11[%swap3A_1239, %swap3A_1240] {strides = array<i32>} : memref<100x64xf32, #tpu.memory_space<vmem>>, vector<1x16xf32>,
      %swap3A_1242 = vector.shape_cast %swap3A_1241 : vector<1x16xf32> to vector<16xf32>
      %swap3A_1243 = vector.shape_cast %get3A_1238 : vector<16xf32> to vector<1x16xf32>
      tpu.vector_store %arg11[%swap3A_1239, %swap3A_1240], %swap3A_1243 {strides = array<i32>} : memref<100x64xf32, #tpu.memory_space<vmem>>, vector<1x16xf32>,
      %get3A_1244 = arith.index_cast %scan3A_1218 : i32 to index
      %get3A_1245 = arith.constant 48 : index
      %get3A_1246 = tpu.vector_load %arg9[%get3A_1244, %get3A_1245] {strides = array<i32>} : memref<100x128xf32, #tpu.memory_space<vmem>>, vector<1x16xf32>,
      %get3A_1247 = vector.shape_cast %get3A_1246 : vector<1x16xf32> to vector<16xf32>
      %swap3A_1248 = arith.index_cast %scan3A_1218 : i32 to index
      %swap3A_1249 = arith.constant 48 : index
      %swap3A_1250 = tpu.vector_load %arg11[%swap3A_1248, %swap3A_1249] {strides = array<i32>} : memref<100x64xf32, #tpu.memory_space<vmem>>, vector<1x16xf32>,
      %swap3A_1251 = vector.shape_cast %swap3A_1250 : vector<1x16xf32> to vector<16xf32>
      %swap3A_1252 = vector.shape_cast %get3A_1247 : vector<16xf32> to vector<1x16xf32>
      tpu.vector_store %arg11[%swap3A_1248, %swap3A_1249], %swap3A_1252 {strides = array<i32>} : memref<100x64xf32, #tpu.memory_space<vmem>>, vector<1x16xf32>,
    }
    %scan3A_673 = arith.constant 100 : i32
    %dma_start3A_674 = arith.constant 20 : i32
    %dma_start3A_675 = arith.constant 0 : i32
    %dma_start3A_676 = tpu.memref_slice %arg6[%dma_start3A_674, %dma_start3A_675] : memref<32x100xi32, #tpu.memory_space<vmem>> -> memref<1x100xi32, #tpu.memory_space<vmem>>
    %dma_start3A_677 = tpu.memref_squeeze %dma_start3A_676 : memref<1x100xi32, #tpu.memory_space<vmem>> -> memref<100xi32, #tpu.memory_space<vmem>>
    %dma_start3A_678 = arith.constant 0 : i32
    %dma_start3A_679 = arith.constant 0 : i32
    %dma_start3A_680 = tpu.memref_slice %arg5[%dma_start3A_678, %dma_start3A_679] : memref<1000x128xf32, #tpu.memory_space<vmem_shared>> -> memref<1000x128xf32, #tpu.memory_space<vmem_shared>>
    tpu.enqueue_indirect_dma source(%dma_start3A_680 : memref<1000x128xf32, #tpu.memory_space<vmem_shared>>) target(%arg9 : memref<100x128xf32, #tpu.memory_space<vmem>>) offsets(%dma_start3A_677 : memref<100xi32, #tpu.memory_space<vmem>>) semaphore(%arg14 : memref<!tpu.dma_semaphore, #tpu.memory_space<semaphore_mem>>)
    %add3A_681 = arith.constant 17 : i32
    %add3A_682 = arith.addi %mul3A_4, %add3A_681 : i32
    %dma_start3A_683 = arith.constant 0 : i32
    %dma_start3A_684 = arith.constant 0 : i32
    %dma_start3A_685 = tpu.memref_slice %arg4[%add3A_682, %dma_start3A_683, %dma_start3A_684] : memref<1024x100x64xf32, #tpu.memory_space<hbm>> -> memref<1x100x64xf32, #tpu.memory_space<hbm>>
    %dma_start3A_686 = tpu.memref_squeeze %dma_start3A_685 : memref<1x100x64xf32, #tpu.memory_space<hbm>> -> memref<100x64xf32, #tpu.memory_space<hbm>>
    %dma_start3A_687 = arith.constant 0 : i32
    %dma_start3A_688 = arith.constant 0 : i32
    %dma_start3A_689 = tpu.memref_slice %arg4[%add3A_682, %dma_start3A_687, %dma_start3A_688] : memref<1024x100x64xf32, #tpu.memory_space<hbm>> -> memref<1x100x64xf32, #tpu.memory_space<hbm>>
    %dma_start3A_690 = tpu.memref_squeeze %dma_start3A_689 : memref<1x100x64xf32, #tpu.memory_space<hbm>> -> memref<100x64xf32, #tpu.memory_space<hbm>>
    tpu.enqueue_dma source(%arg11 : memref<100x64xf32, #tpu.memory_space<vmem>>) target(%dma_start3A_690 : memref<100x64xf32, #tpu.memory_space<hbm>>) target_semaphore(%arg16 : memref<!tpu.dma_semaphore, #tpu.memory_space<semaphore_mem>>)
    %dma_wait3A_691 = arith.constant 18 : i32
    %dma_wait3A_692 = arith.constant 0 : i32
    %dma_wait3A_693 = tpu.memref_slice %arg6[%dma_wait3A_691, %dma_wait3A_692] : memref<32x100xi32, #tpu.memory_space<vmem>> -> memref<1x100xi32, #tpu.memory_space<vmem>>
    %dma_wait3A_694 = tpu.memref_squeeze %dma_wait3A_693 : memref<1x100xi32, #tpu.memory_space<vmem>> -> memref<100xi32, #tpu.memory_space<vmem>>
    %dma_wait3A_695 = arith.constant 0 : i32
    %dma_wait3A_696 = arith.constant 0 : i32
    %dma_wait3A_697 = tpu.memref_slice %arg5[%dma_wait3A_695, %dma_wait3A_696] : memref<1000x128xf32, #tpu.memory_space<vmem_shared>> -> memref<1000x128xf32, #tpu.memory_space<vmem_shared>>
    tpu.wait_indirect_dma semaphore(%arg12 : memref<!tpu.dma_semaphore, #tpu.memory_space<semaphore_mem>>) src(%dma_wait3A_697 : memref<1000x128xf32, #tpu.memory_space<vmem_shared>>) dst(%arg7 : memref<100x128xf32, #tpu.memory_space<vmem>>)
    %dma_wait3A_698 = arith.constant 0 : i32
    %dma_wait3A_699 = arith.constant 0 : i32
    %dma_wait3A_700 = tpu.memref_slice %arg4[%add3A_644, %dma_wait3A_698, %dma_wait3A_699] : memref<1024x100x64xf32, #tpu.memory_space<hbm>> -> memref<1x100x64xf32, #tpu.memory_space<hbm>>
    %dma_wait3A_701 = tpu.memref_squeeze %dma_wait3A_700 : memref<1x100x64xf32, #tpu.memory_space<hbm>> -> memref<100x64xf32, #tpu.memory_space<hbm>>
    %dma_wait3A_702 = arith.constant 0 : i32
    %dma_wait3A_703 = arith.constant 0 : i32
    %dma_wait3A_704 = tpu.memref_slice %arg4[%add3A_644, %dma_wait3A_702, %dma_wait3A_703] : memref<1024x100x64xf32, #tpu.memory_space<hbm>> -> memref<1x100x64xf32, #tpu.memory_space<hbm>>
    %dma_wait3A_705 = tpu.memref_squeeze %dma_wait3A_704 : memref<1x100x64xf32, #tpu.memory_space<hbm>> -> memref<100x64xf32, #tpu.memory_space<hbm>>
    tpu.wait_dma2 semaphore(%arg15 : memref<!tpu.dma_semaphore, #tpu.memory_space<semaphore_mem>>) src(%arg10 : memref<100x64xf32, #tpu.memory_space<vmem>>) dst(%dma_wait3A_705 : memref<100x64xf32, #tpu.memory_space<hbm>>)
    %scan3A_706 = arith.constant 0 : i32
    %scan3A_707 = arith.constant 0 : i32
    %scan3A_708 = arith.constant 100 : i32
    %scan3A_709 = arith.addi %scan3A_707, %scan3A_708 : i32
    %scan3A_710 = arith.constant 1 : i32
    scf.for %scan3A_1218 = %scan3A_707 to %scan3A_709 step %scan3A_710  : i32 {
      %get3A = arith.index_cast %scan3A_1218 : i32 to index
      %get3A_1219 = arith.constant 0 : index
      %get3A_1220 = tpu.vector_load %arg7[%get3A, %get3A_1219] {strides = array<i32>} : memref<100x128xf32, #tpu.memory_space<vmem>>, vector<1x16xf32>,
      %get3A_1221 = vector.shape_cast %get3A_1220 : vector<1x16xf32> to vector<16xf32>
      %swap3A = arith.index_cast %scan3A_1218 : i32 to index
      %swap3A_1222 = arith.constant 0 : index
      %swap3A_1223 = tpu.vector_load %arg10[%swap3A, %swap3A_1222] {strides = array<i32>} : memref<100x64xf32, #tpu.memory_space<vmem>>, vector<1x16xf32>,
      %swap3A_1224 = vector.shape_cast %swap3A_1223 : vector<1x16xf32> to vector<16xf32>
      %swap3A_1225 = vector.shape_cast %get3A_1221 : vector<16xf32> to vector<1x16xf32>
      tpu.vector_store %arg10[%swap3A, %swap3A_1222], %swap3A_1225 {strides = array<i32>} : memref<100x64xf32, #tpu.memory_space<vmem>>, vector<1x16xf32>,
      %get3A_1226 = arith.index_cast %scan3A_1218 : i32 to index
      %get3A_1227 = arith.constant 16 : index
      %get3A_1228 = tpu.vector_load %arg7[%get3A_1226, %get3A_1227] {strides = array<i32>} : memref<100x128xf32, #tpu.memory_space<vmem>>, vector<1x16xf32>,
      %get3A_1229 = vector.shape_cast %get3A_1228 : vector<1x16xf32> to vector<16xf32>
      %swap3A_1230 = arith.index_cast %scan3A_1218 : i32 to index
      %swap3A_1231 = arith.constant 16 : index
      %swap3A_1232 = tpu.vector_load %arg10[%swap3A_1230, %swap3A_1231] {strides = array<i32>} : memref<100x64xf32, #tpu.memory_space<vmem>>, vector<1x16xf32>,
      %swap3A_1233 = vector.shape_cast %swap3A_1232 : vector<1x16xf32> to vector<16xf32>
      %swap3A_1234 = vector.shape_cast %get3A_1229 : vector<16xf32> to vector<1x16xf32>
      tpu.vector_store %arg10[%swap3A_1230, %swap3A_1231], %swap3A_1234 {strides = array<i32>} : memref<100x64xf32, #tpu.memory_space<vmem>>, vector<1x16xf32>,
      %get3A_1235 = arith.index_cast %scan3A_1218 : i32 to index
      %get3A_1236 = arith.constant 32 : index
      %get3A_1237 = tpu.vector_load %arg7[%get3A_1235, %get3A_1236] {strides = array<i32>} : memref<100x128xf32, #tpu.memory_space<vmem>>, vector<1x16xf32>,
      %get3A_1238 = vector.shape_cast %get3A_1237 : vector<1x16xf32> to vector<16xf32>
      %swap3A_1239 = arith.index_cast %scan3A_1218 : i32 to index
      %swap3A_1240 = arith.constant 32 : index
      %swap3A_1241 = tpu.vector_load %arg10[%swap3A_1239, %swap3A_1240] {strides = array<i32>} : memref<100x64xf32, #tpu.memory_space<vmem>>, vector<1x16xf32>,
      %swap3A_1242 = vector.shape_cast %swap3A_1241 : vector<1x16xf32> to vector<16xf32>
      %swap3A_1243 = vector.shape_cast %get3A_1238 : vector<16xf32> to vector<1x16xf32>
      tpu.vector_store %arg10[%swap3A_1239, %swap3A_1240], %swap3A_1243 {strides = array<i32>} : memref<100x64xf32, #tpu.memory_space<vmem>>, vector<1x16xf32>,
      %get3A_1244 = arith.index_cast %scan3A_1218 : i32 to index
      %get3A_1245 = arith.constant 48 : index
      %get3A_1246 = tpu.vector_load %arg7[%get3A_1244, %get3A_1245] {strides = array<i32>} : memref<100x128xf32, #tpu.memory_space<vmem>>, vector<1x16xf32>,
      %get3A_1247 = vector.shape_cast %get3A_1246 : vector<1x16xf32> to vector<16xf32>
      %swap3A_1248 = arith.index_cast %scan3A_1218 : i32 to index
      %swap3A_1249 = arith.constant 48 : index
      %swap3A_1250 = tpu.vector_load %arg10[%swap3A_1248, %swap3A_1249] {strides = array<i32>} : memref<100x64xf32, #tpu.memory_space<vmem>>, vector<1x16xf32>,
      %swap3A_1251 = vector.shape_cast %swap3A_1250 : vector<1x16xf32> to vector<16xf32>
      %swap3A_1252 = vector.shape_cast %get3A_1247 : vector<16xf32> to vector<1x16xf32>
      tpu.vector_store %arg10[%swap3A_1248, %swap3A_1249], %swap3A_1252 {strides = array<i32>} : memref<100x64xf32, #tpu.memory_space<vmem>>, vector<1x16xf32>,
    }
    %scan3A_711 = arith.constant 100 : i32
    %dma_start3A_712 = arith.constant 21 : i32
    %dma_start3A_713 = arith.constant 0 : i32
    %dma_start3A_714 = tpu.memref_slice %arg6[%dma_start3A_712, %dma_start3A_713] : memref<32x100xi32, #tpu.memory_space<vmem>> -> memref<1x100xi32, #tpu.memory_space<vmem>>
    %dma_start3A_715 = tpu.memref_squeeze %dma_start3A_714 : memref<1x100xi32, #tpu.memory_space<vmem>> -> memref<100xi32, #tpu.memory_space<vmem>>
    %dma_start3A_716 = arith.constant 0 : i32
    %dma_start3A_717 = arith.constant 0 : i32
    %dma_start3A_718 = tpu.memref_slice %arg5[%dma_start3A_716, %dma_start3A_717] : memref<1000x128xf32, #tpu.memory_space<vmem_shared>> -> memref<1000x128xf32, #tpu.memory_space<vmem_shared>>
    tpu.enqueue_indirect_dma source(%dma_start3A_718 : memref<1000x128xf32, #tpu.memory_space<vmem_shared>>) target(%arg7 : memref<100x128xf32, #tpu.memory_space<vmem>>) offsets(%dma_start3A_715 : memref<100xi32, #tpu.memory_space<vmem>>) semaphore(%arg12 : memref<!tpu.dma_semaphore, #tpu.memory_space<semaphore_mem>>)
    %add3A_719 = arith.constant 18 : i32
    %add3A_720 = arith.addi %mul3A_4, %add3A_719 : i32
    %dma_start3A_721 = arith.constant 0 : i32
    %dma_start3A_722 = arith.constant 0 : i32
    %dma_start3A_723 = tpu.memref_slice %arg4[%add3A_720, %dma_start3A_721, %dma_start3A_722] : memref<1024x100x64xf32, #tpu.memory_space<hbm>> -> memref<1x100x64xf32, #tpu.memory_space<hbm>>
    %dma_start3A_724 = tpu.memref_squeeze %dma_start3A_723 : memref<1x100x64xf32, #tpu.memory_space<hbm>> -> memref<100x64xf32, #tpu.memory_space<hbm>>
    %dma_start3A_725 = arith.constant 0 : i32
    %dma_start3A_726 = arith.constant 0 : i32
    %dma_start3A_727 = tpu.memref_slice %arg4[%add3A_720, %dma_start3A_725, %dma_start3A_726] : memref<1024x100x64xf32, #tpu.memory_space<hbm>> -> memref<1x100x64xf32, #tpu.memory_space<hbm>>
    %dma_start3A_728 = tpu.memref_squeeze %dma_start3A_727 : memref<1x100x64xf32, #tpu.memory_space<hbm>> -> memref<100x64xf32, #tpu.memory_space<hbm>>
    tpu.enqueue_dma source(%arg10 : memref<100x64xf32, #tpu.memory_space<vmem>>) target(%dma_start3A_728 : memref<100x64xf32, #tpu.memory_space<hbm>>) target_semaphore(%arg15 : memref<!tpu.dma_semaphore, #tpu.memory_space<semaphore_mem>>)
    %dma_wait3A_729 = arith.constant 19 : i32
    %dma_wait3A_730 = arith.constant 0 : i32
    %dma_wait3A_731 = tpu.memref_slice %arg6[%dma_wait3A_729, %dma_wait3A_730] : memref<32x100xi32, #tpu.memory_space<vmem>> -> memref<1x100xi32, #tpu.memory_space<vmem>>
    %dma_wait3A_732 = tpu.memref_squeeze %dma_wait3A_731 : memref<1x100xi32, #tpu.memory_space<vmem>> -> memref<100xi32, #tpu.memory_space<vmem>>
    %dma_wait3A_733 = arith.constant 0 : i32
    %dma_wait3A_734 = arith.constant 0 : i32
    %dma_wait3A_735 = tpu.memref_slice %arg5[%dma_wait3A_733, %dma_wait3A_734] : memref<1000x128xf32, #tpu.memory_space<vmem_shared>> -> memref<1000x128xf32, #tpu.memory_space<vmem_shared>>
    tpu.wait_indirect_dma semaphore(%arg13 : memref<!tpu.dma_semaphore, #tpu.memory_space<semaphore_mem>>) src(%dma_wait3A_735 : memref<1000x128xf32, #tpu.memory_space<vmem_shared>>) dst(%arg8 : memref<100x128xf32, #tpu.memory_space<vmem>>)
    %dma_wait3A_736 = arith.constant 0 : i32
    %dma_wait3A_737 = arith.constant 0 : i32
    %dma_wait3A_738 = tpu.memref_slice %arg4[%add3A_682, %dma_wait3A_736, %dma_wait3A_737] : memref<1024x100x64xf32, #tpu.memory_space<hbm>> -> memref<1x100x64xf32, #tpu.memory_space<hbm>>
    %dma_wait3A_739 = tpu.memref_squeeze %dma_wait3A_738 : memref<1x100x64xf32, #tpu.memory_space<hbm>> -> memref<100x64xf32, #tpu.memory_space<hbm>>
    %dma_wait3A_740 = arith.constant 0 : i32
    %dma_wait3A_741 = arith.constant 0 : i32
    %dma_wait3A_742 = tpu.memref_slice %arg4[%add3A_682, %dma_wait3A_740, %dma_wait3A_741] : memref<1024x100x64xf32, #tpu.memory_space<hbm>> -> memref<1x100x64xf32, #tpu.memory_space<hbm>>
    %dma_wait3A_743 = tpu.memref_squeeze %dma_wait3A_742 : memref<1x100x64xf32, #tpu.memory_space<hbm>> -> memref<100x64xf32, #tpu.memory_space<hbm>>
    tpu.wait_dma2 semaphore(%arg16 : memref<!tpu.dma_semaphore, #tpu.memory_space<semaphore_mem>>) src(%arg11 : memref<100x64xf32, #tpu.memory_space<vmem>>) dst(%dma_wait3A_743 : memref<100x64xf32, #tpu.memory_space<hbm>>)
    %scan3A_744 = arith.constant 0 : i32
    %scan3A_745 = arith.constant 0 : i32
    %scan3A_746 = arith.constant 100 : i32
    %scan3A_747 = arith.addi %scan3A_745, %scan3A_746 : i32
    %scan3A_748 = arith.constant 1 : i32
    scf.for %scan3A_1218 = %scan3A_745 to %scan3A_747 step %scan3A_748  : i32 {
      %get3A = arith.index_cast %scan3A_1218 : i32 to index
      %get3A_1219 = arith.constant 0 : index
      %get3A_1220 = tpu.vector_load %arg8[%get3A, %get3A_1219] {strides = array<i32>} : memref<100x128xf32, #tpu.memory_space<vmem>>, vector<1x16xf32>,
      %get3A_1221 = vector.shape_cast %get3A_1220 : vector<1x16xf32> to vector<16xf32>
      %swap3A = arith.index_cast %scan3A_1218 : i32 to index
      %swap3A_1222 = arith.constant 0 : index
      %swap3A_1223 = tpu.vector_load %arg11[%swap3A, %swap3A_1222] {strides = array<i32>} : memref<100x64xf32, #tpu.memory_space<vmem>>, vector<1x16xf32>,
      %swap3A_1224 = vector.shape_cast %swap3A_1223 : vector<1x16xf32> to vector<16xf32>
      %swap3A_1225 = vector.shape_cast %get3A_1221 : vector<16xf32> to vector<1x16xf32>
      tpu.vector_store %arg11[%swap3A, %swap3A_1222], %swap3A_1225 {strides = array<i32>} : memref<100x64xf32, #tpu.memory_space<vmem>>, vector<1x16xf32>,
      %get3A_1226 = arith.index_cast %scan3A_1218 : i32 to index
      %get3A_1227 = arith.constant 16 : index
      %get3A_1228 = tpu.vector_load %arg8[%get3A_1226, %get3A_1227] {strides = array<i32>} : memref<100x128xf32, #tpu.memory_space<vmem>>, vector<1x16xf32>,
      %get3A_1229 = vector.shape_cast %get3A_1228 : vector<1x16xf32> to vector<16xf32>
      %swap3A_1230 = arith.index_cast %scan3A_1218 : i32 to index
      %swap3A_1231 = arith.constant 16 : index
      %swap3A_1232 = tpu.vector_load %arg11[%swap3A_1230, %swap3A_1231] {strides = array<i32>} : memref<100x64xf32, #tpu.memory_space<vmem>>, vector<1x16xf32>,
      %swap3A_1233 = vector.shape_cast %swap3A_1232 : vector<1x16xf32> to vector<16xf32>
      %swap3A_1234 = vector.shape_cast %get3A_1229 : vector<16xf32> to vector<1x16xf32>
      tpu.vector_store %arg11[%swap3A_1230, %swap3A_1231], %swap3A_1234 {strides = array<i32>} : memref<100x64xf32, #tpu.memory_space<vmem>>, vector<1x16xf32>,
      %get3A_1235 = arith.index_cast %scan3A_1218 : i32 to index
      %get3A_1236 = arith.constant 32 : index
      %get3A_1237 = tpu.vector_load %arg8[%get3A_1235, %get3A_1236] {strides = array<i32>} : memref<100x128xf32, #tpu.memory_space<vmem>>, vector<1x16xf32>,
      %get3A_1238 = vector.shape_cast %get3A_1237 : vector<1x16xf32> to vector<16xf32>
      %swap3A_1239 = arith.index_cast %scan3A_1218 : i32 to index
      %swap3A_1240 = arith.constant 32 : index
      %swap3A_1241 = tpu.vector_load %arg11[%swap3A_1239, %swap3A_1240] {strides = array<i32>} : memref<100x64xf32, #tpu.memory_space<vmem>>, vector<1x16xf32>,
      %swap3A_1242 = vector.shape_cast %swap3A_1241 : vector<1x16xf32> to vector<16xf32>
      %swap3A_1243 = vector.shape_cast %get3A_1238 : vector<16xf32> to vector<1x16xf32>
      tpu.vector_store %arg11[%swap3A_1239, %swap3A_1240], %swap3A_1243 {strides = array<i32>} : memref<100x64xf32, #tpu.memory_space<vmem>>, vector<1x16xf32>,
      %get3A_1244 = arith.index_cast %scan3A_1218 : i32 to index
      %get3A_1245 = arith.constant 48 : index
      %get3A_1246 = tpu.vector_load %arg8[%get3A_1244, %get3A_1245] {strides = array<i32>} : memref<100x128xf32, #tpu.memory_space<vmem>>, vector<1x16xf32>,
      %get3A_1247 = vector.shape_cast %get3A_1246 : vector<1x16xf32> to vector<16xf32>
      %swap3A_1248 = arith.index_cast %scan3A_1218 : i32 to index
      %swap3A_1249 = arith.constant 48 : index
      %swap3A_1250 = tpu.vector_load %arg11[%swap3A_1248, %swap3A_1249] {strides = array<i32>} : memref<100x64xf32, #tpu.memory_space<vmem>>, vector<1x16xf32>,
      %swap3A_1251 = vector.shape_cast %swap3A_1250 : vector<1x16xf32> to vector<16xf32>
      %swap3A_1252 = vector.shape_cast %get3A_1247 : vector<16xf32> to vector<1x16xf32>
      tpu.vector_store %arg11[%swap3A_1248, %swap3A_1249], %swap3A_1252 {strides = array<i32>} : memref<100x64xf32, #tpu.memory_space<vmem>>, vector<1x16xf32>,
    }
    %scan3A_749 = arith.constant 100 : i32
    %dma_start3A_750 = arith.constant 22 : i32
    %dma_start3A_751 = arith.constant 0 : i32
    %dma_start3A_752 = tpu.memref_slice %arg6[%dma_start3A_750, %dma_start3A_751] : memref<32x100xi32, #tpu.memory_space<vmem>> -> memref<1x100xi32, #tpu.memory_space<vmem>>
    %dma_start3A_753 = tpu.memref_squeeze %dma_start3A_752 : memref<1x100xi32, #tpu.memory_space<vmem>> -> memref<100xi32, #tpu.memory_space<vmem>>
    %dma_start3A_754 = arith.constant 0 : i32
    %dma_start3A_755 = arith.constant 0 : i32
    %dma_start3A_756 = tpu.memref_slice %arg5[%dma_start3A_754, %dma_start3A_755] : memref<1000x128xf32, #tpu.memory_space<vmem_shared>> -> memref<1000x128xf32, #tpu.memory_space<vmem_shared>>
    tpu.enqueue_indirect_dma source(%dma_start3A_756 : memref<1000x128xf32, #tpu.memory_space<vmem_shared>>) target(%arg8 : memref<100x128xf32, #tpu.memory_space<vmem>>) offsets(%dma_start3A_753 : memref<100xi32, #tpu.memory_space<vmem>>) semaphore(%arg13 : memref<!tpu.dma_semaphore, #tpu.memory_space<semaphore_mem>>)
    %add3A_757 = arith.constant 19 : i32
    %add3A_758 = arith.addi %mul3A_4, %add3A_757 : i32
    %dma_start3A_759 = arith.constant 0 : i32
    %dma_start3A_760 = arith.constant 0 : i32
    %dma_start3A_761 = tpu.memref_slice %arg4[%add3A_758, %dma_start3A_759, %dma_start3A_760] : memref<1024x100x64xf32, #tpu.memory_space<hbm>> -> memref<1x100x64xf32, #tpu.memory_space<hbm>>
    %dma_start3A_762 = tpu.memref_squeeze %dma_start3A_761 : memref<1x100x64xf32, #tpu.memory_space<hbm>> -> memref<100x64xf32, #tpu.memory_space<hbm>>
    %dma_start3A_763 = arith.constant 0 : i32
    %dma_start3A_764 = arith.constant 0 : i32
    %dma_start3A_765 = tpu.memref_slice %arg4[%add3A_758, %dma_start3A_763, %dma_start3A_764] : memref<1024x100x64xf32, #tpu.memory_space<hbm>> -> memref<1x100x64xf32, #tpu.memory_space<hbm>>
    %dma_start3A_766 = tpu.memref_squeeze %dma_start3A_765 : memref<1x100x64xf32, #tpu.memory_space<hbm>> -> memref<100x64xf32, #tpu.memory_space<hbm>>
    tpu.enqueue_dma source(%arg11 : memref<100x64xf32, #tpu.memory_space<vmem>>) target(%dma_start3A_766 : memref<100x64xf32, #tpu.memory_space<hbm>>) target_semaphore(%arg16 : memref<!tpu.dma_semaphore, #tpu.memory_space<semaphore_mem>>)
    %dma_wait3A_767 = arith.constant 20 : i32
    %dma_wait3A_768 = arith.constant 0 : i32
    %dma_wait3A_769 = tpu.memref_slice %arg6[%dma_wait3A_767, %dma_wait3A_768] : memref<32x100xi32, #tpu.memory_space<vmem>> -> memref<1x100xi32, #tpu.memory_space<vmem>>
    %dma_wait3A_770 = tpu.memref_squeeze %dma_wait3A_769 : memref<1x100xi32, #tpu.memory_space<vmem>> -> memref<100xi32, #tpu.memory_space<vmem>>
    %dma_wait3A_771 = arith.constant 0 : i32
    %dma_wait3A_772 = arith.constant 0 : i32
    %dma_wait3A_773 = tpu.memref_slice %arg5[%dma_wait3A_771, %dma_wait3A_772] : memref<1000x128xf32, #tpu.memory_space<vmem_shared>> -> memref<1000x128xf32, #tpu.memory_space<vmem_shared>>
    tpu.wait_indirect_dma semaphore(%arg14 : memref<!tpu.dma_semaphore, #tpu.memory_space<semaphore_mem>>) src(%dma_wait3A_773 : memref<1000x128xf32, #tpu.memory_space<vmem_shared>>) dst(%arg9 : memref<100x128xf32, #tpu.memory_space<vmem>>)
    %dma_wait3A_774 = arith.constant 0 : i32
    %dma_wait3A_775 = arith.constant 0 : i32
    %dma_wait3A_776 = tpu.memref_slice %arg4[%add3A_720, %dma_wait3A_774, %dma_wait3A_775] : memref<1024x100x64xf32, #tpu.memory_space<hbm>> -> memref<1x100x64xf32, #tpu.memory_space<hbm>>
    %dma_wait3A_777 = tpu.memref_squeeze %dma_wait3A_776 : memref<1x100x64xf32, #tpu.memory_space<hbm>> -> memref<100x64xf32, #tpu.memory_space<hbm>>
    %dma_wait3A_778 = arith.constant 0 : i32
    %dma_wait3A_779 = arith.constant 0 : i32
    %dma_wait3A_780 = tpu.memref_slice %arg4[%add3A_720, %dma_wait3A_778, %dma_wait3A_779] : memref<1024x100x64xf32, #tpu.memory_space<hbm>> -> memref<1x100x64xf32, #tpu.memory_space<hbm>>
    %dma_wait3A_781 = tpu.memref_squeeze %dma_wait3A_780 : memref<1x100x64xf32, #tpu.memory_space<hbm>> -> memref<100x64xf32, #tpu.memory_space<hbm>>
    tpu.wait_dma2 semaphore(%arg15 : memref<!tpu.dma_semaphore, #tpu.memory_space<semaphore_mem>>) src(%arg10 : memref<100x64xf32, #tpu.memory_space<vmem>>) dst(%dma_wait3A_781 : memref<100x64xf32, #tpu.memory_space<hbm>>)
    %scan3A_782 = arith.constant 0 : i32
    %scan3A_783 = arith.constant 0 : i32
    %scan3A_784 = arith.constant 100 : i32
    %scan3A_785 = arith.addi %scan3A_783, %scan3A_784 : i32
    %scan3A_786 = arith.constant 1 : i32
    scf.for %scan3A_1218 = %scan3A_783 to %scan3A_785 step %scan3A_786  : i32 {
      %get3A = arith.index_cast %scan3A_1218 : i32 to index
      %get3A_1219 = arith.constant 0 : index
      %get3A_1220 = tpu.vector_load %arg9[%get3A, %get3A_1219] {strides = array<i32>} : memref<100x128xf32, #tpu.memory_space<vmem>>, vector<1x16xf32>,
      %get3A_1221 = vector.shape_cast %get3A_1220 : vector<1x16xf32> to vector<16xf32>
      %swap3A = arith.index_cast %scan3A_1218 : i32 to index
      %swap3A_1222 = arith.constant 0 : index
      %swap3A_1223 = tpu.vector_load %arg10[%swap3A, %swap3A_1222] {strides = array<i32>} : memref<100x64xf32, #tpu.memory_space<vmem>>, vector<1x16xf32>,
      %swap3A_1224 = vector.shape_cast %swap3A_1223 : vector<1x16xf32> to vector<16xf32>
      %swap3A_1225 = vector.shape_cast %get3A_1221 : vector<16xf32> to vector<1x16xf32>
      tpu.vector_store %arg10[%swap3A, %swap3A_1222], %swap3A_1225 {strides = array<i32>} : memref<100x64xf32, #tpu.memory_space<vmem>>, vector<1x16xf32>,
      %get3A_1226 = arith.index_cast %scan3A_1218 : i32 to index
      %get3A_1227 = arith.constant 16 : index
      %get3A_1228 = tpu.vector_load %arg9[%get3A_1226, %get3A_1227] {strides = array<i32>} : memref<100x128xf32, #tpu.memory_space<vmem>>, vector<1x16xf32>,
      %get3A_1229 = vector.shape_cast %get3A_1228 : vector<1x16xf32> to vector<16xf32>
      %swap3A_1230 = arith.index_cast %scan3A_1218 : i32 to index
      %swap3A_1231 = arith.constant 16 : index
      %swap3A_1232 = tpu.vector_load %arg10[%swap3A_1230, %swap3A_1231] {strides = array<i32>} : memref<100x64xf32, #tpu.memory_space<vmem>>, vector<1x16xf32>,
      %swap3A_1233 = vector.shape_cast %swap3A_1232 : vector<1x16xf32> to vector<16xf32>
      %swap3A_1234 = vector.shape_cast %get3A_1229 : vector<16xf32> to vector<1x16xf32>
      tpu.vector_store %arg10[%swap3A_1230, %swap3A_1231], %swap3A_1234 {strides = array<i32>} : memref<100x64xf32, #tpu.memory_space<vmem>>, vector<1x16xf32>,
      %get3A_1235 = arith.index_cast %scan3A_1218 : i32 to index
      %get3A_1236 = arith.constant 32 : index
      %get3A_1237 = tpu.vector_load %arg9[%get3A_1235, %get3A_1236] {strides = array<i32>} : memref<100x128xf32, #tpu.memory_space<vmem>>, vector<1x16xf32>,
      %get3A_1238 = vector.shape_cast %get3A_1237 : vector<1x16xf32> to vector<16xf32>
      %swap3A_1239 = arith.index_cast %scan3A_1218 : i32 to index
      %swap3A_1240 = arith.constant 32 : index
      %swap3A_1241 = tpu.vector_load %arg10[%swap3A_1239, %swap3A_1240] {strides = array<i32>} : memref<100x64xf32, #tpu.memory_space<vmem>>, vector<1x16xf32>,
      %swap3A_1242 = vector.shape_cast %swap3A_1241 : vector<1x16xf32> to vector<16xf32>
      %swap3A_1243 = vector.shape_cast %get3A_1238 : vector<16xf32> to vector<1x16xf32>
      tpu.vector_store %arg10[%swap3A_1239, %swap3A_1240], %swap3A_1243 {strides = array<i32>} : memref<100x64xf32, #tpu.memory_space<vmem>>, vector<1x16xf32>,
      %get3A_1244 = arith.index_cast %scan3A_1218 : i32 to index
      %get3A_1245 = arith.constant 48 : index
      %get3A_1246 = tpu.vector_load %arg9[%get3A_1244, %get3A_1245] {strides = array<i32>} : memref<100x128xf32, #tpu.memory_space<vmem>>, vector<1x16xf32>,
      %get3A_1247 = vector.shape_cast %get3A_1246 : vector<1x16xf32> to vector<16xf32>
      %swap3A_1248 = arith.index_cast %scan3A_1218 : i32 to index
      %swap3A_1249 = arith.constant 48 : index
      %swap3A_1250 = tpu.vector_load %arg10[%swap3A_1248, %swap3A_1249] {strides = array<i32>} : memref<100x64xf32, #tpu.memory_space<vmem>>, vector<1x16xf32>,
      %swap3A_1251 = vector.shape_cast %swap3A_1250 : vector<1x16xf32> to vector<16xf32>
      %swap3A_1252 = vector.shape_cast %get3A_1247 : vector<16xf32> to vector<1x16xf32>
      tpu.vector_store %arg10[%swap3A_1248, %swap3A_1249], %swap3A_1252 {strides = array<i32>} : memref<100x64xf32, #tpu.memory_space<vmem>>, vector<1x16xf32>,
    }
    %scan3A_787 = arith.constant 100 : i32
    %dma_start3A_788 = arith.constant 23 : i32
    %dma_start3A_789 = arith.constant 0 : i32
    %dma_start3A_790 = tpu.memref_slice %arg6[%dma_start3A_788, %dma_start3A_789] : memref<32x100xi32, #tpu.memory_space<vmem>> -> memref<1x100xi32, #tpu.memory_space<vmem>>
    %dma_start3A_791 = tpu.memref_squeeze %dma_start3A_790 : memref<1x100xi32, #tpu.memory_space<vmem>> -> memref<100xi32, #tpu.memory_space<vmem>>
    %dma_start3A_792 = arith.constant 0 : i32
    %dma_start3A_793 = arith.constant 0 : i32
    %dma_start3A_794 = tpu.memref_slice %arg5[%dma_start3A_792, %dma_start3A_793] : memref<1000x128xf32, #tpu.memory_space<vmem_shared>> -> memref<1000x128xf32, #tpu.memory_space<vmem_shared>>
    tpu.enqueue_indirect_dma source(%dma_start3A_794 : memref<1000x128xf32, #tpu.memory_space<vmem_shared>>) target(%arg9 : memref<100x128xf32, #tpu.memory_space<vmem>>) offsets(%dma_start3A_791 : memref<100xi32, #tpu.memory_space<vmem>>) semaphore(%arg14 : memref<!tpu.dma_semaphore, #tpu.memory_space<semaphore_mem>>)
    %add3A_795 = arith.constant 20 : i32
    %add3A_796 = arith.addi %mul3A_4, %add3A_795 : i32
    %dma_start3A_797 = arith.constant 0 : i32
    %dma_start3A_798 = arith.constant 0 : i32
    %dma_start3A_799 = tpu.memref_slice %arg4[%add3A_796, %dma_start3A_797, %dma_start3A_798] : memref<1024x100x64xf32, #tpu.memory_space<hbm>> -> memref<1x100x64xf32, #tpu.memory_space<hbm>>
    %dma_start3A_800 = tpu.memref_squeeze %dma_start3A_799 : memref<1x100x64xf32, #tpu.memory_space<hbm>> -> memref<100x64xf32, #tpu.memory_space<hbm>>
    %dma_start3A_801 = arith.constant 0 : i32
    %dma_start3A_802 = arith.constant 0 : i32
    %dma_start3A_803 = tpu.memref_slice %arg4[%add3A_796, %dma_start3A_801, %dma_start3A_802] : memref<1024x100x64xf32, #tpu.memory_space<hbm>> -> memref<1x100x64xf32, #tpu.memory_space<hbm>>
    %dma_start3A_804 = tpu.memref_squeeze %dma_start3A_803 : memref<1x100x64xf32, #tpu.memory_space<hbm>> -> memref<100x64xf32, #tpu.memory_space<hbm>>
    tpu.enqueue_dma source(%arg10 : memref<100x64xf32, #tpu.memory_space<vmem>>) target(%dma_start3A_804 : memref<100x64xf32, #tpu.memory_space<hbm>>) target_semaphore(%arg15 : memref<!tpu.dma_semaphore, #tpu.memory_space<semaphore_mem>>)
    %dma_wait3A_805 = arith.constant 21 : i32
    %dma_wait3A_806 = arith.constant 0 : i32
    %dma_wait3A_807 = tpu.memref_slice %arg6[%dma_wait3A_805, %dma_wait3A_806] : memref<32x100xi32, #tpu.memory_space<vmem>> -> memref<1x100xi32, #tpu.memory_space<vmem>>
    %dma_wait3A_808 = tpu.memref_squeeze %dma_wait3A_807 : memref<1x100xi32, #tpu.memory_space<vmem>> -> memref<100xi32, #tpu.memory_space<vmem>>
    %dma_wait3A_809 = arith.constant 0 : i32
    %dma_wait3A_810 = arith.constant 0 : i32
    %dma_wait3A_811 = tpu.memref_slice %arg5[%dma_wait3A_809, %dma_wait3A_810] : memref<1000x128xf32, #tpu.memory_space<vmem_shared>> -> memref<1000x128xf32, #tpu.memory_space<vmem_shared>>
    tpu.wait_indirect_dma semaphore(%arg12 : memref<!tpu.dma_semaphore, #tpu.memory_space<semaphore_mem>>) src(%dma_wait3A_811 : memref<1000x128xf32, #tpu.memory_space<vmem_shared>>) dst(%arg7 : memref<100x128xf32, #tpu.memory_space<vmem>>)
    %dma_wait3A_812 = arith.constant 0 : i32
    %dma_wait3A_813 = arith.constant 0 : i32
    %dma_wait3A_814 = tpu.memref_slice %arg4[%add3A_758, %dma_wait3A_812, %dma_wait3A_813] : memref<1024x100x64xf32, #tpu.memory_space<hbm>> -> memref<1x100x64xf32, #tpu.memory_space<hbm>>
    %dma_wait3A_815 = tpu.memref_squeeze %dma_wait3A_814 : memref<1x100x64xf32, #tpu.memory_space<hbm>> -> memref<100x64xf32, #tpu.memory_space<hbm>>
    %dma_wait3A_816 = arith.constant 0 : i32
    %dma_wait3A_817 = arith.constant 0 : i32
    %dma_wait3A_818 = tpu.memref_slice %arg4[%add3A_758, %dma_wait3A_816, %dma_wait3A_817] : memref<1024x100x64xf32, #tpu.memory_space<hbm>> -> memref<1x100x64xf32, #tpu.memory_space<hbm>>
    %dma_wait3A_819 = tpu.memref_squeeze %dma_wait3A_818 : memref<1x100x64xf32, #tpu.memory_space<hbm>> -> memref<100x64xf32, #tpu.memory_space<hbm>>
    tpu.wait_dma2 semaphore(%arg16 : memref<!tpu.dma_semaphore, #tpu.memory_space<semaphore_mem>>) src(%arg11 : memref<100x64xf32, #tpu.memory_space<vmem>>) dst(%dma_wait3A_819 : memref<100x64xf32, #tpu.memory_space<hbm>>)
    %scan3A_820 = arith.constant 0 : i32
    %scan3A_821 = arith.constant 0 : i32
    %scan3A_822 = arith.constant 100 : i32
    %scan3A_823 = arith.addi %scan3A_821, %scan3A_822 : i32
    %scan3A_824 = arith.constant 1 : i32
    scf.for %scan3A_1218 = %scan3A_821 to %scan3A_823 step %scan3A_824  : i32 {
      %get3A = arith.index_cast %scan3A_1218 : i32 to index
      %get3A_1219 = arith.constant 0 : index
      %get3A_1220 = tpu.vector_load %arg7[%get3A, %get3A_1219] {strides = array<i32>} : memref<100x128xf32, #tpu.memory_space<vmem>>, vector<1x16xf32>,
      %get3A_1221 = vector.shape_cast %get3A_1220 : vector<1x16xf32> to vector<16xf32>
      %swap3A = arith.index_cast %scan3A_1218 : i32 to index
      %swap3A_1222 = arith.constant 0 : index
      %swap3A_1223 = tpu.vector_load %arg11[%swap3A, %swap3A_1222] {strides = array<i32>} : memref<100x64xf32, #tpu.memory_space<vmem>>, vector<1x16xf32>,
      %swap3A_1224 = vector.shape_cast %swap3A_1223 : vector<1x16xf32> to vector<16xf32>
      %swap3A_1225 = vector.shape_cast %get3A_1221 : vector<16xf32> to vector<1x16xf32>
      tpu.vector_store %arg11[%swap3A, %swap3A_1222], %swap3A_1225 {strides = array<i32>} : memref<100x64xf32, #tpu.memory_space<vmem>>, vector<1x16xf32>,
      %get3A_1226 = arith.index_cast %scan3A_1218 : i32 to index
      %get3A_1227 = arith.constant 16 : index
      %get3A_1228 = tpu.vector_load %arg7[%get3A_1226, %get3A_1227] {strides = array<i32>} : memref<100x128xf32, #tpu.memory_space<vmem>>, vector<1x16xf32>,
      %get3A_1229 = vector.shape_cast %get3A_1228 : vector<1x16xf32> to vector<16xf32>
      %swap3A_1230 = arith.index_cast %scan3A_1218 : i32 to index
      %swap3A_1231 = arith.constant 16 : index
      %swap3A_1232 = tpu.vector_load %arg11[%swap3A_1230, %swap3A_1231] {strides = array<i32>} : memref<100x64xf32, #tpu.memory_space<vmem>>, vector<1x16xf32>,
      %swap3A_1233 = vector.shape_cast %swap3A_1232 : vector<1x16xf32> to vector<16xf32>
      %swap3A_1234 = vector.shape_cast %get3A_1229 : vector<16xf32> to vector<1x16xf32>
      tpu.vector_store %arg11[%swap3A_1230, %swap3A_1231], %swap3A_1234 {strides = array<i32>} : memref<100x64xf32, #tpu.memory_space<vmem>>, vector<1x16xf32>,
      %get3A_1235 = arith.index_cast %scan3A_1218 : i32 to index
      %get3A_1236 = arith.constant 32 : index
      %get3A_1237 = tpu.vector_load %arg7[%get3A_1235, %get3A_1236] {strides = array<i32>} : memref<100x128xf32, #tpu.memory_space<vmem>>, vector<1x16xf32>,
      %get3A_1238 = vector.shape_cast %get3A_1237 : vector<1x16xf32> to vector<16xf32>
      %swap3A_1239 = arith.index_cast %scan3A_1218 : i32 to index
      %swap3A_1240 = arith.constant 32 : index
      %swap3A_1241 = tpu.vector_load %arg11[%swap3A_1239, %swap3A_1240] {strides = array<i32>} : memref<100x64xf32, #tpu.memory_space<vmem>>, vector<1x16xf32>,
      %swap3A_1242 = vector.shape_cast %swap3A_1241 : vector<1x16xf32> to vector<16xf32>
      %swap3A_1243 = vector.shape_cast %get3A_1238 : vector<16xf32> to vector<1x16xf32>
      tpu.vector_store %arg11[%swap3A_1239, %swap3A_1240], %swap3A_1243 {strides = array<i32>} : memref<100x64xf32, #tpu.memory_space<vmem>>, vector<1x16xf32>,
      %get3A_1244 = arith.index_cast %scan3A_1218 : i32 to index
      %get3A_1245 = arith.constant 48 : index
      %get3A_1246 = tpu.vector_load %arg7[%get3A_1244, %get3A_1245] {strides = array<i32>} : memref<100x128xf32, #tpu.memory_space<vmem>>, vector<1x16xf32>,
      %get3A_1247 = vector.shape_cast %get3A_1246 : vector<1x16xf32> to vector<16xf32>
      %swap3A_1248 = arith.index_cast %scan3A_1218 : i32 to index
      %swap3A_1249 = arith.constant 48 : index
      %swap3A_1250 = tpu.vector_load %arg11[%swap3A_1248, %swap3A_1249] {strides = array<i32>} : memref<100x64xf32, #tpu.memory_space<vmem>>, vector<1x16xf32>,
      %swap3A_1251 = vector.shape_cast %swap3A_1250 : vector<1x16xf32> to vector<16xf32>
      %swap3A_1252 = vector.shape_cast %get3A_1247 : vector<16xf32> to vector<1x16xf32>
      tpu.vector_store %arg11[%swap3A_1248, %swap3A_1249], %swap3A_1252 {strides = array<i32>} : memref<100x64xf32, #tpu.memory_space<vmem>>, vector<1x16xf32>,
    }
    %scan3A_825 = arith.constant 100 : i32
    %dma_start3A_826 = arith.constant 24 : i32
    %dma_start3A_827 = arith.constant 0 : i32
    %dma_start3A_828 = tpu.memref_slice %arg6[%dma_start3A_826, %dma_start3A_827] : memref<32x100xi32, #tpu.memory_space<vmem>> -> memref<1x100xi32, #tpu.memory_space<vmem>>
    %dma_start3A_829 = tpu.memref_squeeze %dma_start3A_828 : memref<1x100xi32, #tpu.memory_space<vmem>> -> memref<100xi32, #tpu.memory_space<vmem>>
    %dma_start3A_830 = arith.constant 0 : i32
    %dma_start3A_831 = arith.constant 0 : i32
    %dma_start3A_832 = tpu.memref_slice %arg5[%dma_start3A_830, %dma_start3A_831] : memref<1000x128xf32, #tpu.memory_space<vmem_shared>> -> memref<1000x128xf32, #tpu.memory_space<vmem_shared>>
    tpu.enqueue_indirect_dma source(%dma_start3A_832 : memref<1000x128xf32, #tpu.memory_space<vmem_shared>>) target(%arg7 : memref<100x128xf32, #tpu.memory_space<vmem>>) offsets(%dma_start3A_829 : memref<100xi32, #tpu.memory_space<vmem>>) semaphore(%arg12 : memref<!tpu.dma_semaphore, #tpu.memory_space<semaphore_mem>>)
    %add3A_833 = arith.constant 21 : i32
    %add3A_834 = arith.addi %mul3A_4, %add3A_833 : i32
    %dma_start3A_835 = arith.constant 0 : i32
    %dma_start3A_836 = arith.constant 0 : i32
    %dma_start3A_837 = tpu.memref_slice %arg4[%add3A_834, %dma_start3A_835, %dma_start3A_836] : memref<1024x100x64xf32, #tpu.memory_space<hbm>> -> memref<1x100x64xf32, #tpu.memory_space<hbm>>
    %dma_start3A_838 = tpu.memref_squeeze %dma_start3A_837 : memref<1x100x64xf32, #tpu.memory_space<hbm>> -> memref<100x64xf32, #tpu.memory_space<hbm>>
    %dma_start3A_839 = arith.constant 0 : i32
    %dma_start3A_840 = arith.constant 0 : i32
    %dma_start3A_841 = tpu.memref_slice %arg4[%add3A_834, %dma_start3A_839, %dma_start3A_840] : memref<1024x100x64xf32, #tpu.memory_space<hbm>> -> memref<1x100x64xf32, #tpu.memory_space<hbm>>
    %dma_start3A_842 = tpu.memref_squeeze %dma_start3A_841 : memref<1x100x64xf32, #tpu.memory_space<hbm>> -> memref<100x64xf32, #tpu.memory_space<hbm>>
    tpu.enqueue_dma source(%arg11 : memref<100x64xf32, #tpu.memory_space<vmem>>) target(%dma_start3A_842 : memref<100x64xf32, #tpu.memory_space<hbm>>) target_semaphore(%arg16 : memref<!tpu.dma_semaphore, #tpu.memory_space<semaphore_mem>>)
    %dma_wait3A_843 = arith.constant 22 : i32
    %dma_wait3A_844 = arith.constant 0 : i32
    %dma_wait3A_845 = tpu.memref_slice %arg6[%dma_wait3A_843, %dma_wait3A_844] : memref<32x100xi32, #tpu.memory_space<vmem>> -> memref<1x100xi32, #tpu.memory_space<vmem>>
    %dma_wait3A_846 = tpu.memref_squeeze %dma_wait3A_845 : memref<1x100xi32, #tpu.memory_space<vmem>> -> memref<100xi32, #tpu.memory_space<vmem>>
    %dma_wait3A_847 = arith.constant 0 : i32
    %dma_wait3A_848 = arith.constant 0 : i32
    %dma_wait3A_849 = tpu.memref_slice %arg5[%dma_wait3A_847, %dma_wait3A_848] : memref<1000x128xf32, #tpu.memory_space<vmem_shared>> -> memref<1000x128xf32, #tpu.memory_space<vmem_shared>>
    tpu.wait_indirect_dma semaphore(%arg13 : memref<!tpu.dma_semaphore, #tpu.memory_space<semaphore_mem>>) src(%dma_wait3A_849 : memref<1000x128xf32, #tpu.memory_space<vmem_shared>>) dst(%arg8 : memref<100x128xf32, #tpu.memory_space<vmem>>)
    %dma_wait3A_850 = arith.constant 0 : i32
    %dma_wait3A_851 = arith.constant 0 : i32
    %dma_wait3A_852 = tpu.memref_slice %arg4[%add3A_796, %dma_wait3A_850, %dma_wait3A_851] : memref<1024x100x64xf32, #tpu.memory_space<hbm>> -> memref<1x100x64xf32, #tpu.memory_space<hbm>>
    %dma_wait3A_853 = tpu.memref_squeeze %dma_wait3A_852 : memref<1x100x64xf32, #tpu.memory_space<hbm>> -> memref<100x64xf32, #tpu.memory_space<hbm>>
    %dma_wait3A_854 = arith.constant 0 : i32
    %dma_wait3A_855 = arith.constant 0 : i32
    %dma_wait3A_856 = tpu.memref_slice %arg4[%add3A_796, %dma_wait3A_854, %dma_wait3A_855] : memref<1024x100x64xf32, #tpu.memory_space<hbm>> -> memref<1x100x64xf32, #tpu.memory_space<hbm>>
    %dma_wait3A_857 = tpu.memref_squeeze %dma_wait3A_856 : memref<1x100x64xf32, #tpu.memory_space<hbm>> -> memref<100x64xf32, #tpu.memory_space<hbm>>
    tpu.wait_dma2 semaphore(%arg15 : memref<!tpu.dma_semaphore, #tpu.memory_space<semaphore_mem>>) src(%arg10 : memref<100x64xf32, #tpu.memory_space<vmem>>) dst(%dma_wait3A_857 : memref<100x64xf32, #tpu.memory_space<hbm>>)
    %scan3A_858 = arith.constant 0 : i32
    %scan3A_859 = arith.constant 0 : i32
    %scan3A_860 = arith.constant 100 : i32
    %scan3A_861 = arith.addi %scan3A_859, %scan3A_860 : i32
    %scan3A_862 = arith.constant 1 : i32
    scf.for %scan3A_1218 = %scan3A_859 to %scan3A_861 step %scan3A_862  : i32 {
      %get3A = arith.index_cast %scan3A_1218 : i32 to index
      %get3A_1219 = arith.constant 0 : index
      %get3A_1220 = tpu.vector_load %arg8[%get3A, %get3A_1219] {strides = array<i32>} : memref<100x128xf32, #tpu.memory_space<vmem>>, vector<1x16xf32>,
      %get3A_1221 = vector.shape_cast %get3A_1220 : vector<1x16xf32> to vector<16xf32>
      %swap3A = arith.index_cast %scan3A_1218 : i32 to index
      %swap3A_1222 = arith.constant 0 : index
      %swap3A_1223 = tpu.vector_load %arg10[%swap3A, %swap3A_1222] {strides = array<i32>} : memref<100x64xf32, #tpu.memory_space<vmem>>, vector<1x16xf32>,
      %swap3A_1224 = vector.shape_cast %swap3A_1223 : vector<1x16xf32> to vector<16xf32>
      %swap3A_1225 = vector.shape_cast %get3A_1221 : vector<16xf32> to vector<1x16xf32>
      tpu.vector_store %arg10[%swap3A, %swap3A_1222], %swap3A_1225 {strides = array<i32>} : memref<100x64xf32, #tpu.memory_space<vmem>>, vector<1x16xf32>,
      %get3A_1226 = arith.index_cast %scan3A_1218 : i32 to index
      %get3A_1227 = arith.constant 16 : index
      %get3A_1228 = tpu.vector_load %arg8[%get3A_1226, %get3A_1227] {strides = array<i32>} : memref<100x128xf32, #tpu.memory_space<vmem>>, vector<1x16xf32>,
      %get3A_1229 = vector.shape_cast %get3A_1228 : vector<1x16xf32> to vector<16xf32>
      %swap3A_1230 = arith.index_cast %scan3A_1218 : i32 to index
      %swap3A_1231 = arith.constant 16 : index
      %swap3A_1232 = tpu.vector_load %arg10[%swap3A_1230, %swap3A_1231] {strides = array<i32>} : memref<100x64xf32, #tpu.memory_space<vmem>>, vector<1x16xf32>,
      %swap3A_1233 = vector.shape_cast %swap3A_1232 : vector<1x16xf32> to vector<16xf32>
      %swap3A_1234 = vector.shape_cast %get3A_1229 : vector<16xf32> to vector<1x16xf32>
      tpu.vector_store %arg10[%swap3A_1230, %swap3A_1231], %swap3A_1234 {strides = array<i32>} : memref<100x64xf32, #tpu.memory_space<vmem>>, vector<1x16xf32>,
      %get3A_1235 = arith.index_cast %scan3A_1218 : i32 to index
      %get3A_1236 = arith.constant 32 : index
      %get3A_1237 = tpu.vector_load %arg8[%get3A_1235, %get3A_1236] {strides = array<i32>} : memref<100x128xf32, #tpu.memory_space<vmem>>, vector<1x16xf32>,
      %get3A_1238 = vector.shape_cast %get3A_1237 : vector<1x16xf32> to vector<16xf32>
      %swap3A_1239 = arith.index_cast %scan3A_1218 : i32 to index
      %swap3A_1240 = arith.constant 32 : index
      %swap3A_1241 = tpu.vector_load %arg10[%swap3A_1239, %swap3A_1240] {strides = array<i32>} : memref<100x64xf32, #tpu.memory_space<vmem>>, vector<1x16xf32>,
      %swap3A_1242 = vector.shape_cast %swap3A_1241 : vector<1x16xf32> to vector<16xf32>
      %swap3A_1243 = vector.shape_cast %get3A_1238 : vector<16xf32> to vector<1x16xf32>
      tpu.vector_store %arg10[%swap3A_1239, %swap3A_1240], %swap3A_1243 {strides = array<i32>} : memref<100x64xf32, #tpu.memory_space<vmem>>, vector<1x16xf32>,
      %get3A_1244 = arith.index_cast %scan3A_1218 : i32 to index
      %get3A_1245 = arith.constant 48 : index
      %get3A_1246 = tpu.vector_load %arg8[%get3A_1244, %get3A_1245] {strides = array<i32>} : memref<100x128xf32, #tpu.memory_space<vmem>>, vector<1x16xf32>,
      %get3A_1247 = vector.shape_cast %get3A_1246 : vector<1x16xf32> to vector<16xf32>
      %swap3A_1248 = arith.index_cast %scan3A_1218 : i32 to index
      %swap3A_1249 = arith.constant 48 : index
      %swap3A_1250 = tpu.vector_load %arg10[%swap3A_1248, %swap3A_1249] {strides = array<i32>} : memref<100x64xf32, #tpu.memory_space<vmem>>, vector<1x16xf32>,
      %swap3A_1251 = vector.shape_cast %swap3A_1250 : vector<1x16xf32> to vector<16xf32>
      %swap3A_1252 = vector.shape_cast %get3A_1247 : vector<16xf32> to vector<1x16xf32>
      tpu.vector_store %arg10[%swap3A_1248, %swap3A_1249], %swap3A_1252 {strides = array<i32>} : memref<100x64xf32, #tpu.memory_space<vmem>>, vector<1x16xf32>,
    }
    %scan3A_863 = arith.constant 100 : i32
    %dma_start3A_864 = arith.constant 25 : i32
    %dma_start3A_865 = arith.constant 0 : i32
    %dma_start3A_866 = tpu.memref_slice %arg6[%dma_start3A_864, %dma_start3A_865] : memref<32x100xi32, #tpu.memory_space<vmem>> -> memref<1x100xi32, #tpu.memory_space<vmem>>
    %dma_start3A_867 = tpu.memref_squeeze %dma_start3A_866 : memref<1x100xi32, #tpu.memory_space<vmem>> -> memref<100xi32, #tpu.memory_space<vmem>>
    %dma_start3A_868 = arith.constant 0 : i32
    %dma_start3A_869 = arith.constant 0 : i32
    %dma_start3A_870 = tpu.memref_slice %arg5[%dma_start3A_868, %dma_start3A_869] : memref<1000x128xf32, #tpu.memory_space<vmem_shared>> -> memref<1000x128xf32, #tpu.memory_space<vmem_shared>>
    tpu.enqueue_indirect_dma source(%dma_start3A_870 : memref<1000x128xf32, #tpu.memory_space<vmem_shared>>) target(%arg8 : memref<100x128xf32, #tpu.memory_space<vmem>>) offsets(%dma_start3A_867 : memref<100xi32, #tpu.memory_space<vmem>>) semaphore(%arg13 : memref<!tpu.dma_semaphore, #tpu.memory_space<semaphore_mem>>)
    %add3A_871 = arith.constant 22 : i32
    %add3A_872 = arith.addi %mul3A_4, %add3A_871 : i32
    %dma_start3A_873 = arith.constant 0 : i32
    %dma_start3A_874 = arith.constant 0 : i32
    %dma_start3A_875 = tpu.memref_slice %arg4[%add3A_872, %dma_start3A_873, %dma_start3A_874] : memref<1024x100x64xf32, #tpu.memory_space<hbm>> -> memref<1x100x64xf32, #tpu.memory_space<hbm>>
    %dma_start3A_876 = tpu.memref_squeeze %dma_start3A_875 : memref<1x100x64xf32, #tpu.memory_space<hbm>> -> memref<100x64xf32, #tpu.memory_space<hbm>>
    %dma_start3A_877 = arith.constant 0 : i32
    %dma_start3A_878 = arith.constant 0 : i32
    %dma_start3A_879 = tpu.memref_slice %arg4[%add3A_872, %dma_start3A_877, %dma_start3A_878] : memref<1024x100x64xf32, #tpu.memory_space<hbm>> -> memref<1x100x64xf32, #tpu.memory_space<hbm>>
    %dma_start3A_880 = tpu.memref_squeeze %dma_start3A_879 : memref<1x100x64xf32, #tpu.memory_space<hbm>> -> memref<100x64xf32, #tpu.memory_space<hbm>>
    tpu.enqueue_dma source(%arg10 : memref<100x64xf32, #tpu.memory_space<vmem>>) target(%dma_start3A_880 : memref<100x64xf32, #tpu.memory_space<hbm>>) target_semaphore(%arg15 : memref<!tpu.dma_semaphore, #tpu.memory_space<semaphore_mem>>)
    %dma_wait3A_881 = arith.constant 23 : i32
    %dma_wait3A_882 = arith.constant 0 : i32
    %dma_wait3A_883 = tpu.memref_slice %arg6[%dma_wait3A_881, %dma_wait3A_882] : memref<32x100xi32, #tpu.memory_space<vmem>> -> memref<1x100xi32, #tpu.memory_space<vmem>>
    %dma_wait3A_884 = tpu.memref_squeeze %dma_wait3A_883 : memref<1x100xi32, #tpu.memory_space<vmem>> -> memref<100xi32, #tpu.memory_space<vmem>>
    %dma_wait3A_885 = arith.constant 0 : i32
    %dma_wait3A_886 = arith.constant 0 : i32
    %dma_wait3A_887 = tpu.memref_slice %arg5[%dma_wait3A_885, %dma_wait3A_886] : memref<1000x128xf32, #tpu.memory_space<vmem_shared>> -> memref<1000x128xf32, #tpu.memory_space<vmem_shared>>
    tpu.wait_indirect_dma semaphore(%arg14 : memref<!tpu.dma_semaphore, #tpu.memory_space<semaphore_mem>>) src(%dma_wait3A_887 : memref<1000x128xf32, #tpu.memory_space<vmem_shared>>) dst(%arg9 : memref<100x128xf32, #tpu.memory_space<vmem>>)
    %dma_wait3A_888 = arith.constant 0 : i32
    %dma_wait3A_889 = arith.constant 0 : i32
    %dma_wait3A_890 = tpu.memref_slice %arg4[%add3A_834, %dma_wait3A_888, %dma_wait3A_889] : memref<1024x100x64xf32, #tpu.memory_space<hbm>> -> memref<1x100x64xf32, #tpu.memory_space<hbm>>
    %dma_wait3A_891 = tpu.memref_squeeze %dma_wait3A_890 : memref<1x100x64xf32, #tpu.memory_space<hbm>> -> memref<100x64xf32, #tpu.memory_space<hbm>>
    %dma_wait3A_892 = arith.constant 0 : i32
    %dma_wait3A_893 = arith.constant 0 : i32
    %dma_wait3A_894 = tpu.memref_slice %arg4[%add3A_834, %dma_wait3A_892, %dma_wait3A_893] : memref<1024x100x64xf32, #tpu.memory_space<hbm>> -> memref<1x100x64xf32, #tpu.memory_space<hbm>>
    %dma_wait3A_895 = tpu.memref_squeeze %dma_wait3A_894 : memref<1x100x64xf32, #tpu.memory_space<hbm>> -> memref<100x64xf32, #tpu.memory_space<hbm>>
    tpu.wait_dma2 semaphore(%arg16 : memref<!tpu.dma_semaphore, #tpu.memory_space<semaphore_mem>>) src(%arg11 : memref<100x64xf32, #tpu.memory_space<vmem>>) dst(%dma_wait3A_895 : memref<100x64xf32, #tpu.memory_space<hbm>>)
    %scan3A_896 = arith.constant 0 : i32
    %scan3A_897 = arith.constant 0 : i32
    %scan3A_898 = arith.constant 100 : i32
    %scan3A_899 = arith.addi %scan3A_897, %scan3A_898 : i32
    %scan3A_900 = arith.constant 1 : i32
    scf.for %scan3A_1218 = %scan3A_897 to %scan3A_899 step %scan3A_900  : i32 {
      %get3A = arith.index_cast %scan3A_1218 : i32 to index
      %get3A_1219 = arith.constant 0 : index
      %get3A_1220 = tpu.vector_load %arg9[%get3A, %get3A_1219] {strides = array<i32>} : memref<100x128xf32, #tpu.memory_space<vmem>>, vector<1x16xf32>,
      %get3A_1221 = vector.shape_cast %get3A_1220 : vector<1x16xf32> to vector<16xf32>
      %swap3A = arith.index_cast %scan3A_1218 : i32 to index
      %swap3A_1222 = arith.constant 0 : index
      %swap3A_1223 = tpu.vector_load %arg11[%swap3A, %swap3A_1222] {strides = array<i32>} : memref<100x64xf32, #tpu.memory_space<vmem>>, vector<1x16xf32>,
      %swap3A_1224 = vector.shape_cast %swap3A_1223 : vector<1x16xf32> to vector<16xf32>
      %swap3A_1225 = vector.shape_cast %get3A_1221 : vector<16xf32> to vector<1x16xf32>
      tpu.vector_store %arg11[%swap3A, %swap3A_1222], %swap3A_1225 {strides = array<i32>} : memref<100x64xf32, #tpu.memory_space<vmem>>, vector<1x16xf32>,
      %get3A_1226 = arith.index_cast %scan3A_1218 : i32 to index
      %get3A_1227 = arith.constant 16 : index
      %get3A_1228 = tpu.vector_load %arg9[%get3A_1226, %get3A_1227] {strides = array<i32>} : memref<100x128xf32, #tpu.memory_space<vmem>>, vector<1x16xf32>,
      %get3A_1229 = vector.shape_cast %get3A_1228 : vector<1x16xf32> to vector<16xf32>
      %swap3A_1230 = arith.index_cast %scan3A_1218 : i32 to index
      %swap3A_1231 = arith.constant 16 : index
      %swap3A_1232 = tpu.vector_load %arg11[%swap3A_1230, %swap3A_1231] {strides = array<i32>} : memref<100x64xf32, #tpu.memory_space<vmem>>, vector<1x16xf32>,
      %swap3A_1233 = vector.shape_cast %swap3A_1232 : vector<1x16xf32> to vector<16xf32>
      %swap3A_1234 = vector.shape_cast %get3A_1229 : vector<16xf32> to vector<1x16xf32>
      tpu.vector_store %arg11[%swap3A_1230, %swap3A_1231], %swap3A_1234 {strides = array<i32>} : memref<100x64xf32, #tpu.memory_space<vmem>>, vector<1x16xf32>,
      %get3A_1235 = arith.index_cast %scan3A_1218 : i32 to index
      %get3A_1236 = arith.constant 32 : index
      %get3A_1237 = tpu.vector_load %arg9[%get3A_1235, %get3A_1236] {strides = array<i32>} : memref<100x128xf32, #tpu.memory_space<vmem>>, vector<1x16xf32>,
      %get3A_1238 = vector.shape_cast %get3A_1237 : vector<1x16xf32> to vector<16xf32>
      %swap3A_1239 = arith.index_cast %scan3A_1218 : i32 to index
      %swap3A_1240 = arith.constant 32 : index
      %swap3A_1241 = tpu.vector_load %arg11[%swap3A_1239, %swap3A_1240] {strides = array<i32>} : memref<100x64xf32, #tpu.memory_space<vmem>>, vector<1x16xf32>,
      %swap3A_1242 = vector.shape_cast %swap3A_1241 : vector<1x16xf32> to vector<16xf32>
      %swap3A_1243 = vector.shape_cast %get3A_1238 : vector<16xf32> to vector<1x16xf32>
      tpu.vector_store %arg11[%swap3A_1239, %swap3A_1240], %swap3A_1243 {strides = array<i32>} : memref<100x64xf32, #tpu.memory_space<vmem>>, vector<1x16xf32>,
      %get3A_1244 = arith.index_cast %scan3A_1218 : i32 to index
      %get3A_1245 = arith.constant 48 : index
      %get3A_1246 = tpu.vector_load %arg9[%get3A_1244, %get3A_1245] {strides = array<i32>} : memref<100x128xf32, #tpu.memory_space<vmem>>, vector<1x16xf32>,
      %get3A_1247 = vector.shape_cast %get3A_1246 : vector<1x16xf32> to vector<16xf32>
      %swap3A_1248 = arith.index_cast %scan3A_1218 : i32 to index
      %swap3A_1249 = arith.constant 48 : index
      %swap3A_1250 = tpu.vector_load %arg11[%swap3A_1248, %swap3A_1249] {strides = array<i32>} : memref<100x64xf32, #tpu.memory_space<vmem>>, vector<1x16xf32>,
      %swap3A_1251 = vector.shape_cast %swap3A_1250 : vector<1x16xf32> to vector<16xf32>
      %swap3A_1252 = vector.shape_cast %get3A_1247 : vector<16xf32> to vector<1x16xf32>
      tpu.vector_store %arg11[%swap3A_1248, %swap3A_1249], %swap3A_1252 {strides = array<i32>} : memref<100x64xf32, #tpu.memory_space<vmem>>, vector<1x16xf32>,
    }
    %scan3A_901 = arith.constant 100 : i32
    %dma_start3A_902 = arith.constant 26 : i32
    %dma_start3A_903 = arith.constant 0 : i32
    %dma_start3A_904 = tpu.memref_slice %arg6[%dma_start3A_902, %dma_start3A_903] : memref<32x100xi32, #tpu.memory_space<vmem>> -> memref<1x100xi32, #tpu.memory_space<vmem>>
    %dma_start3A_905 = tpu.memref_squeeze %dma_start3A_904 : memref<1x100xi32, #tpu.memory_space<vmem>> -> memref<100xi32, #tpu.memory_space<vmem>>
    %dma_start3A_906 = arith.constant 0 : i32
    %dma_start3A_907 = arith.constant 0 : i32
    %dma_start3A_908 = tpu.memref_slice %arg5[%dma_start3A_906, %dma_start3A_907] : memref<1000x128xf32, #tpu.memory_space<vmem_shared>> -> memref<1000x128xf32, #tpu.memory_space<vmem_shared>>
    tpu.enqueue_indirect_dma source(%dma_start3A_908 : memref<1000x128xf32, #tpu.memory_space<vmem_shared>>) target(%arg9 : memref<100x128xf32, #tpu.memory_space<vmem>>) offsets(%dma_start3A_905 : memref<100xi32, #tpu.memory_space<vmem>>) semaphore(%arg14 : memref<!tpu.dma_semaphore, #tpu.memory_space<semaphore_mem>>)
    %add3A_909 = arith.constant 23 : i32
    %add3A_910 = arith.addi %mul3A_4, %add3A_909 : i32
    %dma_start3A_911 = arith.constant 0 : i32
    %dma_start3A_912 = arith.constant 0 : i32
    %dma_start3A_913 = tpu.memref_slice %arg4[%add3A_910, %dma_start3A_911, %dma_start3A_912] : memref<1024x100x64xf32, #tpu.memory_space<hbm>> -> memref<1x100x64xf32, #tpu.memory_space<hbm>>
    %dma_start3A_914 = tpu.memref_squeeze %dma_start3A_913 : memref<1x100x64xf32, #tpu.memory_space<hbm>> -> memref<100x64xf32, #tpu.memory_space<hbm>>
    %dma_start3A_915 = arith.constant 0 : i32
    %dma_start3A_916 = arith.constant 0 : i32
    %dma_start3A_917 = tpu.memref_slice %arg4[%add3A_910, %dma_start3A_915, %dma_start3A_916] : memref<1024x100x64xf32, #tpu.memory_space<hbm>> -> memref<1x100x64xf32, #tpu.memory_space<hbm>>
    %dma_start3A_918 = tpu.memref_squeeze %dma_start3A_917 : memref<1x100x64xf32, #tpu.memory_space<hbm>> -> memref<100x64xf32, #tpu.memory_space<hbm>>
    tpu.enqueue_dma source(%arg11 : memref<100x64xf32, #tpu.memory_space<vmem>>) target(%dma_start3A_918 : memref<100x64xf32, #tpu.memory_space<hbm>>) target_semaphore(%arg16 : memref<!tpu.dma_semaphore, #tpu.memory_space<semaphore_mem>>)
    %dma_wait3A_919 = arith.constant 24 : i32
    %dma_wait3A_920 = arith.constant 0 : i32
    %dma_wait3A_921 = tpu.memref_slice %arg6[%dma_wait3A_919, %dma_wait3A_920] : memref<32x100xi32, #tpu.memory_space<vmem>> -> memref<1x100xi32, #tpu.memory_space<vmem>>
    %dma_wait3A_922 = tpu.memref_squeeze %dma_wait3A_921 : memref<1x100xi32, #tpu.memory_space<vmem>> -> memref<100xi32, #tpu.memory_space<vmem>>
    %dma_wait3A_923 = arith.constant 0 : i32
    %dma_wait3A_924 = arith.constant 0 : i32
    %dma_wait3A_925 = tpu.memref_slice %arg5[%dma_wait3A_923, %dma_wait3A_924] : memref<1000x128xf32, #tpu.memory_space<vmem_shared>> -> memref<1000x128xf32, #tpu.memory_space<vmem_shared>>
    tpu.wait_indirect_dma semaphore(%arg12 : memref<!tpu.dma_semaphore, #tpu.memory_space<semaphore_mem>>) src(%dma_wait3A_925 : memref<1000x128xf32, #tpu.memory_space<vmem_shared>>) dst(%arg7 : memref<100x128xf32, #tpu.memory_space<vmem>>)
    %dma_wait3A_926 = arith.constant 0 : i32
    %dma_wait3A_927 = arith.constant 0 : i32
    %dma_wait3A_928 = tpu.memref_slice %arg4[%add3A_872, %dma_wait3A_926, %dma_wait3A_927] : memref<1024x100x64xf32, #tpu.memory_space<hbm>> -> memref<1x100x64xf32, #tpu.memory_space<hbm>>
    %dma_wait3A_929 = tpu.memref_squeeze %dma_wait3A_928 : memref<1x100x64xf32, #tpu.memory_space<hbm>> -> memref<100x64xf32, #tpu.memory_space<hbm>>
    %dma_wait3A_930 = arith.constant 0 : i32
    %dma_wait3A_931 = arith.constant 0 : i32
    %dma_wait3A_932 = tpu.memref_slice %arg4[%add3A_872, %dma_wait3A_930, %dma_wait3A_931] : memref<1024x100x64xf32, #tpu.memory_space<hbm>> -> memref<1x100x64xf32, #tpu.memory_space<hbm>>
    %dma_wait3A_933 = tpu.memref_squeeze %dma_wait3A_932 : memref<1x100x64xf32, #tpu.memory_space<hbm>> -> memref<100x64xf32, #tpu.memory_space<hbm>>
    tpu.wait_dma2 semaphore(%arg15 : memref<!tpu.dma_semaphore, #tpu.memory_space<semaphore_mem>>) src(%arg10 : memref<100x64xf32, #tpu.memory_space<vmem>>) dst(%dma_wait3A_933 : memref<100x64xf32, #tpu.memory_space<hbm>>)
    %scan3A_934 = arith.constant 0 : i32
    %scan3A_935 = arith.constant 0 : i32
    %scan3A_936 = arith.constant 100 : i32
    %scan3A_937 = arith.addi %scan3A_935, %scan3A_936 : i32
    %scan3A_938 = arith.constant 1 : i32
    scf.for %scan3A_1218 = %scan3A_935 to %scan3A_937 step %scan3A_938  : i32 {
      %get3A = arith.index_cast %scan3A_1218 : i32 to index
      %get3A_1219 = arith.constant 0 : index
      %get3A_1220 = tpu.vector_load %arg7[%get3A, %get3A_1219] {strides = array<i32>} : memref<100x128xf32, #tpu.memory_space<vmem>>, vector<1x16xf32>,
      %get3A_1221 = vector.shape_cast %get3A_1220 : vector<1x16xf32> to vector<16xf32>
      %swap3A = arith.index_cast %scan3A_1218 : i32 to index
      %swap3A_1222 = arith.constant 0 : index
      %swap3A_1223 = tpu.vector_load %arg10[%swap3A, %swap3A_1222] {strides = array<i32>} : memref<100x64xf32, #tpu.memory_space<vmem>>, vector<1x16xf32>,
      %swap3A_1224 = vector.shape_cast %swap3A_1223 : vector<1x16xf32> to vector<16xf32>
      %swap3A_1225 = vector.shape_cast %get3A_1221 : vector<16xf32> to vector<1x16xf32>
      tpu.vector_store %arg10[%swap3A, %swap3A_1222], %swap3A_1225 {strides = array<i32>} : memref<100x64xf32, #tpu.memory_space<vmem>>, vector<1x16xf32>,
      %get3A_1226 = arith.index_cast %scan3A_1218 : i32 to index
      %get3A_1227 = arith.constant 16 : index
      %get3A_1228 = tpu.vector_load %arg7[%get3A_1226, %get3A_1227] {strides = array<i32>} : memref<100x128xf32, #tpu.memory_space<vmem>>, vector<1x16xf32>,
      %get3A_1229 = vector.shape_cast %get3A_1228 : vector<1x16xf32> to vector<16xf32>
      %swap3A_1230 = arith.index_cast %scan3A_1218 : i32 to index
      %swap3A_1231 = arith.constant 16 : index
      %swap3A_1232 = tpu.vector_load %arg10[%swap3A_1230, %swap3A_1231] {strides = array<i32>} : memref<100x64xf32, #tpu.memory_space<vmem>>, vector<1x16xf32>,
      %swap3A_1233 = vector.shape_cast %swap3A_1232 : vector<1x16xf32> to vector<16xf32>
      %swap3A_1234 = vector.shape_cast %get3A_1229 : vector<16xf32> to vector<1x16xf32>
      tpu.vector_store %arg10[%swap3A_1230, %swap3A_1231], %swap3A_1234 {strides = array<i32>} : memref<100x64xf32, #tpu.memory_space<vmem>>, vector<1x16xf32>,
      %get3A_1235 = arith.index_cast %scan3A_1218 : i32 to index
      %get3A_1236 = arith.constant 32 : index
      %get3A_1237 = tpu.vector_load %arg7[%get3A_1235, %get3A_1236] {strides = array<i32>} : memref<100x128xf32, #tpu.memory_space<vmem>>, vector<1x16xf32>,
      %get3A_1238 = vector.shape_cast %get3A_1237 : vector<1x16xf32> to vector<16xf32>
      %swap3A_1239 = arith.index_cast %scan3A_1218 : i32 to index
      %swap3A_1240 = arith.constant 32 : index
      %swap3A_1241 = tpu.vector_load %arg10[%swap3A_1239, %swap3A_1240] {strides = array<i32>} : memref<100x64xf32, #tpu.memory_space<vmem>>, vector<1x16xf32>,
      %swap3A_1242 = vector.shape_cast %swap3A_1241 : vector<1x16xf32> to vector<16xf32>
      %swap3A_1243 = vector.shape_cast %get3A_1238 : vector<16xf32> to vector<1x16xf32>
      tpu.vector_store %arg10[%swap3A_1239, %swap3A_1240], %swap3A_1243 {strides = array<i32>} : memref<100x64xf32, #tpu.memory_space<vmem>>, vector<1x16xf32>,
      %get3A_1244 = arith.index_cast %scan3A_1218 : i32 to index
      %get3A_1245 = arith.constant 48 : index
      %get3A_1246 = tpu.vector_load %arg7[%get3A_1244, %get3A_1245] {strides = array<i32>} : memref<100x128xf32, #tpu.memory_space<vmem>>, vector<1x16xf32>,
      %get3A_1247 = vector.shape_cast %get3A_1246 : vector<1x16xf32> to vector<16xf32>
      %swap3A_1248 = arith.index_cast %scan3A_1218 : i32 to index
      %swap3A_1249 = arith.constant 48 : index
      %swap3A_1250 = tpu.vector_load %arg10[%swap3A_1248, %swap3A_1249] {strides = array<i32>} : memref<100x64xf32, #tpu.memory_space<vmem>>, vector<1x16xf32>,
      %swap3A_1251 = vector.shape_cast %swap3A_1250 : vector<1x16xf32> to vector<16xf32>
      %swap3A_1252 = vector.shape_cast %get3A_1247 : vector<16xf32> to vector<1x16xf32>
      tpu.vector_store %arg10[%swap3A_1248, %swap3A_1249], %swap3A_1252 {strides = array<i32>} : memref<100x64xf32, #tpu.memory_space<vmem>>, vector<1x16xf32>,
    }
    %scan3A_939 = arith.constant 100 : i32
    %dma_start3A_940 = arith.constant 27 : i32
    %dma_start3A_941 = arith.constant 0 : i32
    %dma_start3A_942 = tpu.memref_slice %arg6[%dma_start3A_940, %dma_start3A_941] : memref<32x100xi32, #tpu.memory_space<vmem>> -> memref<1x100xi32, #tpu.memory_space<vmem>>
    %dma_start3A_943 = tpu.memref_squeeze %dma_start3A_942 : memref<1x100xi32, #tpu.memory_space<vmem>> -> memref<100xi32, #tpu.memory_space<vmem>>
    %dma_start3A_944 = arith.constant 0 : i32
    %dma_start3A_945 = arith.constant 0 : i32
    %dma_start3A_946 = tpu.memref_slice %arg5[%dma_start3A_944, %dma_start3A_945] : memref<1000x128xf32, #tpu.memory_space<vmem_shared>> -> memref<1000x128xf32, #tpu.memory_space<vmem_shared>>
    tpu.enqueue_indirect_dma source(%dma_start3A_946 : memref<1000x128xf32, #tpu.memory_space<vmem_shared>>) target(%arg7 : memref<100x128xf32, #tpu.memory_space<vmem>>) offsets(%dma_start3A_943 : memref<100xi32, #tpu.memory_space<vmem>>) semaphore(%arg12 : memref<!tpu.dma_semaphore, #tpu.memory_space<semaphore_mem>>)
    %add3A_947 = arith.constant 24 : i32
    %add3A_948 = arith.addi %mul3A_4, %add3A_947 : i32
    %dma_start3A_949 = arith.constant 0 : i32
    %dma_start3A_950 = arith.constant 0 : i32
    %dma_start3A_951 = tpu.memref_slice %arg4[%add3A_948, %dma_start3A_949, %dma_start3A_950] : memref<1024x100x64xf32, #tpu.memory_space<hbm>> -> memref<1x100x64xf32, #tpu.memory_space<hbm>>
    %dma_start3A_952 = tpu.memref_squeeze %dma_start3A_951 : memref<1x100x64xf32, #tpu.memory_space<hbm>> -> memref<100x64xf32, #tpu.memory_space<hbm>>
    %dma_start3A_953 = arith.constant 0 : i32
    %dma_start3A_954 = arith.constant 0 : i32
    %dma_start3A_955 = tpu.memref_slice %arg4[%add3A_948, %dma_start3A_953, %dma_start3A_954] : memref<1024x100x64xf32, #tpu.memory_space<hbm>> -> memref<1x100x64xf32, #tpu.memory_space<hbm>>
    %dma_start3A_956 = tpu.memref_squeeze %dma_start3A_955 : memref<1x100x64xf32, #tpu.memory_space<hbm>> -> memref<100x64xf32, #tpu.memory_space<hbm>>
    tpu.enqueue_dma source(%arg10 : memref<100x64xf32, #tpu.memory_space<vmem>>) target(%dma_start3A_956 : memref<100x64xf32, #tpu.memory_space<hbm>>) target_semaphore(%arg15 : memref<!tpu.dma_semaphore, #tpu.memory_space<semaphore_mem>>)
    %dma_wait3A_957 = arith.constant 25 : i32
    %dma_wait3A_958 = arith.constant 0 : i32
    %dma_wait3A_959 = tpu.memref_slice %arg6[%dma_wait3A_957, %dma_wait3A_958] : memref<32x100xi32, #tpu.memory_space<vmem>> -> memref<1x100xi32, #tpu.memory_space<vmem>>
    %dma_wait3A_960 = tpu.memref_squeeze %dma_wait3A_959 : memref<1x100xi32, #tpu.memory_space<vmem>> -> memref<100xi32, #tpu.memory_space<vmem>>
    %dma_wait3A_961 = arith.constant 0 : i32
    %dma_wait3A_962 = arith.constant 0 : i32
    %dma_wait3A_963 = tpu.memref_slice %arg5[%dma_wait3A_961, %dma_wait3A_962] : memref<1000x128xf32, #tpu.memory_space<vmem_shared>> -> memref<1000x128xf32, #tpu.memory_space<vmem_shared>>
    tpu.wait_indirect_dma semaphore(%arg13 : memref<!tpu.dma_semaphore, #tpu.memory_space<semaphore_mem>>) src(%dma_wait3A_963 : memref<1000x128xf32, #tpu.memory_space<vmem_shared>>) dst(%arg8 : memref<100x128xf32, #tpu.memory_space<vmem>>)
    %dma_wait3A_964 = arith.constant 0 : i32
    %dma_wait3A_965 = arith.constant 0 : i32
    %dma_wait3A_966 = tpu.memref_slice %arg4[%add3A_910, %dma_wait3A_964, %dma_wait3A_965] : memref<1024x100x64xf32, #tpu.memory_space<hbm>> -> memref<1x100x64xf32, #tpu.memory_space<hbm>>
    %dma_wait3A_967 = tpu.memref_squeeze %dma_wait3A_966 : memref<1x100x64xf32, #tpu.memory_space<hbm>> -> memref<100x64xf32, #tpu.memory_space<hbm>>
    %dma_wait3A_968 = arith.constant 0 : i32
    %dma_wait3A_969 = arith.constant 0 : i32
    %dma_wait3A_970 = tpu.memref_slice %arg4[%add3A_910, %dma_wait3A_968, %dma_wait3A_969] : memref<1024x100x64xf32, #tpu.memory_space<hbm>> -> memref<1x100x64xf32, #tpu.memory_space<hbm>>
    %dma_wait3A_971 = tpu.memref_squeeze %dma_wait3A_970 : memref<1x100x64xf32, #tpu.memory_space<hbm>> -> memref<100x64xf32, #tpu.memory_space<hbm>>
    tpu.wait_dma2 semaphore(%arg16 : memref<!tpu.dma_semaphore, #tpu.memory_space<semaphore_mem>>) src(%arg11 : memref<100x64xf32, #tpu.memory_space<vmem>>) dst(%dma_wait3A_971 : memref<100x64xf32, #tpu.memory_space<hbm>>)
    %scan3A_972 = arith.constant 0 : i32
    %scan3A_973 = arith.constant 0 : i32
    %scan3A_974 = arith.constant 100 : i32
    %scan3A_975 = arith.addi %scan3A_973, %scan3A_974 : i32
    %scan3A_976 = arith.constant 1 : i32
    scf.for %scan3A_1218 = %scan3A_973 to %scan3A_975 step %scan3A_976  : i32 {
      %get3A = arith.index_cast %scan3A_1218 : i32 to index
      %get3A_1219 = arith.constant 0 : index
      %get3A_1220 = tpu.vector_load %arg8[%get3A, %get3A_1219] {strides = array<i32>} : memref<100x128xf32, #tpu.memory_space<vmem>>, vector<1x16xf32>,
      %get3A_1221 = vector.shape_cast %get3A_1220 : vector<1x16xf32> to vector<16xf32>
      %swap3A = arith.index_cast %scan3A_1218 : i32 to index
      %swap3A_1222 = arith.constant 0 : index
      %swap3A_1223 = tpu.vector_load %arg11[%swap3A, %swap3A_1222] {strides = array<i32>} : memref<100x64xf32, #tpu.memory_space<vmem>>, vector<1x16xf32>,
      %swap3A_1224 = vector.shape_cast %swap3A_1223 : vector<1x16xf32> to vector<16xf32>
      %swap3A_1225 = vector.shape_cast %get3A_1221 : vector<16xf32> to vector<1x16xf32>
      tpu.vector_store %arg11[%swap3A, %swap3A_1222], %swap3A_1225 {strides = array<i32>} : memref<100x64xf32, #tpu.memory_space<vmem>>, vector<1x16xf32>,
      %get3A_1226 = arith.index_cast %scan3A_1218 : i32 to index
      %get3A_1227 = arith.constant 16 : index
      %get3A_1228 = tpu.vector_load %arg8[%get3A_1226, %get3A_1227] {strides = array<i32>} : memref<100x128xf32, #tpu.memory_space<vmem>>, vector<1x16xf32>,
      %get3A_1229 = vector.shape_cast %get3A_1228 : vector<1x16xf32> to vector<16xf32>
      %swap3A_1230 = arith.index_cast %scan3A_1218 : i32 to index
      %swap3A_1231 = arith.constant 16 : index
      %swap3A_1232 = tpu.vector_load %arg11[%swap3A_1230, %swap3A_1231] {strides = array<i32>} : memref<100x64xf32, #tpu.memory_space<vmem>>, vector<1x16xf32>,
      %swap3A_1233 = vector.shape_cast %swap3A_1232 : vector<1x16xf32> to vector<16xf32>
      %swap3A_1234 = vector.shape_cast %get3A_1229 : vector<16xf32> to vector<1x16xf32>
      tpu.vector_store %arg11[%swap3A_1230, %swap3A_1231], %swap3A_1234 {strides = array<i32>} : memref<100x64xf32, #tpu.memory_space<vmem>>, vector<1x16xf32>,
      %get3A_1235 = arith.index_cast %scan3A_1218 : i32 to index
      %get3A_1236 = arith.constant 32 : index
      %get3A_1237 = tpu.vector_load %arg8[%get3A_1235, %get3A_1236] {strides = array<i32>} : memref<100x128xf32, #tpu.memory_space<vmem>>, vector<1x16xf32>,
      %get3A_1238 = vector.shape_cast %get3A_1237 : vector<1x16xf32> to vector<16xf32>
      %swap3A_1239 = arith.index_cast %scan3A_1218 : i32 to index
      %swap3A_1240 = arith.constant 32 : index
      %swap3A_1241 = tpu.vector_load %arg11[%swap3A_1239, %swap3A_1240] {strides = array<i32>} : memref<100x64xf32, #tpu.memory_space<vmem>>, vector<1x16xf32>,
      %swap3A_1242 = vector.shape_cast %swap3A_1241 : vector<1x16xf32> to vector<16xf32>
      %swap3A_1243 = vector.shape_cast %get3A_1238 : vector<16xf32> to vector<1x16xf32>
      tpu.vector_store %arg11[%swap3A_1239, %swap3A_1240], %swap3A_1243 {strides = array<i32>} : memref<100x64xf32, #tpu.memory_space<vmem>>, vector<1x16xf32>,
      %get3A_1244 = arith.index_cast %scan3A_1218 : i32 to index
      %get3A_1245 = arith.constant 48 : index
      %get3A_1246 = tpu.vector_load %arg8[%get3A_1244, %get3A_1245] {strides = array<i32>} : memref<100x128xf32, #tpu.memory_space<vmem>>, vector<1x16xf32>,
      %get3A_1247 = vector.shape_cast %get3A_1246 : vector<1x16xf32> to vector<16xf32>
      %swap3A_1248 = arith.index_cast %scan3A_1218 : i32 to index
      %swap3A_1249 = arith.constant 48 : index
      %swap3A_1250 = tpu.vector_load %arg11[%swap3A_1248, %swap3A_1249] {strides = array<i32>} : memref<100x64xf32, #tpu.memory_space<vmem>>, vector<1x16xf32>,
      %swap3A_1251 = vector.shape_cast %swap3A_1250 : vector<1x16xf32> to vector<16xf32>
      %swap3A_1252 = vector.shape_cast %get3A_1247 : vector<16xf32> to vector<1x16xf32>
      tpu.vector_store %arg11[%swap3A_1248, %swap3A_1249], %swap3A_1252 {strides = array<i32>} : memref<100x64xf32, #tpu.memory_space<vmem>>, vector<1x16xf32>,
    }
    %scan3A_977 = arith.constant 100 : i32
    %dma_start3A_978 = arith.constant 28 : i32
    %dma_start3A_979 = arith.constant 0 : i32
    %dma_start3A_980 = tpu.memref_slice %arg6[%dma_start3A_978, %dma_start3A_979] : memref<32x100xi32, #tpu.memory_space<vmem>> -> memref<1x100xi32, #tpu.memory_space<vmem>>
    %dma_start3A_981 = tpu.memref_squeeze %dma_start3A_980 : memref<1x100xi32, #tpu.memory_space<vmem>> -> memref<100xi32, #tpu.memory_space<vmem>>
    %dma_start3A_982 = arith.constant 0 : i32
    %dma_start3A_983 = arith.constant 0 : i32
    %dma_start3A_984 = tpu.memref_slice %arg5[%dma_start3A_982, %dma_start3A_983] : memref<1000x128xf32, #tpu.memory_space<vmem_shared>> -> memref<1000x128xf32, #tpu.memory_space<vmem_shared>>
    tpu.enqueue_indirect_dma source(%dma_start3A_984 : memref<1000x128xf32, #tpu.memory_space<vmem_shared>>) target(%arg8 : memref<100x128xf32, #tpu.memory_space<vmem>>) offsets(%dma_start3A_981 : memref<100xi32, #tpu.memory_space<vmem>>) semaphore(%arg13 : memref<!tpu.dma_semaphore, #tpu.memory_space<semaphore_mem>>)
    %add3A_985 = arith.constant 25 : i32
    %add3A_986 = arith.addi %mul3A_4, %add3A_985 : i32
    %dma_start3A_987 = arith.constant 0 : i32
    %dma_start3A_988 = arith.constant 0 : i32
    %dma_start3A_989 = tpu.memref_slice %arg4[%add3A_986, %dma_start3A_987, %dma_start3A_988] : memref<1024x100x64xf32, #tpu.memory_space<hbm>> -> memref<1x100x64xf32, #tpu.memory_space<hbm>>
    %dma_start3A_990 = tpu.memref_squeeze %dma_start3A_989 : memref<1x100x64xf32, #tpu.memory_space<hbm>> -> memref<100x64xf32, #tpu.memory_space<hbm>>
    %dma_start3A_991 = arith.constant 0 : i32
    %dma_start3A_992 = arith.constant 0 : i32
    %dma_start3A_993 = tpu.memref_slice %arg4[%add3A_986, %dma_start3A_991, %dma_start3A_992] : memref<1024x100x64xf32, #tpu.memory_space<hbm>> -> memref<1x100x64xf32, #tpu.memory_space<hbm>>
    %dma_start3A_994 = tpu.memref_squeeze %dma_start3A_993 : memref<1x100x64xf32, #tpu.memory_space<hbm>> -> memref<100x64xf32, #tpu.memory_space<hbm>>
    tpu.enqueue_dma source(%arg11 : memref<100x64xf32, #tpu.memory_space<vmem>>) target(%dma_start3A_994 : memref<100x64xf32, #tpu.memory_space<hbm>>) target_semaphore(%arg16 : memref<!tpu.dma_semaphore, #tpu.memory_space<semaphore_mem>>)
    %dma_wait3A_995 = arith.constant 26 : i32
    %dma_wait3A_996 = arith.constant 0 : i32
    %dma_wait3A_997 = tpu.memref_slice %arg6[%dma_wait3A_995, %dma_wait3A_996] : memref<32x100xi32, #tpu.memory_space<vmem>> -> memref<1x100xi32, #tpu.memory_space<vmem>>
    %dma_wait3A_998 = tpu.memref_squeeze %dma_wait3A_997 : memref<1x100xi32, #tpu.memory_space<vmem>> -> memref<100xi32, #tpu.memory_space<vmem>>
    %dma_wait3A_999 = arith.constant 0 : i32
    %dma_wait3A_1000 = arith.constant 0 : i32
    %dma_wait3A_1001 = tpu.memref_slice %arg5[%dma_wait3A_999, %dma_wait3A_1000] : memref<1000x128xf32, #tpu.memory_space<vmem_shared>> -> memref<1000x128xf32, #tpu.memory_space<vmem_shared>>
    tpu.wait_indirect_dma semaphore(%arg14 : memref<!tpu.dma_semaphore, #tpu.memory_space<semaphore_mem>>) src(%dma_wait3A_1001 : memref<1000x128xf32, #tpu.memory_space<vmem_shared>>) dst(%arg9 : memref<100x128xf32, #tpu.memory_space<vmem>>)
    %dma_wait3A_1002 = arith.constant 0 : i32
    %dma_wait3A_1003 = arith.constant 0 : i32
    %dma_wait3A_1004 = tpu.memref_slice %arg4[%add3A_948, %dma_wait3A_1002, %dma_wait3A_1003] : memref<1024x100x64xf32, #tpu.memory_space<hbm>> -> memref<1x100x64xf32, #tpu.memory_space<hbm>>
    %dma_wait3A_1005 = tpu.memref_squeeze %dma_wait3A_1004 : memref<1x100x64xf32, #tpu.memory_space<hbm>> -> memref<100x64xf32, #tpu.memory_space<hbm>>
    %dma_wait3A_1006 = arith.constant 0 : i32
    %dma_wait3A_1007 = arith.constant 0 : i32
    %dma_wait3A_1008 = tpu.memref_slice %arg4[%add3A_948, %dma_wait3A_1006, %dma_wait3A_1007] : memref<1024x100x64xf32, #tpu.memory_space<hbm>> -> memref<1x100x64xf32, #tpu.memory_space<hbm>>
    %dma_wait3A_1009 = tpu.memref_squeeze %dma_wait3A_1008 : memref<1x100x64xf32, #tpu.memory_space<hbm>> -> memref<100x64xf32, #tpu.memory_space<hbm>>
    tpu.wait_dma2 semaphore(%arg15 : memref<!tpu.dma_semaphore, #tpu.memory_space<semaphore_mem>>) src(%arg10 : memref<100x64xf32, #tpu.memory_space<vmem>>) dst(%dma_wait3A_1009 : memref<100x64xf32, #tpu.memory_space<hbm>>)
    %scan3A_1010 = arith.constant 0 : i32
    %scan3A_1011 = arith.constant 0 : i32
    %scan3A_1012 = arith.constant 100 : i32
    %scan3A_1013 = arith.addi %scan3A_1011, %scan3A_1012 : i32
    %scan3A_1014 = arith.constant 1 : i32
    scf.for %scan3A_1218 = %scan3A_1011 to %scan3A_1013 step %scan3A_1014  : i32 {
      %get3A = arith.index_cast %scan3A_1218 : i32 to index
      %get3A_1219 = arith.constant 0 : index
      %get3A_1220 = tpu.vector_load %arg9[%get3A, %get3A_1219] {strides = array<i32>} : memref<100x128xf32, #tpu.memory_space<vmem>>, vector<1x16xf32>,
      %get3A_1221 = vector.shape_cast %get3A_1220 : vector<1x16xf32> to vector<16xf32>
      %swap3A = arith.index_cast %scan3A_1218 : i32 to index
      %swap3A_1222 = arith.constant 0 : index
      %swap3A_1223 = tpu.vector_load %arg10[%swap3A, %swap3A_1222] {strides = array<i32>} : memref<100x64xf32, #tpu.memory_space<vmem>>, vector<1x16xf32>,
      %swap3A_1224 = vector.shape_cast %swap3A_1223 : vector<1x16xf32> to vector<16xf32>
      %swap3A_1225 = vector.shape_cast %get3A_1221 : vector<16xf32> to vector<1x16xf32>
      tpu.vector_store %arg10[%swap3A, %swap3A_1222], %swap3A_1225 {strides = array<i32>} : memref<100x64xf32, #tpu.memory_space<vmem>>, vector<1x16xf32>,
      %get3A_1226 = arith.index_cast %scan3A_1218 : i32 to index
      %get3A_1227 = arith.constant 16 : index
      %get3A_1228 = tpu.vector_load %arg9[%get3A_1226, %get3A_1227] {strides = array<i32>} : memref<100x128xf32, #tpu.memory_space<vmem>>, vector<1x16xf32>,
      %get3A_1229 = vector.shape_cast %get3A_1228 : vector<1x16xf32> to vector<16xf32>
      %swap3A_1230 = arith.index_cast %scan3A_1218 : i32 to index
      %swap3A_1231 = arith.constant 16 : index
      %swap3A_1232 = tpu.vector_load %arg10[%swap3A_1230, %swap3A_1231] {strides = array<i32>} : memref<100x64xf32, #tpu.memory_space<vmem>>, vector<1x16xf32>,
      %swap3A_1233 = vector.shape_cast %swap3A_1232 : vector<1x16xf32> to vector<16xf32>
      %swap3A_1234 = vector.shape_cast %get3A_1229 : vector<16xf32> to vector<1x16xf32>
      tpu.vector_store %arg10[%swap3A_1230, %swap3A_1231], %swap3A_1234 {strides = array<i32>} : memref<100x64xf32, #tpu.memory_space<vmem>>, vector<1x16xf32>,
      %get3A_1235 = arith.index_cast %scan3A_1218 : i32 to index
      %get3A_1236 = arith.constant 32 : index
      %get3A_1237 = tpu.vector_load %arg9[%get3A_1235, %get3A_1236] {strides = array<i32>} : memref<100x128xf32, #tpu.memory_space<vmem>>, vector<1x16xf32>,
      %get3A_1238 = vector.shape_cast %get3A_1237 : vector<1x16xf32> to vector<16xf32>
      %swap3A_1239 = arith.index_cast %scan3A_1218 : i32 to index
      %swap3A_1240 = arith.constant 32 : index
      %swap3A_1241 = tpu.vector_load %arg10[%swap3A_1239, %swap3A_1240] {strides = array<i32>} : memref<100x64xf32, #tpu.memory_space<vmem>>, vector<1x16xf32>,
      %swap3A_1242 = vector.shape_cast %swap3A_1241 : vector<1x16xf32> to vector<16xf32>
      %swap3A_1243 = vector.shape_cast %get3A_1238 : vector<16xf32> to vector<1x16xf32>
      tpu.vector_store %arg10[%swap3A_1239, %swap3A_1240], %swap3A_1243 {strides = array<i32>} : memref<100x64xf32, #tpu.memory_space<vmem>>, vector<1x16xf32>,
      %get3A_1244 = arith.index_cast %scan3A_1218 : i32 to index
      %get3A_1245 = arith.constant 48 : index
      %get3A_1246 = tpu.vector_load %arg9[%get3A_1244, %get3A_1245] {strides = array<i32>} : memref<100x128xf32, #tpu.memory_space<vmem>>, vector<1x16xf32>,
      %get3A_1247 = vector.shape_cast %get3A_1246 : vector<1x16xf32> to vector<16xf32>
      %swap3A_1248 = arith.index_cast %scan3A_1218 : i32 to index
      %swap3A_1249 = arith.constant 48 : index
      %swap3A_1250 = tpu.vector_load %arg10[%swap3A_1248, %swap3A_1249] {strides = array<i32>} : memref<100x64xf32, #tpu.memory_space<vmem>>, vector<1x16xf32>,
      %swap3A_1251 = vector.shape_cast %swap3A_1250 : vector<1x16xf32> to vector<16xf32>
      %swap3A_1252 = vector.shape_cast %get3A_1247 : vector<16xf32> to vector<1x16xf32>
      tpu.vector_store %arg10[%swap3A_1248, %swap3A_1249], %swap3A_1252 {strides = array<i32>} : memref<100x64xf32, #tpu.memory_space<vmem>>, vector<1x16xf32>,
    }
    %scan3A_1015 = arith.constant 100 : i32
    %dma_start3A_1016 = arith.constant 29 : i32
    %dma_start3A_1017 = arith.constant 0 : i32
    %dma_start3A_1018 = tpu.memref_slice %arg6[%dma_start3A_1016, %dma_start3A_1017] : memref<32x100xi32, #tpu.memory_space<vmem>> -> memref<1x100xi32, #tpu.memory_space<vmem>>
    %dma_start3A_1019 = tpu.memref_squeeze %dma_start3A_1018 : memref<1x100xi32, #tpu.memory_space<vmem>> -> memref<100xi32, #tpu.memory_space<vmem>>
    %dma_start3A_1020 = arith.constant 0 : i32
    %dma_start3A_1021 = arith.constant 0 : i32
    %dma_start3A_1022 = tpu.memref_slice %arg5[%dma_start3A_1020, %dma_start3A_1021] : memref<1000x128xf32, #tpu.memory_space<vmem_shared>> -> memref<1000x128xf32, #tpu.memory_space<vmem_shared>>
    tpu.enqueue_indirect_dma source(%dma_start3A_1022 : memref<1000x128xf32, #tpu.memory_space<vmem_shared>>) target(%arg9 : memref<100x128xf32, #tpu.memory_space<vmem>>) offsets(%dma_start3A_1019 : memref<100xi32, #tpu.memory_space<vmem>>) semaphore(%arg14 : memref<!tpu.dma_semaphore, #tpu.memory_space<semaphore_mem>>)
    %add3A_1023 = arith.constant 26 : i32
    %add3A_1024 = arith.addi %mul3A_4, %add3A_1023 : i32
    %dma_start3A_1025 = arith.constant 0 : i32
    %dma_start3A_1026 = arith.constant 0 : i32
    %dma_start3A_1027 = tpu.memref_slice %arg4[%add3A_1024, %dma_start3A_1025, %dma_start3A_1026] : memref<1024x100x64xf32, #tpu.memory_space<hbm>> -> memref<1x100x64xf32, #tpu.memory_space<hbm>>
    %dma_start3A_1028 = tpu.memref_squeeze %dma_start3A_1027 : memref<1x100x64xf32, #tpu.memory_space<hbm>> -> memref<100x64xf32, #tpu.memory_space<hbm>>
    %dma_start3A_1029 = arith.constant 0 : i32
    %dma_start3A_1030 = arith.constant 0 : i32
    %dma_start3A_1031 = tpu.memref_slice %arg4[%add3A_1024, %dma_start3A_1029, %dma_start3A_1030] : memref<1024x100x64xf32, #tpu.memory_space<hbm>> -> memref<1x100x64xf32, #tpu.memory_space<hbm>>
    %dma_start3A_1032 = tpu.memref_squeeze %dma_start3A_1031 : memref<1x100x64xf32, #tpu.memory_space<hbm>> -> memref<100x64xf32, #tpu.memory_space<hbm>>
    tpu.enqueue_dma source(%arg10 : memref<100x64xf32, #tpu.memory_space<vmem>>) target(%dma_start3A_1032 : memref<100x64xf32, #tpu.memory_space<hbm>>) target_semaphore(%arg15 : memref<!tpu.dma_semaphore, #tpu.memory_space<semaphore_mem>>)
    %dma_wait3A_1033 = arith.constant 27 : i32
    %dma_wait3A_1034 = arith.constant 0 : i32
    %dma_wait3A_1035 = tpu.memref_slice %arg6[%dma_wait3A_1033, %dma_wait3A_1034] : memref<32x100xi32, #tpu.memory_space<vmem>> -> memref<1x100xi32, #tpu.memory_space<vmem>>
    %dma_wait3A_1036 = tpu.memref_squeeze %dma_wait3A_1035 : memref<1x100xi32, #tpu.memory_space<vmem>> -> memref<100xi32, #tpu.memory_space<vmem>>
    %dma_wait3A_1037 = arith.constant 0 : i32
    %dma_wait3A_1038 = arith.constant 0 : i32
    %dma_wait3A_1039 = tpu.memref_slice %arg5[%dma_wait3A_1037, %dma_wait3A_1038] : memref<1000x128xf32, #tpu.memory_space<vmem_shared>> -> memref<1000x128xf32, #tpu.memory_space<vmem_shared>>
    tpu.wait_indirect_dma semaphore(%arg12 : memref<!tpu.dma_semaphore, #tpu.memory_space<semaphore_mem>>) src(%dma_wait3A_1039 : memref<1000x128xf32, #tpu.memory_space<vmem_shared>>) dst(%arg7 : memref<100x128xf32, #tpu.memory_space<vmem>>)
    %dma_wait3A_1040 = arith.constant 0 : i32
    %dma_wait3A_1041 = arith.constant 0 : i32
    %dma_wait3A_1042 = tpu.memref_slice %arg4[%add3A_986, %dma_wait3A_1040, %dma_wait3A_1041] : memref<1024x100x64xf32, #tpu.memory_space<hbm>> -> memref<1x100x64xf32, #tpu.memory_space<hbm>>
    %dma_wait3A_1043 = tpu.memref_squeeze %dma_wait3A_1042 : memref<1x100x64xf32, #tpu.memory_space<hbm>> -> memref<100x64xf32, #tpu.memory_space<hbm>>
    %dma_wait3A_1044 = arith.constant 0 : i32
    %dma_wait3A_1045 = arith.constant 0 : i32
    %dma_wait3A_1046 = tpu.memref_slice %arg4[%add3A_986, %dma_wait3A_1044, %dma_wait3A_1045] : memref<1024x100x64xf32, #tpu.memory_space<hbm>> -> memref<1x100x64xf32, #tpu.memory_space<hbm>>
    %dma_wait3A_1047 = tpu.memref_squeeze %dma_wait3A_1046 : memref<1x100x64xf32, #tpu.memory_space<hbm>> -> memref<100x64xf32, #tpu.memory_space<hbm>>
    tpu.wait_dma2 semaphore(%arg16 : memref<!tpu.dma_semaphore, #tpu.memory_space<semaphore_mem>>) src(%arg11 : memref<100x64xf32, #tpu.memory_space<vmem>>) dst(%dma_wait3A_1047 : memref<100x64xf32, #tpu.memory_space<hbm>>)
    %scan3A_1048 = arith.constant 0 : i32
    %scan3A_1049 = arith.constant 0 : i32
    %scan3A_1050 = arith.constant 100 : i32
    %scan3A_1051 = arith.addi %scan3A_1049, %scan3A_1050 : i32
    %scan3A_1052 = arith.constant 1 : i32
    scf.for %scan3A_1218 = %scan3A_1049 to %scan3A_1051 step %scan3A_1052  : i32 {
      %get3A = arith.index_cast %scan3A_1218 : i32 to index
      %get3A_1219 = arith.constant 0 : index
      %get3A_1220 = tpu.vector_load %arg7[%get3A, %get3A_1219] {strides = array<i32>} : memref<100x128xf32, #tpu.memory_space<vmem>>, vector<1x16xf32>,
      %get3A_1221 = vector.shape_cast %get3A_1220 : vector<1x16xf32> to vector<16xf32>
      %swap3A = arith.index_cast %scan3A_1218 : i32 to index
      %swap3A_1222 = arith.constant 0 : index
      %swap3A_1223 = tpu.vector_load %arg11[%swap3A, %swap3A_1222] {strides = array<i32>} : memref<100x64xf32, #tpu.memory_space<vmem>>, vector<1x16xf32>,
      %swap3A_1224 = vector.shape_cast %swap3A_1223 : vector<1x16xf32> to vector<16xf32>
      %swap3A_1225 = vector.shape_cast %get3A_1221 : vector<16xf32> to vector<1x16xf32>
      tpu.vector_store %arg11[%swap3A, %swap3A_1222], %swap3A_1225 {strides = array<i32>} : memref<100x64xf32, #tpu.memory_space<vmem>>, vector<1x16xf32>,
      %get3A_1226 = arith.index_cast %scan3A_1218 : i32 to index
      %get3A_1227 = arith.constant 16 : index
      %get3A_1228 = tpu.vector_load %arg7[%get3A_1226, %get3A_1227] {strides = array<i32>} : memref<100x128xf32, #tpu.memory_space<vmem>>, vector<1x16xf32>,
      %get3A_1229 = vector.shape_cast %get3A_1228 : vector<1x16xf32> to vector<16xf32>
      %swap3A_1230 = arith.index_cast %scan3A_1218 : i32 to index
      %swap3A_1231 = arith.constant 16 : index
      %swap3A_1232 = tpu.vector_load %arg11[%swap3A_1230, %swap3A_1231] {strides = array<i32>} : memref<100x64xf32, #tpu.memory_space<vmem>>, vector<1x16xf32>,
      %swap3A_1233 = vector.shape_cast %swap3A_1232 : vector<1x16xf32> to vector<16xf32>
      %swap3A_1234 = vector.shape_cast %get3A_1229 : vector<16xf32> to vector<1x16xf32>
      tpu.vector_store %arg11[%swap3A_1230, %swap3A_1231], %swap3A_1234 {strides = array<i32>} : memref<100x64xf32, #tpu.memory_space<vmem>>, vector<1x16xf32>,
      %get3A_1235 = arith.index_cast %scan3A_1218 : i32 to index
      %get3A_1236 = arith.constant 32 : index
      %get3A_1237 = tpu.vector_load %arg7[%get3A_1235, %get3A_1236] {strides = array<i32>} : memref<100x128xf32, #tpu.memory_space<vmem>>, vector<1x16xf32>,
      %get3A_1238 = vector.shape_cast %get3A_1237 : vector<1x16xf32> to vector<16xf32>
      %swap3A_1239 = arith.index_cast %scan3A_1218 : i32 to index
      %swap3A_1240 = arith.constant 32 : index
      %swap3A_1241 = tpu.vector_load %arg11[%swap3A_1239, %swap3A_1240] {strides = array<i32>} : memref<100x64xf32, #tpu.memory_space<vmem>>, vector<1x16xf32>,
      %swap3A_1242 = vector.shape_cast %swap3A_1241 : vector<1x16xf32> to vector<16xf32>
      %swap3A_1243 = vector.shape_cast %get3A_1238 : vector<16xf32> to vector<1x16xf32>
      tpu.vector_store %arg11[%swap3A_1239, %swap3A_1240], %swap3A_1243 {strides = array<i32>} : memref<100x64xf32, #tpu.memory_space<vmem>>, vector<1x16xf32>,
      %get3A_1244 = arith.index_cast %scan3A_1218 : i32 to index
      %get3A_1245 = arith.constant 48 : index
      %get3A_1246 = tpu.vector_load %arg7[%get3A_1244, %get3A_1245] {strides = array<i32>} : memref<100x128xf32, #tpu.memory_space<vmem>>, vector<1x16xf32>,
      %get3A_1247 = vector.shape_cast %get3A_1246 : vector<1x16xf32> to vector<16xf32>
      %swap3A_1248 = arith.index_cast %scan3A_1218 : i32 to index
      %swap3A_1249 = arith.constant 48 : index
      %swap3A_1250 = tpu.vector_load %arg11[%swap3A_1248, %swap3A_1249] {strides = array<i32>} : memref<100x64xf32, #tpu.memory_space<vmem>>, vector<1x16xf32>,
      %swap3A_1251 = vector.shape_cast %swap3A_1250 : vector<1x16xf32> to vector<16xf32>
      %swap3A_1252 = vector.shape_cast %get3A_1247 : vector<16xf32> to vector<1x16xf32>
      tpu.vector_store %arg11[%swap3A_1248, %swap3A_1249], %swap3A_1252 {strides = array<i32>} : memref<100x64xf32, #tpu.memory_space<vmem>>, vector<1x16xf32>,
    }
    %scan3A_1053 = arith.constant 100 : i32
    %dma_start3A_1054 = arith.constant 30 : i32
    %dma_start3A_1055 = arith.constant 0 : i32
    %dma_start3A_1056 = tpu.memref_slice %arg6[%dma_start3A_1054, %dma_start3A_1055] : memref<32x100xi32, #tpu.memory_space<vmem>> -> memref<1x100xi32, #tpu.memory_space<vmem>>
    %dma_start3A_1057 = tpu.memref_squeeze %dma_start3A_1056 : memref<1x100xi32, #tpu.memory_space<vmem>> -> memref<100xi32, #tpu.memory_space<vmem>>
    %dma_start3A_1058 = arith.constant 0 : i32
    %dma_start3A_1059 = arith.constant 0 : i32
    %dma_start3A_1060 = tpu.memref_slice %arg5[%dma_start3A_1058, %dma_start3A_1059] : memref<1000x128xf32, #tpu.memory_space<vmem_shared>> -> memref<1000x128xf32, #tpu.memory_space<vmem_shared>>
    tpu.enqueue_indirect_dma source(%dma_start3A_1060 : memref<1000x128xf32, #tpu.memory_space<vmem_shared>>) target(%arg7 : memref<100x128xf32, #tpu.memory_space<vmem>>) offsets(%dma_start3A_1057 : memref<100xi32, #tpu.memory_space<vmem>>) semaphore(%arg12 : memref<!tpu.dma_semaphore, #tpu.memory_space<semaphore_mem>>)
    %add3A_1061 = arith.constant 27 : i32
    %add3A_1062 = arith.addi %mul3A_4, %add3A_1061 : i32
    %dma_start3A_1063 = arith.constant 0 : i32
    %dma_start3A_1064 = arith.constant 0 : i32
    %dma_start3A_1065 = tpu.memref_slice %arg4[%add3A_1062, %dma_start3A_1063, %dma_start3A_1064] : memref<1024x100x64xf32, #tpu.memory_space<hbm>> -> memref<1x100x64xf32, #tpu.memory_space<hbm>>
    %dma_start3A_1066 = tpu.memref_squeeze %dma_start3A_1065 : memref<1x100x64xf32, #tpu.memory_space<hbm>> -> memref<100x64xf32, #tpu.memory_space<hbm>>
    %dma_start3A_1067 = arith.constant 0 : i32
    %dma_start3A_1068 = arith.constant 0 : i32
    %dma_start3A_1069 = tpu.memref_slice %arg4[%add3A_1062, %dma_start3A_1067, %dma_start3A_1068] : memref<1024x100x64xf32, #tpu.memory_space<hbm>> -> memref<1x100x64xf32, #tpu.memory_space<hbm>>
    %dma_start3A_1070 = tpu.memref_squeeze %dma_start3A_1069 : memref<1x100x64xf32, #tpu.memory_space<hbm>> -> memref<100x64xf32, #tpu.memory_space<hbm>>
    tpu.enqueue_dma source(%arg11 : memref<100x64xf32, #tpu.memory_space<vmem>>) target(%dma_start3A_1070 : memref<100x64xf32, #tpu.memory_space<hbm>>) target_semaphore(%arg16 : memref<!tpu.dma_semaphore, #tpu.memory_space<semaphore_mem>>)
    %dma_wait3A_1071 = arith.constant 28 : i32
    %dma_wait3A_1072 = arith.constant 0 : i32
    %dma_wait3A_1073 = tpu.memref_slice %arg6[%dma_wait3A_1071, %dma_wait3A_1072] : memref<32x100xi32, #tpu.memory_space<vmem>> -> memref<1x100xi32, #tpu.memory_space<vmem>>
    %dma_wait3A_1074 = tpu.memref_squeeze %dma_wait3A_1073 : memref<1x100xi32, #tpu.memory_space<vmem>> -> memref<100xi32, #tpu.memory_space<vmem>>
    %dma_wait3A_1075 = arith.constant 0 : i32
    %dma_wait3A_1076 = arith.constant 0 : i32
    %dma_wait3A_1077 = tpu.memref_slice %arg5[%dma_wait3A_1075, %dma_wait3A_1076] : memref<1000x128xf32, #tpu.memory_space<vmem_shared>> -> memref<1000x128xf32, #tpu.memory_space<vmem_shared>>
    tpu.wait_indirect_dma semaphore(%arg13 : memref<!tpu.dma_semaphore, #tpu.memory_space<semaphore_mem>>) src(%dma_wait3A_1077 : memref<1000x128xf32, #tpu.memory_space<vmem_shared>>) dst(%arg8 : memref<100x128xf32, #tpu.memory_space<vmem>>)
    %dma_wait3A_1078 = arith.constant 0 : i32
    %dma_wait3A_1079 = arith.constant 0 : i32
    %dma_wait3A_1080 = tpu.memref_slice %arg4[%add3A_1024, %dma_wait3A_1078, %dma_wait3A_1079] : memref<1024x100x64xf32, #tpu.memory_space<hbm>> -> memref<1x100x64xf32, #tpu.memory_space<hbm>>
    %dma_wait3A_1081 = tpu.memref_squeeze %dma_wait3A_1080 : memref<1x100x64xf32, #tpu.memory_space<hbm>> -> memref<100x64xf32, #tpu.memory_space<hbm>>
    %dma_wait3A_1082 = arith.constant 0 : i32
    %dma_wait3A_1083 = arith.constant 0 : i32
    %dma_wait3A_1084 = tpu.memref_slice %arg4[%add3A_1024, %dma_wait3A_1082, %dma_wait3A_1083] : memref<1024x100x64xf32, #tpu.memory_space<hbm>> -> memref<1x100x64xf32, #tpu.memory_space<hbm>>
    %dma_wait3A_1085 = tpu.memref_squeeze %dma_wait3A_1084 : memref<1x100x64xf32, #tpu.memory_space<hbm>> -> memref<100x64xf32, #tpu.memory_space<hbm>>
    tpu.wait_dma2 semaphore(%arg15 : memref<!tpu.dma_semaphore, #tpu.memory_space<semaphore_mem>>) src(%arg10 : memref<100x64xf32, #tpu.memory_space<vmem>>) dst(%dma_wait3A_1085 : memref<100x64xf32, #tpu.memory_space<hbm>>)
    %scan3A_1086 = arith.constant 0 : i32
    %scan3A_1087 = arith.constant 0 : i32
    %scan3A_1088 = arith.constant 100 : i32
    %scan3A_1089 = arith.addi %scan3A_1087, %scan3A_1088 : i32
    %scan3A_1090 = arith.constant 1 : i32
    scf.for %scan3A_1218 = %scan3A_1087 to %scan3A_1089 step %scan3A_1090  : i32 {
      %get3A = arith.index_cast %scan3A_1218 : i32 to index
      %get3A_1219 = arith.constant 0 : index
      %get3A_1220 = tpu.vector_load %arg8[%get3A, %get3A_1219] {strides = array<i32>} : memref<100x128xf32, #tpu.memory_space<vmem>>, vector<1x16xf32>,
      %get3A_1221 = vector.shape_cast %get3A_1220 : vector<1x16xf32> to vector<16xf32>
      %swap3A = arith.index_cast %scan3A_1218 : i32 to index
      %swap3A_1222 = arith.constant 0 : index
      %swap3A_1223 = tpu.vector_load %arg10[%swap3A, %swap3A_1222] {strides = array<i32>} : memref<100x64xf32, #tpu.memory_space<vmem>>, vector<1x16xf32>,
      %swap3A_1224 = vector.shape_cast %swap3A_1223 : vector<1x16xf32> to vector<16xf32>
      %swap3A_1225 = vector.shape_cast %get3A_1221 : vector<16xf32> to vector<1x16xf32>
      tpu.vector_store %arg10[%swap3A, %swap3A_1222], %swap3A_1225 {strides = array<i32>} : memref<100x64xf32, #tpu.memory_space<vmem>>, vector<1x16xf32>,
      %get3A_1226 = arith.index_cast %scan3A_1218 : i32 to index
      %get3A_1227 = arith.constant 16 : index
      %get3A_1228 = tpu.vector_load %arg8[%get3A_1226, %get3A_1227] {strides = array<i32>} : memref<100x128xf32, #tpu.memory_space<vmem>>, vector<1x16xf32>,
      %get3A_1229 = vector.shape_cast %get3A_1228 : vector<1x16xf32> to vector<16xf32>
      %swap3A_1230 = arith.index_cast %scan3A_1218 : i32 to index
      %swap3A_1231 = arith.constant 16 : index
      %swap3A_1232 = tpu.vector_load %arg10[%swap3A_1230, %swap3A_1231] {strides = array<i32>} : memref<100x64xf32, #tpu.memory_space<vmem>>, vector<1x16xf32>,
      %swap3A_1233 = vector.shape_cast %swap3A_1232 : vector<1x16xf32> to vector<16xf32>
      %swap3A_1234 = vector.shape_cast %get3A_1229 : vector<16xf32> to vector<1x16xf32>
      tpu.vector_store %arg10[%swap3A_1230, %swap3A_1231], %swap3A_1234 {strides = array<i32>} : memref<100x64xf32, #tpu.memory_space<vmem>>, vector<1x16xf32>,
      %get3A_1235 = arith.index_cast %scan3A_1218 : i32 to index
      %get3A_1236 = arith.constant 32 : index
      %get3A_1237 = tpu.vector_load %arg8[%get3A_1235, %get3A_1236] {strides = array<i32>} : memref<100x128xf32, #tpu.memory_space<vmem>>, vector<1x16xf32>,
      %get3A_1238 = vector.shape_cast %get3A_1237 : vector<1x16xf32> to vector<16xf32>
      %swap3A_1239 = arith.index_cast %scan3A_1218 : i32 to index
      %swap3A_1240 = arith.constant 32 : index
      %swap3A_1241 = tpu.vector_load %arg10[%swap3A_1239, %swap3A_1240] {strides = array<i32>} : memref<100x64xf32, #tpu.memory_space<vmem>>, vector<1x16xf32>,
      %swap3A_1242 = vector.shape_cast %swap3A_1241 : vector<1x16xf32> to vector<16xf32>
      %swap3A_1243 = vector.shape_cast %get3A_1238 : vector<16xf32> to vector<1x16xf32>
      tpu.vector_store %arg10[%swap3A_1239, %swap3A_1240], %swap3A_1243 {strides = array<i32>} : memref<100x64xf32, #tpu.memory_space<vmem>>, vector<1x16xf32>,
      %get3A_1244 = arith.index_cast %scan3A_1218 : i32 to index
      %get3A_1245 = arith.constant 48 : index
      %get3A_1246 = tpu.vector_load %arg8[%get3A_1244, %get3A_1245] {strides = array<i32>} : memref<100x128xf32, #tpu.memory_space<vmem>>, vector<1x16xf32>,
      %get3A_1247 = vector.shape_cast %get3A_1246 : vector<1x16xf32> to vector<16xf32>
      %swap3A_1248 = arith.index_cast %scan3A_1218 : i32 to index
      %swap3A_1249 = arith.constant 48 : index
      %swap3A_1250 = tpu.vector_load %arg10[%swap3A_1248, %swap3A_1249] {strides = array<i32>} : memref<100x64xf32, #tpu.memory_space<vmem>>, vector<1x16xf32>,
      %swap3A_1251 = vector.shape_cast %swap3A_1250 : vector<1x16xf32> to vector<16xf32>
      %swap3A_1252 = vector.shape_cast %get3A_1247 : vector<16xf32> to vector<1x16xf32>
      tpu.vector_store %arg10[%swap3A_1248, %swap3A_1249], %swap3A_1252 {strides = array<i32>} : memref<100x64xf32, #tpu.memory_space<vmem>>, vector<1x16xf32>,
    }
    %scan3A_1091 = arith.constant 100 : i32
    %dma_start3A_1092 = arith.constant 31 : i32
    %dma_start3A_1093 = arith.constant 0 : i32
    %dma_start3A_1094 = tpu.memref_slice %arg6[%dma_start3A_1092, %dma_start3A_1093] : memref<32x100xi32, #tpu.memory_space<vmem>> -> memref<1x100xi32, #tpu.memory_space<vmem>>
    %dma_start3A_1095 = tpu.memref_squeeze %dma_start3A_1094 : memref<1x100xi32, #tpu.memory_space<vmem>> -> memref<100xi32, #tpu.memory_space<vmem>>
    %dma_start3A_1096 = arith.constant 0 : i32
    %dma_start3A_1097 = arith.constant 0 : i32
    %dma_start3A_1098 = tpu.memref_slice %arg5[%dma_start3A_1096, %dma_start3A_1097] : memref<1000x128xf32, #tpu.memory_space<vmem_shared>> -> memref<1000x128xf32, #tpu.memory_space<vmem_shared>>
    tpu.enqueue_indirect_dma source(%dma_start3A_1098 : memref<1000x128xf32, #tpu.memory_space<vmem_shared>>) target(%arg8 : memref<100x128xf32, #tpu.memory_space<vmem>>) offsets(%dma_start3A_1095 : memref<100xi32, #tpu.memory_space<vmem>>) semaphore(%arg13 : memref<!tpu.dma_semaphore, #tpu.memory_space<semaphore_mem>>)
    %add3A_1099 = arith.constant 28 : i32
    %add3A_1100 = arith.addi %mul3A_4, %add3A_1099 : i32
    %dma_start3A_1101 = arith.constant 0 : i32
    %dma_start3A_1102 = arith.constant 0 : i32
    %dma_start3A_1103 = tpu.memref_slice %arg4[%add3A_1100, %dma_start3A_1101, %dma_start3A_1102] : memref<1024x100x64xf32, #tpu.memory_space<hbm>> -> memref<1x100x64xf32, #tpu.memory_space<hbm>>
    %dma_start3A_1104 = tpu.memref_squeeze %dma_start3A_1103 : memref<1x100x64xf32, #tpu.memory_space<hbm>> -> memref<100x64xf32, #tpu.memory_space<hbm>>
    %dma_start3A_1105 = arith.constant 0 : i32
    %dma_start3A_1106 = arith.constant 0 : i32
    %dma_start3A_1107 = tpu.memref_slice %arg4[%add3A_1100, %dma_start3A_1105, %dma_start3A_1106] : memref<1024x100x64xf32, #tpu.memory_space<hbm>> -> memref<1x100x64xf32, #tpu.memory_space<hbm>>
    %dma_start3A_1108 = tpu.memref_squeeze %dma_start3A_1107 : memref<1x100x64xf32, #tpu.memory_space<hbm>> -> memref<100x64xf32, #tpu.memory_space<hbm>>
    tpu.enqueue_dma source(%arg10 : memref<100x64xf32, #tpu.memory_space<vmem>>) target(%dma_start3A_1108 : memref<100x64xf32, #tpu.memory_space<hbm>>) target_semaphore(%arg15 : memref<!tpu.dma_semaphore, #tpu.memory_space<semaphore_mem>>)
    %dma_wait3A_1109 = arith.constant 29 : i32
    %dma_wait3A_1110 = arith.constant 0 : i32
    %dma_wait3A_1111 = tpu.memref_slice %arg6[%dma_wait3A_1109, %dma_wait3A_1110] : memref<32x100xi32, #tpu.memory_space<vmem>> -> memref<1x100xi32, #tpu.memory_space<vmem>>
    %dma_wait3A_1112 = tpu.memref_squeeze %dma_wait3A_1111 : memref<1x100xi32, #tpu.memory_space<vmem>> -> memref<100xi32, #tpu.memory_space<vmem>>
    %dma_wait3A_1113 = arith.constant 0 : i32
    %dma_wait3A_1114 = arith.constant 0 : i32
    %dma_wait3A_1115 = tpu.memref_slice %arg5[%dma_wait3A_1113, %dma_wait3A_1114] : memref<1000x128xf32, #tpu.memory_space<vmem_shared>> -> memref<1000x128xf32, #tpu.memory_space<vmem_shared>>
    tpu.wait_indirect_dma semaphore(%arg14 : memref<!tpu.dma_semaphore, #tpu.memory_space<semaphore_mem>>) src(%dma_wait3A_1115 : memref<1000x128xf32, #tpu.memory_space<vmem_shared>>) dst(%arg9 : memref<100x128xf32, #tpu.memory_space<vmem>>)
    %dma_wait3A_1116 = arith.constant 0 : i32
    %dma_wait3A_1117 = arith.constant 0 : i32
    %dma_wait3A_1118 = tpu.memref_slice %arg4[%add3A_1062, %dma_wait3A_1116, %dma_wait3A_1117] : memref<1024x100x64xf32, #tpu.memory_space<hbm>> -> memref<1x100x64xf32, #tpu.memory_space<hbm>>
    %dma_wait3A_1119 = tpu.memref_squeeze %dma_wait3A_1118 : memref<1x100x64xf32, #tpu.memory_space<hbm>> -> memref<100x64xf32, #tpu.memory_space<hbm>>
    %dma_wait3A_1120 = arith.constant 0 : i32
    %dma_wait3A_1121 = arith.constant 0 : i32
    %dma_wait3A_1122 = tpu.memref_slice %arg4[%add3A_1062, %dma_wait3A_1120, %dma_wait3A_1121] : memref<1024x100x64xf32, #tpu.memory_space<hbm>> -> memref<1x100x64xf32, #tpu.memory_space<hbm>>
    %dma_wait3A_1123 = tpu.memref_squeeze %dma_wait3A_1122 : memref<1x100x64xf32, #tpu.memory_space<hbm>> -> memref<100x64xf32, #tpu.memory_space<hbm>>
    tpu.wait_dma2 semaphore(%arg16 : memref<!tpu.dma_semaphore, #tpu.memory_space<semaphore_mem>>) src(%arg11 : memref<100x64xf32, #tpu.memory_space<vmem>>) dst(%dma_wait3A_1123 : memref<100x64xf32, #tpu.memory_space<hbm>>)
    %scan3A_1124 = arith.constant 0 : i32
    %scan3A_1125 = arith.constant 0 : i32
    %scan3A_1126 = arith.constant 100 : i32
    %scan3A_1127 = arith.addi %scan3A_1125, %scan3A_1126 : i32
    %scan3A_1128 = arith.constant 1 : i32
    scf.for %scan3A_1218 = %scan3A_1125 to %scan3A_1127 step %scan3A_1128  : i32 {
      %get3A = arith.index_cast %scan3A_1218 : i32 to index
      %get3A_1219 = arith.constant 0 : index
      %get3A_1220 = tpu.vector_load %arg9[%get3A, %get3A_1219] {strides = array<i32>} : memref<100x128xf32, #tpu.memory_space<vmem>>, vector<1x16xf32>,
      %get3A_1221 = vector.shape_cast %get3A_1220 : vector<1x16xf32> to vector<16xf32>
      %swap3A = arith.index_cast %scan3A_1218 : i32 to index
      %swap3A_1222 = arith.constant 0 : index
      %swap3A_1223 = tpu.vector_load %arg11[%swap3A, %swap3A_1222] {strides = array<i32>} : memref<100x64xf32, #tpu.memory_space<vmem>>, vector<1x16xf32>,
      %swap3A_1224 = vector.shape_cast %swap3A_1223 : vector<1x16xf32> to vector<16xf32>
      %swap3A_1225 = vector.shape_cast %get3A_1221 : vector<16xf32> to vector<1x16xf32>
      tpu.vector_store %arg11[%swap3A, %swap3A_1222], %swap3A_1225 {strides = array<i32>} : memref<100x64xf32, #tpu.memory_space<vmem>>, vector<1x16xf32>,
      %get3A_1226 = arith.index_cast %scan3A_1218 : i32 to index
      %get3A_1227 = arith.constant 16 : index
      %get3A_1228 = tpu.vector_load %arg9[%get3A_1226, %get3A_1227] {strides = array<i32>} : memref<100x128xf32, #tpu.memory_space<vmem>>, vector<1x16xf32>,
      %get3A_1229 = vector.shape_cast %get3A_1228 : vector<1x16xf32> to vector<16xf32>
      %swap3A_1230 = arith.index_cast %scan3A_1218 : i32 to index
      %swap3A_1231 = arith.constant 16 : index
      %swap3A_1232 = tpu.vector_load %arg11[%swap3A_1230, %swap3A_1231] {strides = array<i32>} : memref<100x64xf32, #tpu.memory_space<vmem>>, vector<1x16xf32>,
      %swap3A_1233 = vector.shape_cast %swap3A_1232 : vector<1x16xf32> to vector<16xf32>
      %swap3A_1234 = vector.shape_cast %get3A_1229 : vector<16xf32> to vector<1x16xf32>
      tpu.vector_store %arg11[%swap3A_1230, %swap3A_1231], %swap3A_1234 {strides = array<i32>} : memref<100x64xf32, #tpu.memory_space<vmem>>, vector<1x16xf32>,
      %get3A_1235 = arith.index_cast %scan3A_1218 : i32 to index
      %get3A_1236 = arith.constant 32 : index
      %get3A_1237 = tpu.vector_load %arg9[%get3A_1235, %get3A_1236] {strides = array<i32>} : memref<100x128xf32, #tpu.memory_space<vmem>>, vector<1x16xf32>,
      %get3A_1238 = vector.shape_cast %get3A_1237 : vector<1x16xf32> to vector<16xf32>
      %swap3A_1239 = arith.index_cast %scan3A_1218 : i32 to index
      %swap3A_1240 = arith.constant 32 : index
      %swap3A_1241 = tpu.vector_load %arg11[%swap3A_1239, %swap3A_1240] {strides = array<i32>} : memref<100x64xf32, #tpu.memory_space<vmem>>, vector<1x16xf32>,
      %swap3A_1242 = vector.shape_cast %swap3A_1241 : vector<1x16xf32> to vector<16xf32>
      %swap3A_1243 = vector.shape_cast %get3A_1238 : vector<16xf32> to vector<1x16xf32>
      tpu.vector_store %arg11[%swap3A_1239, %swap3A_1240], %swap3A_1243 {strides = array<i32>} : memref<100x64xf32, #tpu.memory_space<vmem>>, vector<1x16xf32>,
      %get3A_1244 = arith.index_cast %scan3A_1218 : i32 to index
      %get3A_1245 = arith.constant 48 : index
      %get3A_1246 = tpu.vector_load %arg9[%get3A_1244, %get3A_1245] {strides = array<i32>} : memref<100x128xf32, #tpu.memory_space<vmem>>, vector<1x16xf32>,
      %get3A_1247 = vector.shape_cast %get3A_1246 : vector<1x16xf32> to vector<16xf32>
      %swap3A_1248 = arith.index_cast %scan3A_1218 : i32 to index
      %swap3A_1249 = arith.constant 48 : index
      %swap3A_1250 = tpu.vector_load %arg11[%swap3A_1248, %swap3A_1249] {strides = array<i32>} : memref<100x64xf32, #tpu.memory_space<vmem>>, vector<1x16xf32>,
      %swap3A_1251 = vector.shape_cast %swap3A_1250 : vector<1x16xf32> to vector<16xf32>
      %swap3A_1252 = vector.shape_cast %get3A_1247 : vector<16xf32> to vector<1x16xf32>
      tpu.vector_store %arg11[%swap3A_1248, %swap3A_1249], %swap3A_1252 {strides = array<i32>} : memref<100x64xf32, #tpu.memory_space<vmem>>, vector<1x16xf32>,
    }
    %scan3A_1129 = arith.constant 100 : i32
    %add3A_1130 = arith.constant 29 : i32
    %add3A_1131 = arith.addi %mul3A_4, %add3A_1130 : i32
    %dma_start3A_1132 = arith.constant 0 : i32
    %dma_start3A_1133 = arith.constant 0 : i32
    %dma_start3A_1134 = tpu.memref_slice %arg4[%add3A_1131, %dma_start3A_1132, %dma_start3A_1133] : memref<1024x100x64xf32, #tpu.memory_space<hbm>> -> memref<1x100x64xf32, #tpu.memory_space<hbm>>
    %dma_start3A_1135 = tpu.memref_squeeze %dma_start3A_1134 : memref<1x100x64xf32, #tpu.memory_space<hbm>> -> memref<100x64xf32, #tpu.memory_space<hbm>>
    %dma_start3A_1136 = arith.constant 0 : i32
    %dma_start3A_1137 = arith.constant 0 : i32
    %dma_start3A_1138 = tpu.memref_slice %arg4[%add3A_1131, %dma_start3A_1136, %dma_start3A_1137] : memref<1024x100x64xf32, #tpu.memory_space<hbm>> -> memref<1x100x64xf32, #tpu.memory_space<hbm>>
    %dma_start3A_1139 = tpu.memref_squeeze %dma_start3A_1138 : memref<1x100x64xf32, #tpu.memory_space<hbm>> -> memref<100x64xf32, #tpu.memory_space<hbm>>
    tpu.enqueue_dma source(%arg11 : memref<100x64xf32, #tpu.memory_space<vmem>>) target(%dma_start3A_1139 : memref<100x64xf32, #tpu.memory_space<hbm>>) target_semaphore(%arg16 : memref<!tpu.dma_semaphore, #tpu.memory_space<semaphore_mem>>)
    %dma_wait3A_1140 = arith.constant 30 : i32
    %dma_wait3A_1141 = arith.constant 0 : i32
    %dma_wait3A_1142 = tpu.memref_slice %arg6[%dma_wait3A_1140, %dma_wait3A_1141] : memref<32x100xi32, #tpu.memory_space<vmem>> -> memref<1x100xi32, #tpu.memory_space<vmem>>
    %dma_wait3A_1143 = tpu.memref_squeeze %dma_wait3A_1142 : memref<1x100xi32, #tpu.memory_space<vmem>> -> memref<100xi32, #tpu.memory_space<vmem>>
    %dma_wait3A_1144 = arith.constant 0 : i32
    %dma_wait3A_1145 = arith.constant 0 : i32
    %dma_wait3A_1146 = tpu.memref_slice %arg5[%dma_wait3A_1144, %dma_wait3A_1145] : memref<1000x128xf32, #tpu.memory_space<vmem_shared>> -> memref<1000x128xf32, #tpu.memory_space<vmem_shared>>
    tpu.wait_indirect_dma semaphore(%arg12 : memref<!tpu.dma_semaphore, #tpu.memory_space<semaphore_mem>>) src(%dma_wait3A_1146 : memref<1000x128xf32, #tpu.memory_space<vmem_shared>>) dst(%arg7 : memref<100x128xf32, #tpu.memory_space<vmem>>)
    %dma_wait3A_1147 = arith.constant 0 : i32
    %dma_wait3A_1148 = arith.constant 0 : i32
    %dma_wait3A_1149 = tpu.memref_slice %arg4[%add3A_1100, %dma_wait3A_1147, %dma_wait3A_1148] : memref<1024x100x64xf32, #tpu.memory_space<hbm>> -> memref<1x100x64xf32, #tpu.memory_space<hbm>>
    %dma_wait3A_1150 = tpu.memref_squeeze %dma_wait3A_1149 : memref<1x100x64xf32, #tpu.memory_space<hbm>> -> memref<100x64xf32, #tpu.memory_space<hbm>>
    %dma_wait3A_1151 = arith.constant 0 : i32
    %dma_wait3A_1152 = arith.constant 0 : i32
    %dma_wait3A_1153 = tpu.memref_slice %arg4[%add3A_1100, %dma_wait3A_1151, %dma_wait3A_1152] : memref<1024x100x64xf32, #tpu.memory_space<hbm>> -> memref<1x100x64xf32, #tpu.memory_space<hbm>>
    %dma_wait3A_1154 = tpu.memref_squeeze %dma_wait3A_1153 : memref<1x100x64xf32, #tpu.memory_space<hbm>> -> memref<100x64xf32, #tpu.memory_space<hbm>>
    tpu.wait_dma2 semaphore(%arg15 : memref<!tpu.dma_semaphore, #tpu.memory_space<semaphore_mem>>) src(%arg10 : memref<100x64xf32, #tpu.memory_space<vmem>>) dst(%dma_wait3A_1154 : memref<100x64xf32, #tpu.memory_space<hbm>>)
    %scan3A_1155 = arith.constant 0 : i32
    %scan3A_1156 = arith.constant 0 : i32
    %scan3A_1157 = arith.constant 100 : i32
    %scan3A_1158 = arith.addi %scan3A_1156, %scan3A_1157 : i32
    %scan3A_1159 = arith.constant 1 : i32
    scf.for %scan3A_1218 = %scan3A_1156 to %scan3A_1158 step %scan3A_1159  : i32 {
      %get3A = arith.index_cast %scan3A_1218 : i32 to index
      %get3A_1219 = arith.constant 0 : index
      %get3A_1220 = tpu.vector_load %arg7[%get3A, %get3A_1219] {strides = array<i32>} : memref<100x128xf32, #tpu.memory_space<vmem>>, vector<1x16xf32>,
      %get3A_1221 = vector.shape_cast %get3A_1220 : vector<1x16xf32> to vector<16xf32>
      %swap3A = arith.index_cast %scan3A_1218 : i32 to index
      %swap3A_1222 = arith.constant 0 : index
      %swap3A_1223 = tpu.vector_load %arg10[%swap3A, %swap3A_1222] {strides = array<i32>} : memref<100x64xf32, #tpu.memory_space<vmem>>, vector<1x16xf32>,
      %swap3A_1224 = vector.shape_cast %swap3A_1223 : vector<1x16xf32> to vector<16xf32>
      %swap3A_1225 = vector.shape_cast %get3A_1221 : vector<16xf32> to vector<1x16xf32>
      tpu.vector_store %arg10[%swap3A, %swap3A_1222], %swap3A_1225 {strides = array<i32>} : memref<100x64xf32, #tpu.memory_space<vmem>>, vector<1x16xf32>,
      %get3A_1226 = arith.index_cast %scan3A_1218 : i32 to index
      %get3A_1227 = arith.constant 16 : index
      %get3A_1228 = tpu.vector_load %arg7[%get3A_1226, %get3A_1227] {strides = array<i32>} : memref<100x128xf32, #tpu.memory_space<vmem>>, vector<1x16xf32>,
      %get3A_1229 = vector.shape_cast %get3A_1228 : vector<1x16xf32> to vector<16xf32>
      %swap3A_1230 = arith.index_cast %scan3A_1218 : i32 to index
      %swap3A_1231 = arith.constant 16 : index
      %swap3A_1232 = tpu.vector_load %arg10[%swap3A_1230, %swap3A_1231] {strides = array<i32>} : memref<100x64xf32, #tpu.memory_space<vmem>>, vector<1x16xf32>,
      %swap3A_1233 = vector.shape_cast %swap3A_1232 : vector<1x16xf32> to vector<16xf32>
      %swap3A_1234 = vector.shape_cast %get3A_1229 : vector<16xf32> to vector<1x16xf32>
      tpu.vector_store %arg10[%swap3A_1230, %swap3A_1231], %swap3A_1234 {strides = array<i32>} : memref<100x64xf32, #tpu.memory_space<vmem>>, vector<1x16xf32>,
      %get3A_1235 = arith.index_cast %scan3A_1218 : i32 to index
      %get3A_1236 = arith.constant 32 : index
      %get3A_1237 = tpu.vector_load %arg7[%get3A_1235, %get3A_1236] {strides = array<i32>} : memref<100x128xf32, #tpu.memory_space<vmem>>, vector<1x16xf32>,
      %get3A_1238 = vector.shape_cast %get3A_1237 : vector<1x16xf32> to vector<16xf32>
      %swap3A_1239 = arith.index_cast %scan3A_1218 : i32 to index
      %swap3A_1240 = arith.constant 32 : index
      %swap3A_1241 = tpu.vector_load %arg10[%swap3A_1239, %swap3A_1240] {strides = array<i32>} : memref<100x64xf32, #tpu.memory_space<vmem>>, vector<1x16xf32>,
      %swap3A_1242 = vector.shape_cast %swap3A_1241 : vector<1x16xf32> to vector<16xf32>
      %swap3A_1243 = vector.shape_cast %get3A_1238 : vector<16xf32> to vector<1x16xf32>
      tpu.vector_store %arg10[%swap3A_1239, %swap3A_1240], %swap3A_1243 {strides = array<i32>} : memref<100x64xf32, #tpu.memory_space<vmem>>, vector<1x16xf32>,
      %get3A_1244 = arith.index_cast %scan3A_1218 : i32 to index
      %get3A_1245 = arith.constant 48 : index
      %get3A_1246 = tpu.vector_load %arg7[%get3A_1244, %get3A_1245] {strides = array<i32>} : memref<100x128xf32, #tpu.memory_space<vmem>>, vector<1x16xf32>,
      %get3A_1247 = vector.shape_cast %get3A_1246 : vector<1x16xf32> to vector<16xf32>
      %swap3A_1248 = arith.index_cast %scan3A_1218 : i32 to index
      %swap3A_1249 = arith.constant 48 : index
      %swap3A_1250 = tpu.vector_load %arg10[%swap3A_1248, %swap3A_1249] {strides = array<i32>} : memref<100x64xf32, #tpu.memory_space<vmem>>, vector<1x16xf32>,
      %swap3A_1251 = vector.shape_cast %swap3A_1250 : vector<1x16xf32> to vector<16xf32>
      %swap3A_1252 = vector.shape_cast %get3A_1247 : vector<16xf32> to vector<1x16xf32>
      tpu.vector_store %arg10[%swap3A_1248, %swap3A_1249], %swap3A_1252 {strides = array<i32>} : memref<100x64xf32, #tpu.memory_space<vmem>>, vector<1x16xf32>,
    }
    %scan3A_1160 = arith.constant 100 : i32
    %add3A_1161 = arith.constant 30 : i32
    %add3A_1162 = arith.addi %mul3A_4, %add3A_1161 : i32
    %dma_start3A_1163 = arith.constant 0 : i32
    %dma_start3A_1164 = arith.constant 0 : i32
    %dma_start3A_1165 = tpu.memref_slice %arg4[%add3A_1162, %dma_start3A_1163, %dma_start3A_1164] : memref<1024x100x64xf32, #tpu.memory_space<hbm>> -> memref<1x100x64xf32, #tpu.memory_space<hbm>>
    %dma_start3A_1166 = tpu.memref_squeeze %dma_start3A_1165 : memref<1x100x64xf32, #tpu.memory_space<hbm>> -> memref<100x64xf32, #tpu.memory_space<hbm>>
    %dma_start3A_1167 = arith.constant 0 : i32
    %dma_start3A_1168 = arith.constant 0 : i32
    %dma_start3A_1169 = tpu.memref_slice %arg4[%add3A_1162, %dma_start3A_1167, %dma_start3A_1168] : memref<1024x100x64xf32, #tpu.memory_space<hbm>> -> memref<1x100x64xf32, #tpu.memory_space<hbm>>
    %dma_start3A_1170 = tpu.memref_squeeze %dma_start3A_1169 : memref<1x100x64xf32, #tpu.memory_space<hbm>> -> memref<100x64xf32, #tpu.memory_space<hbm>>
    tpu.enqueue_dma source(%arg10 : memref<100x64xf32, #tpu.memory_space<vmem>>) target(%dma_start3A_1170 : memref<100x64xf32, #tpu.memory_space<hbm>>) target_semaphore(%arg15 : memref<!tpu.dma_semaphore, #tpu.memory_space<semaphore_mem>>)
    %dma_wait3A_1171 = arith.constant 31 : i32
    %dma_wait3A_1172 = arith.constant 0 : i32
    %dma_wait3A_1173 = tpu.memref_slice %arg6[%dma_wait3A_1171, %dma_wait3A_1172] : memref<32x100xi32, #tpu.memory_space<vmem>> -> memref<1x100xi32, #tpu.memory_space<vmem>>
    %dma_wait3A_1174 = tpu.memref_squeeze %dma_wait3A_1173 : memref<1x100xi32, #tpu.memory_space<vmem>> -> memref<100xi32, #tpu.memory_space<vmem>>
    %dma_wait3A_1175 = arith.constant 0 : i32
    %dma_wait3A_1176 = arith.constant 0 : i32
    %dma_wait3A_1177 = tpu.memref_slice %arg5[%dma_wait3A_1175, %dma_wait3A_1176] : memref<1000x128xf32, #tpu.memory_space<vmem_shared>> -> memref<1000x128xf32, #tpu.memory_space<vmem_shared>>
    tpu.wait_indirect_dma semaphore(%arg13 : memref<!tpu.dma_semaphore, #tpu.memory_space<semaphore_mem>>) src(%dma_wait3A_1177 : memref<1000x128xf32, #tpu.memory_space<vmem_shared>>) dst(%arg8 : memref<100x128xf32, #tpu.memory_space<vmem>>)
    %dma_wait3A_1178 = arith.constant 0 : i32
    %dma_wait3A_1179 = arith.constant 0 : i32
    %dma_wait3A_1180 = tpu.memref_slice %arg4[%add3A_1131, %dma_wait3A_1178, %dma_wait3A_1179] : memref<1024x100x64xf32, #tpu.memory_space<hbm>> -> memref<1x100x64xf32, #tpu.memory_space<hbm>>
    %dma_wait3A_1181 = tpu.memref_squeeze %dma_wait3A_1180 : memref<1x100x64xf32, #tpu.memory_space<hbm>> -> memref<100x64xf32, #tpu.memory_space<hbm>>
    %dma_wait3A_1182 = arith.constant 0 : i32
    %dma_wait3A_1183 = arith.constant 0 : i32
    %dma_wait3A_1184 = tpu.memref_slice %arg4[%add3A_1131, %dma_wait3A_1182, %dma_wait3A_1183] : memref<1024x100x64xf32, #tpu.memory_space<hbm>> -> memref<1x100x64xf32, #tpu.memory_space<hbm>>
    %dma_wait3A_1185 = tpu.memref_squeeze %dma_wait3A_1184 : memref<1x100x64xf32, #tpu.memory_space<hbm>> -> memref<100x64xf32, #tpu.memory_space<hbm>>
    tpu.wait_dma2 semaphore(%arg16 : memref<!tpu.dma_semaphore, #tpu.memory_space<semaphore_mem>>) src(%arg11 : memref<100x64xf32, #tpu.memory_space<vmem>>) dst(%dma_wait3A_1185 : memref<100x64xf32, #tpu.memory_space<hbm>>)
    %scan3A_1186 = arith.constant 0 : i32
    %scan3A_1187 = arith.constant 0 : i32
    %scan3A_1188 = arith.constant 100 : i32
    %scan3A_1189 = arith.addi %scan3A_1187, %scan3A_1188 : i32
    %scan3A_1190 = arith.constant 1 : i32
    scf.for %scan3A_1218 = %scan3A_1187 to %scan3A_1189 step %scan3A_1190  : i32 {
      %get3A = arith.index_cast %scan3A_1218 : i32 to index
      %get3A_1219 = arith.constant 0 : index
      %get3A_1220 = tpu.vector_load %arg8[%get3A, %get3A_1219] {strides = array<i32>} : memref<100x128xf32, #tpu.memory_space<vmem>>, vector<1x16xf32>,
      %get3A_1221 = vector.shape_cast %get3A_1220 : vector<1x16xf32> to vector<16xf32>
      %swap3A = arith.index_cast %scan3A_1218 : i32 to index
      %swap3A_1222 = arith.constant 0 : index
      %swap3A_1223 = tpu.vector_load %arg11[%swap3A, %swap3A_1222] {strides = array<i32>} : memref<100x64xf32, #tpu.memory_space<vmem>>, vector<1x16xf32>,
      %swap3A_1224 = vector.shape_cast %swap3A_1223 : vector<1x16xf32> to vector<16xf32>
      %swap3A_1225 = vector.shape_cast %get3A_1221 : vector<16xf32> to vector<1x16xf32>
      tpu.vector_store %arg11[%swap3A, %swap3A_1222], %swap3A_1225 {strides = array<i32>} : memref<100x64xf32, #tpu.memory_space<vmem>>, vector<1x16xf32>,
      %get3A_1226 = arith.index_cast %scan3A_1218 : i32 to index
      %get3A_1227 = arith.constant 16 : index
      %get3A_1228 = tpu.vector_load %arg8[%get3A_1226, %get3A_1227] {strides = array<i32>} : memref<100x128xf32, #tpu.memory_space<vmem>>, vector<1x16xf32>,
      %get3A_1229 = vector.shape_cast %get3A_1228 : vector<1x16xf32> to vector<16xf32>
      %swap3A_1230 = arith.index_cast %scan3A_1218 : i32 to index
      %swap3A_1231 = arith.constant 16 : index
      %swap3A_1232 = tpu.vector_load %arg11[%swap3A_1230, %swap3A_1231] {strides = array<i32>} : memref<100x64xf32, #tpu.memory_space<vmem>>, vector<1x16xf32>,
      %swap3A_1233 = vector.shape_cast %swap3A_1232 : vector<1x16xf32> to vector<16xf32>
      %swap3A_1234 = vector.shape_cast %get3A_1229 : vector<16xf32> to vector<1x16xf32>
      tpu.vector_store %arg11[%swap3A_1230, %swap3A_1231], %swap3A_1234 {strides = array<i32>} : memref<100x64xf32, #tpu.memory_space<vmem>>, vector<1x16xf32>,
      %get3A_1235 = arith.index_cast %scan3A_1218 : i32 to index
      %get3A_1236 = arith.constant 32 : index
      %get3A_1237 = tpu.vector_load %arg8[%get3A_1235, %get3A_1236] {strides = array<i32>} : memref<100x128xf32, #tpu.memory_space<vmem>>, vector<1x16xf32>,
      %get3A_1238 = vector.shape_cast %get3A_1237 : vector<1x16xf32> to vector<16xf32>
      %swap3A_1239 = arith.index_cast %scan3A_1218 : i32 to index
      %swap3A_1240 = arith.constant 32 : index
      %swap3A_1241 = tpu.vector_load %arg11[%swap3A_1239, %swap3A_1240] {strides = array<i32>} : memref<100x64xf32, #tpu.memory_space<vmem>>, vector<1x16xf32>,
      %swap3A_1242 = vector.shape_cast %swap3A_1241 : vector<1x16xf32> to vector<16xf32>
      %swap3A_1243 = vector.shape_cast %get3A_1238 : vector<16xf32> to vector<1x16xf32>
      tpu.vector_store %arg11[%swap3A_1239, %swap3A_1240], %swap3A_1243 {strides = array<i32>} : memref<100x64xf32, #tpu.memory_space<vmem>>, vector<1x16xf32>,
      %get3A_1244 = arith.index_cast %scan3A_1218 : i32 to index
      %get3A_1245 = arith.constant 48 : index
      %get3A_1246 = tpu.vector_load %arg8[%get3A_1244, %get3A_1245] {strides = array<i32>} : memref<100x128xf32, #tpu.memory_space<vmem>>, vector<1x16xf32>,
      %get3A_1247 = vector.shape_cast %get3A_1246 : vector<1x16xf32> to vector<16xf32>
      %swap3A_1248 = arith.index_cast %scan3A_1218 : i32 to index
      %swap3A_1249 = arith.constant 48 : index
      %swap3A_1250 = tpu.vector_load %arg11[%swap3A_1248, %swap3A_1249] {strides = array<i32>} : memref<100x64xf32, #tpu.memory_space<vmem>>, vector<1x16xf32>,
      %swap3A_1251 = vector.shape_cast %swap3A_1250 : vector<1x16xf32> to vector<16xf32>
      %swap3A_1252 = vector.shape_cast %get3A_1247 : vector<16xf32> to vector<1x16xf32>
      tpu.vector_store %arg11[%swap3A_1248, %swap3A_1249], %swap3A_1252 {strides = array<i32>} : memref<100x64xf32, #tpu.memory_space<vmem>>, vector<1x16xf32>,
    }
    %scan3A_1191 = arith.constant 100 : i32
    %add3A_1192 = arith.constant 31 : i32
    %add3A_1193 = arith.addi %mul3A_4, %add3A_1192 : i32
    %dma_start3A_1194 = arith.constant 0 : i32
    %dma_start3A_1195 = arith.constant 0 : i32
    %dma_start3A_1196 = tpu.memref_slice %arg4[%add3A_1193, %dma_start3A_1194, %dma_start3A_1195] : memref<1024x100x64xf32, #tpu.memory_space<hbm>> -> memref<1x100x64xf32, #tpu.memory_space<hbm>>
    %dma_start3A_1197 = tpu.memref_squeeze %dma_start3A_1196 : memref<1x100x64xf32, #tpu.memory_space<hbm>> -> memref<100x64xf32, #tpu.memory_space<hbm>>
    %dma_start3A_1198 = arith.constant 0 : i32
    %dma_start3A_1199 = arith.constant 0 : i32
    %dma_start3A_1200 = tpu.memref_slice %arg4[%add3A_1193, %dma_start3A_1198, %dma_start3A_1199] : memref<1024x100x64xf32, #tpu.memory_space<hbm>> -> memref<1x100x64xf32, #tpu.memory_space<hbm>>
    %dma_start3A_1201 = tpu.memref_squeeze %dma_start3A_1200 : memref<1x100x64xf32, #tpu.memory_space<hbm>> -> memref<100x64xf32, #tpu.memory_space<hbm>>
    tpu.enqueue_dma source(%arg11 : memref<100x64xf32, #tpu.memory_space<vmem>>) target(%dma_start3A_1201 : memref<100x64xf32, #tpu.memory_space<hbm>>) target_semaphore(%arg16 : memref<!tpu.dma_semaphore, #tpu.memory_space<semaphore_mem>>)
    %dma_wait3A_1202 = arith.constant 0 : i32
    %dma_wait3A_1203 = arith.constant 0 : i32
    %dma_wait3A_1204 = tpu.memref_slice %arg4[%add3A_1162, %dma_wait3A_1202, %dma_wait3A_1203] : memref<1024x100x64xf32, #tpu.memory_space<hbm>> -> memref<1x100x64xf32, #tpu.memory_space<hbm>>
    %dma_wait3A_1205 = tpu.memref_squeeze %dma_wait3A_1204 : memref<1x100x64xf32, #tpu.memory_space<hbm>> -> memref<100x64xf32, #tpu.memory_space<hbm>>
    %dma_wait3A_1206 = arith.constant 0 : i32
    %dma_wait3A_1207 = arith.constant 0 : i32
    %dma_wait3A_1208 = tpu.memref_slice %arg4[%add3A_1162, %dma_wait3A_1206, %dma_wait3A_1207] : memref<1024x100x64xf32, #tpu.memory_space<hbm>> -> memref<1x100x64xf32, #tpu.memory_space<hbm>>
    %dma_wait3A_1209 = tpu.memref_squeeze %dma_wait3A_1208 : memref<1x100x64xf32, #tpu.memory_space<hbm>> -> memref<100x64xf32, #tpu.memory_space<hbm>>
    tpu.wait_dma2 semaphore(%arg15 : memref<!tpu.dma_semaphore, #tpu.memory_space<semaphore_mem>>) src(%arg10 : memref<100x64xf32, #tpu.memory_space<vmem>>) dst(%dma_wait3A_1209 : memref<100x64xf32, #tpu.memory_space<hbm>>)
    %dma_wait3A_1210 = arith.constant 0 : i32
    %dma_wait3A_1211 = arith.constant 0 : i32
    %dma_wait3A_1212 = tpu.memref_slice %arg4[%add3A_1193, %dma_wait3A_1210, %dma_wait3A_1211] : memref<1024x100x64xf32, #tpu.memory_space<hbm>> -> memref<1x100x64xf32, #tpu.memory_space<hbm>>
    %dma_wait3A_1213 = tpu.memref_squeeze %dma_wait3A_1212 : memref<1x100x64xf32, #tpu.memory_space<hbm>> -> memref<100x64xf32, #tpu.memory_space<hbm>>
    %dma_wait3A_1214 = arith.constant 0 : i32
    %dma_wait3A_1215 = arith.constant 0 : i32
    %dma_wait3A_1216 = tpu.memref_slice %arg4[%add3A_1193, %dma_wait3A_1214, %dma_wait3A_1215] : memref<1024x100x64xf32, #tpu.memory_space<hbm>> -> memref<1x100x64xf32, #tpu.memory_space<hbm>>
    %dma_wait3A_1217 = tpu.memref_squeeze %dma_wait3A_1216 : memref<1x100x64xf32, #tpu.memory_space<hbm>> -> memref<100x64xf32, #tpu.memory_space<hbm>>
    tpu.wait_dma2 semaphore(%arg16 : memref<!tpu.dma_semaphore, #tpu.memory_space<semaphore_mem>>) src(%arg11 : memref<100x64xf32, #tpu.memory_space<vmem>>) dst(%dma_wait3A_1217 : memref<100x64xf32, #tpu.memory_space<hbm>>)
    return
  }
}

</mosaic_0001>

<sc_bundles>
// kernel: kernel.3.cloned.1.call-start
scs
__scs_entry_jumppad:
0x0: {  	(pc) =	sbr.rel $0x88, $3  }
0x1: {  	(tag) =	ssettag $0x0;
	lr =	simm.s32 $0x1  }
0x2: {  	[smem:$0x3F9F] =	sst lr;
	_ =	strace $0xD0000000  }
0x3: {  	_ = 	snop  }
0x4: {  	_ = 	snop  }
0x5: {  	_ = 	snop  }
0x6: {  	_ = 	snop  }
0x7: {  	_ = 	snop  }
__scs_overlays_trampoline_lowered:
0x8: {  	[smem:$0x3FAE] =	sst s0  }
0x9: {  	[smem:$0x3FAF] =	sst s1  }
0xa: {  	[smem:$0x3FB0] =	sst s2  }
0xb: {  	[smem:$0x3FB1] =	sst s3  }
0xc: {  	[smem:$0x3FB2] =	sst s4  }
0xd: {  	[smem:$0x3FB3] =	sst s5  }
0xe: {  	[smem:$0x3FB4] =	sst s6  }
0xf: {  	[smem:$0x3FB5] =	sst s7  }
0x10: {  	[smem:$0x3FB6] =	sst s8  }
0x11: {  	[smem:$0x3FB7] =	sst s9;
	s0 =	simm.s32 @!p0 $0x0  }
0x12: {  	s1 =	sld [smem:$0x3F9D];
	s0 =	simm.s32 @p0 $0x1  }
0x13: {  	[smem:$0x3FB8] =	sst s0;
	s0 =	simm.s32 @!p1 $0x0  }
0x14: {  	s2 =	sld [smem:$0x3F9C];
	s0 =	simm.s32 @p1 $0x1  }
0x15: {  	[smem:$0x3FB9] =	sst s0;
	s0 =	simm.s32 @!p2 $0x0  }
0x16: {  	s3 =	sld [smem:$0x3FDB];
	s0 =	simm.s32 @p2 $0x1  }
0x17: {  	s4 =	simm.s32 $0x1BF5;
	[smem:$0x3FBB] =	sst s0  }
0x18: {  	s0 =	sld [smem:$0x3F9E];
	_ =	swait.ge [sflag:s4], $0x0  }
0x19: {  	s7 =	sld [smem:$0x3F9F]  }
0x1a: {  	s8 =	sadd.s32 $0xFFFFE003, lr  }
0x1b: {  	s9 =	sadd.s32 $0xFFFFFEF7, lr;
	s5 =	simm.s32 $0xFFFFFFFF;
	p2 =	slt.u32 s8, $0xFFFFF086  }
0x1c: {  	p1 =	slt.u32 s9, $0xF7A;
	s5 =	simm.s32 @!p2 $0x0  }
0x1d: {  	s5 =	simm.s32 @p1 $0x1;
	p0 =	seq.s32 s7, s2  }
0x1e: {  	s7 =	smul.u32 @!p0 $0xF7A, s2;
	p2 =	seq.s32 @!p0 s5, $0x0  }
0x1f: {  	s9 =	smul.u32 $0xF7A, s1;
	s8 =	simm.s32 @!p0 $0x1BF5;
	p2 =	por !p2, p0  }
0x20: {  	[sflag:s8] =	ssyncset.s32 @!p0 $0xFFFFF086;
	s6 =	sadd.s32 @!p0 s3, s7;
	s7 =	simm.s32 @!p0 $0x108  }
0x21: {  	s3 =	sadd.s32 s3, s9;
	s6 =	sadd.s32 @!p0 $0x88, s6;
	s7 =	simm.s32 @p2 $0x1082  }
0x22: {  	[simem:s7], [sflag:s8] =	dma.local @!p0 [hbm:s6], $0xF7A  }
0x23: {  	s9 =	sor.u32 $0xD0000000, s2;
	s6 =	simm.s32 $0x108;
	_ =	swait.ge @!p0 [sflag:s8], $0x0  }
0x24: {  	s3 =	sadd.s32 $0x88, s3;
	s6 =	simm.s32 @!p1 $0x1082;
	[sflag:s4] =	ssyncset.s32 $0xFFFFF086  }
0x25: {  	[simem:s6], [sflag:s4] =	dma.local [hbm:s3], $0xF7A  }
0x26: {  	[smem:$0x3F9F] =	sst s1;
	(tag) =	ssettag s2;
	_ =	strace s9  }
0x27: {  	s1 =	sld [smem:$0x3FAF]  }
0x28: {  	s2 =	sld [smem:$0x3FB0]  }
0x29: {  	s4 =	sld [smem:$0x3FB2]  }
0x2a: {  	p0 =	seq.s32 s5, $0x0;
	s5 =	sld [smem:$0x3FB3]  }
0x2b: {  	s6 =	sld [smem:$0x3FB4]  }
0x2c: {  	s7 =	sld [smem:$0x3FB5]  }
0x2d: {  	s3 =	simm.s32 $0x108;
	s8 =	sld [smem:$0x3FB6]  }
0x2e: {  	s3 =	simm.s32 @!p0 $0x1082;
	s9 =	sld [smem:$0x3FB7]  }
0x2f: {  	lr =	sadd.s32 s0, s3;
	s0 =	sld [smem:$0x3FAE]  }
0x30: {  	s3 =	sld [smem:$0x3FB1]  }
0x31: {  	[smem:$0x3FBA] =	sst s10  }
0x32: {  	s10 =	sld [smem:$0x3FB8];
	_ =	sdelay $0x3  }
0x33: {  	p0 =	seq.s32 s10, $0x1;
	s10 =	sld [smem:$0x3FBA];
	_ =	sdelay $0x3  }
0x34: {  	[smem:$0x3FBA] =	sst s10  }
0x35: {  	s10 =	sld [smem:$0x3FB9];
	_ =	sdelay $0x3  }
0x36: {  	p1 =	seq.s32 s10, $0x1;
	s10 =	sld [smem:$0x3FBA];
	_ =	sdelay $0x3  }
0x37: {  	[smem:$0x3FBA] =	sst s10  }
0x38: {  	s10 =	sld [smem:$0x3FBB]  }
0x39: {  	_ = 	snop;
	(pc) =	sbr.ind lr, $3  }
0x3a: {  	_ = 	snop  }
0x3b: {  	_ = 	snop  }
0x3c: {  	p2 =	seq.s32 s10, $0x1;
	s10 =	sld [smem:$0x3FBA]  }
0x3d: {  	_ =	shalt  }
0x3e: {  	_ =	shalt  }
0x3f: {  	_ =	shalt  }
0x40: {  	_ =	shalt  }
0x41: {  	_ =	shalt  }
0x42: {  	_ =	shalt  }
0x43: {  	_ =	shalt  }
0x44: {  	_ =	shalt  }
0x45: {  	_ =	shalt  }
0x46: {  	_ =	shalt  }
0x47: {  	_ =	shalt  }
0x48: {  	_ =	shalt  }
0x49: {  	_ =	shalt  }
0x4a: {  	_ =	shalt  }
0x4b: {  	_ =	shalt  }
0x4c: {  	_ =	shalt  }
0x4d: {  	_ =	shalt  }
0x4e: {  	_ =	shalt  }
0x4f: {  	_ =	shalt  }
0x50: {  	_ =	shalt  }
0x51: {  	_ =	shalt  }
0x52: {  	_ =	shalt  }
0x53: {  	_ =	shalt  }
0x54: {  	_ =	shalt  }
0x55: {  	_ =	shalt  }
0x56: {  	_ =	shalt  }
0x57: {  	_ =	shalt  }
0x58: {  	_ =	shalt  }
0x59: {  	_ =	shalt  }
0x5a: {  	_ =	shalt  }
0x5b: {  	_ =	shalt  }
0x5c: {  	_ =	shalt  }
0x5d: {  	_ =	shalt  }
0x5e: {  	_ =	shalt  }
0x5f: {  	_ =	shalt  }
0x60: {  	_ =	shalt  }
0x61: {  	_ =	shalt  }
0x62: {  	_ =	shalt  }
0x63: {  	_ =	shalt  }
0x64: {  	_ =	shalt  }
0x65: {  	_ =	shalt  }
0x66: {  	_ =	shalt  }
0x67: {  	_ =	shalt  }
0x68: {  	_ =	shalt  }
0x69: {  	_ =	shalt  }
0x6a: {  	_ =	shalt  }
0x6b: {  	_ =	shalt  }
0x6c: {  	_ =	shalt  }
0x6d: {  	_ =	shalt  }
0x6e: {  	_ =	shalt  }
0x6f: {  	_ =	shalt  }
0x70: {  	_ =	shalt  }
0x71: {  	_ =	shalt  }
0x72: {  	_ =	shalt  }
0x73: {  	_ =	shalt  }
0x74: {  	_ =	shalt  }
0x75: {  	_ =	shalt  }
0x76: {  	_ =	shalt  }
0x77: {  	_ =	shalt  }
0x78: {  	_ =	shalt  }
0x79: {  	_ =	shalt  }
0x7a: {  	_ =	shalt  }
0x7b: {  	_ =	shalt  }
0x7c: {  	_ =	shalt  }
0x7d: {  	_ =	shalt  }
0x7e: {  	_ =	shalt  }
0x7f: {  	_ =	shalt  }
0x80: {  	_ =	shalt  }
0x81: {  	_ =	shalt  }
0x82: {  	_ =	shalt  }
0x83: {  	_ =	shalt  }
0x84: {  	_ =	shalt  }
0x85: {  	_ =	shalt  }
0x86: {  	_ =	shalt  }
0x87: {  	_ =	shalt  }
.Lfunc_end0:
.L_simem_size_0:
called_computation_lowered:
.L_overlay_start_0:
0x88: {  	s2 =	sld [smem:$0x3FD9]  }
0x89: {  	s3 =	sld [smem:$0x3FFE];
	_ =	sdelay $0x1  }
0x8a: {  	s1 =	srdreg.scid  }
0x8b: {  	s0 =	sand.u32 $0x1, s1  }
0x8c: {  	s17 =	sshll.u32 s0, $0xA;
	s2 =	sadd.s32 s3, s2  }
0x8d: {  	s2 =	sadd.s32 s2, s17  }
0x8e: {  	[smem:$0x3FC6] =	sst s2  }
0x8f: {  	_ = 	snop  }
0x90: {  	s2 =	sld [smem:$0x3FD0];
	(tm) =	ssettm $0x1  }
0x91: {  	s18 =	sld [smem:$0x3FFB];
	_ =	sdelay $0x3  }
0x92: {  	_ =	strace s18  }
0x93: {  	s3 =	sld [smem:$0x3FFC];
	_ =	sdelay $0x3  }
0x94: {  	_ =	strace s3  }
0x95: {  	s3 =	sld [smem:$0x3FFD];
	_ =	sdelay $0x3  }
0x96: {  	_ =	strace s3  }
0x97: {  	_ =	strace $0x8FFFFFFF  }
0x98: {  	s19 =	sld [smem:$0x3FDB];
	_ =	sdelay $0x1  }
0x99: {  	s4 =	simm.s32 $_scs_section_size  }
0x9a: {  	s5 =	simm.s32 $_size__tile_overlayer_lowered;
	s6 =	simm.s32 $_tile_overlayer_lowered  }
0x9b: {  	s22 =	simm.s32 $0x1BFF;
	s21 =	sshll.u32 s6, $0x1;
	s3 =	sadd.s32 s4, s19  }
0x9c: {  	s7 =	simm.s32 $0x0;
	s20 =	sshll.u32 s5, $0x1;
	s5 =	sadd.s32 s21, s3  }
0x9d: {  	[timem:s7], [sflag:s22] =	dma.local [hbm:s5], s20  }
0x9e: {  	_ =	swait.ge [sflag:s22], s20  }
0x9f: {  	s4 =	ssub.s32 $0x0, s20;
	[sflag:s22] =	ssyncset.done $0x0  }
0xa0: {  	[sflag:s22] =	ssyncadd.s32 s4;
	_ =	sdelay $0x1  }
0xa1: {  	s23 =	simm.s32 $0x1B8B  }
0xa2: {  	_ =	swait.ge [sflag:s23], $0x1  }
0xa3: {  	[sflag:s23] =	ssyncset.done $0x0  }
0xa4: {  	s25 =	simm.s32 $0x1B8E;
	s24 =	sld [smem:$0x3FFE];
	[sflag:s23] =	ssyncadd.s32 $0xFFFFFFFF  }
0xa5: {  	s26 =	simm.s32 $execute0_lowered;
	[smem:$0x3FD2] =	sst s25  }
0xa6: {  	s5 =	sshll.u32 s26, $0x1;
	_ =	strace $0x80000046;
	[dreg:$0x1] =	wrdreg $0xFFFFFFFF  }
0xa7: {  	s28 =	simm.s32 $_size_execute0_lowered;
	s3 =	sadd.s32 s3, s5;
	[dreg:$0x0] =	wrdreg $0x0  }
0xa8: {  	s5 =	sshll.u32 s28, $0x1;
	[dreg:$0x2] =	wrdreg s3  }
0xa9: {  	[dreg:$0x3] =	wrdreg s5  }
0xaa: {  	[dreg:$0x4] =	wrdreg $0xC0  }
0xab: {  	_ =	task [dreg:s7], $0x5FFFF  }
0xac: {  	[dreg:$0x1] =	wrdreg $0xFFFFFFFF  }
0xad: {  	[dreg:$0x0] =	wrdreg $0x60  }
0xae: {  	[dreg:$0x2] =	wrdreg s2  }
0xaf: {  	[dreg:$0x3] =	wrdreg s24  }
0xb0: {  	[dreg:$0x4] =	wrdreg $0x0  }
0xb1: {  	[dreg:$0x5] =	wrdreg $0x9  }
0xb2: {  	_ =	task.clear_ibuf [dreg:s7], $0x6FFFF;
	_ =	strace $0x90000046  }
0xb3: {  	s29 =	simm.s32 $0x9;
	_ =	strace $0x80000048  }
0xb4: {  	_ =	swait.ge [sflag:s29], $0x1  }
0xb5: {  	[sflag:s29] =	ssyncadd.s32 $0xFFFFFFFF  }
0xb6: {  	_ =	strace $0x90000048  }
0xb7: {  	_ =	sfence  }
0xb8: {  	s30 =	sld [smem:$0x0];
	_ =	sdelay $0x2  }
0xb9: {  	s31 =	sshll.u32 s1, $0xD;
	s1 =	sshrl.u32 s1, $0x2  }
0xba: {  	s3 =	sand.u32 $0x4000, s31;
	s1 =	sadd.s32 s1, s30  }
0xbb: {  	s0 =	sor.u32 s3, s0;
	s1 =	sshll.u32 s1, $0x11  }
0xbc: {  	s0 =	sor.u32 s1, s0  }
0xbd: {  	s0 =	sadd.s32 $0x8F2B, s0  }
0xbe: {  	[sflag:s0] =	ssyncadd.remote.s32 $0x1  }
0xbf: {  	_ =	sfence.sel $0xFFFF  }
0xc0: {  	[dreg:$0x0] =	wrdreg $0xFFFFFFFF;
	(pc) =	sbr.abs _section_cstart, $3  }
0xc1: {  	[dreg:$0x1] =	wrdreg $0xFFFFFFFF  }
0xc2: {  	_ =	task.clear_ibuf [dreg:s7], $0x2FFFF;
	_ =	strace $0x9FFFFFFF  }
0xc3: {  	(tm) =	ssettm $0x7FFFFFFF  }
tec
execute0_lowered:
.L_overlay_start_1:
0x0: {  	(tag) =	ssettag $0x1  }
0x1: {  	s0 =	rddreg [dreg:$0x0]  }
0x2: {  	s2 =	rddreg [dreg:$0x1]  }
0x3: {  	s1 =	rddreg [dreg:$0x2]  }
0x4: {  	s3 =	srdreg.scid;
	s4 =	stileid.u32  }
0x5: {  	s24 =	simm.s32 $0x0;
	s3 =	sand.u32 $0x1, s3;
	s5 =	sshll.u32 s4, $0x1  }
0x6: {  	[smem:$0x7FF] =	sst s24;
	s5 =	sor.u32 s3, s5  }
0x7: {  	s6 =	sadd.s32 $0x400, s2;
	s2 =	sadd.s32 $0x4400, s2;
	s25 =	smul.u32 $0x68000, s5  }
0x8: {  	_ =	strace $0x80000047;
	[dreg:$0x4] =	wrdreg s6;
	s3 =	ssub.s32 $0x2, s3  }
0x9: {  	s8 =	smul.u32 $0xD000, s5;
	s26 =	sshll.u32 s5, $0x9;
	s6 =	sshrl.u32 s25, $0x3  }
0xa: {  	s7 =	sshrl.u32 s3, $0x1;
	s0 =	sadd.s32 s0, s26;
	s6 =	sadd.s32 s2, s6  }
0xb: {  	[dreg:$0x5] =	wrdreg s0;
	s5 =	sadd.s32 s2, s8;
	s2 =	sadd.s32 $0x1380, s6  }
0xc: {  	s7 =	ssub.s32 s3, s7;
	s3 =	sadd.s32 $0x1A00, s6;
	[dreg:$0x6] =	wrdreg s2  }
0xd: {  	s8 =	sadd.s32 $0x2080, s6;
	[dreg:$0x7] =	wrdreg s3  }
0xe: {  	s9 =	sadd.s32 $0x2700, s6;
	[dreg:$0x8] =	wrdreg s8  }
0xf: {  	s10 =	sadd.s32 $0x2D80, s6;
	[dreg:$0x9] =	wrdreg s9  }
0x10: {  	s11 =	sadd.s32 $0x3400, s6;
	[dreg:$0xa] =	wrdreg s10  }
0x11: {  	s12 =	sadd.s32 $0x3A80, s6;
	[dreg:$0xb] =	wrdreg s11  }
0x12: {  	s13 =	sadd.s32 $0x4100, s6;
	[dreg:$0xc] =	wrdreg s12  }
0x13: {  	s14 =	sadd.s32 $0x4780, s6;
	[dreg:$0xd] =	wrdreg s13  }
0x14: {  	s15 =	sadd.s32 $0x4E00, s6;
	[dreg:$0xe] =	wrdreg s14  }
0x15: {  	s16 =	sadd.s32 $0x5480, s6;
	[dreg:$0xf] =	wrdreg s15  }
0x16: {  	s17 =	sadd.s32 $0x5B00, s6;
	[dreg:$0x10] =	wrdreg s16  }
0x17: {  	s18 =	sadd.s32 $0x6180, s6;
	[dreg:$0x11] =	wrdreg s17  }
0x18: {  	s19 =	sadd.s32 $0x6800, s6;
	[dreg:$0x12] =	wrdreg s18  }
0x19: {  	p0 =	sne.s32 s4, $0x0;
	s20 =	sadd.s32 $0x6E80, s6;
	[dreg:$0x13] =	wrdreg s19  }
0x1a: {  	s21 =	sadd.s32 $0x7500, s6;
	s22 =	sadd.s32 $0x7B80, s6;
	[dreg:$0x14] =	wrdreg s20  }
0x1b: {  	s23 =	sadd.s32 $0x8200, s6;
	s25 =	sadd.s32 $0x8880, s6;
	[dreg:$0x15] =	wrdreg s21  }
0x1c: {  	s26 =	sadd.s32 $0x8F00, s6;
	s28 =	sadd.s32 $0x9C00, s6;
	[dreg:$0x16] =	wrdreg s22  }
0x1d: {  	s29 =	sadd.s32 $0xA280, s6;
	s30 =	sadd.s32 $0xA900, s6;
	[dreg:$0x17] =	wrdreg s23  }
0x1e: {  	s31 =	sadd.s32 $0xAF80, s6;
	s0 =	sadd.s32 $0xB600, s6;
	[dreg:$0x18] =	wrdreg s25  }
0x1f: {  	s4 =	sadd.s32 $0xC980, s6;
	[dreg:$0x19] =	wrdreg s26;
	s26 =	sadd.s32 $0x9580, s6  }
0x20: {  	s2 =	sadd.s32 $0xBC80, s6;
	s3 =	sadd.s32 $0xC300, s6;
	s6 =	smax.u32 s7, $0x1  }
0x21: {  	s7 =	sadd.s32 $0x680, s5;
	s8 =	sadd.s32 $0xD00, s5;
	s10 =	simm.s32 $0x6  }
0x22: {  	s11 =	simm.s32 $0x64;
	s12 =	simm.s32 $0x2F40;
	s13 =	simm.s32 $0x6340  }
0x23: {  	s14 =	simm.s32 $0x9740;
	s15 =	simm.s32 $0x1;
	s16 =	simm.s32 $0xCB40  }
0x24: {  	s17 =	simm.s32 $0x2;
	s9 =	simm.s32 $0xFF40;
	s18 =	simm.s32 $0x3  }
0x25: {  	s19 =	simm.s32 $0x4;
	s20 =	simm.s32 $0x5;
	s21 =	simm.s32 $0x0  }
.LBB2_1:
0x26: {  	s22 =	sshrl.u32 @!p0 s1, $0x3;
	s23 =	simm.s32 @!p0 $0x1C06;
	s25 =	rddreg [dreg:$0x4]  }
0x27: {  	[spmem:s22], [sflag:s23] =	dma.local @!p0 [hbm:s25], $0x3E80  }
0x28: {  	s22 =	simm.s32 @!p0 $0x6  }
0x29: {  	_ =	swait.ge @!p0 [sflag:s22], $0x3E80  }
0x2a: {  	[sflag:s22] =	ssyncset.done @!p0 $0x0  }
0x2b: {  	s25 =	simm.s32 $0x1F40;
	s23 =	rddreg [dreg:$0x5];
	[sflag:s22] =	ssyncadd.s32 @!p0 $0xFFFFC180  }
0x2c: {  	[tilespmem:s25], [sflag:$0x6] =	stream.linear.gather [hbm4b:s23+s24], $0x1000, $0x38;
	[tilespmem:$0x13340] =	vst v63  }
0x2d: {  	_ =	swait.ge [sflag:s10], $0x1000  }
0x2e: {  	[sflag:s10] =	ssyncset.done $0x0  }
0x2f: {  	[sflag:s10] =	ssyncadd.s32 $0xFFFFF000  }
0x30: {  	[bflag:$0x0] =	sbarrier.arrive $0xFFFF  }
0x31: {  	[tilespmem:s12], [sflag:$0x1] =	stream.indirect.gather [spmem:s1], $0x80, s25, s11, $0xb8;
	[tilespmem:$0x13340] =	vst v63  }
0x32: {  	s24 =	simm.s32 $0x1FC0  }
0x33: {  	[tilespmem:s13], [sflag:$0x2] =	stream.indirect.gather [spmem:s1], $0x80, s24, s11, $0xb8;
	[tilespmem:$0x13340] =	vst v63  }
0x34: {  	s25 =	simm.s32 $0x2040  }
0x35: {  	[tilespmem:s14], [sflag:$0x3] =	stream.indirect.gather [spmem:s1], $0x80, s25, s11, $0xb8;
	[tilespmem:$0x13340] =	vst v63  }
0x36: {  	_ =	swait.ge [sflag:s15], $0x3200  }
0x37: {  	[sflag:s15] =	ssyncset.done $0x0  }
0x38: {  	s22 =	simm.s32 $0x0;
	[sflag:s15] =	ssyncadd.s32 $0xFFFFCE00  }
0x39: {  	v0 =	vld [tilespmem:s22+$0x2F70]  }
0x3a: {  	v1 =	vld [tilespmem:s22+$0x2F40]  }
0x3b: {  	v2 =	vld [tilespmem:s22+$0x2F50]  }
0x3c: {  	s23 =	simm.s32 $0x200;
	v3 =	vld [tilespmem:s22+$0x2F60]  }
.LBB2_2:
0x3d: {  	p1 =	sne.s32 s23, $0xC600  }
.Ltmp0:
0x3e: {  	s24 =	sshra.s32 s23, $0x2;
	s23 =	sadd.s32 $0x200, s23;
	[tilespmem:s22+$0xCB70] =	vst v0;
	(pc) =	sbr.rel @p1 .LBB2_2-.Ltmp0, $4  }
0x3f: {  	v0 =	vld [tilespmem:s24+$0x2F70];
	[tilespmem:s22+$0xCB40] =	vst v1  }
0x40: {  	v1 =	vld [tilespmem:s24+$0x2F40];
	[tilespmem:s22+$0xCB50] =	vst v2  }
0x41: {  	v2 =	vld [tilespmem:s24+$0x2F50];
	[tilespmem:s22+$0xCB60] =	vst v3;
	s22 =	smov.u32 s24  }
0x42: {  	v3 =	vld [tilespmem:s22+$0x2F60]  }
0x43: {  	_ = 	snop  }
0x44: {  	[tilespmem:s22+$0xCB70] =	vst v0  }
0x45: {  	[tilespmem:s22+$0xCB40] =	vst v1  }
0x46: {  	[tilespmem:s22+$0xCB50] =	vst v2  }
0x47: {  	s24 =	simm.s32 $0x20C0;
	[tilespmem:s22+$0xCB60] =	vst v3  }
0x48: {  	[tilespmem:s12], [sflag:$0x1] =	stream.indirect.gather [spmem:s1], $0x80, s24, s11, $0xb8;
	[tilespmem:$0x13340] =	vst v63  }
0x49: {  	s25 =	simm.s32 $0x0  }
0x4a: {  	[hbm4b:s5+s25] =	stream.linear.scatter [tilespmem:s16], [sflag:$0x4], $0x3200, $0x38;
	[tilespmem:$0x13340] =	vst v63  }
0x4b: {  	_ =	swait.ge [sflag:s17], $0x3200  }
0x4c: {  	[sflag:s17] =	ssyncset.done $0x0  }
0x4d: {  	s22 =	simm.s32 $0x0;
	[sflag:s17] =	ssyncadd.s32 $0xFFFFCE00  }
0x4e: {  	v0 =	vld [tilespmem:s22+$0x6370]  }
0x4f: {  	v1 =	vld [tilespmem:s22+$0x6340]  }
0x50: {  	v2 =	vld [tilespmem:s22+$0x6350]  }
0x51: {  	s23 =	simm.s32 $0x200;
	v3 =	vld [tilespmem:s22+$0x6360]  }
.LBB2_4:
0x52: {  	p1 =	sne.s32 s23, $0xC600  }
.Ltmp1:
0x53: {  	s24 =	sshra.s32 s23, $0x2;
	s23 =	sadd.s32 $0x200, s23;
	[tilespmem:s22+$0xFF70] =	vst v0;
	(pc) =	sbr.rel @p1 .LBB2_4-.Ltmp1, $4  }
0x54: {  	v0 =	vld [tilespmem:s24+$0x6370];
	[tilespmem:s22+$0xFF40] =	vst v1  }
0x55: {  	v1 =	vld [tilespmem:s24+$0x6340];
	[tilespmem:s22+$0xFF50] =	vst v2  }
0x56: {  	v2 =	vld [tilespmem:s24+$0x6350];
	[tilespmem:s22+$0xFF60] =	vst v3;
	s22 =	smov.u32 s24  }
0x57: {  	v3 =	vld [tilespmem:s22+$0x6360]  }
0x58: {  	_ = 	snop  }
0x59: {  	[tilespmem:s22+$0xFF70] =	vst v0  }
0x5a: {  	[tilespmem:s22+$0xFF40] =	vst v1  }
0x5b: {  	[tilespmem:s22+$0xFF50] =	vst v2  }
0x5c: {  	s24 =	simm.s32 $0x2140;
	[tilespmem:s22+$0xFF60] =	vst v3  }
0x5d: {  	[tilespmem:s13], [sflag:$0x2] =	stream.indirect.gather [spmem:s1], $0x80, s24, s11, $0xb8;
	[tilespmem:$0x13340] =	vst v63  }
0x5e: {  	s25 =	simm.s32 $0x0  }
0x5f: {  	[hbm4b:s7+s25] =	stream.linear.scatter [tilespmem:s9], [sflag:$0x5], $0x3200, $0x38;
	[tilespmem:$0x13340] =	vst v63  }
0x60: {  	_ =	swait.ge [sflag:s18], $0x3200  }
0x61: {  	[sflag:s18] =	ssyncset.done $0x0  }
0x62: {  	[sflag:s18] =	ssyncadd.s32 $0xFFFFCE00  }
0x63: {  	_ =	swait.ge [sflag:s19], $0x3200  }
0x64: {  	[sflag:s19] =	ssyncset.done $0x0  }
0x65: {  	s22 =	simm.s32 $0x0;
	[sflag:s19] =	ssyncadd.s32 $0xFFFFCE00  }
0x66: {  	v0 =	vld [tilespmem:s22+$0x9770]  }
0x67: {  	v1 =	vld [tilespmem:s22+$0x9740]  }
0x68: {  	v2 =	vld [tilespmem:s22+$0x9750]  }
0x69: {  	s23 =	simm.s32 $0x200;
	v3 =	vld [tilespmem:s22+$0x9760]  }
.LBB2_6:
0x6a: {  	p1 =	sne.s32 s23, $0xC600  }
.Ltmp2:
0x6b: {  	s24 =	sshra.s32 s23, $0x2;
	s23 =	sadd.s32 $0x200, s23;
	[tilespmem:s22+$0xCB70] =	vst v0;
	(pc) =	sbr.rel @p1 .LBB2_6-.Ltmp2, $4  }
0x6c: {  	v0 =	vld [tilespmem:s24+$0x9770];
	[tilespmem:s22+$0xCB40] =	vst v1  }
0x6d: {  	v1 =	vld [tilespmem:s24+$0x9740];
	[tilespmem:s22+$0xCB50] =	vst v2  }
0x6e: {  	v2 =	vld [tilespmem:s24+$0x9750];
	[tilespmem:s22+$0xCB60] =	vst v3;
	s22 =	smov.u32 s24  }
0x6f: {  	v3 =	vld [tilespmem:s22+$0x9760]  }
0x70: {  	_ = 	snop  }
0x71: {  	[tilespmem:s22+$0xCB70] =	vst v0  }
0x72: {  	[tilespmem:s22+$0xCB40] =	vst v1  }
0x73: {  	[tilespmem:s22+$0xCB50] =	vst v2  }
0x74: {  	s24 =	simm.s32 $0x21C0;
	[tilespmem:s22+$0xCB60] =	vst v3  }
0x75: {  	[tilespmem:s14], [sflag:$0x3] =	stream.indirect.gather [spmem:s1], $0x80, s24, s11, $0xb8;
	[tilespmem:$0x13340] =	vst v63  }
0x76: {  	s25 =	simm.s32 $0x0  }
0x77: {  	[hbm4b:s8+s25] =	stream.linear.scatter [tilespmem:s16], [sflag:$0x4], $0x3200, $0x38;
	[tilespmem:$0x13340] =	vst v63  }
0x78: {  	_ =	swait.ge [sflag:s15], $0x3200  }
0x79: {  	[sflag:s15] =	ssyncset.done $0x0  }
0x7a: {  	[sflag:s15] =	ssyncadd.s32 $0xFFFFCE00  }
0x7b: {  	_ =	swait.ge [sflag:s20], $0x3200  }
0x7c: {  	[sflag:s20] =	ssyncset.done $0x0  }
0x7d: {  	s22 =	simm.s32 $0x0;
	[sflag:s20] =	ssyncadd.s32 $0xFFFFCE00  }
0x7e: {  	v0 =	vld [tilespmem:s22+$0x2F70]  }
0x7f: {  	v1 =	vld [tilespmem:s22+$0x2F40]  }
0x80: {  	v2 =	vld [tilespmem:s22+$0x2F50]  }
0x81: {  	s23 =	simm.s32 $0x200;
	v3 =	vld [tilespmem:s22+$0x2F60]  }
.LBB2_8:
0x82: {  	p1 =	sne.s32 s23, $0xC600  }
.Ltmp3:
0x83: {  	s24 =	sshra.s32 s23, $0x2;
	s23 =	sadd.s32 $0x200, s23;
	[tilespmem:s22+$0xFF70] =	vst v0;
	(pc) =	sbr.rel @p1 .LBB2_8-.Ltmp3, $4  }
0x84: {  	v0 =	vld [tilespmem:s24+$0x2F70];
	[tilespmem:s22+$0xFF40] =	vst v1  }
0x85: {  	v1 =	vld [tilespmem:s24+$0x2F40];
	[tilespmem:s22+$0xFF50] =	vst v2  }
0x86: {  	v2 =	vld [tilespmem:s24+$0x2F50];
	[tilespmem:s22+$0xFF60] =	vst v3;
	s22 =	smov.u32 s24  }
0x87: {  	v3 =	vld [tilespmem:s22+$0x2F60]  }
0x88: {  	_ = 	snop  }
0x89: {  	[tilespmem:s22+$0xFF70] =	vst v0  }
0x8a: {  	[tilespmem:s22+$0xFF40] =	vst v1  }
0x8b: {  	[tilespmem:s22+$0xFF50] =	vst v2  }
0x8c: {  	s24 =	simm.s32 $0x2240;
	[tilespmem:s22+$0xFF60] =	vst v3  }
0x8d: {  	[tilespmem:s12], [sflag:$0x1] =	stream.indirect.gather [spmem:s1], $0x80, s24, s11, $0xb8;
	[tilespmem:$0x13340] =	vst v63  }
0x8e: {  	s25 =	simm.s32 $0x0;
	s23 =	rddreg [dreg:$0x6]  }
0x8f: {  	[hbm4b:s23+s25] =	stream.linear.scatter [tilespmem:s9], [sflag:$0x5], $0x3200, $0x38;
	[tilespmem:$0x13340] =	vst v63  }
0x90: {  	_ =	swait.ge [sflag:s17], $0x3200  }
0x91: {  	[sflag:s17] =	ssyncset.done $0x0  }
0x92: {  	[sflag:s17] =	ssyncadd.s32 $0xFFFFCE00  }
0x93: {  	_ =	swait.ge [sflag:s19], $0x3200  }
0x94: {  	[sflag:s19] =	ssyncset.done $0x0  }
0x95: {  	s22 =	simm.s32 $0x0;
	[sflag:s19] =	ssyncadd.s32 $0xFFFFCE00  }
0x96: {  	v0 =	vld [tilespmem:s22+$0x6370]  }
0x97: {  	v1 =	vld [tilespmem:s22+$0x6340]  }
0x98: {  	v2 =	vld [tilespmem:s22+$0x6350]  }
0x99: {  	s23 =	simm.s32 $0x200;
	v3 =	vld [tilespmem:s22+$0x6360]  }
.LBB2_10:
0x9a: {  	p1 =	sne.s32 s23, $0xC600  }
.Ltmp4:
0x9b: {  	s24 =	sshra.s32 s23, $0x2;
	s23 =	sadd.s32 $0x200, s23;
	[tilespmem:s22+$0xCB70] =	vst v0;
	(pc) =	sbr.rel @p1 .LBB2_10-.Ltmp4, $4  }
0x9c: {  	v0 =	vld [tilespmem:s24+$0x6370];
	[tilespmem:s22+$0xCB40] =	vst v1  }
0x9d: {  	v1 =	vld [tilespmem:s24+$0x6340];
	[tilespmem:s22+$0xCB50] =	vst v2  }
0x9e: {  	v2 =	vld [tilespmem:s24+$0x6350];
	[tilespmem:s22+$0xCB60] =	vst v3;
	s22 =	smov.u32 s24  }
0x9f: {  	v3 =	vld [tilespmem:s22+$0x6360]  }
0xa0: {  	_ = 	snop  }
0xa1: {  	[tilespmem:s22+$0xCB70] =	vst v0  }
0xa2: {  	[tilespmem:s22+$0xCB40] =	vst v1  }
0xa3: {  	[tilespmem:s22+$0xCB50] =	vst v2  }
0xa4: {  	s24 =	simm.s32 $0x22C0;
	[tilespmem:s22+$0xCB60] =	vst v3  }
0xa5: {  	[tilespmem:s13], [sflag:$0x2] =	stream.indirect.gather [spmem:s1], $0x80, s24, s11, $0xb8;
	[tilespmem:$0x13340] =	vst v63  }
0xa6: {  	s25 =	simm.s32 $0x0;
	s23 =	rddreg [dreg:$0x7]  }
0xa7: {  	[hbm4b:s23+s25] =	stream.linear.scatter [tilespmem:s16], [sflag:$0x4], $0x3200, $0x38;
	[tilespmem:$0x13340] =	vst v63  }
0xa8: {  	_ =	swait.ge [sflag:s18], $0x3200  }
0xa9: {  	[sflag:s18] =	ssyncset.done $0x0  }
0xaa: {  	[sflag:s18] =	ssyncadd.s32 $0xFFFFCE00  }
0xab: {  	_ =	swait.ge [sflag:s20], $0x3200  }
0xac: {  	[sflag:s20] =	ssyncset.done $0x0  }
0xad: {  	s22 =	simm.s32 $0x0;
	[sflag:s20] =	ssyncadd.s32 $0xFFFFCE00  }
0xae: {  	v0 =	vld [tilespmem:s22+$0x9770]  }
0xaf: {  	v1 =	vld [tilespmem:s22+$0x9740]  }
0xb0: {  	v2 =	vld [tilespmem:s22+$0x9750]  }
0xb1: {  	s23 =	simm.s32 $0x200;
	v3 =	vld [tilespmem:s22+$0x9760]  }
.LBB2_12:
0xb2: {  	p1 =	sne.s32 s23, $0xC600  }
.Ltmp5:
0xb3: {  	s24 =	sshra.s32 s23, $0x2;
	s23 =	sadd.s32 $0x200, s23;
	[tilespmem:s22+$0xFF70] =	vst v0;
	(pc) =	sbr.rel @p1 .LBB2_12-.Ltmp5, $4  }
0xb4: {  	v0 =	vld [tilespmem:s24+$0x9770];
	[tilespmem:s22+$0xFF40] =	vst v1  }
0xb5: {  	v1 =	vld [tilespmem:s24+$0x9740];
	[tilespmem:s22+$0xFF50] =	vst v2  }
0xb6: {  	v2 =	vld [tilespmem:s24+$0x9750];
	[tilespmem:s22+$0xFF60] =	vst v3;
	s22 =	smov.u32 s24  }
0xb7: {  	v3 =	vld [tilespmem:s22+$0x9760]  }
0xb8: {  	_ = 	snop  }
0xb9: {  	[tilespmem:s22+$0xFF70] =	vst v0  }
0xba: {  	[tilespmem:s22+$0xFF40] =	vst v1  }
0xbb: {  	[tilespmem:s22+$0xFF50] =	vst v2  }
0xbc: {  	s24 =	simm.s32 $0x2340;
	[tilespmem:s22+$0xFF60] =	vst v3  }
0xbd: {  	[tilespmem:s14], [sflag:$0x3] =	stream.indirect.gather [spmem:s1], $0x80, s24, s11, $0xb8;
	[tilespmem:$0x13340] =	vst v63  }
0xbe: {  	s25 =	simm.s32 $0x0;
	s23 =	rddreg [dreg:$0x8]  }
0xbf: {  	[hbm4b:s23+s25] =	stream.linear.scatter [tilespmem:s9], [sflag:$0x5], $0x3200, $0x38;
	[tilespmem:$0x13340] =	vst v63  }
0xc0: {  	_ =	swait.ge [sflag:s15], $0x3200  }
0xc1: {  	[sflag:s15] =	ssyncset.done $0x0  }
0xc2: {  	[sflag:s15] =	ssyncadd.s32 $0xFFFFCE00  }
0xc3: {  	_ =	swait.ge [sflag:s19], $0x3200  }
0xc4: {  	[sflag:s19] =	ssyncset.done $0x0  }
0xc5: {  	s22 =	simm.s32 $0x0;
	[sflag:s19] =	ssyncadd.s32 $0xFFFFCE00  }
0xc6: {  	v0 =	vld [tilespmem:s22+$0x2F70]  }
0xc7: {  	v1 =	vld [tilespmem:s22+$0x2F40]  }
0xc8: {  	v2 =	vld [tilespmem:s22+$0x2F50]  }
0xc9: {  	s23 =	simm.s32 $0x200;
	v3 =	vld [tilespmem:s22+$0x2F60]  }
.LBB2_14:
0xca: {  	p1 =	sne.s32 s23, $0xC600  }
.Ltmp6:
0xcb: {  	s24 =	sshra.s32 s23, $0x2;
	s23 =	sadd.s32 $0x200, s23;
	[tilespmem:s22+$0xCB70] =	vst v0;
	(pc) =	sbr.rel @p1 .LBB2_14-.Ltmp6, $4  }
0xcc: {  	v0 =	vld [tilespmem:s24+$0x2F70];
	[tilespmem:s22+$0xCB40] =	vst v1  }
0xcd: {  	v1 =	vld [tilespmem:s24+$0x2F40];
	[tilespmem:s22+$0xCB50] =	vst v2  }
0xce: {  	v2 =	vld [tilespmem:s24+$0x2F50];
	[tilespmem:s22+$0xCB60] =	vst v3;
	s22 =	smov.u32 s24  }
0xcf: {  	v3 =	vld [tilespmem:s22+$0x2F60]  }
0xd0: {  	_ = 	snop  }
0xd1: {  	[tilespmem:s22+$0xCB70] =	vst v0  }
0xd2: {  	[tilespmem:s22+$0xCB40] =	vst v1  }
0xd3: {  	[tilespmem:s22+$0xCB50] =	vst v2  }
0xd4: {  	s24 =	simm.s32 $0x23C0;
	[tilespmem:s22+$0xCB60] =	vst v3  }
0xd5: {  	[tilespmem:s12], [sflag:$0x1] =	stream.indirect.gather [spmem:s1], $0x80, s24, s11, $0xb8;
	[tilespmem:$0x13340] =	vst v63  }
0xd6: {  	s25 =	simm.s32 $0x0;
	s23 =	rddreg [dreg:$0x9]  }
0xd7: {  	[hbm4b:s23+s25] =	stream.linear.scatter [tilespmem:s16], [sflag:$0x4], $0x3200, $0x38;
	[tilespmem:$0x13340] =	vst v63  }
0xd8: {  	_ =	swait.ge [sflag:s17], $0x3200  }
0xd9: {  	[sflag:s17] =	ssyncset.done $0x0  }
0xda: {  	[sflag:s17] =	ssyncadd.s32 $0xFFFFCE00  }
0xdb: {  	_ =	swait.ge [sflag:s20], $0x3200  }
0xdc: {  	[sflag:s20] =	ssyncset.done $0x0  }
0xdd: {  	s22 =	simm.s32 $0x0;
	[sflag:s20] =	ssyncadd.s32 $0xFFFFCE00  }
0xde: {  	v0 =	vld [tilespmem:s22+$0x6370]  }
0xdf: {  	v1 =	vld [tilespmem:s22+$0x6340]  }
0xe0: {  	v2 =	vld [tilespmem:s22+$0x6350]  }
0xe1: {  	s23 =	simm.s32 $0x200;
	v3 =	vld [tilespmem:s22+$0x6360]  }
.LBB2_16:
0xe2: {  	p1 =	sne.s32 s23, $0xC600  }
.Ltmp7:
0xe3: {  	s24 =	sshra.s32 s23, $0x2;
	s23 =	sadd.s32 $0x200, s23;
	[tilespmem:s22+$0xFF70] =	vst v0;
	(pc) =	sbr.rel @p1 .LBB2_16-.Ltmp7, $4  }
0xe4: {  	v0 =	vld [tilespmem:s24+$0x6370];
	[tilespmem:s22+$0xFF40] =	vst v1  }
0xe5: {  	v1 =	vld [tilespmem:s24+$0x6340];
	[tilespmem:s22+$0xFF50] =	vst v2  }
0xe6: {  	v2 =	vld [tilespmem:s24+$0x6350];
	[tilespmem:s22+$0xFF60] =	vst v3;
	s22 =	smov.u32 s24  }
0xe7: {  	v3 =	vld [tilespmem:s22+$0x6360]  }
0xe8: {  	_ = 	snop  }
0xe9: {  	[tilespmem:s22+$0xFF70] =	vst v0  }
0xea: {  	[tilespmem:s22+$0xFF40] =	vst v1  }
0xeb: {  	[tilespmem:s22+$0xFF50] =	vst v2  }
0xec: {  	s24 =	simm.s32 $0x2440;
	[tilespmem:s22+$0xFF60] =	vst v3  }
0xed: {  	[tilespmem:s13], [sflag:$0x2] =	stream.indirect.gather [spmem:s1], $0x80, s24, s11, $0xb8;
	[tilespmem:$0x13340] =	vst v63  }
0xee: {  	s25 =	simm.s32 $0x0;
	s23 =	rddreg [dreg:$0xa]  }
0xef: {  	[hbm4b:s23+s25] =	stream.linear.scatter [tilespmem:s9], [sflag:$0x5], $0x3200, $0x38;
	[tilespmem:$0x13340] =	vst v63  }
0xf0: {  	_ =	swait.ge [sflag:s18], $0x3200  }
0xf1: {  	[sflag:s18] =	ssyncset.done $0x0  }
0xf2: {  	[sflag:s18] =	ssyncadd.s32 $0xFFFFCE00  }
0xf3: {  	_ =	swait.ge [sflag:s19], $0x3200  }
0xf4: {  	[sflag:s19] =	ssyncset.done $0x0  }
0xf5: {  	s22 =	simm.s32 $0x0;
	[sflag:s19] =	ssyncadd.s32 $0xFFFFCE00  }
0xf6: {  	v0 =	vld [tilespmem:s22+$0x9770]  }
0xf7: {  	v1 =	vld [tilespmem:s22+$0x9740]  }
0xf8: {  	v2 =	vld [tilespmem:s22+$0x9750]  }
0xf9: {  	s23 =	simm.s32 $0x200;
	v3 =	vld [tilespmem:s22+$0x9760]  }
.LBB2_18:
0xfa: {  	p1 =	sne.s32 s23, $0xC600  }
.Ltmp8:
0xfb: {  	s24 =	sshra.s32 s23, $0x2;
	s23 =	sadd.s32 $0x200, s23;
	[tilespmem:s22+$0xCB70] =	vst v0;
	(pc) =	sbr.rel @p1 .LBB2_18-.Ltmp8, $4  }
0xfc: {  	v0 =	vld [tilespmem:s24+$0x9770];
	[tilespmem:s22+$0xCB40] =	vst v1  }
0xfd: {  	v1 =	vld [tilespmem:s24+$0x9740];
	[tilespmem:s22+$0xCB50] =	vst v2  }
0xfe: {  	v2 =	vld [tilespmem:s24+$0x9750];
	[tilespmem:s22+$0xCB60] =	vst v3;
	s22 =	smov.u32 s24  }
0xff: {  	v3 =	vld [tilespmem:s22+$0x9760]  }
0x100: {  	_ = 	snop  }
0x101: {  	[tilespmem:s22+$0xCB70] =	vst v0  }
0x102: {  	[tilespmem:s22+$0xCB40] =	vst v1  }
0x103: {  	[tilespmem:s22+$0xCB50] =	vst v2  }
0x104: {  	s24 =	simm.s32 $0x24C0;
	[tilespmem:s22+$0xCB60] =	vst v3  }
0x105: {  	[tilespmem:s14], [sflag:$0x3] =	stream.indirect.gather [spmem:s1], $0x80, s24, s11, $0xb8;
	[tilespmem:$0x13340] =	vst v63  }
0x106: {  	s25 =	simm.s32 $0x0;
	s23 =	rddreg [dreg:$0xb]  }
0x107: {  	[hbm4b:s23+s25] =	stream.linear.scatter [tilespmem:s16], [sflag:$0x4], $0x3200, $0x38;
	[tilespmem:$0x13340] =	vst v63  }
0x108: {  	_ =	swait.ge [sflag:s15], $0x3200  }
0x109: {  	[sflag:s15] =	ssyncset.done $0x0  }
0x10a: {  	[sflag:s15] =	ssyncadd.s32 $0xFFFFCE00  }
0x10b: {  	_ =	swait.ge [sflag:s20], $0x3200  }
0x10c: {  	[sflag:s20] =	ssyncset.done $0x0  }
0x10d: {  	s22 =	simm.s32 $0x0;
	[sflag:s20] =	ssyncadd.s32 $0xFFFFCE00  }
0x10e: {  	v0 =	vld [tilespmem:s22+$0x2F70]  }
0x10f: {  	v1 =	vld [tilespmem:s22+$0x2F40]  }
0x110: {  	v2 =	vld [tilespmem:s22+$0x2F50]  }
0x111: {  	s23 =	simm.s32 $0x200;
	v3 =	vld [tilespmem:s22+$0x2F60]  }
.LBB2_20:
0x112: {  	p1 =	sne.s32 s23, $0xC600  }
.Ltmp9:
0x113: {  	s24 =	sshra.s32 s23, $0x2;
	s23 =	sadd.s32 $0x200, s23;
	[tilespmem:s22+$0xFF70] =	vst v0;
	(pc) =	sbr.rel @p1 .LBB2_20-.Ltmp9, $4  }
0x114: {  	v0 =	vld [tilespmem:s24+$0x2F70];
	[tilespmem:s22+$0xFF40] =	vst v1  }
0x115: {  	v1 =	vld [tilespmem:s24+$0x2F40];
	[tilespmem:s22+$0xFF50] =	vst v2  }
0x116: {  	v2 =	vld [tilespmem:s24+$0x2F50];
	[tilespmem:s22+$0xFF60] =	vst v3;
	s22 =	smov.u32 s24  }
0x117: {  	v3 =	vld [tilespmem:s22+$0x2F60]  }
0x118: {  	_ = 	snop  }
0x119: {  	[tilespmem:s22+$0xFF70] =	vst v0  }
0x11a: {  	[tilespmem:s22+$0xFF40] =	vst v1  }
0x11b: {  	[tilespmem:s22+$0xFF50] =	vst v2  }
0x11c: {  	s24 =	simm.s32 $0x2540;
	[tilespmem:s22+$0xFF60] =	vst v3  }
0x11d: {  	[tilespmem:s12], [sflag:$0x1] =	stream.indirect.gather [spmem:s1], $0x80, s24, s11, $0xb8;
	[tilespmem:$0x13340] =	vst v63  }
0x11e: {  	s25 =	simm.s32 $0x0;
	s23 =	rddreg [dreg:$0xc]  }
0x11f: {  	[hbm4b:s23+s25] =	stream.linear.scatter [tilespmem:s9], [sflag:$0x5], $0x3200, $0x38;
	[tilespmem:$0x13340] =	vst v63  }
0x120: {  	_ =	swait.ge [sflag:s17], $0x3200  }
0x121: {  	[sflag:s17] =	ssyncset.done $0x0  }
0x122: {  	[sflag:s17] =	ssyncadd.s32 $0xFFFFCE00  }
0x123: {  	_ =	swait.ge [sflag:s19], $0x3200  }
0x124: {  	[sflag:s19] =	ssyncset.done $0x0  }
0x125: {  	s22 =	simm.s32 $0x0;
	[sflag:s19] =	ssyncadd.s32 $0xFFFFCE00  }
0x126: {  	v0 =	vld [tilespmem:s22+$0x6370]  }
0x127: {  	v1 =	vld [tilespmem:s22+$0x6340]  }
0x128: {  	v2 =	vld [tilespmem:s22+$0x6350]  }
0x129: {  	s23 =	simm.s32 $0x200;
	v3 =	vld [tilespmem:s22+$0x6360]  }
.LBB2_22:
0x12a: {  	p1 =	sne.s32 s23, $0xC600  }
.Ltmp10:
0x12b: {  	s24 =	sshra.s32 s23, $0x2;
	s23 =	sadd.s32 $0x200, s23;
	[tilespmem:s22+$0xCB70] =	vst v0;
	(pc) =	sbr.rel @p1 .LBB2_22-.Ltmp10, $4  }
0x12c: {  	v0 =	vld [tilespmem:s24+$0x6370];
	[tilespmem:s22+$0xCB40] =	vst v1  }
0x12d: {  	v1 =	vld [tilespmem:s24+$0x6340];
	[tilespmem:s22+$0xCB50] =	vst v2  }
0x12e: {  	v2 =	vld [tilespmem:s24+$0x6350];
	[tilespmem:s22+$0xCB60] =	vst v3;
	s22 =	smov.u32 s24  }
0x12f: {  	v3 =	vld [tilespmem:s22+$0x6360]  }
0x130: {  	_ = 	snop  }
0x131: {  	[tilespmem:s22+$0xCB70] =	vst v0  }
0x132: {  	[tilespmem:s22+$0xCB40] =	vst v1  }
0x133: {  	[tilespmem:s22+$0xCB50] =	vst v2  }
0x134: {  	s24 =	simm.s32 $0x25C0;
	[tilespmem:s22+$0xCB60] =	vst v3  }
0x135: {  	[tilespmem:s13], [sflag:$0x2] =	stream.indirect.gather [spmem:s1], $0x80, s24, s11, $0xb8;
	[tilespmem:$0x13340] =	vst v63  }
0x136: {  	s25 =	simm.s32 $0x0;
	s23 =	rddreg [dreg:$0xd]  }
0x137: {  	[hbm4b:s23+s25] =	stream.linear.scatter [tilespmem:s16], [sflag:$0x4], $0x3200, $0x38;
	[tilespmem:$0x13340] =	vst v63  }
0x138: {  	_ =	swait.ge [sflag:s18], $0x3200  }
0x139: {  	[sflag:s18] =	ssyncset.done $0x0  }
0x13a: {  	[sflag:s18] =	ssyncadd.s32 $0xFFFFCE00  }
0x13b: {  	_ =	swait.ge [sflag:s20], $0x3200  }
0x13c: {  	[sflag:s20] =	ssyncset.done $0x0  }
0x13d: {  	s22 =	simm.s32 $0x0;
	[sflag:s20] =	ssyncadd.s32 $0xFFFFCE00  }
0x13e: {  	v0 =	vld [tilespmem:s22+$0x9770]  }
0x13f: {  	v1 =	vld [tilespmem:s22+$0x9740]  }
0x140: {  	v2 =	vld [tilespmem:s22+$0x9750]  }
0x141: {  	s23 =	simm.s32 $0x200;
	v3 =	vld [tilespmem:s22+$0x9760]  }
.LBB2_24:
0x142: {  	p1 =	sne.s32 s23, $0xC600  }
.Ltmp11:
0x143: {  	s24 =	sshra.s32 s23, $0x2;
	s23 =	sadd.s32 $0x200, s23;
	[tilespmem:s22+$0xFF70] =	vst v0;
	(pc) =	sbr.rel @p1 .LBB2_24-.Ltmp11, $4  }
0x144: {  	v0 =	vld [tilespmem:s24+$0x9770];
	[tilespmem:s22+$0xFF40] =	vst v1  }
0x145: {  	v1 =	vld [tilespmem:s24+$0x9740];
	[tilespmem:s22+$0xFF50] =	vst v2  }
0x146: {  	v2 =	vld [tilespmem:s24+$0x9750];
	[tilespmem:s22+$0xFF60] =	vst v3;
	s22 =	smov.u32 s24  }
0x147: {  	v3 =	vld [tilespmem:s22+$0x9760]  }
0x148: {  	_ = 	snop  }
0x149: {  	[tilespmem:s22+$0xFF70] =	vst v0  }
0x14a: {  	[tilespmem:s22+$0xFF40] =	vst v1  }
0x14b: {  	[tilespmem:s22+$0xFF50] =	vst v2  }
0x14c: {  	s24 =	simm.s32 $0x2640;
	[tilespmem:s22+$0xFF60] =	vst v3  }
0x14d: {  	[tilespmem:s14], [sflag:$0x3] =	stream.indirect.gather [spmem:s1], $0x80, s24, s11, $0xb8;
	[tilespmem:$0x13340] =	vst v63  }
0x14e: {  	s25 =	simm.s32 $0x0;
	s23 =	rddreg [dreg:$0xe]  }
0x14f: {  	[hbm4b:s23+s25] =	stream.linear.scatter [tilespmem:s9], [sflag:$0x5], $0x3200, $0x38;
	[tilespmem:$0x13340] =	vst v63  }
0x150: {  	_ =	swait.ge [sflag:s15], $0x3200  }
0x151: {  	[sflag:s15] =	ssyncset.done $0x0  }
0x152: {  	[sflag:s15] =	ssyncadd.s32 $0xFFFFCE00  }
0x153: {  	_ =	swait.ge [sflag:s19], $0x3200  }
0x154: {  	[sflag:s19] =	ssyncset.done $0x0  }
0x155: {  	s22 =	simm.s32 $0x0;
	[sflag:s19] =	ssyncadd.s32 $0xFFFFCE00  }
0x156: {  	v0 =	vld [tilespmem:s22+$0x2F70]  }
0x157: {  	v1 =	vld [tilespmem:s22+$0x2F40]  }
0x158: {  	v2 =	vld [tilespmem:s22+$0x2F50]  }
0x159: {  	s23 =	simm.s32 $0x200;
	v3 =	vld [tilespmem:s22+$0x2F60]  }
.LBB2_26:
0x15a: {  	p1 =	sne.s32 s23, $0xC600  }
.Ltmp12:
0x15b: {  	s24 =	sshra.s32 s23, $0x2;
	s23 =	sadd.s32 $0x200, s23;
	[tilespmem:s22+$0xCB70] =	vst v0;
	(pc) =	sbr.rel @p1 .LBB2_26-.Ltmp12, $4  }
0x15c: {  	v0 =	vld [tilespmem:s24+$0x2F70];
	[tilespmem:s22+$0xCB40] =	vst v1  }
0x15d: {  	v1 =	vld [tilespmem:s24+$0x2F40];
	[tilespmem:s22+$0xCB50] =	vst v2  }
0x15e: {  	v2 =	vld [tilespmem:s24+$0x2F50];
	[tilespmem:s22+$0xCB60] =	vst v3;
	s22 =	smov.u32 s24  }
0x15f: {  	v3 =	vld [tilespmem:s22+$0x2F60]  }
0x160: {  	_ = 	snop  }
0x161: {  	[tilespmem:s22+$0xCB70] =	vst v0  }
0x162: {  	[tilespmem:s22+$0xCB40] =	vst v1  }
0x163: {  	[tilespmem:s22+$0xCB50] =	vst v2  }
0x164: {  	s24 =	simm.s32 $0x26C0;
	[tilespmem:s22+$0xCB60] =	vst v3  }
0x165: {  	[tilespmem:s12], [sflag:$0x1] =	stream.indirect.gather [spmem:s1], $0x80, s24, s11, $0xb8;
	[tilespmem:$0x13340] =	vst v63  }
0x166: {  	s25 =	simm.s32 $0x0;
	s23 =	rddreg [dreg:$0xf]  }
0x167: {  	[hbm4b:s23+s25] =	stream.linear.scatter [tilespmem:s16], [sflag:$0x4], $0x3200, $0x38;
	[tilespmem:$0x13340] =	vst v63  }
0x168: {  	_ =	swait.ge [sflag:s17], $0x3200  }
0x169: {  	[sflag:s17] =	ssyncset.done $0x0  }
0x16a: {  	[sflag:s17] =	ssyncadd.s32 $0xFFFFCE00  }
0x16b: {  	_ =	swait.ge [sflag:s20], $0x3200  }
0x16c: {  	[sflag:s20] =	ssyncset.done $0x0  }
0x16d: {  	s22 =	simm.s32 $0x0;
	[sflag:s20] =	ssyncadd.s32 $0xFFFFCE00  }
0x16e: {  	v0 =	vld [tilespmem:s22+$0x6370]  }
0x16f: {  	v1 =	vld [tilespmem:s22+$0x6340]  }
0x170: {  	v2 =	vld [tilespmem:s22+$0x6350]  }
0x171: {  	s23 =	simm.s32 $0x200;
	v3 =	vld [tilespmem:s22+$0x6360]  }
.LBB2_28:
0x172: {  	p1 =	sne.s32 s23, $0xC600  }
.Ltmp13:
0x173: {  	s24 =	sshra.s32 s23, $0x2;
	s23 =	sadd.s32 $0x200, s23;
	[tilespmem:s22+$0xFF70] =	vst v0;
	(pc) =	sbr.rel @p1 .LBB2_28-.Ltmp13, $4  }
0x174: {  	v0 =	vld [tilespmem:s24+$0x6370];
	[tilespmem:s22+$0xFF40] =	vst v1  }
0x175: {  	v1 =	vld [tilespmem:s24+$0x6340];
	[tilespmem:s22+$0xFF50] =	vst v2  }
0x176: {  	v2 =	vld [tilespmem:s24+$0x6350];
	[tilespmem:s22+$0xFF60] =	vst v3;
	s22 =	smov.u32 s24  }
0x177: {  	v3 =	vld [tilespmem:s22+$0x6360]  }
0x178: {  	_ = 	snop  }
0x179: {  	[tilespmem:s22+$0xFF70] =	vst v0  }
0x17a: {  	[tilespmem:s22+$0xFF40] =	vst v1  }
0x17b: {  	[tilespmem:s22+$0xFF50] =	vst v2  }
0x17c: {  	s24 =	simm.s32 $0x2740;
	[tilespmem:s22+$0xFF60] =	vst v3  }
0x17d: {  	[tilespmem:s13], [sflag:$0x2] =	stream.indirect.gather [spmem:s1], $0x80, s24, s11, $0xb8;
	[tilespmem:$0x13340] =	vst v63  }
0x17e: {  	s25 =	simm.s32 $0x0;
	s23 =	rddreg [dreg:$0x10]  }
0x17f: {  	[hbm4b:s23+s25] =	stream.linear.scatter [tilespmem:s9], [sflag:$0x5], $0x3200, $0x38;
	[tilespmem:$0x13340] =	vst v63  }
0x180: {  	_ =	swait.ge [sflag:s18], $0x3200  }
0x181: {  	[sflag:s18] =	ssyncset.done $0x0  }
0x182: {  	[sflag:s18] =	ssyncadd.s32 $0xFFFFCE00  }
0x183: {  	_ =	swait.ge [sflag:s19], $0x3200  }
0x184: {  	[sflag:s19] =	ssyncset.done $0x0  }
0x185: {  	s22 =	simm.s32 $0x0;
	[sflag:s19] =	ssyncadd.s32 $0xFFFFCE00  }
0x186: {  	v0 =	vld [tilespmem:s22+$0x9770]  }
0x187: {  	v1 =	vld [tilespmem:s22+$0x9740]  }
0x188: {  	v2 =	vld [tilespmem:s22+$0x9750]  }
0x189: {  	s23 =	simm.s32 $0x200;
	v3 =	vld [tilespmem:s22+$0x9760]  }
.LBB2_30:
0x18a: {  	p1 =	sne.s32 s23, $0xC600  }
.Ltmp14:
0x18b: {  	s24 =	sshra.s32 s23, $0x2;
	s23 =	sadd.s32 $0x200, s23;
	[tilespmem:s22+$0xCB70] =	vst v0;
	(pc) =	sbr.rel @p1 .LBB2_30-.Ltmp14, $4  }
0x18c: {  	v0 =	vld [tilespmem:s24+$0x9770];
	[tilespmem:s22+$0xCB40] =	vst v1  }
0x18d: {  	v1 =	vld [tilespmem:s24+$0x9740];
	[tilespmem:s22+$0xCB50] =	vst v2  }
0x18e: {  	v2 =	vld [tilespmem:s24+$0x9750];
	[tilespmem:s22+$0xCB60] =	vst v3;
	s22 =	smov.u32 s24  }
0x18f: {  	v3 =	vld [tilespmem:s22+$0x9760]  }
0x190: {  	_ = 	snop  }
0x191: {  	[tilespmem:s22+$0xCB70] =	vst v0  }
0x192: {  	[tilespmem:s22+$0xCB40] =	vst v1  }
0x193: {  	[tilespmem:s22+$0xCB50] =	vst v2  }
0x194: {  	s24 =	simm.s32 $0x27C0;
	[tilespmem:s22+$0xCB60] =	vst v3  }
0x195: {  	[tilespmem:s14], [sflag:$0x3] =	stream.indirect.gather [spmem:s1], $0x80, s24, s11, $0xb8;
	[tilespmem:$0x13340] =	vst v63  }
0x196: {  	s25 =	simm.s32 $0x0;
	s23 =	rddreg [dreg:$0x11]  }
0x197: {  	[hbm4b:s23+s25] =	stream.linear.scatter [tilespmem:s16], [sflag:$0x4], $0x3200, $0x38;
	[tilespmem:$0x13340] =	vst v63  }
0x198: {  	_ =	swait.ge [sflag:s15], $0x3200  }
0x199: {  	[sflag:s15] =	ssyncset.done $0x0  }
0x19a: {  	[sflag:s15] =	ssyncadd.s32 $0xFFFFCE00  }
0x19b: {  	_ =	swait.ge [sflag:s20], $0x3200  }
0x19c: {  	[sflag:s20] =	ssyncset.done $0x0  }
0x19d: {  	s22 =	simm.s32 $0x0;
	[sflag:s20] =	ssyncadd.s32 $0xFFFFCE00  }
0x19e: {  	v0 =	vld [tilespmem:s22+$0x2F70]  }
0x19f: {  	v1 =	vld [tilespmem:s22+$0x2F40]  }
0x1a0: {  	v2 =	vld [tilespmem:s22+$0x2F50]  }
0x1a1: {  	s23 =	simm.s32 $0x200;
	v3 =	vld [tilespmem:s22+$0x2F60]  }
.LBB2_32:
0x1a2: {  	p1 =	sne.s32 s23, $0xC600  }
.Ltmp15:
0x1a3: {  	s24 =	sshra.s32 s23, $0x2;
	s23 =	sadd.s32 $0x200, s23;
	[tilespmem:s22+$0xFF70] =	vst v0;
	(pc) =	sbr.rel @p1 .LBB2_32-.Ltmp15, $4  }
0x1a4: {  	v0 =	vld [tilespmem:s24+$0x2F70];
	[tilespmem:s22+$0xFF40] =	vst v1  }
0x1a5: {  	v1 =	vld [tilespmem:s24+$0x2F40];
	[tilespmem:s22+$0xFF50] =	vst v2  }
0x1a6: {  	v2 =	vld [tilespmem:s24+$0x2F50];
	[tilespmem:s22+$0xFF60] =	vst v3;
	s22 =	smov.u32 s24  }
0x1a7: {  	v3 =	vld [tilespmem:s22+$0x2F60]  }
0x1a8: {  	_ = 	snop  }
0x1a9: {  	[tilespmem:s22+$0xFF70] =	vst v0  }
0x1aa: {  	[tilespmem:s22+$0xFF40] =	vst v1  }
0x1ab: {  	[tilespmem:s22+$0xFF50] =	vst v2  }
0x1ac: {  	s24 =	simm.s32 $0x2840;
	[tilespmem:s22+$0xFF60] =	vst v3  }
0x1ad: {  	[tilespmem:s12], [sflag:$0x1] =	stream.indirect.gather [spmem:s1], $0x80, s24, s11, $0xb8;
	[tilespmem:$0x13340] =	vst v63  }
0x1ae: {  	s25 =	simm.s32 $0x0;
	s23 =	rddreg [dreg:$0x12]  }
0x1af: {  	[hbm4b:s23+s25] =	stream.linear.scatter [tilespmem:s9], [sflag:$0x5], $0x3200, $0x38;
	[tilespmem:$0x13340] =	vst v63  }
0x1b0: {  	_ =	swait.ge [sflag:s17], $0x3200  }
0x1b1: {  	[sflag:s17] =	ssyncset.done $0x0  }
0x1b2: {  	[sflag:s17] =	ssyncadd.s32 $0xFFFFCE00  }
0x1b3: {  	_ =	swait.ge [sflag:s19], $0x3200  }
0x1b4: {  	[sflag:s19] =	ssyncset.done $0x0  }
0x1b5: {  	s22 =	simm.s32 $0x0;
	[sflag:s19] =	ssyncadd.s32 $0xFFFFCE00  }
0x1b6: {  	v0 =	vld [tilespmem:s22+$0x6370]  }
0x1b7: {  	v1 =	vld [tilespmem:s22+$0x6340]  }
0x1b8: {  	v2 =	vld [tilespmem:s22+$0x6350]  }
0x1b9: {  	s23 =	simm.s32 $0x200;
	v3 =	vld [tilespmem:s22+$0x6360]  }
.LBB2_34:
0x1ba: {  	p1 =	sne.s32 s23, $0xC600  }
.Ltmp16:
0x1bb: {  	s24 =	sshra.s32 s23, $0x2;
	s23 =	sadd.s32 $0x200, s23;
	[tilespmem:s22+$0xCB70] =	vst v0;
	(pc) =	sbr.rel @p1 .LBB2_34-.Ltmp16, $4  }
0x1bc: {  	v0 =	vld [tilespmem:s24+$0x6370];
	[tilespmem:s22+$0xCB40] =	vst v1  }
0x1bd: {  	v1 =	vld [tilespmem:s24+$0x6340];
	[tilespmem:s22+$0xCB50] =	vst v2  }
0x1be: {  	v2 =	vld [tilespmem:s24+$0x6350];
	[tilespmem:s22+$0xCB60] =	vst v3;
	s22 =	smov.u32 s24  }
0x1bf: {  	v3 =	vld [tilespmem:s22+$0x6360]  }
0x1c0: {  	_ = 	snop  }
0x1c1: {  	[tilespmem:s22+$0xCB70] =	vst v0  }
0x1c2: {  	[tilespmem:s22+$0xCB40] =	vst v1  }
0x1c3: {  	[tilespmem:s22+$0xCB50] =	vst v2  }
0x1c4: {  	s24 =	simm.s32 $0x28C0;
	[tilespmem:s22+$0xCB60] =	vst v3  }
0x1c5: {  	[tilespmem:s13], [sflag:$0x2] =	stream.indirect.gather [spmem:s1], $0x80, s24, s11, $0xb8;
	[tilespmem:$0x13340] =	vst v63  }
0x1c6: {  	s25 =	simm.s32 $0x0;
	s23 =	rddreg [dreg:$0x13]  }
0x1c7: {  	[hbm4b:s23+s25] =	stream.linear.scatter [tilespmem:s16], [sflag:$0x4], $0x3200, $0x38;
	[tilespmem:$0x13340] =	vst v63  }
0x1c8: {  	_ =	swait.ge [sflag:s18], $0x3200  }
0x1c9: {  	[sflag:s18] =	ssyncset.done $0x0  }
0x1ca: {  	[sflag:s18] =	ssyncadd.s32 $0xFFFFCE00  }
0x1cb: {  	_ =	swait.ge [sflag:s20], $0x3200  }
0x1cc: {  	[sflag:s20] =	ssyncset.done $0x0  }
0x1cd: {  	s22 =	simm.s32 $0x0;
	[sflag:s20] =	ssyncadd.s32 $0xFFFFCE00  }
0x1ce: {  	v0 =	vld [tilespmem:s22+$0x9770]  }
0x1cf: {  	v1 =	vld [tilespmem:s22+$0x9740]  }
0x1d0: {  	v2 =	vld [tilespmem:s22+$0x9750]  }
0x1d1: {  	s23 =	simm.s32 $0x200;
	v3 =	vld [tilespmem:s22+$0x9760]  }
.LBB2_36:
0x1d2: {  	p1 =	sne.s32 s23, $0xC600  }
.Ltmp17:
0x1d3: {  	s24 =	sshra.s32 s23, $0x2;
	s23 =	sadd.s32 $0x200, s23;
	[tilespmem:s22+$0xFF70] =	vst v0;
	(pc) =	sbr.rel @p1 .LBB2_36-.Ltmp17, $4  }
0x1d4: {  	v0 =	vld [tilespmem:s24+$0x9770];
	[tilespmem:s22+$0xFF40] =	vst v1  }
0x1d5: {  	v1 =	vld [tilespmem:s24+$0x9740];
	[tilespmem:s22+$0xFF50] =	vst v2  }
0x1d6: {  	v2 =	vld [tilespmem:s24+$0x9750];
	[tilespmem:s22+$0xFF60] =	vst v3;
	s22 =	smov.u32 s24  }
0x1d7: {  	v3 =	vld [tilespmem:s22+$0x9760]  }
0x1d8: {  	_ = 	snop  }
0x1d9: {  	[tilespmem:s22+$0xFF70] =	vst v0  }
0x1da: {  	[tilespmem:s22+$0xFF40] =	vst v1  }
0x1db: {  	[tilespmem:s22+$0xFF50] =	vst v2  }
0x1dc: {  	s24 =	simm.s32 $0x2940;
	[tilespmem:s22+$0xFF60] =	vst v3  }
0x1dd: {  	[tilespmem:s14], [sflag:$0x3] =	stream.indirect.gather [spmem:s1], $0x80, s24, s11, $0xb8;
	[tilespmem:$0x13340] =	vst v63  }
0x1de: {  	s25 =	simm.s32 $0x0;
	s23 =	rddreg [dreg:$0x14]  }
0x1df: {  	[hbm4b:s23+s25] =	stream.linear.scatter [tilespmem:s9], [sflag:$0x5], $0x3200, $0x38;
	[tilespmem:$0x13340] =	vst v63  }
0x1e0: {  	_ =	swait.ge [sflag:s15], $0x3200  }
0x1e1: {  	[sflag:s15] =	ssyncset.done $0x0  }
0x1e2: {  	[sflag:s15] =	ssyncadd.s32 $0xFFFFCE00  }
0x1e3: {  	_ =	swait.ge [sflag:s19], $0x3200  }
0x1e4: {  	[sflag:s19] =	ssyncset.done $0x0  }
0x1e5: {  	s22 =	simm.s32 $0x0;
	[sflag:s19] =	ssyncadd.s32 $0xFFFFCE00  }
0x1e6: {  	v0 =	vld [tilespmem:s22+$0x2F70]  }
0x1e7: {  	v1 =	vld [tilespmem:s22+$0x2F40]  }
0x1e8: {  	v2 =	vld [tilespmem:s22+$0x2F50]  }
0x1e9: {  	s23 =	simm.s32 $0x200;
	v3 =	vld [tilespmem:s22+$0x2F60]  }
.LBB2_38:
0x1ea: {  	p1 =	sne.s32 s23, $0xC600  }
.Ltmp18:
0x1eb: {  	s24 =	sshra.s32 s23, $0x2;
	s23 =	sadd.s32 $0x200, s23;
	[tilespmem:s22+$0xCB70] =	vst v0;
	(pc) =	sbr.rel @p1 .LBB2_38-.Ltmp18, $4  }
0x1ec: {  	v0 =	vld [tilespmem:s24+$0x2F70];
	[tilespmem:s22+$0xCB40] =	vst v1  }
0x1ed: {  	v1 =	vld [tilespmem:s24+$0x2F40];
	[tilespmem:s22+$0xCB50] =	vst v2  }
0x1ee: {  	v2 =	vld [tilespmem:s24+$0x2F50];
	[tilespmem:s22+$0xCB60] =	vst v3;
	s22 =	smov.u32 s24  }
0x1ef: {  	v3 =	vld [tilespmem:s22+$0x2F60]  }
0x1f0: {  	_ = 	snop  }
0x1f1: {  	[tilespmem:s22+$0xCB70] =	vst v0  }
0x1f2: {  	[tilespmem:s22+$0xCB40] =	vst v1  }
0x1f3: {  	[tilespmem:s22+$0xCB50] =	vst v2  }
0x1f4: {  	s24 =	simm.s32 $0x29C0;
	[tilespmem:s22+$0xCB60] =	vst v3  }
0x1f5: {  	[tilespmem:s12], [sflag:$0x1] =	stream.indirect.gather [spmem:s1], $0x80, s24, s11, $0xb8;
	[tilespmem:$0x13340] =	vst v63  }
0x1f6: {  	s25 =	simm.s32 $0x0;
	s23 =	rddreg [dreg:$0x15]  }
0x1f7: {  	[hbm4b:s23+s25] =	stream.linear.scatter [tilespmem:s16], [sflag:$0x4], $0x3200, $0x38;
	[tilespmem:$0x13340] =	vst v63  }
0x1f8: {  	_ =	swait.ge [sflag:s17], $0x3200  }
0x1f9: {  	[sflag:s17] =	ssyncset.done $0x0  }
0x1fa: {  	[sflag:s17] =	ssyncadd.s32 $0xFFFFCE00  }
0x1fb: {  	_ =	swait.ge [sflag:s20], $0x3200  }
0x1fc: {  	[sflag:s20] =	ssyncset.done $0x0  }
0x1fd: {  	s22 =	simm.s32 $0x0;
	[sflag:s20] =	ssyncadd.s32 $0xFFFFCE00  }
0x1fe: {  	v0 =	vld [tilespmem:s22+$0x6370]  }
0x1ff: {  	v1 =	vld [tilespmem:s22+$0x6340]  }
0x200: {  	v2 =	vld [tilespmem:s22+$0x6350]  }
0x201: {  	s23 =	simm.s32 $0x200;
	v3 =	vld [tilespmem:s22+$0x6360]  }
.LBB2_40:
0x202: {  	p1 =	sne.s32 s23, $0xC600  }
.Ltmp19:
0x203: {  	s24 =	sshra.s32 s23, $0x2;
	s23 =	sadd.s32 $0x200, s23;
	[tilespmem:s22+$0xFF70] =	vst v0;
	(pc) =	sbr.rel @p1 .LBB2_40-.Ltmp19, $4  }
0x204: {  	v0 =	vld [tilespmem:s24+$0x6370];
	[tilespmem:s22+$0xFF40] =	vst v1  }
0x205: {  	v1 =	vld [tilespmem:s24+$0x6340];
	[tilespmem:s22+$0xFF50] =	vst v2  }
0x206: {  	v2 =	vld [tilespmem:s24+$0x6350];
	[tilespmem:s22+$0xFF60] =	vst v3;
	s22 =	smov.u32 s24  }
0x207: {  	v3 =	vld [tilespmem:s22+$0x6360]  }
0x208: {  	_ = 	snop  }
0x209: {  	[tilespmem:s22+$0xFF70] =	vst v0  }
0x20a: {  	[tilespmem:s22+$0xFF40] =	vst v1  }
0x20b: {  	[tilespmem:s22+$0xFF50] =	vst v2  }
0x20c: {  	s24 =	simm.s32 $0x2A40;
	[tilespmem:s22+$0xFF60] =	vst v3  }
0x20d: {  	[tilespmem:s13], [sflag:$0x2] =	stream.indirect.gather [spmem:s1], $0x80, s24, s11, $0xb8;
	[tilespmem:$0x13340] =	vst v63  }
0x20e: {  	s25 =	simm.s32 $0x0;
	s23 =	rddreg [dreg:$0x16]  }
0x20f: {  	[hbm4b:s23+s25] =	stream.linear.scatter [tilespmem:s9], [sflag:$0x5], $0x3200, $0x38;
	[tilespmem:$0x13340] =	vst v63  }
0x210: {  	_ =	swait.ge [sflag:s18], $0x3200  }
0x211: {  	[sflag:s18] =	ssyncset.done $0x0  }
0x212: {  	[sflag:s18] =	ssyncadd.s32 $0xFFFFCE00  }
0x213: {  	_ =	swait.ge [sflag:s19], $0x3200  }
0x214: {  	[sflag:s19] =	ssyncset.done $0x0  }
0x215: {  	s22 =	simm.s32 $0x0;
	[sflag:s19] =	ssyncadd.s32 $0xFFFFCE00  }
0x216: {  	v0 =	vld [tilespmem:s22+$0x9770]  }
0x217: {  	v1 =	vld [tilespmem:s22+$0x9740]  }
0x218: {  	v2 =	vld [tilespmem:s22+$0x9750]  }
0x219: {  	s23 =	simm.s32 $0x200;
	v3 =	vld [tilespmem:s22+$0x9760]  }
.LBB2_42:
0x21a: {  	p1 =	sne.s32 s23, $0xC600  }
.Ltmp20:
0x21b: {  	s24 =	sshra.s32 s23, $0x2;
	s23 =	sadd.s32 $0x200, s23;
	[tilespmem:s22+$0xCB70] =	vst v0;
	(pc) =	sbr.rel @p1 .LBB2_42-.Ltmp20, $4  }
0x21c: {  	v0 =	vld [tilespmem:s24+$0x9770];
	[tilespmem:s22+$0xCB40] =	vst v1  }
0x21d: {  	v1 =	vld [tilespmem:s24+$0x9740];
	[tilespmem:s22+$0xCB50] =	vst v2  }
0x21e: {  	v2 =	vld [tilespmem:s24+$0x9750];
	[tilespmem:s22+$0xCB60] =	vst v3;
	s22 =	smov.u32 s24  }
0x21f: {  	v3 =	vld [tilespmem:s22+$0x9760]  }
0x220: {  	_ = 	snop  }
0x221: {  	[tilespmem:s22+$0xCB70] =	vst v0  }
0x222: {  	[tilespmem:s22+$0xCB40] =	vst v1  }
0x223: {  	[tilespmem:s22+$0xCB50] =	vst v2  }
0x224: {  	s24 =	simm.s32 $0x2AC0;
	[tilespmem:s22+$0xCB60] =	vst v3  }
0x225: {  	[tilespmem:s14], [sflag:$0x3] =	stream.indirect.gather [spmem:s1], $0x80, s24, s11, $0xb8;
	[tilespmem:$0x13340] =	vst v63  }
0x226: {  	s25 =	simm.s32 $0x0;
	s23 =	rddreg [dreg:$0x17]  }
0x227: {  	[hbm4b:s23+s25] =	stream.linear.scatter [tilespmem:s16], [sflag:$0x4], $0x3200, $0x38;
	[tilespmem:$0x13340] =	vst v63  }
0x228: {  	_ =	swait.ge [sflag:s15], $0x3200  }
0x229: {  	[sflag:s15] =	ssyncset.done $0x0  }
0x22a: {  	[sflag:s15] =	ssyncadd.s32 $0xFFFFCE00  }
0x22b: {  	_ =	swait.ge [sflag:s20], $0x3200  }
0x22c: {  	[sflag:s20] =	ssyncset.done $0x0  }
0x22d: {  	s22 =	simm.s32 $0x0;
	[sflag:s20] =	ssyncadd.s32 $0xFFFFCE00  }
0x22e: {  	v0 =	vld [tilespmem:s22+$0x2F70]  }
0x22f: {  	v1 =	vld [tilespmem:s22+$0x2F40]  }
0x230: {  	v2 =	vld [tilespmem:s22+$0x2F50]  }
0x231: {  	s23 =	simm.s32 $0x200;
	v3 =	vld [tilespmem:s22+$0x2F60]  }
.LBB2_44:
0x232: {  	p1 =	sne.s32 s23, $0xC600  }
.Ltmp21:
0x233: {  	s24 =	sshra.s32 s23, $0x2;
	s23 =	sadd.s32 $0x200, s23;
	[tilespmem:s22+$0xFF70] =	vst v0;
	(pc) =	sbr.rel @p1 .LBB2_44-.Ltmp21, $4  }
0x234: {  	v0 =	vld [tilespmem:s24+$0x2F70];
	[tilespmem:s22+$0xFF40] =	vst v1  }
0x235: {  	v1 =	vld [tilespmem:s24+$0x2F40];
	[tilespmem:s22+$0xFF50] =	vst v2  }
0x236: {  	v2 =	vld [tilespmem:s24+$0x2F50];
	[tilespmem:s22+$0xFF60] =	vst v3;
	s22 =	smov.u32 s24  }
0x237: {  	v3 =	vld [tilespmem:s22+$0x2F60]  }
0x238: {  	_ = 	snop  }
0x239: {  	[tilespmem:s22+$0xFF70] =	vst v0  }
0x23a: {  	[tilespmem:s22+$0xFF40] =	vst v1  }
0x23b: {  	[tilespmem:s22+$0xFF50] =	vst v2  }
0x23c: {  	s24 =	simm.s32 $0x2B40;
	[tilespmem:s22+$0xFF60] =	vst v3  }
0x23d: {  	[tilespmem:s12], [sflag:$0x1] =	stream.indirect.gather [spmem:s1], $0x80, s24, s11, $0xb8;
	[tilespmem:$0x13340] =	vst v63  }
0x23e: {  	s25 =	simm.s32 $0x0;
	s23 =	rddreg [dreg:$0x18]  }
0x23f: {  	[hbm4b:s23+s25] =	stream.linear.scatter [tilespmem:s9], [sflag:$0x5], $0x3200, $0x38;
	[tilespmem:$0x13340] =	vst v63  }
0x240: {  	_ =	swait.ge [sflag:s17], $0x3200  }
0x241: {  	[sflag:s17] =	ssyncset.done $0x0  }
0x242: {  	[sflag:s17] =	ssyncadd.s32 $0xFFFFCE00  }
0x243: {  	_ =	swait.ge [sflag:s19], $0x3200  }
0x244: {  	[sflag:s19] =	ssyncset.done $0x0  }
0x245: {  	s22 =	simm.s32 $0x0;
	[sflag:s19] =	ssyncadd.s32 $0xFFFFCE00  }
0x246: {  	v0 =	vld [tilespmem:s22+$0x6370]  }
0x247: {  	v1 =	vld [tilespmem:s22+$0x6340]  }
0x248: {  	v2 =	vld [tilespmem:s22+$0x6350]  }
0x249: {  	s23 =	simm.s32 $0x200;
	v3 =	vld [tilespmem:s22+$0x6360]  }
.LBB2_46:
0x24a: {  	p1 =	sne.s32 s23, $0xC600  }
.Ltmp22:
0x24b: {  	s24 =	sshra.s32 s23, $0x2;
	s23 =	sadd.s32 $0x200, s23;
	[tilespmem:s22+$0xCB70] =	vst v0;
	(pc) =	sbr.rel @p1 .LBB2_46-.Ltmp22, $4  }
0x24c: {  	v0 =	vld [tilespmem:s24+$0x6370];
	[tilespmem:s22+$0xCB40] =	vst v1  }
0x24d: {  	v1 =	vld [tilespmem:s24+$0x6340];
	[tilespmem:s22+$0xCB50] =	vst v2  }
0x24e: {  	v2 =	vld [tilespmem:s24+$0x6350];
	[tilespmem:s22+$0xCB60] =	vst v3;
	s22 =	smov.u32 s24  }
0x24f: {  	v3 =	vld [tilespmem:s22+$0x6360]  }
0x250: {  	_ = 	snop  }
0x251: {  	[tilespmem:s22+$0xCB70] =	vst v0  }
0x252: {  	[tilespmem:s22+$0xCB40] =	vst v1  }
0x253: {  	[tilespmem:s22+$0xCB50] =	vst v2  }
0x254: {  	s24 =	simm.s32 $0x2BC0;
	[tilespmem:s22+$0xCB60] =	vst v3  }
0x255: {  	[tilespmem:s13], [sflag:$0x2] =	stream.indirect.gather [spmem:s1], $0x80, s24, s11, $0xb8;
	[tilespmem:$0x13340] =	vst v63  }
0x256: {  	s25 =	simm.s32 $0x0;
	s23 =	rddreg [dreg:$0x19]  }
0x257: {  	[hbm4b:s23+s25] =	stream.linear.scatter [tilespmem:s16], [sflag:$0x4], $0x3200, $0x38;
	[tilespmem:$0x13340] =	vst v63  }
0x258: {  	_ =	swait.ge [sflag:s18], $0x3200  }
0x259: {  	[sflag:s18] =	ssyncset.done $0x0  }
0x25a: {  	[sflag:s18] =	ssyncadd.s32 $0xFFFFCE00  }
0x25b: {  	_ =	swait.ge [sflag:s20], $0x3200  }
0x25c: {  	[sflag:s20] =	ssyncset.done $0x0  }
0x25d: {  	s22 =	simm.s32 $0x0;
	[sflag:s20] =	ssyncadd.s32 $0xFFFFCE00  }
0x25e: {  	v0 =	vld [tilespmem:s22+$0x9770]  }
0x25f: {  	v1 =	vld [tilespmem:s22+$0x9740]  }
0x260: {  	v2 =	vld [tilespmem:s22+$0x9750]  }
0x261: {  	s23 =	simm.s32 $0x200;
	v3 =	vld [tilespmem:s22+$0x9760]  }
.LBB2_48:
0x262: {  	p1 =	sne.s32 s23, $0xC600  }
.Ltmp23:
0x263: {  	s24 =	sshra.s32 s23, $0x2;
	s23 =	sadd.s32 $0x200, s23;
	[tilespmem:s22+$0xFF70] =	vst v0;
	(pc) =	sbr.rel @p1 .LBB2_48-.Ltmp23, $4  }
0x264: {  	v0 =	vld [tilespmem:s24+$0x9770];
	[tilespmem:s22+$0xFF40] =	vst v1  }
0x265: {  	v1 =	vld [tilespmem:s24+$0x9740];
	[tilespmem:s22+$0xFF50] =	vst v2  }
0x266: {  	v2 =	vld [tilespmem:s24+$0x9750];
	[tilespmem:s22+$0xFF60] =	vst v3;
	s22 =	smov.u32 s24  }
0x267: {  	v3 =	vld [tilespmem:s22+$0x9760]  }
0x268: {  	_ = 	snop  }
0x269: {  	[tilespmem:s22+$0xFF70] =	vst v0  }
0x26a: {  	[tilespmem:s22+$0xFF40] =	vst v1  }
0x26b: {  	[tilespmem:s22+$0xFF50] =	vst v2  }
0x26c: {  	s24 =	simm.s32 $0x2C40;
	[tilespmem:s22+$0xFF60] =	vst v3  }
0x26d: {  	[tilespmem:s14], [sflag:$0x3] =	stream.indirect.gather [spmem:s1], $0x80, s24, s11, $0xb8;
	[tilespmem:$0x13340] =	vst v63  }
0x26e: {  	s25 =	simm.s32 $0x0  }
0x26f: {  	[hbm4b:s26+s25] =	stream.linear.scatter [tilespmem:s9], [sflag:$0x5], $0x3200, $0x38;
	[tilespmem:$0x13340] =	vst v63  }
0x270: {  	_ =	swait.ge [sflag:s15], $0x3200  }
0x271: {  	[sflag:s15] =	ssyncset.done $0x0  }
0x272: {  	[sflag:s15] =	ssyncadd.s32 $0xFFFFCE00  }
0x273: {  	_ =	swait.ge [sflag:s19], $0x3200  }
0x274: {  	[sflag:s19] =	ssyncset.done $0x0  }
0x275: {  	s22 =	simm.s32 $0x0;
	[sflag:s19] =	ssyncadd.s32 $0xFFFFCE00  }
0x276: {  	v0 =	vld [tilespmem:s22+$0x2F70]  }
0x277: {  	v1 =	vld [tilespmem:s22+$0x2F40]  }
0x278: {  	v2 =	vld [tilespmem:s22+$0x2F50]  }
0x279: {  	s23 =	simm.s32 $0x200;
	v3 =	vld [tilespmem:s22+$0x2F60]  }
.LBB2_50:
0x27a: {  	p1 =	sne.s32 s23, $0xC600  }
.Ltmp24:
0x27b: {  	s24 =	sshra.s32 s23, $0x2;
	s23 =	sadd.s32 $0x200, s23;
	[tilespmem:s22+$0xCB70] =	vst v0;
	(pc) =	sbr.rel @p1 .LBB2_50-.Ltmp24, $4  }
0x27c: {  	v0 =	vld [tilespmem:s24+$0x2F70];
	[tilespmem:s22+$0xCB40] =	vst v1  }
0x27d: {  	v1 =	vld [tilespmem:s24+$0x2F40];
	[tilespmem:s22+$0xCB50] =	vst v2  }
0x27e: {  	v2 =	vld [tilespmem:s24+$0x2F50];
	[tilespmem:s22+$0xCB60] =	vst v3;
	s22 =	smov.u32 s24  }
0x27f: {  	v3 =	vld [tilespmem:s22+$0x2F60]  }
0x280: {  	_ = 	snop  }
0x281: {  	[tilespmem:s22+$0xCB70] =	vst v0  }
0x282: {  	[tilespmem:s22+$0xCB40] =	vst v1  }
0x283: {  	[tilespmem:s22+$0xCB50] =	vst v2  }
0x284: {  	s24 =	simm.s32 $0x2CC0;
	[tilespmem:s22+$0xCB60] =	vst v3  }
0x285: {  	[tilespmem:s12], [sflag:$0x1] =	stream.indirect.gather [spmem:s1], $0x80, s24, s11, $0xb8;
	[tilespmem:$0x13340] =	vst v63  }
0x286: {  	s25 =	simm.s32 $0x0  }
0x287: {  	[hbm4b:s28+s25] =	stream.linear.scatter [tilespmem:s16], [sflag:$0x4], $0x3200, $0x38;
	[tilespmem:$0x13340] =	vst v63  }
0x288: {  	_ =	swait.ge [sflag:s17], $0x3200  }
0x289: {  	[sflag:s17] =	ssyncset.done $0x0  }
0x28a: {  	[sflag:s17] =	ssyncadd.s32 $0xFFFFCE00  }
0x28b: {  	_ =	swait.ge [sflag:s20], $0x3200  }
0x28c: {  	[sflag:s20] =	ssyncset.done $0x0  }
0x28d: {  	s22 =	simm.s32 $0x0;
	[sflag:s20] =	ssyncadd.s32 $0xFFFFCE00  }
0x28e: {  	v0 =	vld [tilespmem:s22+$0x6370]  }
0x28f: {  	v1 =	vld [tilespmem:s22+$0x6340]  }
0x290: {  	v2 =	vld [tilespmem:s22+$0x6350]  }
0x291: {  	s23 =	simm.s32 $0x200;
	v3 =	vld [tilespmem:s22+$0x6360]  }
.LBB2_52:
0x292: {  	p1 =	sne.s32 s23, $0xC600  }
.Ltmp25:
0x293: {  	s24 =	sshra.s32 s23, $0x2;
	s23 =	sadd.s32 $0x200, s23;
	[tilespmem:s22+$0xFF70] =	vst v0;
	(pc) =	sbr.rel @p1 .LBB2_52-.Ltmp25, $4  }
0x294: {  	v0 =	vld [tilespmem:s24+$0x6370];
	[tilespmem:s22+$0xFF40] =	vst v1  }
0x295: {  	v1 =	vld [tilespmem:s24+$0x6340];
	[tilespmem:s22+$0xFF50] =	vst v2  }
0x296: {  	v2 =	vld [tilespmem:s24+$0x6350];
	[tilespmem:s22+$0xFF60] =	vst v3;
	s22 =	smov.u32 s24  }
0x297: {  	v3 =	vld [tilespmem:s22+$0x6360]  }
0x298: {  	_ = 	snop  }
0x299: {  	[tilespmem:s22+$0xFF70] =	vst v0  }
0x29a: {  	[tilespmem:s22+$0xFF40] =	vst v1  }
0x29b: {  	[tilespmem:s22+$0xFF50] =	vst v2  }
0x29c: {  	s24 =	simm.s32 $0x2D40;
	[tilespmem:s22+$0xFF60] =	vst v3  }
0x29d: {  	[tilespmem:s13], [sflag:$0x2] =	stream.indirect.gather [spmem:s1], $0x80, s24, s11, $0xb8;
	[tilespmem:$0x13340] =	vst v63  }
0x29e: {  	s25 =	simm.s32 $0x0  }
0x29f: {  	[hbm4b:s29+s25] =	stream.linear.scatter [tilespmem:s9], [sflag:$0x5], $0x3200, $0x38;
	[tilespmem:$0x13340] =	vst v63  }
0x2a0: {  	_ =	swait.ge [sflag:s18], $0x3200  }
0x2a1: {  	[sflag:s18] =	ssyncset.done $0x0  }
0x2a2: {  	[sflag:s18] =	ssyncadd.s32 $0xFFFFCE00  }
0x2a3: {  	_ =	swait.ge [sflag:s19], $0x3200  }
0x2a4: {  	[sflag:s19] =	ssyncset.done $0x0  }
0x2a5: {  	s22 =	simm.s32 $0x0;
	[sflag:s19] =	ssyncadd.s32 $0xFFFFCE00  }
0x2a6: {  	v0 =	vld [tilespmem:s22+$0x9770]  }
0x2a7: {  	v1 =	vld [tilespmem:s22+$0x9740]  }
0x2a8: {  	v2 =	vld [tilespmem:s22+$0x9750]  }
0x2a9: {  	s23 =	simm.s32 $0x200;
	v3 =	vld [tilespmem:s22+$0x9760]  }
.LBB2_54:
0x2aa: {  	p1 =	sne.s32 s23, $0xC600  }
.Ltmp26:
0x2ab: {  	s24 =	sshra.s32 s23, $0x2;
	s23 =	sadd.s32 $0x200, s23;
	[tilespmem:s22+$0xCB70] =	vst v0;
	(pc) =	sbr.rel @p1 .LBB2_54-.Ltmp26, $4  }
0x2ac: {  	v0 =	vld [tilespmem:s24+$0x9770];
	[tilespmem:s22+$0xCB40] =	vst v1  }
0x2ad: {  	v1 =	vld [tilespmem:s24+$0x9740];
	[tilespmem:s22+$0xCB50] =	vst v2  }
0x2ae: {  	v2 =	vld [tilespmem:s24+$0x9750];
	[tilespmem:s22+$0xCB60] =	vst v3;
	s22 =	smov.u32 s24  }
0x2af: {  	v3 =	vld [tilespmem:s22+$0x9760]  }
0x2b0: {  	_ = 	snop  }
0x2b1: {  	[tilespmem:s22+$0xCB70] =	vst v0  }
0x2b2: {  	[tilespmem:s22+$0xCB40] =	vst v1  }
0x2b3: {  	[tilespmem:s22+$0xCB50] =	vst v2  }
0x2b4: {  	s24 =	simm.s32 $0x2DC0;
	[tilespmem:s22+$0xCB60] =	vst v3  }
0x2b5: {  	[tilespmem:s14], [sflag:$0x3] =	stream.indirect.gather [spmem:s1], $0x80, s24, s11, $0xb8;
	[tilespmem:$0x13340] =	vst v63  }
0x2b6: {  	s25 =	simm.s32 $0x0  }
0x2b7: {  	[hbm4b:s30+s25] =	stream.linear.scatter [tilespmem:s16], [sflag:$0x4], $0x3200, $0x38;
	[tilespmem:$0x13340] =	vst v63  }
0x2b8: {  	_ =	swait.ge [sflag:s15], $0x3200  }
0x2b9: {  	[sflag:s15] =	ssyncset.done $0x0  }
0x2ba: {  	[sflag:s15] =	ssyncadd.s32 $0xFFFFCE00  }
0x2bb: {  	_ =	swait.ge [sflag:s20], $0x3200  }
0x2bc: {  	[sflag:s20] =	ssyncset.done $0x0  }
0x2bd: {  	s22 =	simm.s32 $0x0;
	[sflag:s20] =	ssyncadd.s32 $0xFFFFCE00  }
0x2be: {  	v0 =	vld [tilespmem:s22+$0x2F70]  }
0x2bf: {  	v1 =	vld [tilespmem:s22+$0x2F40]  }
0x2c0: {  	v2 =	vld [tilespmem:s22+$0x2F50]  }
0x2c1: {  	s23 =	simm.s32 $0x200;
	v3 =	vld [tilespmem:s22+$0x2F60]  }
.LBB2_56:
0x2c2: {  	p1 =	sne.s32 s23, $0xC600  }
.Ltmp27:
0x2c3: {  	s24 =	sshra.s32 s23, $0x2;
	s23 =	sadd.s32 $0x200, s23;
	[tilespmem:s22+$0xFF70] =	vst v0;
	(pc) =	sbr.rel @p1 .LBB2_56-.Ltmp27, $4  }
0x2c4: {  	v0 =	vld [tilespmem:s24+$0x2F70];
	[tilespmem:s22+$0xFF40] =	vst v1  }
0x2c5: {  	v1 =	vld [tilespmem:s24+$0x2F40];
	[tilespmem:s22+$0xFF50] =	vst v2  }
0x2c6: {  	v2 =	vld [tilespmem:s24+$0x2F50];
	[tilespmem:s22+$0xFF60] =	vst v3;
	s22 =	smov.u32 s24  }
0x2c7: {  	v3 =	vld [tilespmem:s22+$0x2F60]  }
0x2c8: {  	_ = 	snop  }
0x2c9: {  	[tilespmem:s22+$0xFF70] =	vst v0  }
0x2ca: {  	[tilespmem:s22+$0xFF40] =	vst v1  }
0x2cb: {  	[tilespmem:s22+$0xFF50] =	vst v2  }
0x2cc: {  	s24 =	simm.s32 $0x2E40;
	[tilespmem:s22+$0xFF60] =	vst v3  }
0x2cd: {  	[tilespmem:s12], [sflag:$0x1] =	stream.indirect.gather [spmem:s1], $0x80, s24, s11, $0xb8;
	[tilespmem:$0x13340] =	vst v63  }
0x2ce: {  	s25 =	simm.s32 $0x0  }
0x2cf: {  	[hbm4b:s31+s25] =	stream.linear.scatter [tilespmem:s9], [sflag:$0x5], $0x3200, $0x38;
	[tilespmem:$0x13340] =	vst v63  }
0x2d0: {  	_ =	swait.ge [sflag:s17], $0x3200  }
0x2d1: {  	[sflag:s17] =	ssyncset.done $0x0  }
0x2d2: {  	[sflag:s17] =	ssyncadd.s32 $0xFFFFCE00  }
0x2d3: {  	_ =	swait.ge [sflag:s19], $0x3200  }
0x2d4: {  	[sflag:s19] =	ssyncset.done $0x0  }
0x2d5: {  	s22 =	simm.s32 $0x0;
	[sflag:s19] =	ssyncadd.s32 $0xFFFFCE00  }
0x2d6: {  	v0 =	vld [tilespmem:s22+$0x6370]  }
0x2d7: {  	v1 =	vld [tilespmem:s22+$0x6340]  }
0x2d8: {  	v2 =	vld [tilespmem:s22+$0x6350]  }
0x2d9: {  	s23 =	simm.s32 $0x200;
	v3 =	vld [tilespmem:s22+$0x6360]  }
.LBB2_58:
0x2da: {  	p1 =	sne.s32 s23, $0xC600  }
.Ltmp28:
0x2db: {  	s24 =	sshra.s32 s23, $0x2;
	s23 =	sadd.s32 $0x200, s23;
	[tilespmem:s22+$0xCB70] =	vst v0;
	(pc) =	sbr.rel @p1 .LBB2_58-.Ltmp28, $4  }
0x2dc: {  	v0 =	vld [tilespmem:s24+$0x6370];
	[tilespmem:s22+$0xCB40] =	vst v1  }
0x2dd: {  	v1 =	vld [tilespmem:s24+$0x6340];
	[tilespmem:s22+$0xCB50] =	vst v2  }
0x2de: {  	v2 =	vld [tilespmem:s24+$0x6350];
	[tilespmem:s22+$0xCB60] =	vst v3;
	s22 =	smov.u32 s24  }
0x2df: {  	v3 =	vld [tilespmem:s22+$0x6360]  }
0x2e0: {  	_ = 	snop  }
0x2e1: {  	[tilespmem:s22+$0xCB70] =	vst v0  }
0x2e2: {  	[tilespmem:s22+$0xCB40] =	vst v1  }
0x2e3: {  	[tilespmem:s22+$0xCB50] =	vst v2  }
0x2e4: {  	s24 =	simm.s32 $0x2EC0;
	[tilespmem:s22+$0xCB60] =	vst v3  }
0x2e5: {  	[tilespmem:s13], [sflag:$0x2] =	stream.indirect.gather [spmem:s1], $0x80, s24, s11, $0xb8;
	[tilespmem:$0x13340] =	vst v63  }
0x2e6: {  	s25 =	simm.s32 $0x0  }
0x2e7: {  	[hbm4b:s0+s25] =	stream.linear.scatter [tilespmem:s16], [sflag:$0x4], $0x3200, $0x38;
	[tilespmem:$0x13340] =	vst v63  }
0x2e8: {  	_ =	swait.ge [sflag:s18], $0x3200  }
0x2e9: {  	[sflag:s18] =	ssyncset.done $0x0  }
0x2ea: {  	[sflag:s18] =	ssyncadd.s32 $0xFFFFCE00  }
0x2eb: {  	_ =	swait.ge [sflag:s20], $0x3200  }
0x2ec: {  	[sflag:s20] =	ssyncset.done $0x0  }
0x2ed: {  	s22 =	simm.s32 $0x0;
	[sflag:s20] =	ssyncadd.s32 $0xFFFFCE00  }
0x2ee: {  	v0 =	vld [tilespmem:s22+$0x9770]  }
0x2ef: {  	v1 =	vld [tilespmem:s22+$0x9740]  }
0x2f0: {  	v2 =	vld [tilespmem:s22+$0x9750]  }
0x2f1: {  	s23 =	simm.s32 $0x200;
	v3 =	vld [tilespmem:s22+$0x9760]  }
.LBB2_60:
0x2f2: {  	p1 =	sne.s32 s23, $0xC600  }
.Ltmp29:
0x2f3: {  	s24 =	sshra.s32 s23, $0x2;
	s23 =	sadd.s32 $0x200, s23;
	[tilespmem:s22+$0xFF70] =	vst v0;
	(pc) =	sbr.rel @p1 .LBB2_60-.Ltmp29, $4  }
0x2f4: {  	v0 =	vld [tilespmem:s24+$0x9770];
	[tilespmem:s22+$0xFF40] =	vst v1  }
0x2f5: {  	v1 =	vld [tilespmem:s24+$0x9740];
	[tilespmem:s22+$0xFF50] =	vst v2  }
0x2f6: {  	v2 =	vld [tilespmem:s24+$0x9750];
	[tilespmem:s22+$0xFF60] =	vst v3;
	s22 =	smov.u32 s24  }
0x2f7: {  	v3 =	vld [tilespmem:s22+$0x9760]  }
0x2f8: {  	_ = 	snop  }
0x2f9: {  	[tilespmem:s22+$0xFF70] =	vst v0  }
0x2fa: {  	[tilespmem:s22+$0xFF40] =	vst v1  }
0x2fb: {  	[tilespmem:s22+$0xFF50] =	vst v2  }
0x2fc: {  	s25 =	simm.s32 $0x0;
	[tilespmem:s22+$0xFF60] =	vst v3  }
0x2fd: {  	[hbm4b:s2+s25] =	stream.linear.scatter [tilespmem:s9], [sflag:$0x5], $0x3200, $0x38;
	[tilespmem:$0x13340] =	vst v63  }
0x2fe: {  	_ =	swait.ge [sflag:s15], $0x3200  }
0x2ff: {  	[sflag:s15] =	ssyncset.done $0x0  }
0x300: {  	[sflag:s15] =	ssyncadd.s32 $0xFFFFCE00  }
0x301: {  	_ =	swait.ge [sflag:s19], $0x3200  }
0x302: {  	[sflag:s19] =	ssyncset.done $0x0  }
0x303: {  	s22 =	simm.s32 $0x0;
	[sflag:s19] =	ssyncadd.s32 $0xFFFFCE00  }
0x304: {  	v0 =	vld [tilespmem:s22+$0x2F70]  }
0x305: {  	v1 =	vld [tilespmem:s22+$0x2F40]  }
0x306: {  	v2 =	vld [tilespmem:s22+$0x2F50]  }
0x307: {  	s23 =	simm.s32 $0x200;
	v3 =	vld [tilespmem:s22+$0x2F60]  }
.LBB2_62:
0x308: {  	p1 =	sne.s32 s23, $0xC600  }
.Ltmp30:
0x309: {  	s24 =	sshra.s32 s23, $0x2;
	s23 =	sadd.s32 $0x200, s23;
	[tilespmem:s22+$0xCB70] =	vst v0;
	(pc) =	sbr.rel @p1 .LBB2_62-.Ltmp30, $4  }
0x30a: {  	v0 =	vld [tilespmem:s24+$0x2F70];
	[tilespmem:s22+$0xCB40] =	vst v1  }
0x30b: {  	v1 =	vld [tilespmem:s24+$0x2F40];
	[tilespmem:s22+$0xCB50] =	vst v2  }
0x30c: {  	v2 =	vld [tilespmem:s24+$0x2F50];
	[tilespmem:s22+$0xCB60] =	vst v3;
	s22 =	smov.u32 s24  }
0x30d: {  	v3 =	vld [tilespmem:s22+$0x2F60]  }
0x30e: {  	_ = 	snop  }
0x30f: {  	[tilespmem:s22+$0xCB70] =	vst v0  }
0x310: {  	[tilespmem:s22+$0xCB40] =	vst v1  }
0x311: {  	[tilespmem:s22+$0xCB50] =	vst v2  }
0x312: {  	s25 =	simm.s32 $0x0;
	[tilespmem:s22+$0xCB60] =	vst v3  }
0x313: {  	[hbm4b:s3+s25] =	stream.linear.scatter [tilespmem:s16], [sflag:$0x4], $0x3200, $0x38;
	[tilespmem:$0x13340] =	vst v63  }
0x314: {  	_ =	swait.ge [sflag:s17], $0x3200  }
0x315: {  	[sflag:s17] =	ssyncset.done $0x0  }
0x316: {  	[sflag:s17] =	ssyncadd.s32 $0xFFFFCE00  }
0x317: {  	_ =	swait.ge [sflag:s20], $0x3200  }
0x318: {  	[sflag:s20] =	ssyncset.done $0x0  }
0x319: {  	s22 =	simm.s32 $0x0;
	[sflag:s20] =	ssyncadd.s32 $0xFFFFCE00  }
0x31a: {  	v0 =	vld [tilespmem:s22+$0x6370]  }
0x31b: {  	v1 =	vld [tilespmem:s22+$0x6340]  }
0x31c: {  	v2 =	vld [tilespmem:s22+$0x6350]  }
0x31d: {  	s23 =	simm.s32 $0x200;
	v3 =	vld [tilespmem:s22+$0x6360]  }
.LBB2_64:
0x31e: {  	p1 =	sne.s32 s23, $0xC600  }
.Ltmp31:
0x31f: {  	s24 =	sshra.s32 s23, $0x2;
	s23 =	sadd.s32 $0x200, s23;
	[tilespmem:s22+$0xFF70] =	vst v0;
	(pc) =	sbr.rel @p1 .LBB2_64-.Ltmp31, $4  }
0x320: {  	v0 =	vld [tilespmem:s24+$0x6370];
	[tilespmem:s22+$0xFF40] =	vst v1  }
0x321: {  	v1 =	vld [tilespmem:s24+$0x6340];
	[tilespmem:s22+$0xFF50] =	vst v2  }
0x322: {  	v2 =	vld [tilespmem:s24+$0x6350];
	[tilespmem:s22+$0xFF60] =	vst v3;
	s22 =	smov.u32 s24  }
0x323: {  	v3 =	vld [tilespmem:s22+$0x6360]  }
0x324: {  	_ = 	snop  }
0x325: {  	[tilespmem:s22+$0xFF70] =	vst v0  }
0x326: {  	[tilespmem:s22+$0xFF40] =	vst v1  }
0x327: {  	[tilespmem:s22+$0xFF50] =	vst v2  }
0x328: {  	s24 =	simm.s32 $0x0;
	s21 =	sadd.s32 $0x1, s21;
	[tilespmem:s22+$0xFF60] =	vst v3  }
0x329: {  	[hbm4b:s4+s24] =	stream.linear.scatter [tilespmem:s9], [sflag:$0x5], $0x3200, $0x38;
	[tilespmem:$0x13340] =	vst v63  }
0x32a: {  	p1 =	sne.s32 s21, s6;
	_ =	swait.ge [sflag:s19], $0x3200  }
.Ltmp32:
0x32b: {  	[sflag:s19] =	ssyncset.done $0x0;
	(pc) =	sbr.rel @p1 .LBB2_1-.Ltmp32, $4  }
0x32c: {  	[sflag:s19] =	ssyncadd.s32 $0xFFFFCE00  }
0x32d: {  	_ =	swait.ge [sflag:s20], $0x3200  }
0x32e: {  	[sflag:s20] =	ssyncset.done $0x0  }
0x32f: {  	[sflag:s20] =	ssyncadd.s32 $0xFFFFCE00  }
0x330: {  	_ =	sfence.sel $0x180000  }
0x331: {  	[bflag:$0x0] =	sbarrier.arrive $0xFFFF  }
0x332: {  	_ =	strace $0x90000047  }
0x333: {  	[bflag:$0x2] =	sbarrier.arrive $0xFFFF  }
0x334: {  	s0 =	rddreg [dreg:$0x3]  }
0x335: {  	s0 =	sadd.s32 @!p0 $0x100000, s0  }
0x336: {  	[sflag:s0] =	ssyncadd.tile.s32 @!p0 $0x1;
	_ =	shalt  }
.Lfunc_end2:
_tile_overlayer_lowered:
.L_overlay_start_2:
0x337: {  	(tag) =	ssettag $0x2  }
0x338: {  	s0 =	rddreg [dreg:$0x0];
	s2 =	stileid.u32  }
0x339: {  	s1 =	rddreg [dreg:$0x1];
	p0 =	sne.s32 s2, $0x0  }
0x33a: {  	s3 =	rddreg [dreg:$0x2];
	[bflag:$0x3] =	sbarrier.arrive $0xFFFF;
	s2 =	simm.s32 @!p0 $0x1C06  }
0x33b: {  	[timem:s3], [sflag:s2] =	dma.local @!p0 [hbm:s0], s1  }
0x33c: {  	s0 =	simm.s32 @!p0 $0x6  }
0x33d: {  	_ =	swait.ge @!p0 [sflag:s0], s1  }
0x33e: {  	s1 =	ssub.s32 @!p0 $0x0, s1;
	[sflag:s0] =	ssyncset.done @!p0 $0x0  }
0x33f: {  	[sflag:s0] =	ssyncadd.s32 @!p0 s1  }
0x340: {  	[bflag:$0x3] =	sbarrier.arrive $0xFFFF  }
0x341: {  	_ =	shalt  }

</sc_bundles>
